<compile_context>
chip_gen: v7x
topology: tpu7x:2x2x1
jax: 0.10.2.dev20260603
libtpu: 0.0.44.dev20260713+nightly
codegen_flags: <defaults>
</compile_context>

<pallas_src>
import jax
import jax.numpy as jnp
from jax import lax
from jax.experimental import pallas as pl
from jax.experimental.pallas import tpu as pltpu
from jax.experimental.pallas import tpu_sc as plsc

N = 10000
E = 320000
D = 128

NC = 2
NS = 16
NW = NC * NS

CHUNK = 128
CPW = 80
SEG = 40
E_PAD = NW * CPW * CHUNK
ACC_ROWS = 10240
ZROWS = ACC_ROWS // NS
OCHUNK = 80


def _sc_body(src_hbm, dst_hbm, h_hbm, partial_hbm,
             src_v, dst_v, rows_a, rows_b, acc_sh, sem_a, sem_b):
    c = lax.axis_index("c")
    s = lax.axis_index("s")

    bufs = (rows_a, rows_b)
    sems = (sem_a, sem_b)

    pltpu.sync_copy(h_hbm.at[pl.ds(N, CHUNK)], rows_b)
    for k in range(ZROWS // CHUNK):
        pltpu.sync_copy(rows_b, acc_sh.at[pl.ds(s * ZROWS + k * CHUNK, CHUNK)])
    plsc.subcore_barrier()

    wid = s * NC + c

    def start(j):
        b = j % 2
        return pltpu.async_copy(h_hbm.at[src_v.at[j]], bufs[b], sems[b])

    for seg in range(CPW // SEG):
        off = wid * CPW + seg * SEG
        pltpu.sync_copy(src_hbm.at[pl.ds(off, SEG)], src_v)
        pltpu.sync_copy(dst_hbm.at[pl.ds(off, SEG)], dst_v)
        desc = [None] * SEG
        desc[0] = start(0)
        for j in range(SEG):
            desc[j].wait()
            if j + 1 < SEG:
                desc[j + 1] = start(j + 1)
            pltpu.sync_copy(bufs[j % 2], acc_sh.at[dst_v.at[j]], add=True)

    plsc.subcore_barrier()

    nunits = (N // OCHUNK - s + NS - 1) // NS

    def out_body(i, carry):
        off = (s + i * NS) * OCHUNK
        pltpu.sync_copy(acc_sh.at[pl.ds(off, OCHUNK)],
                        rows_a.at[pl.ds(0, OCHUNK)])
        pltpu.sync_copy(rows_a.at[pl.ds(0, OCHUNK)],
                        partial_hbm.at[c, pl.ds(off, OCHUNK)])
        return carry

    lax.fori_loop(0, nunits, out_body, 0)


def _sc_segment_sum(src2d, dst2d, h_pad):
    mesh = plsc.VectorSubcoreMesh(core_axis_name="c", subcore_axis_name="s")
    kern = pl.kernel(
        _sc_body,
        mesh=mesh,
        out_type=jax.ShapeDtypeStruct((NC, N, D), jnp.float32),
        scratch_types=[
            pltpu.VMEM((SEG, CHUNK), jnp.int32),
            pltpu.VMEM((SEG, CHUNK), jnp.int32),
            pltpu.VMEM((CHUNK, D), jnp.float32),
            pltpu.VMEM((CHUNK, D), jnp.float32),
            pltpu.VMEM_SHARED((ACC_ROWS, D), jnp.float32),
            pltpu.SemaphoreType.DMA,
            pltpu.SemaphoreType.DMA,
        ],
    )
    return kern(src2d, dst2d, h_pad)


def _tc_body(h_ref, p0_ref, p1_ref, ws_ref, wn_ref, b_ref, o_ref):
    dn = (((1,), (1,)), ((), ()))
    o_ref[...] = (
        lax.dot_general(h_ref[...], ws_ref[...], dn,
                        preferred_element_type=jnp.float32)
        + lax.dot_general(p0_ref[...] + p1_ref[...], wn_ref[...], dn,
                          preferred_element_type=jnp.float32)
        + b_ref[...]
    )


def _tc_combine(h, p0, p1, W_self, W_neigh, bsum):
    BR = 1000
    return pl.pallas_call(
        _tc_body,
        grid=(N // BR,),
        in_specs=[
            pl.BlockSpec((BR, D), lambda i: (i, 0)),
            pl.BlockSpec((BR, D), lambda i: (i, 0)),
            pl.BlockSpec((BR, D), lambda i: (i, 0)),
            pl.BlockSpec((D, D), lambda i: (0, 0)),
            pl.BlockSpec((D, D), lambda i: (0, 0)),
            pl.BlockSpec((1, D), lambda i: (0, 0)),
        ],
        out_specs=pl.BlockSpec((BR, D), lambda i: (i, 0)),
        out_shape=jax.ShapeDtypeStruct((N, D), jnp.float32),
    )(h, p0, p1, W_self, W_neigh, bsum)


def kernel(edge_index, h, W_self, b_self, W_neigh, b_neigh):
    pad = E_PAD - E
    src = jnp.concatenate([edge_index[0], jnp.zeros((pad,), jnp.int32)])
    pad_dst = N + (jnp.arange(pad, dtype=jnp.int32) % (ACC_ROWS - N))
    dst = jnp.concatenate([edge_index[1], pad_dst])
    src2d = src.reshape(E_PAD // CHUNK, CHUNK)
    dst2d = dst.reshape(E_PAD // CHUNK, CHUNK)
    h_pad = jnp.concatenate([h, jnp.zeros((CHUNK, D), jnp.float32)], axis=0)
    p = _sc_segment_sum(src2d, dst2d, h_pad)
    bsum = (b_self + b_neigh).reshape(1, D)
    return _tc_combine(h, p[0], p[1], W_self, W_neigh, bsum)

# --- scband reference (transcript-rebuilt; emitter-appended) ---
"""Pipeline reference for scband-sageconv-6545530159133 (READ-ONLY COPY).

The authoritative reference and input builder live on the scoring server;
editing this copy changes nothing except your own understanding.
"""

import jax, jax.numpy as jnp
import numpy as np

N = 10000
E = 320000
D_IN = 128
D_OUT = 128


def setup_inputs(seed: int = 0) -> dict:
    key = jax.random.key(seed)
    ks = jax.random.split(key, 7)
    h = jax.random.normal(ks[0], (N, D_IN), dtype=jnp.float32)
    edge_index = jax.random.randint(ks[1], (2, E), 0, N, dtype=jnp.int32)
    # nn.Linear params (kaiming-uniform-ish scale)
    bound = 1.0 / np.sqrt(D_IN)
    W_self = jax.random.uniform(ks[2], (D_OUT, D_IN), dtype=jnp.float32, minval=-bound, maxval=bound)
    b_self = jax.random.uniform(ks[3], (D_OUT,), dtype=jnp.float32, minval=-bound, maxval=bound)
    W_neigh = jax.random.uniform(ks[4], (D_OUT, D_IN), dtype=jnp.float32, minval=-bound, maxval=bound)
    b_neigh = jax.random.uniform(ks[5], (D_OUT,), dtype=jnp.float32, minval=-bound, maxval=bound)
    return {"edge_index": edge_index, "h": h, "W_self": W_self, "b_self": b_self, "W_neigh": W_neigh, "b_neigh": b_neigh}


def reference(edge_index, h, W_self, b_self, W_neigh, b_neigh):
    # adj is an N x N sparse binary adjacency given as edge_index (src=row 0 -> col, dst=row 1 -> row)
    # out_nodes = adj.size(0) = N
    self_h = h[:N] @ W_self.T + b_self
    src = edge_index[0]
    dst = edge_index[1]
    # adj.spmm(h): unweighted sum of neighbor features scattered to dst rows
    neighbor_h = jax.ops.segment_sum(h[src], dst, num_segments=N)
    out = self_h + neighbor_h @ W_neigh.T + b_neigh
    return out

if __name__ == "__main__":
    import jax
    _d = setup_inputs()
    print(jax.jit(kernel)(*tuple(_d.values())))

</pallas_src>

<mosaic_0001>
#map = affine_map<(d0, d1) -> (0, 0)>
#map1 = affine_map<(d0, d1) -> (0, 0, 0)>
module attributes {stable_mosaic.version = 14 : i64} {
  func.func @_sc_body(%arg0: i32, %arg1: i32, %arg2: memref<2560x128xi32, #tpu.memory_space<hbm>>, %arg3: memref<2560x128xi32, #tpu.memory_space<hbm>>, %arg4: memref<10128x128xf32, #tpu.memory_space<hbm>>, %arg5: memref<2x10000x128xf32, #tpu.memory_space<hbm>>, %arg6: memref<40x128xi32, #tpu.memory_space<vmem>>, %arg7: memref<40x128xi32, #tpu.memory_space<vmem>>, %arg8: memref<128x128xf32, #tpu.memory_space<vmem>>, %arg9: memref<128x128xf32, #tpu.memory_space<vmem>>, %arg10: memref<10240x128xf32, #tpu.memory_space<vmem_shared>>, %arg11: memref<!tpu.dma_semaphore, #tpu.memory_space<semaphore_mem>>, %arg12: memref<!tpu.dma_semaphore, #tpu.memory_space<semaphore_mem>>) attributes {dimension_semantics = [#tpu.dimension_semantics<core_parallel>, #tpu.dimension_semantics<subcore_parallel>], iteration_bounds = array<i64: 2, 16>, scalar_prefetch = 0 : i64, scratch_operands = 7 : i64, tpu.core_type = #tpu.core_type<sc_vector_subcore>, window_params = [{transform_indices = #map}, {transform_indices = #map}, {transform_indices = #map}, {transform_indices = #map1}]} {
    "tpu.region"() ({
      %run_scoped3A_1258 = tpu.sem_alloc : memref<!tpu.dma_semaphore, #tpu.memory_space<semaphore_mem>>
      %dma_start3A_1259 = arith.constant 10000 : i32
      %dma_start3A_1260 = arith.constant 0 : i32
      %dma_start3A_1261 = tpu.memref_slice %arg4[%dma_start3A_1259, %dma_start3A_1260] : memref<10128x128xf32, #tpu.memory_space<hbm>> -> memref<128x128xf32, #tpu.memory_space<hbm>>
      %dma_start3A_1262 = arith.constant 10000 : i32
      %dma_start3A_1263 = arith.constant 0 : i32
      %dma_start3A_1264 = tpu.memref_slice %arg4[%dma_start3A_1262, %dma_start3A_1263] : memref<10128x128xf32, #tpu.memory_space<hbm>> -> memref<128x128xf32, #tpu.memory_space<hbm>>
      tpu.enqueue_dma source(%dma_start3A_1264 : memref<128x128xf32, #tpu.memory_space<hbm>>) target(%arg9 : memref<128x128xf32, #tpu.memory_space<vmem>>) target_semaphore(%run_scoped3A_1258 : memref<!tpu.dma_semaphore, #tpu.memory_space<semaphore_mem>>)
      %dma_wait3A_1265 = arith.constant 10000 : i32
      %dma_wait3A_1266 = arith.constant 0 : i32
      %dma_wait3A_1267 = tpu.memref_slice %arg4[%dma_wait3A_1265, %dma_wait3A_1266] : memref<10128x128xf32, #tpu.memory_space<hbm>> -> memref<128x128xf32, #tpu.memory_space<hbm>>
      %dma_wait3A_1268 = arith.constant 10000 : i32
      %dma_wait3A_1269 = arith.constant 0 : i32
      %dma_wait3A_1270 = tpu.memref_slice %arg4[%dma_wait3A_1268, %dma_wait3A_1269] : memref<10128x128xf32, #tpu.memory_space<hbm>> -> memref<128x128xf32, #tpu.memory_space<hbm>>
      tpu.wait_dma2 semaphore(%run_scoped3A_1258 : memref<!tpu.dma_semaphore, #tpu.memory_space<semaphore_mem>>) src(%dma_wait3A_1270 : memref<128x128xf32, #tpu.memory_space<hbm>>) dst(%arg9 : memref<128x128xf32, #tpu.memory_space<vmem>>)
      tpu.yield
    }) : () -> ()
    %mul3A = arith.constant 640 : i32
    %mul3A_0 = arith.muli %arg1, %mul3A : i32
    %add3A = arith.constant 0 : i32
    %add3A_1 = arith.addi %mul3A_0, %add3A : i32
    "tpu.region"() ({
      %run_scoped3A_1258 = tpu.sem_alloc : memref<!tpu.dma_semaphore, #tpu.memory_space<semaphore_mem>>
      %dma_start3A_1259 = arith.constant 0 : i32
      %dma_start3A_1260 = tpu.memref_slice %arg10[%add3A_1, %dma_start3A_1259] : memref<10240x128xf32, #tpu.memory_space<vmem_shared>> -> memref<128x128xf32, #tpu.memory_space<vmem_shared>>
      %dma_start3A_1261 = arith.constant 0 : i32
      %dma_start3A_1262 = tpu.memref_slice %arg10[%add3A_1, %dma_start3A_1261] : memref<10240x128xf32, #tpu.memory_space<vmem_shared>> -> memref<128x128xf32, #tpu.memory_space<vmem_shared>>
      tpu.enqueue_dma source(%arg9 : memref<128x128xf32, #tpu.memory_space<vmem>>) target(%dma_start3A_1262 : memref<128x128xf32, #tpu.memory_space<vmem_shared>>) target_semaphore(%run_scoped3A_1258 : memref<!tpu.dma_semaphore, #tpu.memory_space<semaphore_mem>>)
      %dma_wait3A_1263 = arith.constant 0 : i32
      %dma_wait3A_1264 = tpu.memref_slice %arg10[%add3A_1, %dma_wait3A_1263] : memref<10240x128xf32, #tpu.memory_space<vmem_shared>> -> memref<128x128xf32, #tpu.memory_space<vmem_shared>>
      %dma_wait3A_1265 = arith.constant 0 : i32
      %dma_wait3A_1266 = tpu.memref_slice %arg10[%add3A_1, %dma_wait3A_1265] : memref<10240x128xf32, #tpu.memory_space<vmem_shared>> -> memref<128x128xf32, #tpu.memory_space<vmem_shared>>
      tpu.wait_dma2 semaphore(%run_scoped3A_1258 : memref<!tpu.dma_semaphore, #tpu.memory_space<semaphore_mem>>) src(%arg9 : memref<128x128xf32, #tpu.memory_space<vmem>>) dst(%dma_wait3A_1266 : memref<128x128xf32, #tpu.memory_space<vmem_shared>>)
      tpu.yield
    }) : () -> ()
    %mul3A_2 = arith.constant 640 : i32
    %mul3A_3 = arith.muli %arg1, %mul3A_2 : i32
    %add3A_4 = arith.constant 128 : i32
    %add3A_5 = arith.addi %mul3A_3, %add3A_4 : i32
    "tpu.region"() ({
      %run_scoped3A_1258 = tpu.sem_alloc : memref<!tpu.dma_semaphore, #tpu.memory_space<semaphore_mem>>
      %dma_start3A_1259 = arith.constant 0 : i32
      %dma_start3A_1260 = tpu.memref_slice %arg10[%add3A_5, %dma_start3A_1259] : memref<10240x128xf32, #tpu.memory_space<vmem_shared>> -> memref<128x128xf32, #tpu.memory_space<vmem_shared>>
      %dma_start3A_1261 = arith.constant 0 : i32
      %dma_start3A_1262 = tpu.memref_slice %arg10[%add3A_5, %dma_start3A_1261] : memref<10240x128xf32, #tpu.memory_space<vmem_shared>> -> memref<128x128xf32, #tpu.memory_space<vmem_shared>>
      tpu.enqueue_dma source(%arg9 : memref<128x128xf32, #tpu.memory_space<vmem>>) target(%dma_start3A_1262 : memref<128x128xf32, #tpu.memory_space<vmem_shared>>) target_semaphore(%run_scoped3A_1258 : memref<!tpu.dma_semaphore, #tpu.memory_space<semaphore_mem>>)
      %dma_wait3A_1263 = arith.constant 0 : i32
      %dma_wait3A_1264 = tpu.memref_slice %arg10[%add3A_5, %dma_wait3A_1263] : memref<10240x128xf32, #tpu.memory_space<vmem_shared>> -> memref<128x128xf32, #tpu.memory_space<vmem_shared>>
      %dma_wait3A_1265 = arith.constant 0 : i32
      %dma_wait3A_1266 = tpu.memref_slice %arg10[%add3A_5, %dma_wait3A_1265] : memref<10240x128xf32, #tpu.memory_space<vmem_shared>> -> memref<128x128xf32, #tpu.memory_space<vmem_shared>>
      tpu.wait_dma2 semaphore(%run_scoped3A_1258 : memref<!tpu.dma_semaphore, #tpu.memory_space<semaphore_mem>>) src(%arg9 : memref<128x128xf32, #tpu.memory_space<vmem>>) dst(%dma_wait3A_1266 : memref<128x128xf32, #tpu.memory_space<vmem_shared>>)
      tpu.yield
    }) : () -> ()
    %mul3A_6 = arith.constant 640 : i32
    %mul3A_7 = arith.muli %arg1, %mul3A_6 : i32
    %add3A_8 = arith.constant 256 : i32
    %add3A_9 = arith.addi %mul3A_7, %add3A_8 : i32
    "tpu.region"() ({
      %run_scoped3A_1258 = tpu.sem_alloc : memref<!tpu.dma_semaphore, #tpu.memory_space<semaphore_mem>>
      %dma_start3A_1259 = arith.constant 0 : i32
      %dma_start3A_1260 = tpu.memref_slice %arg10[%add3A_9, %dma_start3A_1259] : memref<10240x128xf32, #tpu.memory_space<vmem_shared>> -> memref<128x128xf32, #tpu.memory_space<vmem_shared>>
      %dma_start3A_1261 = arith.constant 0 : i32
      %dma_start3A_1262 = tpu.memref_slice %arg10[%add3A_9, %dma_start3A_1261] : memref<10240x128xf32, #tpu.memory_space<vmem_shared>> -> memref<128x128xf32, #tpu.memory_space<vmem_shared>>
      tpu.enqueue_dma source(%arg9 : memref<128x128xf32, #tpu.memory_space<vmem>>) target(%dma_start3A_1262 : memref<128x128xf32, #tpu.memory_space<vmem_shared>>) target_semaphore(%run_scoped3A_1258 : memref<!tpu.dma_semaphore, #tpu.memory_space<semaphore_mem>>)
      %dma_wait3A_1263 = arith.constant 0 : i32
      %dma_wait3A_1264 = tpu.memref_slice %arg10[%add3A_9, %dma_wait3A_1263] : memref<10240x128xf32, #tpu.memory_space<vmem_shared>> -> memref<128x128xf32, #tpu.memory_space<vmem_shared>>
      %dma_wait3A_1265 = arith.constant 0 : i32
      %dma_wait3A_1266 = tpu.memref_slice %arg10[%add3A_9, %dma_wait3A_1265] : memref<10240x128xf32, #tpu.memory_space<vmem_shared>> -> memref<128x128xf32, #tpu.memory_space<vmem_shared>>
      tpu.wait_dma2 semaphore(%run_scoped3A_1258 : memref<!tpu.dma_semaphore, #tpu.memory_space<semaphore_mem>>) src(%arg9 : memref<128x128xf32, #tpu.memory_space<vmem>>) dst(%dma_wait3A_1266 : memref<128x128xf32, #tpu.memory_space<vmem_shared>>)
      tpu.yield
    }) : () -> ()
    %mul3A_10 = arith.constant 640 : i32
    %mul3A_11 = arith.muli %arg1, %mul3A_10 : i32
    %add3A_12 = arith.constant 384 : i32
    %add3A_13 = arith.addi %mul3A_11, %add3A_12 : i32
    "tpu.region"() ({
      %run_scoped3A_1258 = tpu.sem_alloc : memref<!tpu.dma_semaphore, #tpu.memory_space<semaphore_mem>>
      %dma_start3A_1259 = arith.constant 0 : i32
      %dma_start3A_1260 = tpu.memref_slice %arg10[%add3A_13, %dma_start3A_1259] : memref<10240x128xf32, #tpu.memory_space<vmem_shared>> -> memref<128x128xf32, #tpu.memory_space<vmem_shared>>
      %dma_start3A_1261 = arith.constant 0 : i32
      %dma_start3A_1262 = tpu.memref_slice %arg10[%add3A_13, %dma_start3A_1261] : memref<10240x128xf32, #tpu.memory_space<vmem_shared>> -> memref<128x128xf32, #tpu.memory_space<vmem_shared>>
      tpu.enqueue_dma source(%arg9 : memref<128x128xf32, #tpu.memory_space<vmem>>) target(%dma_start3A_1262 : memref<128x128xf32, #tpu.memory_space<vmem_shared>>) target_semaphore(%run_scoped3A_1258 : memref<!tpu.dma_semaphore, #tpu.memory_space<semaphore_mem>>)
      %dma_wait3A_1263 = arith.constant 0 : i32
      %dma_wait3A_1264 = tpu.memref_slice %arg10[%add3A_13, %dma_wait3A_1263] : memref<10240x128xf32, #tpu.memory_space<vmem_shared>> -> memref<128x128xf32, #tpu.memory_space<vmem_shared>>
      %dma_wait3A_1265 = arith.constant 0 : i32
      %dma_wait3A_1266 = tpu.memref_slice %arg10[%add3A_13, %dma_wait3A_1265] : memref<10240x128xf32, #tpu.memory_space<vmem_shared>> -> memref<128x128xf32, #tpu.memory_space<vmem_shared>>
      tpu.wait_dma2 semaphore(%run_scoped3A_1258 : memref<!tpu.dma_semaphore, #tpu.memory_space<semaphore_mem>>) src(%arg9 : memref<128x128xf32, #tpu.memory_space<vmem>>) dst(%dma_wait3A_1266 : memref<128x128xf32, #tpu.memory_space<vmem_shared>>)
      tpu.yield
    }) : () -> ()
    %mul3A_14 = arith.constant 640 : i32
    %mul3A_15 = arith.muli %arg1, %mul3A_14 : i32
    %add3A_16 = arith.constant 512 : i32
    %add3A_17 = arith.addi %mul3A_15, %add3A_16 : i32
    "tpu.region"() ({
      %run_scoped3A_1258 = tpu.sem_alloc : memref<!tpu.dma_semaphore, #tpu.memory_space<semaphore_mem>>
      %dma_start3A_1259 = arith.constant 0 : i32
      %dma_start3A_1260 = tpu.memref_slice %arg10[%add3A_17, %dma_start3A_1259] : memref<10240x128xf32, #tpu.memory_space<vmem_shared>> -> memref<128x128xf32, #tpu.memory_space<vmem_shared>>
      %dma_start3A_1261 = arith.constant 0 : i32
      %dma_start3A_1262 = tpu.memref_slice %arg10[%add3A_17, %dma_start3A_1261] : memref<10240x128xf32, #tpu.memory_space<vmem_shared>> -> memref<128x128xf32, #tpu.memory_space<vmem_shared>>
      tpu.enqueue_dma source(%arg9 : memref<128x128xf32, #tpu.memory_space<vmem>>) target(%dma_start3A_1262 : memref<128x128xf32, #tpu.memory_space<vmem_shared>>) target_semaphore(%run_scoped3A_1258 : memref<!tpu.dma_semaphore, #tpu.memory_space<semaphore_mem>>)
      %dma_wait3A_1263 = arith.constant 0 : i32
      %dma_wait3A_1264 = tpu.memref_slice %arg10[%add3A_17, %dma_wait3A_1263] : memref<10240x128xf32, #tpu.memory_space<vmem_shared>> -> memref<128x128xf32, #tpu.memory_space<vmem_shared>>
      %dma_wait3A_1265 = arith.constant 0 : i32
      %dma_wait3A_1266 = tpu.memref_slice %arg10[%add3A_17, %dma_wait3A_1265] : memref<10240x128xf32, #tpu.memory_space<vmem_shared>> -> memref<128x128xf32, #tpu.memory_space<vmem_shared>>
      tpu.wait_dma2 semaphore(%run_scoped3A_1258 : memref<!tpu.dma_semaphore, #tpu.memory_space<semaphore_mem>>) src(%arg9 : memref<128x128xf32, #tpu.memory_space<vmem>>) dst(%dma_wait3A_1266 : memref<128x128xf32, #tpu.memory_space<vmem_shared>>)
      tpu.yield
    }) : () -> ()
    %barrier3A = arith.constant 0 : index
    tpu.barrier barrier_id(%barrier3A)
    %mul3A_18 = arith.constant 2 : i32
    %mul3A_19 = arith.muli %arg1, %mul3A_18 : i32
    %add3A_20 = arith.addi %mul3A_19, %arg0 : i32
    %mul3A_21 = arith.constant 80 : i32
    %mul3A_22 = arith.muli %add3A_20, %mul3A_21 : i32
    %add3A_23 = arith.constant 0 : i32
    %add3A_24 = arith.addi %mul3A_22, %add3A_23 : i32
    "tpu.region"() ({
      %run_scoped3A_1258 = tpu.sem_alloc : memref<!tpu.dma_semaphore, #tpu.memory_space<semaphore_mem>>
      %dma_start3A_1259 = arith.constant 0 : i32
      %dma_start3A_1260 = tpu.memref_slice %arg2[%add3A_24, %dma_start3A_1259] : memref<2560x128xi32, #tpu.memory_space<hbm>> -> memref<40x128xi32, #tpu.memory_space<hbm>>
      %dma_start3A_1261 = arith.constant 0 : i32
      %dma_start3A_1262 = tpu.memref_slice %arg2[%add3A_24, %dma_start3A_1261] : memref<2560x128xi32, #tpu.memory_space<hbm>> -> memref<40x128xi32, #tpu.memory_space<hbm>>
      tpu.enqueue_dma source(%dma_start3A_1262 : memref<40x128xi32, #tpu.memory_space<hbm>>) target(%arg6 : memref<40x128xi32, #tpu.memory_space<vmem>>) target_semaphore(%run_scoped3A_1258 : memref<!tpu.dma_semaphore, #tpu.memory_space<semaphore_mem>>)
      %dma_wait3A_1263 = arith.constant 0 : i32
      %dma_wait3A_1264 = tpu.memref_slice %arg2[%add3A_24, %dma_wait3A_1263] : memref<2560x128xi32, #tpu.memory_space<hbm>> -> memref<40x128xi32, #tpu.memory_space<hbm>>
      %dma_wait3A_1265 = arith.constant 0 : i32
      %dma_wait3A_1266 = tpu.memref_slice %arg2[%add3A_24, %dma_wait3A_1265] : memref<2560x128xi32, #tpu.memory_space<hbm>> -> memref<40x128xi32, #tpu.memory_space<hbm>>
      tpu.wait_dma2 semaphore(%run_scoped3A_1258 : memref<!tpu.dma_semaphore, #tpu.memory_space<semaphore_mem>>) src(%dma_wait3A_1266 : memref<40x128xi32, #tpu.memory_space<hbm>>) dst(%arg6 : memref<40x128xi32, #tpu.memory_space<vmem>>)
      tpu.yield
    }) : () -> ()
    "tpu.region"() ({
      %run_scoped3A_1258 = tpu.sem_alloc : memref<!tpu.dma_semaphore, #tpu.memory_space<semaphore_mem>>
      %dma_start3A_1259 = arith.constant 0 : i32
      %dma_start3A_1260 = tpu.memref_slice %arg3[%add3A_24, %dma_start3A_1259] : memref<2560x128xi32, #tpu.memory_space<hbm>> -> memref<40x128xi32, #tpu.memory_space<hbm>>
      %dma_start3A_1261 = arith.constant 0 : i32
      %dma_start3A_1262 = tpu.memref_slice %arg3[%add3A_24, %dma_start3A_1261] : memref<2560x128xi32, #tpu.memory_space<hbm>> -> memref<40x128xi32, #tpu.memory_space<hbm>>
      tpu.enqueue_dma source(%dma_start3A_1262 : memref<40x128xi32, #tpu.memory_space<hbm>>) target(%arg7 : memref<40x128xi32, #tpu.memory_space<vmem>>) target_semaphore(%run_scoped3A_1258 : memref<!tpu.dma_semaphore, #tpu.memory_space<semaphore_mem>>)
      %dma_wait3A_1263 = arith.constant 0 : i32
      %dma_wait3A_1264 = tpu.memref_slice %arg3[%add3A_24, %dma_wait3A_1263] : memref<2560x128xi32, #tpu.memory_space<hbm>> -> memref<40x128xi32, #tpu.memory_space<hbm>>
      %dma_wait3A_1265 = arith.constant 0 : i32
      %dma_wait3A_1266 = tpu.memref_slice %arg3[%add3A_24, %dma_wait3A_1265] : memref<2560x128xi32, #tpu.memory_space<hbm>> -> memref<40x128xi32, #tpu.memory_space<hbm>>
      tpu.wait_dma2 semaphore(%run_scoped3A_1258 : memref<!tpu.dma_semaphore, #tpu.memory_space<semaphore_mem>>) src(%dma_wait3A_1266 : memref<40x128xi32, #tpu.memory_space<hbm>>) dst(%arg7 : memref<40x128xi32, #tpu.memory_space<vmem>>)
      tpu.yield
    }) : () -> ()
    %dma_start3A = arith.constant 0 : i32
    %dma_start3A_25 = arith.constant 0 : i32
    %dma_start3A_26 = tpu.memref_slice %arg6[%dma_start3A, %dma_start3A_25] : memref<40x128xi32, #tpu.memory_space<vmem>> -> memref<1x128xi32, #tpu.memory_space<vmem>>
    %dma_start3A_27 = tpu.memref_squeeze %dma_start3A_26 : memref<1x128xi32, #tpu.memory_space<vmem>> -> memref<128xi32, #tpu.memory_space<vmem>>
    %dma_start3A_28 = arith.constant 0 : i32
    %dma_start3A_29 = arith.constant 0 : i32
    %dma_start3A_30 = tpu.memref_slice %arg4[%dma_start3A_28, %dma_start3A_29] : memref<10128x128xf32, #tpu.memory_space<hbm>> -> memref<10128x128xf32, #tpu.memory_space<hbm>>
    tpu.enqueue_indirect_dma source(%dma_start3A_30 : memref<10128x128xf32, #tpu.memory_space<hbm>>) target(%arg8 : memref<128x128xf32, #tpu.memory_space<vmem>>) offsets(%dma_start3A_27 : memref<128xi32, #tpu.memory_space<vmem>>) semaphore(%arg11 : memref<!tpu.dma_semaphore, #tpu.memory_space<semaphore_mem>>)
    %dma_wait3A = arith.constant 0 : i32
    %dma_wait3A_31 = arith.constant 0 : i32
    %dma_wait3A_32 = tpu.memref_slice %arg6[%dma_wait3A, %dma_wait3A_31] : memref<40x128xi32, #tpu.memory_space<vmem>> -> memref<1x128xi32, #tpu.memory_space<vmem>>
    %dma_wait3A_33 = tpu.memref_squeeze %dma_wait3A_32 : memref<1x128xi32, #tpu.memory_space<vmem>> -> memref<128xi32, #tpu.memory_space<vmem>>
    %dma_wait3A_34 = arith.constant 0 : i32
    %dma_wait3A_35 = arith.constant 0 : i32
    %dma_wait3A_36 = tpu.memref_slice %arg4[%dma_wait3A_34, %dma_wait3A_35] : memref<10128x128xf32, #tpu.memory_space<hbm>> -> memref<10128x128xf32, #tpu.memory_space<hbm>>
    tpu.wait_indirect_dma semaphore(%arg11 : memref<!tpu.dma_semaphore, #tpu.memory_space<semaphore_mem>>) src(%dma_wait3A_36 : memref<10128x128xf32, #tpu.memory_space<hbm>>) dst(%arg8 : memref<128x128xf32, #tpu.memory_space<vmem>>)
    %dma_start3A_37 = arith.constant 1 : i32
    %dma_start3A_38 = arith.constant 0 : i32
    %dma_start3A_39 = tpu.memref_slice %arg6[%dma_start3A_37, %dma_start3A_38] : memref<40x128xi32, #tpu.memory_space<vmem>> -> memref<1x128xi32, #tpu.memory_space<vmem>>
    %dma_start3A_40 = tpu.memref_squeeze %dma_start3A_39 : memref<1x128xi32, #tpu.memory_space<vmem>> -> memref<128xi32, #tpu.memory_space<vmem>>
    %dma_start3A_41 = arith.constant 0 : i32
    %dma_start3A_42 = arith.constant 0 : i32
    %dma_start3A_43 = tpu.memref_slice %arg4[%dma_start3A_41, %dma_start3A_42] : memref<10128x128xf32, #tpu.memory_space<hbm>> -> memref<10128x128xf32, #tpu.memory_space<hbm>>
    tpu.enqueue_indirect_dma source(%dma_start3A_43 : memref<10128x128xf32, #tpu.memory_space<hbm>>) target(%arg9 : memref<128x128xf32, #tpu.memory_space<vmem>>) offsets(%dma_start3A_40 : memref<128xi32, #tpu.memory_space<vmem>>) semaphore(%arg12 : memref<!tpu.dma_semaphore, #tpu.memory_space<semaphore_mem>>)
    %run_scoped3A = arith.constant 0 : i32
    "tpu.region"() ({
      %run_scoped3A_1258 = tpu.sem_alloc : memref<!tpu.dma_semaphore, #tpu.memory_space<semaphore_mem>>
      %dma_start3A_1259 = arith.constant 0 : i32
      %dma_start3A_1260 = tpu.memref_slice %arg7[%run_scoped3A, %dma_start3A_1259] : memref<40x128xi32, #tpu.memory_space<vmem>> -> memref<1x128xi32, #tpu.memory_space<vmem>>
      %dma_start3A_1261 = tpu.memref_squeeze %dma_start3A_1260 : memref<1x128xi32, #tpu.memory_space<vmem>> -> memref<128xi32, #tpu.memory_space<vmem>>
      %dma_start3A_1262 = arith.constant 0 : i32
      %dma_start3A_1263 = arith.constant 0 : i32
      %dma_start3A_1264 = tpu.memref_slice %arg10[%dma_start3A_1262, %dma_start3A_1263] : memref<10240x128xf32, #tpu.memory_space<vmem_shared>> -> memref<10240x128xf32, #tpu.memory_space<vmem_shared>>
      tpu.enqueue_indirect_dma source(%arg8 : memref<128x128xf32, #tpu.memory_space<vmem>>) target(%dma_start3A_1264 : memref<10240x128xf32, #tpu.memory_space<vmem_shared>>) offsets(%dma_start3A_1261 : memref<128xi32, #tpu.memory_space<vmem>>) semaphore(%run_scoped3A_1258 : memref<!tpu.dma_semaphore, #tpu.memory_space<semaphore_mem>>) {add = true}
      %dma_wait3A_1265 = arith.constant 0 : i32
      %dma_wait3A_1266 = tpu.memref_slice %arg7[%run_scoped3A, %dma_wait3A_1265] : memref<40x128xi32, #tpu.memory_space<vmem>> -> memref<1x128xi32, #tpu.memory_space<vmem>>
      %dma_wait3A_1267 = tpu.memref_squeeze %dma_wait3A_1266 : memref<1x128xi32, #tpu.memory_space<vmem>> -> memref<128xi32, #tpu.memory_space<vmem>>
      %dma_wait3A_1268 = arith.constant 0 : i32
      %dma_wait3A_1269 = arith.constant 0 : i32
      %dma_wait3A_1270 = tpu.memref_slice %arg10[%dma_wait3A_1268, %dma_wait3A_1269] : memref<10240x128xf32, #tpu.memory_space<vmem_shared>> -> memref<10240x128xf32, #tpu.memory_space<vmem_shared>>
      tpu.wait_indirect_dma semaphore(%run_scoped3A_1258 : memref<!tpu.dma_semaphore, #tpu.memory_space<semaphore_mem>>) src(%arg8 : memref<128x128xf32, #tpu.memory_space<vmem>>) dst(%dma_wait3A_1270 : memref<10240x128xf32, #tpu.memory_space<vmem_shared>>)
      tpu.yield
    }) : () -> ()
    %dma_wait3A_44 = arith.constant 1 : i32
    %dma_wait3A_45 = arith.constant 0 : i32
    %dma_wait3A_46 = tpu.memref_slice %arg6[%dma_wait3A_44, %dma_wait3A_45] : memref<40x128xi32, #tpu.memory_space<vmem>> -> memref<1x128xi32, #tpu.memory_space<vmem>>
    %dma_wait3A_47 = tpu.memref_squeeze %dma_wait3A_46 : memref<1x128xi32, #tpu.memory_space<vmem>> -> memref<128xi32, #tpu.memory_space<vmem>>
    %dma_wait3A_48 = arith.constant 0 : i32
    %dma_wait3A_49 = arith.constant 0 : i32
    %dma_wait3A_50 = tpu.memref_slice %arg4[%dma_wait3A_48, %dma_wait3A_49] : memref<10128x128xf32, #tpu.memory_space<hbm>> -> memref<10128x128xf32, #tpu.memory_space<hbm>>
    tpu.wait_indirect_dma semaphore(%arg12 : memref<!tpu.dma_semaphore, #tpu.memory_space<semaphore_mem>>) src(%dma_wait3A_50 : memref<10128x128xf32, #tpu.memory_space<hbm>>) dst(%arg9 : memref<128x128xf32, #tpu.memory_space<vmem>>)
    %dma_start3A_51 = arith.constant 2 : i32
    %dma_start3A_52 = arith.constant 0 : i32
    %dma_start3A_53 = tpu.memref_slice %arg6[%dma_start3A_51, %dma_start3A_52] : memref<40x128xi32, #tpu.memory_space<vmem>> -> memref<1x128xi32, #tpu.memory_space<vmem>>
    %dma_start3A_54 = tpu.memref_squeeze %dma_start3A_53 : memref<1x128xi32, #tpu.memory_space<vmem>> -> memref<128xi32, #tpu.memory_space<vmem>>
    %dma_start3A_55 = arith.constant 0 : i32
    %dma_start3A_56 = arith.constant 0 : i32
    %dma_start3A_57 = tpu.memref_slice %arg4[%dma_start3A_55, %dma_start3A_56] : memref<10128x128xf32, #tpu.memory_space<hbm>> -> memref<10128x128xf32, #tpu.memory_space<hbm>>
    tpu.enqueue_indirect_dma source(%dma_start3A_57 : memref<10128x128xf32, #tpu.memory_space<hbm>>) target(%arg8 : memref<128x128xf32, #tpu.memory_space<vmem>>) offsets(%dma_start3A_54 : memref<128xi32, #tpu.memory_space<vmem>>) semaphore(%arg11 : memref<!tpu.dma_semaphore, #tpu.memory_space<semaphore_mem>>)
    %run_scoped3A_58 = arith.constant 1 : i32
    "tpu.region"() ({
      %run_scoped3A_1258 = tpu.sem_alloc : memref<!tpu.dma_semaphore, #tpu.memory_space<semaphore_mem>>
      %dma_start3A_1259 = arith.constant 0 : i32
      %dma_start3A_1260 = tpu.memref_slice %arg7[%run_scoped3A_58, %dma_start3A_1259] : memref<40x128xi32, #tpu.memory_space<vmem>> -> memref<1x128xi32, #tpu.memory_space<vmem>>
      %dma_start3A_1261 = tpu.memref_squeeze %dma_start3A_1260 : memref<1x128xi32, #tpu.memory_space<vmem>> -> memref<128xi32, #tpu.memory_space<vmem>>
      %dma_start3A_1262 = arith.constant 0 : i32
      %dma_start3A_1263 = arith.constant 0 : i32
      %dma_start3A_1264 = tpu.memref_slice %arg10[%dma_start3A_1262, %dma_start3A_1263] : memref<10240x128xf32, #tpu.memory_space<vmem_shared>> -> memref<10240x128xf32, #tpu.memory_space<vmem_shared>>
      tpu.enqueue_indirect_dma source(%arg9 : memref<128x128xf32, #tpu.memory_space<vmem>>) target(%dma_start3A_1264 : memref<10240x128xf32, #tpu.memory_space<vmem_shared>>) offsets(%dma_start3A_1261 : memref<128xi32, #tpu.memory_space<vmem>>) semaphore(%run_scoped3A_1258 : memref<!tpu.dma_semaphore, #tpu.memory_space<semaphore_mem>>) {add = true}
      %dma_wait3A_1265 = arith.constant 0 : i32
      %dma_wait3A_1266 = tpu.memref_slice %arg7[%run_scoped3A_58, %dma_wait3A_1265] : memref<40x128xi32, #tpu.memory_space<vmem>> -> memref<1x128xi32, #tpu.memory_space<vmem>>
      %dma_wait3A_1267 = tpu.memref_squeeze %dma_wait3A_1266 : memref<1x128xi32, #tpu.memory_space<vmem>> -> memref<128xi32, #tpu.memory_space<vmem>>
      %dma_wait3A_1268 = arith.constant 0 : i32
      %dma_wait3A_1269 = arith.constant 0 : i32
      %dma_wait3A_1270 = tpu.memref_slice %arg10[%dma_wait3A_1268, %dma_wait3A_1269] : memref<10240x128xf32, #tpu.memory_space<vmem_shared>> -> memref<10240x128xf32, #tpu.memory_space<vmem_shared>>
      tpu.wait_indirect_dma semaphore(%run_scoped3A_1258 : memref<!tpu.dma_semaphore, #tpu.memory_space<semaphore_mem>>) src(%arg9 : memref<128x128xf32, #tpu.memory_space<vmem>>) dst(%dma_wait3A_1270 : memref<10240x128xf32, #tpu.memory_space<vmem_shared>>)
      tpu.yield
    }) : () -> ()
    %dma_wait3A_59 = arith.constant 2 : i32
    %dma_wait3A_60 = arith.constant 0 : i32
    %dma_wait3A_61 = tpu.memref_slice %arg6[%dma_wait3A_59, %dma_wait3A_60] : memref<40x128xi32, #tpu.memory_space<vmem>> -> memref<1x128xi32, #tpu.memory_space<vmem>>
    %dma_wait3A_62 = tpu.memref_squeeze %dma_wait3A_61 : memref<1x128xi32, #tpu.memory_space<vmem>> -> memref<128xi32, #tpu.memory_space<vmem>>
    %dma_wait3A_63 = arith.constant 0 : i32
    %dma_wait3A_64 = arith.constant 0 : i32
    %dma_wait3A_65 = tpu.memref_slice %arg4[%dma_wait3A_63, %dma_wait3A_64] : memref<10128x128xf32, #tpu.memory_space<hbm>> -> memref<10128x128xf32, #tpu.memory_space<hbm>>
    tpu.wait_indirect_dma semaphore(%arg11 : memref<!tpu.dma_semaphore, #tpu.memory_space<semaphore_mem>>) src(%dma_wait3A_65 : memref<10128x128xf32, #tpu.memory_space<hbm>>) dst(%arg8 : memref<128x128xf32, #tpu.memory_space<vmem>>)
    %dma_start3A_66 = arith.constant 3 : i32
    %dma_start3A_67 = arith.constant 0 : i32
    %dma_start3A_68 = tpu.memref_slice %arg6[%dma_start3A_66, %dma_start3A_67] : memref<40x128xi32, #tpu.memory_space<vmem>> -> memref<1x128xi32, #tpu.memory_space<vmem>>
    %dma_start3A_69 = tpu.memref_squeeze %dma_start3A_68 : memref<1x128xi32, #tpu.memory_space<vmem>> -> memref<128xi32, #tpu.memory_space<vmem>>
    %dma_start3A_70 = arith.constant 0 : i32
    %dma_start3A_71 = arith.constant 0 : i32
    %dma_start3A_72 = tpu.memref_slice %arg4[%dma_start3A_70, %dma_start3A_71] : memref<10128x128xf32, #tpu.memory_space<hbm>> -> memref<10128x128xf32, #tpu.memory_space<hbm>>
    tpu.enqueue_indirect_dma source(%dma_start3A_72 : memref<10128x128xf32, #tpu.memory_space<hbm>>) target(%arg9 : memref<128x128xf32, #tpu.memory_space<vmem>>) offsets(%dma_start3A_69 : memref<128xi32, #tpu.memory_space<vmem>>) semaphore(%arg12 : memref<!tpu.dma_semaphore, #tpu.memory_space<semaphore_mem>>)
    %run_scoped3A_73 = arith.constant 2 : i32
    "tpu.region"() ({
      %run_scoped3A_1258 = tpu.sem_alloc : memref<!tpu.dma_semaphore, #tpu.memory_space<semaphore_mem>>
      %dma_start3A_1259 = arith.constant 0 : i32
      %dma_start3A_1260 = tpu.memref_slice %arg7[%run_scoped3A_73, %dma_start3A_1259] : memref<40x128xi32, #tpu.memory_space<vmem>> -> memref<1x128xi32, #tpu.memory_space<vmem>>
      %dma_start3A_1261 = tpu.memref_squeeze %dma_start3A_1260 : memref<1x128xi32, #tpu.memory_space<vmem>> -> memref<128xi32, #tpu.memory_space<vmem>>
      %dma_start3A_1262 = arith.constant 0 : i32
      %dma_start3A_1263 = arith.constant 0 : i32
      %dma_start3A_1264 = tpu.memref_slice %arg10[%dma_start3A_1262, %dma_start3A_1263] : memref<10240x128xf32, #tpu.memory_space<vmem_shared>> -> memref<10240x128xf32, #tpu.memory_space<vmem_shared>>
      tpu.enqueue_indirect_dma source(%arg8 : memref<128x128xf32, #tpu.memory_space<vmem>>) target(%dma_start3A_1264 : memref<10240x128xf32, #tpu.memory_space<vmem_shared>>) offsets(%dma_start3A_1261 : memref<128xi32, #tpu.memory_space<vmem>>) semaphore(%run_scoped3A_1258 : memref<!tpu.dma_semaphore, #tpu.memory_space<semaphore_mem>>) {add = true}
      %dma_wait3A_1265 = arith.constant 0 : i32
      %dma_wait3A_1266 = tpu.memref_slice %arg7[%run_scoped3A_73, %dma_wait3A_1265] : memref<40x128xi32, #tpu.memory_space<vmem>> -> memref<1x128xi32, #tpu.memory_space<vmem>>
      %dma_wait3A_1267 = tpu.memref_squeeze %dma_wait3A_1266 : memref<1x128xi32, #tpu.memory_space<vmem>> -> memref<128xi32, #tpu.memory_space<vmem>>
      %dma_wait3A_1268 = arith.constant 0 : i32
      %dma_wait3A_1269 = arith.constant 0 : i32
      %dma_wait3A_1270 = tpu.memref_slice %arg10[%dma_wait3A_1268, %dma_wait3A_1269] : memref<10240x128xf32, #tpu.memory_space<vmem_shared>> -> memref<10240x128xf32, #tpu.memory_space<vmem_shared>>
      tpu.wait_indirect_dma semaphore(%run_scoped3A_1258 : memref<!tpu.dma_semaphore, #tpu.memory_space<semaphore_mem>>) src(%arg8 : memref<128x128xf32, #tpu.memory_space<vmem>>) dst(%dma_wait3A_1270 : memref<10240x128xf32, #tpu.memory_space<vmem_shared>>)
      tpu.yield
    }) : () -> ()
    %dma_wait3A_74 = arith.constant 3 : i32
    %dma_wait3A_75 = arith.constant 0 : i32
    %dma_wait3A_76 = tpu.memref_slice %arg6[%dma_wait3A_74, %dma_wait3A_75] : memref<40x128xi32, #tpu.memory_space<vmem>> -> memref<1x128xi32, #tpu.memory_space<vmem>>
    %dma_wait3A_77 = tpu.memref_squeeze %dma_wait3A_76 : memref<1x128xi32, #tpu.memory_space<vmem>> -> memref<128xi32, #tpu.memory_space<vmem>>
    %dma_wait3A_78 = arith.constant 0 : i32
    %dma_wait3A_79 = arith.constant 0 : i32
    %dma_wait3A_80 = tpu.memref_slice %arg4[%dma_wait3A_78, %dma_wait3A_79] : memref<10128x128xf32, #tpu.memory_space<hbm>> -> memref<10128x128xf32, #tpu.memory_space<hbm>>
    tpu.wait_indirect_dma semaphore(%arg12 : memref<!tpu.dma_semaphore, #tpu.memory_space<semaphore_mem>>) src(%dma_wait3A_80 : memref<10128x128xf32, #tpu.memory_space<hbm>>) dst(%arg9 : memref<128x128xf32, #tpu.memory_space<vmem>>)
    %dma_start3A_81 = arith.constant 4 : i32
    %dma_start3A_82 = arith.constant 0 : i32
    %dma_start3A_83 = tpu.memref_slice %arg6[%dma_start3A_81, %dma_start3A_82] : memref<40x128xi32, #tpu.memory_space<vmem>> -> memref<1x128xi32, #tpu.memory_space<vmem>>
    %dma_start3A_84 = tpu.memref_squeeze %dma_start3A_83 : memref<1x128xi32, #tpu.memory_space<vmem>> -> memref<128xi32, #tpu.memory_space<vmem>>
    %dma_start3A_85 = arith.constant 0 : i32
    %dma_start3A_86 = arith.constant 0 : i32
    %dma_start3A_87 = tpu.memref_slice %arg4[%dma_start3A_85, %dma_start3A_86] : memref<10128x128xf32, #tpu.memory_space<hbm>> -> memref<10128x128xf32, #tpu.memory_space<hbm>>
    tpu.enqueue_indirect_dma source(%dma_start3A_87 : memref<10128x128xf32, #tpu.memory_space<hbm>>) target(%arg8 : memref<128x128xf32, #tpu.memory_space<vmem>>) offsets(%dma_start3A_84 : memref<128xi32, #tpu.memory_space<vmem>>) semaphore(%arg11 : memref<!tpu.dma_semaphore, #tpu.memory_space<semaphore_mem>>)
    %run_scoped3A_88 = arith.constant 3 : i32
    "tpu.region"() ({
      %run_scoped3A_1258 = tpu.sem_alloc : memref<!tpu.dma_semaphore, #tpu.memory_space<semaphore_mem>>
      %dma_start3A_1259 = arith.constant 0 : i32
      %dma_start3A_1260 = tpu.memref_slice %arg7[%run_scoped3A_88, %dma_start3A_1259] : memref<40x128xi32, #tpu.memory_space<vmem>> -> memref<1x128xi32, #tpu.memory_space<vmem>>
      %dma_start3A_1261 = tpu.memref_squeeze %dma_start3A_1260 : memref<1x128xi32, #tpu.memory_space<vmem>> -> memref<128xi32, #tpu.memory_space<vmem>>
      %dma_start3A_1262 = arith.constant 0 : i32
      %dma_start3A_1263 = arith.constant 0 : i32
      %dma_start3A_1264 = tpu.memref_slice %arg10[%dma_start3A_1262, %dma_start3A_1263] : memref<10240x128xf32, #tpu.memory_space<vmem_shared>> -> memref<10240x128xf32, #tpu.memory_space<vmem_shared>>
      tpu.enqueue_indirect_dma source(%arg9 : memref<128x128xf32, #tpu.memory_space<vmem>>) target(%dma_start3A_1264 : memref<10240x128xf32, #tpu.memory_space<vmem_shared>>) offsets(%dma_start3A_1261 : memref<128xi32, #tpu.memory_space<vmem>>) semaphore(%run_scoped3A_1258 : memref<!tpu.dma_semaphore, #tpu.memory_space<semaphore_mem>>) {add = true}
      %dma_wait3A_1265 = arith.constant 0 : i32
      %dma_wait3A_1266 = tpu.memref_slice %arg7[%run_scoped3A_88, %dma_wait3A_1265] : memref<40x128xi32, #tpu.memory_space<vmem>> -> memref<1x128xi32, #tpu.memory_space<vmem>>
      %dma_wait3A_1267 = tpu.memref_squeeze %dma_wait3A_1266 : memref<1x128xi32, #tpu.memory_space<vmem>> -> memref<128xi32, #tpu.memory_space<vmem>>
      %dma_wait3A_1268 = arith.constant 0 : i32
      %dma_wait3A_1269 = arith.constant 0 : i32
      %dma_wait3A_1270 = tpu.memref_slice %arg10[%dma_wait3A_1268, %dma_wait3A_1269] : memref<10240x128xf32, #tpu.memory_space<vmem_shared>> -> memref<10240x128xf32, #tpu.memory_space<vmem_shared>>
      tpu.wait_indirect_dma semaphore(%run_scoped3A_1258 : memref<!tpu.dma_semaphore, #tpu.memory_space<semaphore_mem>>) src(%arg9 : memref<128x128xf32, #tpu.memory_space<vmem>>) dst(%dma_wait3A_1270 : memref<10240x128xf32, #tpu.memory_space<vmem_shared>>)
      tpu.yield
    }) : () -> ()
    %dma_wait3A_89 = arith.constant 4 : i32
    %dma_wait3A_90 = arith.constant 0 : i32
    %dma_wait3A_91 = tpu.memref_slice %arg6[%dma_wait3A_89, %dma_wait3A_90] : memref<40x128xi32, #tpu.memory_space<vmem>> -> memref<1x128xi32, #tpu.memory_space<vmem>>
    %dma_wait3A_92 = tpu.memref_squeeze %dma_wait3A_91 : memref<1x128xi32, #tpu.memory_space<vmem>> -> memref<128xi32, #tpu.memory_space<vmem>>
    %dma_wait3A_93 = arith.constant 0 : i32
    %dma_wait3A_94 = arith.constant 0 : i32
    %dma_wait3A_95 = tpu.memref_slice %arg4[%dma_wait3A_93, %dma_wait3A_94] : memref<10128x128xf32, #tpu.memory_space<hbm>> -> memref<10128x128xf32, #tpu.memory_space<hbm>>
    tpu.wait_indirect_dma semaphore(%arg11 : memref<!tpu.dma_semaphore, #tpu.memory_space<semaphore_mem>>) src(%dma_wait3A_95 : memref<10128x128xf32, #tpu.memory_space<hbm>>) dst(%arg8 : memref<128x128xf32, #tpu.memory_space<vmem>>)
    %dma_start3A_96 = arith.constant 5 : i32
    %dma_start3A_97 = arith.constant 0 : i32
    %dma_start3A_98 = tpu.memref_slice %arg6[%dma_start3A_96, %dma_start3A_97] : memref<40x128xi32, #tpu.memory_space<vmem>> -> memref<1x128xi32, #tpu.memory_space<vmem>>
    %dma_start3A_99 = tpu.memref_squeeze %dma_start3A_98 : memref<1x128xi32, #tpu.memory_space<vmem>> -> memref<128xi32, #tpu.memory_space<vmem>>
    %dma_start3A_100 = arith.constant 0 : i32
    %dma_start3A_101 = arith.constant 0 : i32
    %dma_start3A_102 = tpu.memref_slice %arg4[%dma_start3A_100, %dma_start3A_101] : memref<10128x128xf32, #tpu.memory_space<hbm>> -> memref<10128x128xf32, #tpu.memory_space<hbm>>
    tpu.enqueue_indirect_dma source(%dma_start3A_102 : memref<10128x128xf32, #tpu.memory_space<hbm>>) target(%arg9 : memref<128x128xf32, #tpu.memory_space<vmem>>) offsets(%dma_start3A_99 : memref<128xi32, #tpu.memory_space<vmem>>) semaphore(%arg12 : memref<!tpu.dma_semaphore, #tpu.memory_space<semaphore_mem>>)
    %run_scoped3A_103 = arith.constant 4 : i32
    "tpu.region"() ({
      %run_scoped3A_1258 = tpu.sem_alloc : memref<!tpu.dma_semaphore, #tpu.memory_space<semaphore_mem>>
      %dma_start3A_1259 = arith.constant 0 : i32
      %dma_start3A_1260 = tpu.memref_slice %arg7[%run_scoped3A_103, %dma_start3A_1259] : memref<40x128xi32, #tpu.memory_space<vmem>> -> memref<1x128xi32, #tpu.memory_space<vmem>>
      %dma_start3A_1261 = tpu.memref_squeeze %dma_start3A_1260 : memref<1x128xi32, #tpu.memory_space<vmem>> -> memref<128xi32, #tpu.memory_space<vmem>>
      %dma_start3A_1262 = arith.constant 0 : i32
      %dma_start3A_1263 = arith.constant 0 : i32
      %dma_start3A_1264 = tpu.memref_slice %arg10[%dma_start3A_1262, %dma_start3A_1263] : memref<10240x128xf32, #tpu.memory_space<vmem_shared>> -> memref<10240x128xf32, #tpu.memory_space<vmem_shared>>
      tpu.enqueue_indirect_dma source(%arg8 : memref<128x128xf32, #tpu.memory_space<vmem>>) target(%dma_start3A_1264 : memref<10240x128xf32, #tpu.memory_space<vmem_shared>>) offsets(%dma_start3A_1261 : memref<128xi32, #tpu.memory_space<vmem>>) semaphore(%run_scoped3A_1258 : memref<!tpu.dma_semaphore, #tpu.memory_space<semaphore_mem>>) {add = true}
      %dma_wait3A_1265 = arith.constant 0 : i32
      %dma_wait3A_1266 = tpu.memref_slice %arg7[%run_scoped3A_103, %dma_wait3A_1265] : memref<40x128xi32, #tpu.memory_space<vmem>> -> memref<1x128xi32, #tpu.memory_space<vmem>>
      %dma_wait3A_1267 = tpu.memref_squeeze %dma_wait3A_1266 : memref<1x128xi32, #tpu.memory_space<vmem>> -> memref<128xi32, #tpu.memory_space<vmem>>
      %dma_wait3A_1268 = arith.constant 0 : i32
      %dma_wait3A_1269 = arith.constant 0 : i32
      %dma_wait3A_1270 = tpu.memref_slice %arg10[%dma_wait3A_1268, %dma_wait3A_1269] : memref<10240x128xf32, #tpu.memory_space<vmem_shared>> -> memref<10240x128xf32, #tpu.memory_space<vmem_shared>>
      tpu.wait_indirect_dma semaphore(%run_scoped3A_1258 : memref<!tpu.dma_semaphore, #tpu.memory_space<semaphore_mem>>) src(%arg8 : memref<128x128xf32, #tpu.memory_space<vmem>>) dst(%dma_wait3A_1270 : memref<10240x128xf32, #tpu.memory_space<vmem_shared>>)
      tpu.yield
    }) : () -> ()
    %dma_wait3A_104 = arith.constant 5 : i32
    %dma_wait3A_105 = arith.constant 0 : i32
    %dma_wait3A_106 = tpu.memref_slice %arg6[%dma_wait3A_104, %dma_wait3A_105] : memref<40x128xi32, #tpu.memory_space<vmem>> -> memref<1x128xi32, #tpu.memory_space<vmem>>
    %dma_wait3A_107 = tpu.memref_squeeze %dma_wait3A_106 : memref<1x128xi32, #tpu.memory_space<vmem>> -> memref<128xi32, #tpu.memory_space<vmem>>
    %dma_wait3A_108 = arith.constant 0 : i32
    %dma_wait3A_109 = arith.constant 0 : i32
    %dma_wait3A_110 = tpu.memref_slice %arg4[%dma_wait3A_108, %dma_wait3A_109] : memref<10128x128xf32, #tpu.memory_space<hbm>> -> memref<10128x128xf32, #tpu.memory_space<hbm>>
    tpu.wait_indirect_dma semaphore(%arg12 : memref<!tpu.dma_semaphore, #tpu.memory_space<semaphore_mem>>) src(%dma_wait3A_110 : memref<10128x128xf32, #tpu.memory_space<hbm>>) dst(%arg9 : memref<128x128xf32, #tpu.memory_space<vmem>>)
    %dma_start3A_111 = arith.constant 6 : i32
    %dma_start3A_112 = arith.constant 0 : i32
    %dma_start3A_113 = tpu.memref_slice %arg6[%dma_start3A_111, %dma_start3A_112] : memref<40x128xi32, #tpu.memory_space<vmem>> -> memref<1x128xi32, #tpu.memory_space<vmem>>
    %dma_start3A_114 = tpu.memref_squeeze %dma_start3A_113 : memref<1x128xi32, #tpu.memory_space<vmem>> -> memref<128xi32, #tpu.memory_space<vmem>>
    %dma_start3A_115 = arith.constant 0 : i32
    %dma_start3A_116 = arith.constant 0 : i32
    %dma_start3A_117 = tpu.memref_slice %arg4[%dma_start3A_115, %dma_start3A_116] : memref<10128x128xf32, #tpu.memory_space<hbm>> -> memref<10128x128xf32, #tpu.memory_space<hbm>>
    tpu.enqueue_indirect_dma source(%dma_start3A_117 : memref<10128x128xf32, #tpu.memory_space<hbm>>) target(%arg8 : memref<128x128xf32, #tpu.memory_space<vmem>>) offsets(%dma_start3A_114 : memref<128xi32, #tpu.memory_space<vmem>>) semaphore(%arg11 : memref<!tpu.dma_semaphore, #tpu.memory_space<semaphore_mem>>)
    %run_scoped3A_118 = arith.constant 5 : i32
    "tpu.region"() ({
      %run_scoped3A_1258 = tpu.sem_alloc : memref<!tpu.dma_semaphore, #tpu.memory_space<semaphore_mem>>
      %dma_start3A_1259 = arith.constant 0 : i32
      %dma_start3A_1260 = tpu.memref_slice %arg7[%run_scoped3A_118, %dma_start3A_1259] : memref<40x128xi32, #tpu.memory_space<vmem>> -> memref<1x128xi32, #tpu.memory_space<vmem>>
      %dma_start3A_1261 = tpu.memref_squeeze %dma_start3A_1260 : memref<1x128xi32, #tpu.memory_space<vmem>> -> memref<128xi32, #tpu.memory_space<vmem>>
      %dma_start3A_1262 = arith.constant 0 : i32
      %dma_start3A_1263 = arith.constant 0 : i32
      %dma_start3A_1264 = tpu.memref_slice %arg10[%dma_start3A_1262, %dma_start3A_1263] : memref<10240x128xf32, #tpu.memory_space<vmem_shared>> -> memref<10240x128xf32, #tpu.memory_space<vmem_shared>>
      tpu.enqueue_indirect_dma source(%arg9 : memref<128x128xf32, #tpu.memory_space<vmem>>) target(%dma_start3A_1264 : memref<10240x128xf32, #tpu.memory_space<vmem_shared>>) offsets(%dma_start3A_1261 : memref<128xi32, #tpu.memory_space<vmem>>) semaphore(%run_scoped3A_1258 : memref<!tpu.dma_semaphore, #tpu.memory_space<semaphore_mem>>) {add = true}
      %dma_wait3A_1265 = arith.constant 0 : i32
      %dma_wait3A_1266 = tpu.memref_slice %arg7[%run_scoped3A_118, %dma_wait3A_1265] : memref<40x128xi32, #tpu.memory_space<vmem>> -> memref<1x128xi32, #tpu.memory_space<vmem>>
      %dma_wait3A_1267 = tpu.memref_squeeze %dma_wait3A_1266 : memref<1x128xi32, #tpu.memory_space<vmem>> -> memref<128xi32, #tpu.memory_space<vmem>>
      %dma_wait3A_1268 = arith.constant 0 : i32
      %dma_wait3A_1269 = arith.constant 0 : i32
      %dma_wait3A_1270 = tpu.memref_slice %arg10[%dma_wait3A_1268, %dma_wait3A_1269] : memref<10240x128xf32, #tpu.memory_space<vmem_shared>> -> memref<10240x128xf32, #tpu.memory_space<vmem_shared>>
      tpu.wait_indirect_dma semaphore(%run_scoped3A_1258 : memref<!tpu.dma_semaphore, #tpu.memory_space<semaphore_mem>>) src(%arg9 : memref<128x128xf32, #tpu.memory_space<vmem>>) dst(%dma_wait3A_1270 : memref<10240x128xf32, #tpu.memory_space<vmem_shared>>)
      tpu.yield
    }) : () -> ()
    %dma_wait3A_119 = arith.constant 6 : i32
    %dma_wait3A_120 = arith.constant 0 : i32
    %dma_wait3A_121 = tpu.memref_slice %arg6[%dma_wait3A_119, %dma_wait3A_120] : memref<40x128xi32, #tpu.memory_space<vmem>> -> memref<1x128xi32, #tpu.memory_space<vmem>>
    %dma_wait3A_122 = tpu.memref_squeeze %dma_wait3A_121 : memref<1x128xi32, #tpu.memory_space<vmem>> -> memref<128xi32, #tpu.memory_space<vmem>>
    %dma_wait3A_123 = arith.constant 0 : i32
    %dma_wait3A_124 = arith.constant 0 : i32
    %dma_wait3A_125 = tpu.memref_slice %arg4[%dma_wait3A_123, %dma_wait3A_124] : memref<10128x128xf32, #tpu.memory_space<hbm>> -> memref<10128x128xf32, #tpu.memory_space<hbm>>
    tpu.wait_indirect_dma semaphore(%arg11 : memref<!tpu.dma_semaphore, #tpu.memory_space<semaphore_mem>>) src(%dma_wait3A_125 : memref<10128x128xf32, #tpu.memory_space<hbm>>) dst(%arg8 : memref<128x128xf32, #tpu.memory_space<vmem>>)
    %dma_start3A_126 = arith.constant 7 : i32
    %dma_start3A_127 = arith.constant 0 : i32
    %dma_start3A_128 = tpu.memref_slice %arg6[%dma_start3A_126, %dma_start3A_127] : memref<40x128xi32, #tpu.memory_space<vmem>> -> memref<1x128xi32, #tpu.memory_space<vmem>>
    %dma_start3A_129 = tpu.memref_squeeze %dma_start3A_128 : memref<1x128xi32, #tpu.memory_space<vmem>> -> memref<128xi32, #tpu.memory_space<vmem>>
    %dma_start3A_130 = arith.constant 0 : i32
    %dma_start3A_131 = arith.constant 0 : i32
    %dma_start3A_132 = tpu.memref_slice %arg4[%dma_start3A_130, %dma_start3A_131] : memref<10128x128xf32, #tpu.memory_space<hbm>> -> memref<10128x128xf32, #tpu.memory_space<hbm>>
    tpu.enqueue_indirect_dma source(%dma_start3A_132 : memref<10128x128xf32, #tpu.memory_space<hbm>>) target(%arg9 : memref<128x128xf32, #tpu.memory_space<vmem>>) offsets(%dma_start3A_129 : memref<128xi32, #tpu.memory_space<vmem>>) semaphore(%arg12 : memref<!tpu.dma_semaphore, #tpu.memory_space<semaphore_mem>>)
    %run_scoped3A_133 = arith.constant 6 : i32
    "tpu.region"() ({
      %run_scoped3A_1258 = tpu.sem_alloc : memref<!tpu.dma_semaphore, #tpu.memory_space<semaphore_mem>>
      %dma_start3A_1259 = arith.constant 0 : i32
      %dma_start3A_1260 = tpu.memref_slice %arg7[%run_scoped3A_133, %dma_start3A_1259] : memref<40x128xi32, #tpu.memory_space<vmem>> -> memref<1x128xi32, #tpu.memory_space<vmem>>
      %dma_start3A_1261 = tpu.memref_squeeze %dma_start3A_1260 : memref<1x128xi32, #tpu.memory_space<vmem>> -> memref<128xi32, #tpu.memory_space<vmem>>
      %dma_start3A_1262 = arith.constant 0 : i32
      %dma_start3A_1263 = arith.constant 0 : i32
      %dma_start3A_1264 = tpu.memref_slice %arg10[%dma_start3A_1262, %dma_start3A_1263] : memref<10240x128xf32, #tpu.memory_space<vmem_shared>> -> memref<10240x128xf32, #tpu.memory_space<vmem_shared>>
      tpu.enqueue_indirect_dma source(%arg8 : memref<128x128xf32, #tpu.memory_space<vmem>>) target(%dma_start3A_1264 : memref<10240x128xf32, #tpu.memory_space<vmem_shared>>) offsets(%dma_start3A_1261 : memref<128xi32, #tpu.memory_space<vmem>>) semaphore(%run_scoped3A_1258 : memref<!tpu.dma_semaphore, #tpu.memory_space<semaphore_mem>>) {add = true}
      %dma_wait3A_1265 = arith.constant 0 : i32
      %dma_wait3A_1266 = tpu.memref_slice %arg7[%run_scoped3A_133, %dma_wait3A_1265] : memref<40x128xi32, #tpu.memory_space<vmem>> -> memref<1x128xi32, #tpu.memory_space<vmem>>
      %dma_wait3A_1267 = tpu.memref_squeeze %dma_wait3A_1266 : memref<1x128xi32, #tpu.memory_space<vmem>> -> memref<128xi32, #tpu.memory_space<vmem>>
      %dma_wait3A_1268 = arith.constant 0 : i32
      %dma_wait3A_1269 = arith.constant 0 : i32
      %dma_wait3A_1270 = tpu.memref_slice %arg10[%dma_wait3A_1268, %dma_wait3A_1269] : memref<10240x128xf32, #tpu.memory_space<vmem_shared>> -> memref<10240x128xf32, #tpu.memory_space<vmem_shared>>
      tpu.wait_indirect_dma semaphore(%run_scoped3A_1258 : memref<!tpu.dma_semaphore, #tpu.memory_space<semaphore_mem>>) src(%arg8 : memref<128x128xf32, #tpu.memory_space<vmem>>) dst(%dma_wait3A_1270 : memref<10240x128xf32, #tpu.memory_space<vmem_shared>>)
      tpu.yield
    }) : () -> ()
    %dma_wait3A_134 = arith.constant 7 : i32
    %dma_wait3A_135 = arith.constant 0 : i32
    %dma_wait3A_136 = tpu.memref_slice %arg6[%dma_wait3A_134, %dma_wait3A_135] : memref<40x128xi32, #tpu.memory_space<vmem>> -> memref<1x128xi32, #tpu.memory_space<vmem>>
    %dma_wait3A_137 = tpu.memref_squeeze %dma_wait3A_136 : memref<1x128xi32, #tpu.memory_space<vmem>> -> memref<128xi32, #tpu.memory_space<vmem>>
    %dma_wait3A_138 = arith.constant 0 : i32
    %dma_wait3A_139 = arith.constant 0 : i32
    %dma_wait3A_140 = tpu.memref_slice %arg4[%dma_wait3A_138, %dma_wait3A_139] : memref<10128x128xf32, #tpu.memory_space<hbm>> -> memref<10128x128xf32, #tpu.memory_space<hbm>>
    tpu.wait_indirect_dma semaphore(%arg12 : memref<!tpu.dma_semaphore, #tpu.memory_space<semaphore_mem>>) src(%dma_wait3A_140 : memref<10128x128xf32, #tpu.memory_space<hbm>>) dst(%arg9 : memref<128x128xf32, #tpu.memory_space<vmem>>)
    %dma_start3A_141 = arith.constant 8 : i32
    %dma_start3A_142 = arith.constant 0 : i32
    %dma_start3A_143 = tpu.memref_slice %arg6[%dma_start3A_141, %dma_start3A_142] : memref<40x128xi32, #tpu.memory_space<vmem>> -> memref<1x128xi32, #tpu.memory_space<vmem>>
    %dma_start3A_144 = tpu.memref_squeeze %dma_start3A_143 : memref<1x128xi32, #tpu.memory_space<vmem>> -> memref<128xi32, #tpu.memory_space<vmem>>
    %dma_start3A_145 = arith.constant 0 : i32
    %dma_start3A_146 = arith.constant 0 : i32
    %dma_start3A_147 = tpu.memref_slice %arg4[%dma_start3A_145, %dma_start3A_146] : memref<10128x128xf32, #tpu.memory_space<hbm>> -> memref<10128x128xf32, #tpu.memory_space<hbm>>
    tpu.enqueue_indirect_dma source(%dma_start3A_147 : memref<10128x128xf32, #tpu.memory_space<hbm>>) target(%arg8 : memref<128x128xf32, #tpu.memory_space<vmem>>) offsets(%dma_start3A_144 : memref<128xi32, #tpu.memory_space<vmem>>) semaphore(%arg11 : memref<!tpu.dma_semaphore, #tpu.memory_space<semaphore_mem>>)
    %run_scoped3A_148 = arith.constant 7 : i32
    "tpu.region"() ({
      %run_scoped3A_1258 = tpu.sem_alloc : memref<!tpu.dma_semaphore, #tpu.memory_space<semaphore_mem>>
      %dma_start3A_1259 = arith.constant 0 : i32
      %dma_start3A_1260 = tpu.memref_slice %arg7[%run_scoped3A_148, %dma_start3A_1259] : memref<40x128xi32, #tpu.memory_space<vmem>> -> memref<1x128xi32, #tpu.memory_space<vmem>>
      %dma_start3A_1261 = tpu.memref_squeeze %dma_start3A_1260 : memref<1x128xi32, #tpu.memory_space<vmem>> -> memref<128xi32, #tpu.memory_space<vmem>>
      %dma_start3A_1262 = arith.constant 0 : i32
      %dma_start3A_1263 = arith.constant 0 : i32
      %dma_start3A_1264 = tpu.memref_slice %arg10[%dma_start3A_1262, %dma_start3A_1263] : memref<10240x128xf32, #tpu.memory_space<vmem_shared>> -> memref<10240x128xf32, #tpu.memory_space<vmem_shared>>
      tpu.enqueue_indirect_dma source(%arg9 : memref<128x128xf32, #tpu.memory_space<vmem>>) target(%dma_start3A_1264 : memref<10240x128xf32, #tpu.memory_space<vmem_shared>>) offsets(%dma_start3A_1261 : memref<128xi32, #tpu.memory_space<vmem>>) semaphore(%run_scoped3A_1258 : memref<!tpu.dma_semaphore, #tpu.memory_space<semaphore_mem>>) {add = true}
      %dma_wait3A_1265 = arith.constant 0 : i32
      %dma_wait3A_1266 = tpu.memref_slice %arg7[%run_scoped3A_148, %dma_wait3A_1265] : memref<40x128xi32, #tpu.memory_space<vmem>> -> memref<1x128xi32, #tpu.memory_space<vmem>>
      %dma_wait3A_1267 = tpu.memref_squeeze %dma_wait3A_1266 : memref<1x128xi32, #tpu.memory_space<vmem>> -> memref<128xi32, #tpu.memory_space<vmem>>
      %dma_wait3A_1268 = arith.constant 0 : i32
      %dma_wait3A_1269 = arith.constant 0 : i32
      %dma_wait3A_1270 = tpu.memref_slice %arg10[%dma_wait3A_1268, %dma_wait3A_1269] : memref<10240x128xf32, #tpu.memory_space<vmem_shared>> -> memref<10240x128xf32, #tpu.memory_space<vmem_shared>>
      tpu.wait_indirect_dma semaphore(%run_scoped3A_1258 : memref<!tpu.dma_semaphore, #tpu.memory_space<semaphore_mem>>) src(%arg9 : memref<128x128xf32, #tpu.memory_space<vmem>>) dst(%dma_wait3A_1270 : memref<10240x128xf32, #tpu.memory_space<vmem_shared>>)
      tpu.yield
    }) : () -> ()
    %dma_wait3A_149 = arith.constant 8 : i32
    %dma_wait3A_150 = arith.constant 0 : i32
    %dma_wait3A_151 = tpu.memref_slice %arg6[%dma_wait3A_149, %dma_wait3A_150] : memref<40x128xi32, #tpu.memory_space<vmem>> -> memref<1x128xi32, #tpu.memory_space<vmem>>
    %dma_wait3A_152 = tpu.memref_squeeze %dma_wait3A_151 : memref<1x128xi32, #tpu.memory_space<vmem>> -> memref<128xi32, #tpu.memory_space<vmem>>
    %dma_wait3A_153 = arith.constant 0 : i32
    %dma_wait3A_154 = arith.constant 0 : i32
    %dma_wait3A_155 = tpu.memref_slice %arg4[%dma_wait3A_153, %dma_wait3A_154] : memref<10128x128xf32, #tpu.memory_space<hbm>> -> memref<10128x128xf32, #tpu.memory_space<hbm>>
    tpu.wait_indirect_dma semaphore(%arg11 : memref<!tpu.dma_semaphore, #tpu.memory_space<semaphore_mem>>) src(%dma_wait3A_155 : memref<10128x128xf32, #tpu.memory_space<hbm>>) dst(%arg8 : memref<128x128xf32, #tpu.memory_space<vmem>>)
    %dma_start3A_156 = arith.constant 9 : i32
    %dma_start3A_157 = arith.constant 0 : i32
    %dma_start3A_158 = tpu.memref_slice %arg6[%dma_start3A_156, %dma_start3A_157] : memref<40x128xi32, #tpu.memory_space<vmem>> -> memref<1x128xi32, #tpu.memory_space<vmem>>
    %dma_start3A_159 = tpu.memref_squeeze %dma_start3A_158 : memref<1x128xi32, #tpu.memory_space<vmem>> -> memref<128xi32, #tpu.memory_space<vmem>>
    %dma_start3A_160 = arith.constant 0 : i32
    %dma_start3A_161 = arith.constant 0 : i32
    %dma_start3A_162 = tpu.memref_slice %arg4[%dma_start3A_160, %dma_start3A_161] : memref<10128x128xf32, #tpu.memory_space<hbm>> -> memref<10128x128xf32, #tpu.memory_space<hbm>>
    tpu.enqueue_indirect_dma source(%dma_start3A_162 : memref<10128x128xf32, #tpu.memory_space<hbm>>) target(%arg9 : memref<128x128xf32, #tpu.memory_space<vmem>>) offsets(%dma_start3A_159 : memref<128xi32, #tpu.memory_space<vmem>>) semaphore(%arg12 : memref<!tpu.dma_semaphore, #tpu.memory_space<semaphore_mem>>)
    %run_scoped3A_163 = arith.constant 8 : i32
    "tpu.region"() ({
      %run_scoped3A_1258 = tpu.sem_alloc : memref<!tpu.dma_semaphore, #tpu.memory_space<semaphore_mem>>
      %dma_start3A_1259 = arith.constant 0 : i32
      %dma_start3A_1260 = tpu.memref_slice %arg7[%run_scoped3A_163, %dma_start3A_1259] : memref<40x128xi32, #tpu.memory_space<vmem>> -> memref<1x128xi32, #tpu.memory_space<vmem>>
      %dma_start3A_1261 = tpu.memref_squeeze %dma_start3A_1260 : memref<1x128xi32, #tpu.memory_space<vmem>> -> memref<128xi32, #tpu.memory_space<vmem>>
      %dma_start3A_1262 = arith.constant 0 : i32
      %dma_start3A_1263 = arith.constant 0 : i32
      %dma_start3A_1264 = tpu.memref_slice %arg10[%dma_start3A_1262, %dma_start3A_1263] : memref<10240x128xf32, #tpu.memory_space<vmem_shared>> -> memref<10240x128xf32, #tpu.memory_space<vmem_shared>>
      tpu.enqueue_indirect_dma source(%arg8 : memref<128x128xf32, #tpu.memory_space<vmem>>) target(%dma_start3A_1264 : memref<10240x128xf32, #tpu.memory_space<vmem_shared>>) offsets(%dma_start3A_1261 : memref<128xi32, #tpu.memory_space<vmem>>) semaphore(%run_scoped3A_1258 : memref<!tpu.dma_semaphore, #tpu.memory_space<semaphore_mem>>) {add = true}
      %dma_wait3A_1265 = arith.constant 0 : i32
      %dma_wait3A_1266 = tpu.memref_slice %arg7[%run_scoped3A_163, %dma_wait3A_1265] : memref<40x128xi32, #tpu.memory_space<vmem>> -> memref<1x128xi32, #tpu.memory_space<vmem>>
      %dma_wait3A_1267 = tpu.memref_squeeze %dma_wait3A_1266 : memref<1x128xi32, #tpu.memory_space<vmem>> -> memref<128xi32, #tpu.memory_space<vmem>>
      %dma_wait3A_1268 = arith.constant 0 : i32
      %dma_wait3A_1269 = arith.constant 0 : i32
      %dma_wait3A_1270 = tpu.memref_slice %arg10[%dma_wait3A_1268, %dma_wait3A_1269] : memref<10240x128xf32, #tpu.memory_space<vmem_shared>> -> memref<10240x128xf32, #tpu.memory_space<vmem_shared>>
      tpu.wait_indirect_dma semaphore(%run_scoped3A_1258 : memref<!tpu.dma_semaphore, #tpu.memory_space<semaphore_mem>>) src(%arg8 : memref<128x128xf32, #tpu.memory_space<vmem>>) dst(%dma_wait3A_1270 : memref<10240x128xf32, #tpu.memory_space<vmem_shared>>)
      tpu.yield
    }) : () -> ()
    %dma_wait3A_164 = arith.constant 9 : i32
    %dma_wait3A_165 = arith.constant 0 : i32
    %dma_wait3A_166 = tpu.memref_slice %arg6[%dma_wait3A_164, %dma_wait3A_165] : memref<40x128xi32, #tpu.memory_space<vmem>> -> memref<1x128xi32, #tpu.memory_space<vmem>>
    %dma_wait3A_167 = tpu.memref_squeeze %dma_wait3A_166 : memref<1x128xi32, #tpu.memory_space<vmem>> -> memref<128xi32, #tpu.memory_space<vmem>>
    %dma_wait3A_168 = arith.constant 0 : i32
    %dma_wait3A_169 = arith.constant 0 : i32
    %dma_wait3A_170 = tpu.memref_slice %arg4[%dma_wait3A_168, %dma_wait3A_169] : memref<10128x128xf32, #tpu.memory_space<hbm>> -> memref<10128x128xf32, #tpu.memory_space<hbm>>
    tpu.wait_indirect_dma semaphore(%arg12 : memref<!tpu.dma_semaphore, #tpu.memory_space<semaphore_mem>>) src(%dma_wait3A_170 : memref<10128x128xf32, #tpu.memory_space<hbm>>) dst(%arg9 : memref<128x128xf32, #tpu.memory_space<vmem>>)
    %dma_start3A_171 = arith.constant 10 : i32
    %dma_start3A_172 = arith.constant 0 : i32
    %dma_start3A_173 = tpu.memref_slice %arg6[%dma_start3A_171, %dma_start3A_172] : memref<40x128xi32, #tpu.memory_space<vmem>> -> memref<1x128xi32, #tpu.memory_space<vmem>>
    %dma_start3A_174 = tpu.memref_squeeze %dma_start3A_173 : memref<1x128xi32, #tpu.memory_space<vmem>> -> memref<128xi32, #tpu.memory_space<vmem>>
    %dma_start3A_175 = arith.constant 0 : i32
    %dma_start3A_176 = arith.constant 0 : i32
    %dma_start3A_177 = tpu.memref_slice %arg4[%dma_start3A_175, %dma_start3A_176] : memref<10128x128xf32, #tpu.memory_space<hbm>> -> memref<10128x128xf32, #tpu.memory_space<hbm>>
    tpu.enqueue_indirect_dma source(%dma_start3A_177 : memref<10128x128xf32, #tpu.memory_space<hbm>>) target(%arg8 : memref<128x128xf32, #tpu.memory_space<vmem>>) offsets(%dma_start3A_174 : memref<128xi32, #tpu.memory_space<vmem>>) semaphore(%arg11 : memref<!tpu.dma_semaphore, #tpu.memory_space<semaphore_mem>>)
    %run_scoped3A_178 = arith.constant 9 : i32
    "tpu.region"() ({
      %run_scoped3A_1258 = tpu.sem_alloc : memref<!tpu.dma_semaphore, #tpu.memory_space<semaphore_mem>>
      %dma_start3A_1259 = arith.constant 0 : i32
      %dma_start3A_1260 = tpu.memref_slice %arg7[%run_scoped3A_178, %dma_start3A_1259] : memref<40x128xi32, #tpu.memory_space<vmem>> -> memref<1x128xi32, #tpu.memory_space<vmem>>
      %dma_start3A_1261 = tpu.memref_squeeze %dma_start3A_1260 : memref<1x128xi32, #tpu.memory_space<vmem>> -> memref<128xi32, #tpu.memory_space<vmem>>
      %dma_start3A_1262 = arith.constant 0 : i32
      %dma_start3A_1263 = arith.constant 0 : i32
      %dma_start3A_1264 = tpu.memref_slice %arg10[%dma_start3A_1262, %dma_start3A_1263] : memref<10240x128xf32, #tpu.memory_space<vmem_shared>> -> memref<10240x128xf32, #tpu.memory_space<vmem_shared>>
      tpu.enqueue_indirect_dma source(%arg9 : memref<128x128xf32, #tpu.memory_space<vmem>>) target(%dma_start3A_1264 : memref<10240x128xf32, #tpu.memory_space<vmem_shared>>) offsets(%dma_start3A_1261 : memref<128xi32, #tpu.memory_space<vmem>>) semaphore(%run_scoped3A_1258 : memref<!tpu.dma_semaphore, #tpu.memory_space<semaphore_mem>>) {add = true}
      %dma_wait3A_1265 = arith.constant 0 : i32
      %dma_wait3A_1266 = tpu.memref_slice %arg7[%run_scoped3A_178, %dma_wait3A_1265] : memref<40x128xi32, #tpu.memory_space<vmem>> -> memref<1x128xi32, #tpu.memory_space<vmem>>
      %dma_wait3A_1267 = tpu.memref_squeeze %dma_wait3A_1266 : memref<1x128xi32, #tpu.memory_space<vmem>> -> memref<128xi32, #tpu.memory_space<vmem>>
      %dma_wait3A_1268 = arith.constant 0 : i32
      %dma_wait3A_1269 = arith.constant 0 : i32
      %dma_wait3A_1270 = tpu.memref_slice %arg10[%dma_wait3A_1268, %dma_wait3A_1269] : memref<10240x128xf32, #tpu.memory_space<vmem_shared>> -> memref<10240x128xf32, #tpu.memory_space<vmem_shared>>
      tpu.wait_indirect_dma semaphore(%run_scoped3A_1258 : memref<!tpu.dma_semaphore, #tpu.memory_space<semaphore_mem>>) src(%arg9 : memref<128x128xf32, #tpu.memory_space<vmem>>) dst(%dma_wait3A_1270 : memref<10240x128xf32, #tpu.memory_space<vmem_shared>>)
      tpu.yield
    }) : () -> ()
    %dma_wait3A_179 = arith.constant 10 : i32
    %dma_wait3A_180 = arith.constant 0 : i32
    %dma_wait3A_181 = tpu.memref_slice %arg6[%dma_wait3A_179, %dma_wait3A_180] : memref<40x128xi32, #tpu.memory_space<vmem>> -> memref<1x128xi32, #tpu.memory_space<vmem>>
    %dma_wait3A_182 = tpu.memref_squeeze %dma_wait3A_181 : memref<1x128xi32, #tpu.memory_space<vmem>> -> memref<128xi32, #tpu.memory_space<vmem>>
    %dma_wait3A_183 = arith.constant 0 : i32
    %dma_wait3A_184 = arith.constant 0 : i32
    %dma_wait3A_185 = tpu.memref_slice %arg4[%dma_wait3A_183, %dma_wait3A_184] : memref<10128x128xf32, #tpu.memory_space<hbm>> -> memref<10128x128xf32, #tpu.memory_space<hbm>>
    tpu.wait_indirect_dma semaphore(%arg11 : memref<!tpu.dma_semaphore, #tpu.memory_space<semaphore_mem>>) src(%dma_wait3A_185 : memref<10128x128xf32, #tpu.memory_space<hbm>>) dst(%arg8 : memref<128x128xf32, #tpu.memory_space<vmem>>)
    %dma_start3A_186 = arith.constant 11 : i32
    %dma_start3A_187 = arith.constant 0 : i32
    %dma_start3A_188 = tpu.memref_slice %arg6[%dma_start3A_186, %dma_start3A_187] : memref<40x128xi32, #tpu.memory_space<vmem>> -> memref<1x128xi32, #tpu.memory_space<vmem>>
    %dma_start3A_189 = tpu.memref_squeeze %dma_start3A_188 : memref<1x128xi32, #tpu.memory_space<vmem>> -> memref<128xi32, #tpu.memory_space<vmem>>
    %dma_start3A_190 = arith.constant 0 : i32
    %dma_start3A_191 = arith.constant 0 : i32
    %dma_start3A_192 = tpu.memref_slice %arg4[%dma_start3A_190, %dma_start3A_191] : memref<10128x128xf32, #tpu.memory_space<hbm>> -> memref<10128x128xf32, #tpu.memory_space<hbm>>
    tpu.enqueue_indirect_dma source(%dma_start3A_192 : memref<10128x128xf32, #tpu.memory_space<hbm>>) target(%arg9 : memref<128x128xf32, #tpu.memory_space<vmem>>) offsets(%dma_start3A_189 : memref<128xi32, #tpu.memory_space<vmem>>) semaphore(%arg12 : memref<!tpu.dma_semaphore, #tpu.memory_space<semaphore_mem>>)
    %run_scoped3A_193 = arith.constant 10 : i32
    "tpu.region"() ({
      %run_scoped3A_1258 = tpu.sem_alloc : memref<!tpu.dma_semaphore, #tpu.memory_space<semaphore_mem>>
      %dma_start3A_1259 = arith.constant 0 : i32
      %dma_start3A_1260 = tpu.memref_slice %arg7[%run_scoped3A_193, %dma_start3A_1259] : memref<40x128xi32, #tpu.memory_space<vmem>> -> memref<1x128xi32, #tpu.memory_space<vmem>>
      %dma_start3A_1261 = tpu.memref_squeeze %dma_start3A_1260 : memref<1x128xi32, #tpu.memory_space<vmem>> -> memref<128xi32, #tpu.memory_space<vmem>>
      %dma_start3A_1262 = arith.constant 0 : i32
      %dma_start3A_1263 = arith.constant 0 : i32
      %dma_start3A_1264 = tpu.memref_slice %arg10[%dma_start3A_1262, %dma_start3A_1263] : memref<10240x128xf32, #tpu.memory_space<vmem_shared>> -> memref<10240x128xf32, #tpu.memory_space<vmem_shared>>
      tpu.enqueue_indirect_dma source(%arg8 : memref<128x128xf32, #tpu.memory_space<vmem>>) target(%dma_start3A_1264 : memref<10240x128xf32, #tpu.memory_space<vmem_shared>>) offsets(%dma_start3A_1261 : memref<128xi32, #tpu.memory_space<vmem>>) semaphore(%run_scoped3A_1258 : memref<!tpu.dma_semaphore, #tpu.memory_space<semaphore_mem>>) {add = true}
      %dma_wait3A_1265 = arith.constant 0 : i32
      %dma_wait3A_1266 = tpu.memref_slice %arg7[%run_scoped3A_193, %dma_wait3A_1265] : memref<40x128xi32, #tpu.memory_space<vmem>> -> memref<1x128xi32, #tpu.memory_space<vmem>>
      %dma_wait3A_1267 = tpu.memref_squeeze %dma_wait3A_1266 : memref<1x128xi32, #tpu.memory_space<vmem>> -> memref<128xi32, #tpu.memory_space<vmem>>
      %dma_wait3A_1268 = arith.constant 0 : i32
      %dma_wait3A_1269 = arith.constant 0 : i32
      %dma_wait3A_1270 = tpu.memref_slice %arg10[%dma_wait3A_1268, %dma_wait3A_1269] : memref<10240x128xf32, #tpu.memory_space<vmem_shared>> -> memref<10240x128xf32, #tpu.memory_space<vmem_shared>>
      tpu.wait_indirect_dma semaphore(%run_scoped3A_1258 : memref<!tpu.dma_semaphore, #tpu.memory_space<semaphore_mem>>) src(%arg8 : memref<128x128xf32, #tpu.memory_space<vmem>>) dst(%dma_wait3A_1270 : memref<10240x128xf32, #tpu.memory_space<vmem_shared>>)
      tpu.yield
    }) : () -> ()
    %dma_wait3A_194 = arith.constant 11 : i32
    %dma_wait3A_195 = arith.constant 0 : i32
    %dma_wait3A_196 = tpu.memref_slice %arg6[%dma_wait3A_194, %dma_wait3A_195] : memref<40x128xi32, #tpu.memory_space<vmem>> -> memref<1x128xi32, #tpu.memory_space<vmem>>
    %dma_wait3A_197 = tpu.memref_squeeze %dma_wait3A_196 : memref<1x128xi32, #tpu.memory_space<vmem>> -> memref<128xi32, #tpu.memory_space<vmem>>
    %dma_wait3A_198 = arith.constant 0 : i32
    %dma_wait3A_199 = arith.constant 0 : i32
    %dma_wait3A_200 = tpu.memref_slice %arg4[%dma_wait3A_198, %dma_wait3A_199] : memref<10128x128xf32, #tpu.memory_space<hbm>> -> memref<10128x128xf32, #tpu.memory_space<hbm>>
    tpu.wait_indirect_dma semaphore(%arg12 : memref<!tpu.dma_semaphore, #tpu.memory_space<semaphore_mem>>) src(%dma_wait3A_200 : memref<10128x128xf32, #tpu.memory_space<hbm>>) dst(%arg9 : memref<128x128xf32, #tpu.memory_space<vmem>>)
    %dma_start3A_201 = arith.constant 12 : i32
    %dma_start3A_202 = arith.constant 0 : i32
    %dma_start3A_203 = tpu.memref_slice %arg6[%dma_start3A_201, %dma_start3A_202] : memref<40x128xi32, #tpu.memory_space<vmem>> -> memref<1x128xi32, #tpu.memory_space<vmem>>
    %dma_start3A_204 = tpu.memref_squeeze %dma_start3A_203 : memref<1x128xi32, #tpu.memory_space<vmem>> -> memref<128xi32, #tpu.memory_space<vmem>>
    %dma_start3A_205 = arith.constant 0 : i32
    %dma_start3A_206 = arith.constant 0 : i32
    %dma_start3A_207 = tpu.memref_slice %arg4[%dma_start3A_205, %dma_start3A_206] : memref<10128x128xf32, #tpu.memory_space<hbm>> -> memref<10128x128xf32, #tpu.memory_space<hbm>>
    tpu.enqueue_indirect_dma source(%dma_start3A_207 : memref<10128x128xf32, #tpu.memory_space<hbm>>) target(%arg8 : memref<128x128xf32, #tpu.memory_space<vmem>>) offsets(%dma_start3A_204 : memref<128xi32, #tpu.memory_space<vmem>>) semaphore(%arg11 : memref<!tpu.dma_semaphore, #tpu.memory_space<semaphore_mem>>)
    %run_scoped3A_208 = arith.constant 11 : i32
    "tpu.region"() ({
      %run_scoped3A_1258 = tpu.sem_alloc : memref<!tpu.dma_semaphore, #tpu.memory_space<semaphore_mem>>
      %dma_start3A_1259 = arith.constant 0 : i32
      %dma_start3A_1260 = tpu.memref_slice %arg7[%run_scoped3A_208, %dma_start3A_1259] : memref<40x128xi32, #tpu.memory_space<vmem>> -> memref<1x128xi32, #tpu.memory_space<vmem>>
      %dma_start3A_1261 = tpu.memref_squeeze %dma_start3A_1260 : memref<1x128xi32, #tpu.memory_space<vmem>> -> memref<128xi32, #tpu.memory_space<vmem>>
      %dma_start3A_1262 = arith.constant 0 : i32
      %dma_start3A_1263 = arith.constant 0 : i32
      %dma_start3A_1264 = tpu.memref_slice %arg10[%dma_start3A_1262, %dma_start3A_1263] : memref<10240x128xf32, #tpu.memory_space<vmem_shared>> -> memref<10240x128xf32, #tpu.memory_space<vmem_shared>>
      tpu.enqueue_indirect_dma source(%arg9 : memref<128x128xf32, #tpu.memory_space<vmem>>) target(%dma_start3A_1264 : memref<10240x128xf32, #tpu.memory_space<vmem_shared>>) offsets(%dma_start3A_1261 : memref<128xi32, #tpu.memory_space<vmem>>) semaphore(%run_scoped3A_1258 : memref<!tpu.dma_semaphore, #tpu.memory_space<semaphore_mem>>) {add = true}
      %dma_wait3A_1265 = arith.constant 0 : i32
      %dma_wait3A_1266 = tpu.memref_slice %arg7[%run_scoped3A_208, %dma_wait3A_1265] : memref<40x128xi32, #tpu.memory_space<vmem>> -> memref<1x128xi32, #tpu.memory_space<vmem>>
      %dma_wait3A_1267 = tpu.memref_squeeze %dma_wait3A_1266 : memref<1x128xi32, #tpu.memory_space<vmem>> -> memref<128xi32, #tpu.memory_space<vmem>>
      %dma_wait3A_1268 = arith.constant 0 : i32
      %dma_wait3A_1269 = arith.constant 0 : i32
      %dma_wait3A_1270 = tpu.memref_slice %arg10[%dma_wait3A_1268, %dma_wait3A_1269] : memref<10240x128xf32, #tpu.memory_space<vmem_shared>> -> memref<10240x128xf32, #tpu.memory_space<vmem_shared>>
      tpu.wait_indirect_dma semaphore(%run_scoped3A_1258 : memref<!tpu.dma_semaphore, #tpu.memory_space<semaphore_mem>>) src(%arg9 : memref<128x128xf32, #tpu.memory_space<vmem>>) dst(%dma_wait3A_1270 : memref<10240x128xf32, #tpu.memory_space<vmem_shared>>)
      tpu.yield
    }) : () -> ()
    %dma_wait3A_209 = arith.constant 12 : i32
    %dma_wait3A_210 = arith.constant 0 : i32
    %dma_wait3A_211 = tpu.memref_slice %arg6[%dma_wait3A_209, %dma_wait3A_210] : memref<40x128xi32, #tpu.memory_space<vmem>> -> memref<1x128xi32, #tpu.memory_space<vmem>>
    %dma_wait3A_212 = tpu.memref_squeeze %dma_wait3A_211 : memref<1x128xi32, #tpu.memory_space<vmem>> -> memref<128xi32, #tpu.memory_space<vmem>>
    %dma_wait3A_213 = arith.constant 0 : i32
    %dma_wait3A_214 = arith.constant 0 : i32
    %dma_wait3A_215 = tpu.memref_slice %arg4[%dma_wait3A_213, %dma_wait3A_214] : memref<10128x128xf32, #tpu.memory_space<hbm>> -> memref<10128x128xf32, #tpu.memory_space<hbm>>
    tpu.wait_indirect_dma semaphore(%arg11 : memref<!tpu.dma_semaphore, #tpu.memory_space<semaphore_mem>>) src(%dma_wait3A_215 : memref<10128x128xf32, #tpu.memory_space<hbm>>) dst(%arg8 : memref<128x128xf32, #tpu.memory_space<vmem>>)
    %dma_start3A_216 = arith.constant 13 : i32
    %dma_start3A_217 = arith.constant 0 : i32
    %dma_start3A_218 = tpu.memref_slice %arg6[%dma_start3A_216, %dma_start3A_217] : memref<40x128xi32, #tpu.memory_space<vmem>> -> memref<1x128xi32, #tpu.memory_space<vmem>>
    %dma_start3A_219 = tpu.memref_squeeze %dma_start3A_218 : memref<1x128xi32, #tpu.memory_space<vmem>> -> memref<128xi32, #tpu.memory_space<vmem>>
    %dma_start3A_220 = arith.constant 0 : i32
    %dma_start3A_221 = arith.constant 0 : i32
    %dma_start3A_222 = tpu.memref_slice %arg4[%dma_start3A_220, %dma_start3A_221] : memref<10128x128xf32, #tpu.memory_space<hbm>> -> memref<10128x128xf32, #tpu.memory_space<hbm>>
    tpu.enqueue_indirect_dma source(%dma_start3A_222 : memref<10128x128xf32, #tpu.memory_space<hbm>>) target(%arg9 : memref<128x128xf32, #tpu.memory_space<vmem>>) offsets(%dma_start3A_219 : memref<128xi32, #tpu.memory_space<vmem>>) semaphore(%arg12 : memref<!tpu.dma_semaphore, #tpu.memory_space<semaphore_mem>>)
    %run_scoped3A_223 = arith.constant 12 : i32
    "tpu.region"() ({
      %run_scoped3A_1258 = tpu.sem_alloc : memref<!tpu.dma_semaphore, #tpu.memory_space<semaphore_mem>>
      %dma_start3A_1259 = arith.constant 0 : i32
      %dma_start3A_1260 = tpu.memref_slice %arg7[%run_scoped3A_223, %dma_start3A_1259] : memref<40x128xi32, #tpu.memory_space<vmem>> -> memref<1x128xi32, #tpu.memory_space<vmem>>
      %dma_start3A_1261 = tpu.memref_squeeze %dma_start3A_1260 : memref<1x128xi32, #tpu.memory_space<vmem>> -> memref<128xi32, #tpu.memory_space<vmem>>
      %dma_start3A_1262 = arith.constant 0 : i32
      %dma_start3A_1263 = arith.constant 0 : i32
      %dma_start3A_1264 = tpu.memref_slice %arg10[%dma_start3A_1262, %dma_start3A_1263] : memref<10240x128xf32, #tpu.memory_space<vmem_shared>> -> memref<10240x128xf32, #tpu.memory_space<vmem_shared>>
      tpu.enqueue_indirect_dma source(%arg8 : memref<128x128xf32, #tpu.memory_space<vmem>>) target(%dma_start3A_1264 : memref<10240x128xf32, #tpu.memory_space<vmem_shared>>) offsets(%dma_start3A_1261 : memref<128xi32, #tpu.memory_space<vmem>>) semaphore(%run_scoped3A_1258 : memref<!tpu.dma_semaphore, #tpu.memory_space<semaphore_mem>>) {add = true}
      %dma_wait3A_1265 = arith.constant 0 : i32
      %dma_wait3A_1266 = tpu.memref_slice %arg7[%run_scoped3A_223, %dma_wait3A_1265] : memref<40x128xi32, #tpu.memory_space<vmem>> -> memref<1x128xi32, #tpu.memory_space<vmem>>
      %dma_wait3A_1267 = tpu.memref_squeeze %dma_wait3A_1266 : memref<1x128xi32, #tpu.memory_space<vmem>> -> memref<128xi32, #tpu.memory_space<vmem>>
      %dma_wait3A_1268 = arith.constant 0 : i32
      %dma_wait3A_1269 = arith.constant 0 : i32
      %dma_wait3A_1270 = tpu.memref_slice %arg10[%dma_wait3A_1268, %dma_wait3A_1269] : memref<10240x128xf32, #tpu.memory_space<vmem_shared>> -> memref<10240x128xf32, #tpu.memory_space<vmem_shared>>
      tpu.wait_indirect_dma semaphore(%run_scoped3A_1258 : memref<!tpu.dma_semaphore, #tpu.memory_space<semaphore_mem>>) src(%arg8 : memref<128x128xf32, #tpu.memory_space<vmem>>) dst(%dma_wait3A_1270 : memref<10240x128xf32, #tpu.memory_space<vmem_shared>>)
      tpu.yield
    }) : () -> ()
    %dma_wait3A_224 = arith.constant 13 : i32
    %dma_wait3A_225 = arith.constant 0 : i32
    %dma_wait3A_226 = tpu.memref_slice %arg6[%dma_wait3A_224, %dma_wait3A_225] : memref<40x128xi32, #tpu.memory_space<vmem>> -> memref<1x128xi32, #tpu.memory_space<vmem>>
    %dma_wait3A_227 = tpu.memref_squeeze %dma_wait3A_226 : memref<1x128xi32, #tpu.memory_space<vmem>> -> memref<128xi32, #tpu.memory_space<vmem>>
    %dma_wait3A_228 = arith.constant 0 : i32
    %dma_wait3A_229 = arith.constant 0 : i32
    %dma_wait3A_230 = tpu.memref_slice %arg4[%dma_wait3A_228, %dma_wait3A_229] : memref<10128x128xf32, #tpu.memory_space<hbm>> -> memref<10128x128xf32, #tpu.memory_space<hbm>>
    tpu.wait_indirect_dma semaphore(%arg12 : memref<!tpu.dma_semaphore, #tpu.memory_space<semaphore_mem>>) src(%dma_wait3A_230 : memref<10128x128xf32, #tpu.memory_space<hbm>>) dst(%arg9 : memref<128x128xf32, #tpu.memory_space<vmem>>)
    %dma_start3A_231 = arith.constant 14 : i32
    %dma_start3A_232 = arith.constant 0 : i32
    %dma_start3A_233 = tpu.memref_slice %arg6[%dma_start3A_231, %dma_start3A_232] : memref<40x128xi32, #tpu.memory_space<vmem>> -> memref<1x128xi32, #tpu.memory_space<vmem>>
    %dma_start3A_234 = tpu.memref_squeeze %dma_start3A_233 : memref<1x128xi32, #tpu.memory_space<vmem>> -> memref<128xi32, #tpu.memory_space<vmem>>
    %dma_start3A_235 = arith.constant 0 : i32
    %dma_start3A_236 = arith.constant 0 : i32
    %dma_start3A_237 = tpu.memref_slice %arg4[%dma_start3A_235, %dma_start3A_236] : memref<10128x128xf32, #tpu.memory_space<hbm>> -> memref<10128x128xf32, #tpu.memory_space<hbm>>
    tpu.enqueue_indirect_dma source(%dma_start3A_237 : memref<10128x128xf32, #tpu.memory_space<hbm>>) target(%arg8 : memref<128x128xf32, #tpu.memory_space<vmem>>) offsets(%dma_start3A_234 : memref<128xi32, #tpu.memory_space<vmem>>) semaphore(%arg11 : memref<!tpu.dma_semaphore, #tpu.memory_space<semaphore_mem>>)
    %run_scoped3A_238 = arith.constant 13 : i32
    "tpu.region"() ({
      %run_scoped3A_1258 = tpu.sem_alloc : memref<!tpu.dma_semaphore, #tpu.memory_space<semaphore_mem>>
      %dma_start3A_1259 = arith.constant 0 : i32
      %dma_start3A_1260 = tpu.memref_slice %arg7[%run_scoped3A_238, %dma_start3A_1259] : memref<40x128xi32, #tpu.memory_space<vmem>> -> memref<1x128xi32, #tpu.memory_space<vmem>>
      %dma_start3A_1261 = tpu.memref_squeeze %dma_start3A_1260 : memref<1x128xi32, #tpu.memory_space<vmem>> -> memref<128xi32, #tpu.memory_space<vmem>>
      %dma_start3A_1262 = arith.constant 0 : i32
      %dma_start3A_1263 = arith.constant 0 : i32
      %dma_start3A_1264 = tpu.memref_slice %arg10[%dma_start3A_1262, %dma_start3A_1263] : memref<10240x128xf32, #tpu.memory_space<vmem_shared>> -> memref<10240x128xf32, #tpu.memory_space<vmem_shared>>
      tpu.enqueue_indirect_dma source(%arg9 : memref<128x128xf32, #tpu.memory_space<vmem>>) target(%dma_start3A_1264 : memref<10240x128xf32, #tpu.memory_space<vmem_shared>>) offsets(%dma_start3A_1261 : memref<128xi32, #tpu.memory_space<vmem>>) semaphore(%run_scoped3A_1258 : memref<!tpu.dma_semaphore, #tpu.memory_space<semaphore_mem>>) {add = true}
      %dma_wait3A_1265 = arith.constant 0 : i32
      %dma_wait3A_1266 = tpu.memref_slice %arg7[%run_scoped3A_238, %dma_wait3A_1265] : memref<40x128xi32, #tpu.memory_space<vmem>> -> memref<1x128xi32, #tpu.memory_space<vmem>>
      %dma_wait3A_1267 = tpu.memref_squeeze %dma_wait3A_1266 : memref<1x128xi32, #tpu.memory_space<vmem>> -> memref<128xi32, #tpu.memory_space<vmem>>
      %dma_wait3A_1268 = arith.constant 0 : i32
      %dma_wait3A_1269 = arith.constant 0 : i32
      %dma_wait3A_1270 = tpu.memref_slice %arg10[%dma_wait3A_1268, %dma_wait3A_1269] : memref<10240x128xf32, #tpu.memory_space<vmem_shared>> -> memref<10240x128xf32, #tpu.memory_space<vmem_shared>>
      tpu.wait_indirect_dma semaphore(%run_scoped3A_1258 : memref<!tpu.dma_semaphore, #tpu.memory_space<semaphore_mem>>) src(%arg9 : memref<128x128xf32, #tpu.memory_space<vmem>>) dst(%dma_wait3A_1270 : memref<10240x128xf32, #tpu.memory_space<vmem_shared>>)
      tpu.yield
    }) : () -> ()
    %dma_wait3A_239 = arith.constant 14 : i32
    %dma_wait3A_240 = arith.constant 0 : i32
    %dma_wait3A_241 = tpu.memref_slice %arg6[%dma_wait3A_239, %dma_wait3A_240] : memref<40x128xi32, #tpu.memory_space<vmem>> -> memref<1x128xi32, #tpu.memory_space<vmem>>
    %dma_wait3A_242 = tpu.memref_squeeze %dma_wait3A_241 : memref<1x128xi32, #tpu.memory_space<vmem>> -> memref<128xi32, #tpu.memory_space<vmem>>
    %dma_wait3A_243 = arith.constant 0 : i32
    %dma_wait3A_244 = arith.constant 0 : i32
    %dma_wait3A_245 = tpu.memref_slice %arg4[%dma_wait3A_243, %dma_wait3A_244] : memref<10128x128xf32, #tpu.memory_space<hbm>> -> memref<10128x128xf32, #tpu.memory_space<hbm>>
    tpu.wait_indirect_dma semaphore(%arg11 : memref<!tpu.dma_semaphore, #tpu.memory_space<semaphore_mem>>) src(%dma_wait3A_245 : memref<10128x128xf32, #tpu.memory_space<hbm>>) dst(%arg8 : memref<128x128xf32, #tpu.memory_space<vmem>>)
    %dma_start3A_246 = arith.constant 15 : i32
    %dma_start3A_247 = arith.constant 0 : i32
    %dma_start3A_248 = tpu.memref_slice %arg6[%dma_start3A_246, %dma_start3A_247] : memref<40x128xi32, #tpu.memory_space<vmem>> -> memref<1x128xi32, #tpu.memory_space<vmem>>
    %dma_start3A_249 = tpu.memref_squeeze %dma_start3A_248 : memref<1x128xi32, #tpu.memory_space<vmem>> -> memref<128xi32, #tpu.memory_space<vmem>>
    %dma_start3A_250 = arith.constant 0 : i32
    %dma_start3A_251 = arith.constant 0 : i32
    %dma_start3A_252 = tpu.memref_slice %arg4[%dma_start3A_250, %dma_start3A_251] : memref<10128x128xf32, #tpu.memory_space<hbm>> -> memref<10128x128xf32, #tpu.memory_space<hbm>>
    tpu.enqueue_indirect_dma source(%dma_start3A_252 : memref<10128x128xf32, #tpu.memory_space<hbm>>) target(%arg9 : memref<128x128xf32, #tpu.memory_space<vmem>>) offsets(%dma_start3A_249 : memref<128xi32, #tpu.memory_space<vmem>>) semaphore(%arg12 : memref<!tpu.dma_semaphore, #tpu.memory_space<semaphore_mem>>)
    %run_scoped3A_253 = arith.constant 14 : i32
    "tpu.region"() ({
      %run_scoped3A_1258 = tpu.sem_alloc : memref<!tpu.dma_semaphore, #tpu.memory_space<semaphore_mem>>
      %dma_start3A_1259 = arith.constant 0 : i32
      %dma_start3A_1260 = tpu.memref_slice %arg7[%run_scoped3A_253, %dma_start3A_1259] : memref<40x128xi32, #tpu.memory_space<vmem>> -> memref<1x128xi32, #tpu.memory_space<vmem>>
      %dma_start3A_1261 = tpu.memref_squeeze %dma_start3A_1260 : memref<1x128xi32, #tpu.memory_space<vmem>> -> memref<128xi32, #tpu.memory_space<vmem>>
      %dma_start3A_1262 = arith.constant 0 : i32
      %dma_start3A_1263 = arith.constant 0 : i32
      %dma_start3A_1264 = tpu.memref_slice %arg10[%dma_start3A_1262, %dma_start3A_1263] : memref<10240x128xf32, #tpu.memory_space<vmem_shared>> -> memref<10240x128xf32, #tpu.memory_space<vmem_shared>>
      tpu.enqueue_indirect_dma source(%arg8 : memref<128x128xf32, #tpu.memory_space<vmem>>) target(%dma_start3A_1264 : memref<10240x128xf32, #tpu.memory_space<vmem_shared>>) offsets(%dma_start3A_1261 : memref<128xi32, #tpu.memory_space<vmem>>) semaphore(%run_scoped3A_1258 : memref<!tpu.dma_semaphore, #tpu.memory_space<semaphore_mem>>) {add = true}
      %dma_wait3A_1265 = arith.constant 0 : i32
      %dma_wait3A_1266 = tpu.memref_slice %arg7[%run_scoped3A_253, %dma_wait3A_1265] : memref<40x128xi32, #tpu.memory_space<vmem>> -> memref<1x128xi32, #tpu.memory_space<vmem>>
      %dma_wait3A_1267 = tpu.memref_squeeze %dma_wait3A_1266 : memref<1x128xi32, #tpu.memory_space<vmem>> -> memref<128xi32, #tpu.memory_space<vmem>>
      %dma_wait3A_1268 = arith.constant 0 : i32
      %dma_wait3A_1269 = arith.constant 0 : i32
      %dma_wait3A_1270 = tpu.memref_slice %arg10[%dma_wait3A_1268, %dma_wait3A_1269] : memref<10240x128xf32, #tpu.memory_space<vmem_shared>> -> memref<10240x128xf32, #tpu.memory_space<vmem_shared>>
      tpu.wait_indirect_dma semaphore(%run_scoped3A_1258 : memref<!tpu.dma_semaphore, #tpu.memory_space<semaphore_mem>>) src(%arg8 : memref<128x128xf32, #tpu.memory_space<vmem>>) dst(%dma_wait3A_1270 : memref<10240x128xf32, #tpu.memory_space<vmem_shared>>)
      tpu.yield
    }) : () -> ()
    %dma_wait3A_254 = arith.constant 15 : i32
    %dma_wait3A_255 = arith.constant 0 : i32
    %dma_wait3A_256 = tpu.memref_slice %arg6[%dma_wait3A_254, %dma_wait3A_255] : memref<40x128xi32, #tpu.memory_space<vmem>> -> memref<1x128xi32, #tpu.memory_space<vmem>>
    %dma_wait3A_257 = tpu.memref_squeeze %dma_wait3A_256 : memref<1x128xi32, #tpu.memory_space<vmem>> -> memref<128xi32, #tpu.memory_space<vmem>>
    %dma_wait3A_258 = arith.constant 0 : i32
    %dma_wait3A_259 = arith.constant 0 : i32
    %dma_wait3A_260 = tpu.memref_slice %arg4[%dma_wait3A_258, %dma_wait3A_259] : memref<10128x128xf32, #tpu.memory_space<hbm>> -> memref<10128x128xf32, #tpu.memory_space<hbm>>
    tpu.wait_indirect_dma semaphore(%arg12 : memref<!tpu.dma_semaphore, #tpu.memory_space<semaphore_mem>>) src(%dma_wait3A_260 : memref<10128x128xf32, #tpu.memory_space<hbm>>) dst(%arg9 : memref<128x128xf32, #tpu.memory_space<vmem>>)
    %dma_start3A_261 = arith.constant 16 : i32
    %dma_start3A_262 = arith.constant 0 : i32
    %dma_start3A_263 = tpu.memref_slice %arg6[%dma_start3A_261, %dma_start3A_262] : memref<40x128xi32, #tpu.memory_space<vmem>> -> memref<1x128xi32, #tpu.memory_space<vmem>>
    %dma_start3A_264 = tpu.memref_squeeze %dma_start3A_263 : memref<1x128xi32, #tpu.memory_space<vmem>> -> memref<128xi32, #tpu.memory_space<vmem>>
    %dma_start3A_265 = arith.constant 0 : i32
    %dma_start3A_266 = arith.constant 0 : i32
    %dma_start3A_267 = tpu.memref_slice %arg4[%dma_start3A_265, %dma_start3A_266] : memref<10128x128xf32, #tpu.memory_space<hbm>> -> memref<10128x128xf32, #tpu.memory_space<hbm>>
    tpu.enqueue_indirect_dma source(%dma_start3A_267 : memref<10128x128xf32, #tpu.memory_space<hbm>>) target(%arg8 : memref<128x128xf32, #tpu.memory_space<vmem>>) offsets(%dma_start3A_264 : memref<128xi32, #tpu.memory_space<vmem>>) semaphore(%arg11 : memref<!tpu.dma_semaphore, #tpu.memory_space<semaphore_mem>>)
    %run_scoped3A_268 = arith.constant 15 : i32
    "tpu.region"() ({
      %run_scoped3A_1258 = tpu.sem_alloc : memref<!tpu.dma_semaphore, #tpu.memory_space<semaphore_mem>>
      %dma_start3A_1259 = arith.constant 0 : i32
      %dma_start3A_1260 = tpu.memref_slice %arg7[%run_scoped3A_268, %dma_start3A_1259] : memref<40x128xi32, #tpu.memory_space<vmem>> -> memref<1x128xi32, #tpu.memory_space<vmem>>
      %dma_start3A_1261 = tpu.memref_squeeze %dma_start3A_1260 : memref<1x128xi32, #tpu.memory_space<vmem>> -> memref<128xi32, #tpu.memory_space<vmem>>
      %dma_start3A_1262 = arith.constant 0 : i32
      %dma_start3A_1263 = arith.constant 0 : i32
      %dma_start3A_1264 = tpu.memref_slice %arg10[%dma_start3A_1262, %dma_start3A_1263] : memref<10240x128xf32, #tpu.memory_space<vmem_shared>> -> memref<10240x128xf32, #tpu.memory_space<vmem_shared>>
      tpu.enqueue_indirect_dma source(%arg9 : memref<128x128xf32, #tpu.memory_space<vmem>>) target(%dma_start3A_1264 : memref<10240x128xf32, #tpu.memory_space<vmem_shared>>) offsets(%dma_start3A_1261 : memref<128xi32, #tpu.memory_space<vmem>>) semaphore(%run_scoped3A_1258 : memref<!tpu.dma_semaphore, #tpu.memory_space<semaphore_mem>>) {add = true}
      %dma_wait3A_1265 = arith.constant 0 : i32
      %dma_wait3A_1266 = tpu.memref_slice %arg7[%run_scoped3A_268, %dma_wait3A_1265] : memref<40x128xi32, #tpu.memory_space<vmem>> -> memref<1x128xi32, #tpu.memory_space<vmem>>
      %dma_wait3A_1267 = tpu.memref_squeeze %dma_wait3A_1266 : memref<1x128xi32, #tpu.memory_space<vmem>> -> memref<128xi32, #tpu.memory_space<vmem>>
      %dma_wait3A_1268 = arith.constant 0 : i32
      %dma_wait3A_1269 = arith.constant 0 : i32
      %dma_wait3A_1270 = tpu.memref_slice %arg10[%dma_wait3A_1268, %dma_wait3A_1269] : memref<10240x128xf32, #tpu.memory_space<vmem_shared>> -> memref<10240x128xf32, #tpu.memory_space<vmem_shared>>
      tpu.wait_indirect_dma semaphore(%run_scoped3A_1258 : memref<!tpu.dma_semaphore, #tpu.memory_space<semaphore_mem>>) src(%arg9 : memref<128x128xf32, #tpu.memory_space<vmem>>) dst(%dma_wait3A_1270 : memref<10240x128xf32, #tpu.memory_space<vmem_shared>>)
      tpu.yield
    }) : () -> ()
    %dma_wait3A_269 = arith.constant 16 : i32
    %dma_wait3A_270 = arith.constant 0 : i32
    %dma_wait3A_271 = tpu.memref_slice %arg6[%dma_wait3A_269, %dma_wait3A_270] : memref<40x128xi32, #tpu.memory_space<vmem>> -> memref<1x128xi32, #tpu.memory_space<vmem>>
    %dma_wait3A_272 = tpu.memref_squeeze %dma_wait3A_271 : memref<1x128xi32, #tpu.memory_space<vmem>> -> memref<128xi32, #tpu.memory_space<vmem>>
    %dma_wait3A_273 = arith.constant 0 : i32
    %dma_wait3A_274 = arith.constant 0 : i32
    %dma_wait3A_275 = tpu.memref_slice %arg4[%dma_wait3A_273, %dma_wait3A_274] : memref<10128x128xf32, #tpu.memory_space<hbm>> -> memref<10128x128xf32, #tpu.memory_space<hbm>>
    tpu.wait_indirect_dma semaphore(%arg11 : memref<!tpu.dma_semaphore, #tpu.memory_space<semaphore_mem>>) src(%dma_wait3A_275 : memref<10128x128xf32, #tpu.memory_space<hbm>>) dst(%arg8 : memref<128x128xf32, #tpu.memory_space<vmem>>)
    %dma_start3A_276 = arith.constant 17 : i32
    %dma_start3A_277 = arith.constant 0 : i32
    %dma_start3A_278 = tpu.memref_slice %arg6[%dma_start3A_276, %dma_start3A_277] : memref<40x128xi32, #tpu.memory_space<vmem>> -> memref<1x128xi32, #tpu.memory_space<vmem>>
    %dma_start3A_279 = tpu.memref_squeeze %dma_start3A_278 : memref<1x128xi32, #tpu.memory_space<vmem>> -> memref<128xi32, #tpu.memory_space<vmem>>
    %dma_start3A_280 = arith.constant 0 : i32
    %dma_start3A_281 = arith.constant 0 : i32
    %dma_start3A_282 = tpu.memref_slice %arg4[%dma_start3A_280, %dma_start3A_281] : memref<10128x128xf32, #tpu.memory_space<hbm>> -> memref<10128x128xf32, #tpu.memory_space<hbm>>
    tpu.enqueue_indirect_dma source(%dma_start3A_282 : memref<10128x128xf32, #tpu.memory_space<hbm>>) target(%arg9 : memref<128x128xf32, #tpu.memory_space<vmem>>) offsets(%dma_start3A_279 : memref<128xi32, #tpu.memory_space<vmem>>) semaphore(%arg12 : memref<!tpu.dma_semaphore, #tpu.memory_space<semaphore_mem>>)
    %run_scoped3A_283 = arith.constant 16 : i32
    "tpu.region"() ({
      %run_scoped3A_1258 = tpu.sem_alloc : memref<!tpu.dma_semaphore, #tpu.memory_space<semaphore_mem>>
      %dma_start3A_1259 = arith.constant 0 : i32
      %dma_start3A_1260 = tpu.memref_slice %arg7[%run_scoped3A_283, %dma_start3A_1259] : memref<40x128xi32, #tpu.memory_space<vmem>> -> memref<1x128xi32, #tpu.memory_space<vmem>>
      %dma_start3A_1261 = tpu.memref_squeeze %dma_start3A_1260 : memref<1x128xi32, #tpu.memory_space<vmem>> -> memref<128xi32, #tpu.memory_space<vmem>>
      %dma_start3A_1262 = arith.constant 0 : i32
      %dma_start3A_1263 = arith.constant 0 : i32
      %dma_start3A_1264 = tpu.memref_slice %arg10[%dma_start3A_1262, %dma_start3A_1263] : memref<10240x128xf32, #tpu.memory_space<vmem_shared>> -> memref<10240x128xf32, #tpu.memory_space<vmem_shared>>
      tpu.enqueue_indirect_dma source(%arg8 : memref<128x128xf32, #tpu.memory_space<vmem>>) target(%dma_start3A_1264 : memref<10240x128xf32, #tpu.memory_space<vmem_shared>>) offsets(%dma_start3A_1261 : memref<128xi32, #tpu.memory_space<vmem>>) semaphore(%run_scoped3A_1258 : memref<!tpu.dma_semaphore, #tpu.memory_space<semaphore_mem>>) {add = true}
      %dma_wait3A_1265 = arith.constant 0 : i32
      %dma_wait3A_1266 = tpu.memref_slice %arg7[%run_scoped3A_283, %dma_wait3A_1265] : memref<40x128xi32, #tpu.memory_space<vmem>> -> memref<1x128xi32, #tpu.memory_space<vmem>>
      %dma_wait3A_1267 = tpu.memref_squeeze %dma_wait3A_1266 : memref<1x128xi32, #tpu.memory_space<vmem>> -> memref<128xi32, #tpu.memory_space<vmem>>
      %dma_wait3A_1268 = arith.constant 0 : i32
      %dma_wait3A_1269 = arith.constant 0 : i32
      %dma_wait3A_1270 = tpu.memref_slice %arg10[%dma_wait3A_1268, %dma_wait3A_1269] : memref<10240x128xf32, #tpu.memory_space<vmem_shared>> -> memref<10240x128xf32, #tpu.memory_space<vmem_shared>>
      tpu.wait_indirect_dma semaphore(%run_scoped3A_1258 : memref<!tpu.dma_semaphore, #tpu.memory_space<semaphore_mem>>) src(%arg8 : memref<128x128xf32, #tpu.memory_space<vmem>>) dst(%dma_wait3A_1270 : memref<10240x128xf32, #tpu.memory_space<vmem_shared>>)
      tpu.yield
    }) : () -> ()
    %dma_wait3A_284 = arith.constant 17 : i32
    %dma_wait3A_285 = arith.constant 0 : i32
    %dma_wait3A_286 = tpu.memref_slice %arg6[%dma_wait3A_284, %dma_wait3A_285] : memref<40x128xi32, #tpu.memory_space<vmem>> -> memref<1x128xi32, #tpu.memory_space<vmem>>
    %dma_wait3A_287 = tpu.memref_squeeze %dma_wait3A_286 : memref<1x128xi32, #tpu.memory_space<vmem>> -> memref<128xi32, #tpu.memory_space<vmem>>
    %dma_wait3A_288 = arith.constant 0 : i32
    %dma_wait3A_289 = arith.constant 0 : i32
    %dma_wait3A_290 = tpu.memref_slice %arg4[%dma_wait3A_288, %dma_wait3A_289] : memref<10128x128xf32, #tpu.memory_space<hbm>> -> memref<10128x128xf32, #tpu.memory_space<hbm>>
    tpu.wait_indirect_dma semaphore(%arg12 : memref<!tpu.dma_semaphore, #tpu.memory_space<semaphore_mem>>) src(%dma_wait3A_290 : memref<10128x128xf32, #tpu.memory_space<hbm>>) dst(%arg9 : memref<128x128xf32, #tpu.memory_space<vmem>>)
    %dma_start3A_291 = arith.constant 18 : i32
    %dma_start3A_292 = arith.constant 0 : i32
    %dma_start3A_293 = tpu.memref_slice %arg6[%dma_start3A_291, %dma_start3A_292] : memref<40x128xi32, #tpu.memory_space<vmem>> -> memref<1x128xi32, #tpu.memory_space<vmem>>
    %dma_start3A_294 = tpu.memref_squeeze %dma_start3A_293 : memref<1x128xi32, #tpu.memory_space<vmem>> -> memref<128xi32, #tpu.memory_space<vmem>>
    %dma_start3A_295 = arith.constant 0 : i32
    %dma_start3A_296 = arith.constant 0 : i32
    %dma_start3A_297 = tpu.memref_slice %arg4[%dma_start3A_295, %dma_start3A_296] : memref<10128x128xf32, #tpu.memory_space<hbm>> -> memref<10128x128xf32, #tpu.memory_space<hbm>>
    tpu.enqueue_indirect_dma source(%dma_start3A_297 : memref<10128x128xf32, #tpu.memory_space<hbm>>) target(%arg8 : memref<128x128xf32, #tpu.memory_space<vmem>>) offsets(%dma_start3A_294 : memref<128xi32, #tpu.memory_space<vmem>>) semaphore(%arg11 : memref<!tpu.dma_semaphore, #tpu.memory_space<semaphore_mem>>)
    %run_scoped3A_298 = arith.constant 17 : i32
    "tpu.region"() ({
      %run_scoped3A_1258 = tpu.sem_alloc : memref<!tpu.dma_semaphore, #tpu.memory_space<semaphore_mem>>
      %dma_start3A_1259 = arith.constant 0 : i32
      %dma_start3A_1260 = tpu.memref_slice %arg7[%run_scoped3A_298, %dma_start3A_1259] : memref<40x128xi32, #tpu.memory_space<vmem>> -> memref<1x128xi32, #tpu.memory_space<vmem>>
      %dma_start3A_1261 = tpu.memref_squeeze %dma_start3A_1260 : memref<1x128xi32, #tpu.memory_space<vmem>> -> memref<128xi32, #tpu.memory_space<vmem>>
      %dma_start3A_1262 = arith.constant 0 : i32
      %dma_start3A_1263 = arith.constant 0 : i32
      %dma_start3A_1264 = tpu.memref_slice %arg10[%dma_start3A_1262, %dma_start3A_1263] : memref<10240x128xf32, #tpu.memory_space<vmem_shared>> -> memref<10240x128xf32, #tpu.memory_space<vmem_shared>>
      tpu.enqueue_indirect_dma source(%arg9 : memref<128x128xf32, #tpu.memory_space<vmem>>) target(%dma_start3A_1264 : memref<10240x128xf32, #tpu.memory_space<vmem_shared>>) offsets(%dma_start3A_1261 : memref<128xi32, #tpu.memory_space<vmem>>) semaphore(%run_scoped3A_1258 : memref<!tpu.dma_semaphore, #tpu.memory_space<semaphore_mem>>) {add = true}
      %dma_wait3A_1265 = arith.constant 0 : i32
      %dma_wait3A_1266 = tpu.memref_slice %arg7[%run_scoped3A_298, %dma_wait3A_1265] : memref<40x128xi32, #tpu.memory_space<vmem>> -> memref<1x128xi32, #tpu.memory_space<vmem>>
      %dma_wait3A_1267 = tpu.memref_squeeze %dma_wait3A_1266 : memref<1x128xi32, #tpu.memory_space<vmem>> -> memref<128xi32, #tpu.memory_space<vmem>>
      %dma_wait3A_1268 = arith.constant 0 : i32
      %dma_wait3A_1269 = arith.constant 0 : i32
      %dma_wait3A_1270 = tpu.memref_slice %arg10[%dma_wait3A_1268, %dma_wait3A_1269] : memref<10240x128xf32, #tpu.memory_space<vmem_shared>> -> memref<10240x128xf32, #tpu.memory_space<vmem_shared>>
      tpu.wait_indirect_dma semaphore(%run_scoped3A_1258 : memref<!tpu.dma_semaphore, #tpu.memory_space<semaphore_mem>>) src(%arg9 : memref<128x128xf32, #tpu.memory_space<vmem>>) dst(%dma_wait3A_1270 : memref<10240x128xf32, #tpu.memory_space<vmem_shared>>)
      tpu.yield
    }) : () -> ()
    %dma_wait3A_299 = arith.constant 18 : i32
    %dma_wait3A_300 = arith.constant 0 : i32
    %dma_wait3A_301 = tpu.memref_slice %arg6[%dma_wait3A_299, %dma_wait3A_300] : memref<40x128xi32, #tpu.memory_space<vmem>> -> memref<1x128xi32, #tpu.memory_space<vmem>>
    %dma_wait3A_302 = tpu.memref_squeeze %dma_wait3A_301 : memref<1x128xi32, #tpu.memory_space<vmem>> -> memref<128xi32, #tpu.memory_space<vmem>>
    %dma_wait3A_303 = arith.constant 0 : i32
    %dma_wait3A_304 = arith.constant 0 : i32
    %dma_wait3A_305 = tpu.memref_slice %arg4[%dma_wait3A_303, %dma_wait3A_304] : memref<10128x128xf32, #tpu.memory_space<hbm>> -> memref<10128x128xf32, #tpu.memory_space<hbm>>
    tpu.wait_indirect_dma semaphore(%arg11 : memref<!tpu.dma_semaphore, #tpu.memory_space<semaphore_mem>>) src(%dma_wait3A_305 : memref<10128x128xf32, #tpu.memory_space<hbm>>) dst(%arg8 : memref<128x128xf32, #tpu.memory_space<vmem>>)
    %dma_start3A_306 = arith.constant 19 : i32
    %dma_start3A_307 = arith.constant 0 : i32
    %dma_start3A_308 = tpu.memref_slice %arg6[%dma_start3A_306, %dma_start3A_307] : memref<40x128xi32, #tpu.memory_space<vmem>> -> memref<1x128xi32, #tpu.memory_space<vmem>>
    %dma_start3A_309 = tpu.memref_squeeze %dma_start3A_308 : memref<1x128xi32, #tpu.memory_space<vmem>> -> memref<128xi32, #tpu.memory_space<vmem>>
    %dma_start3A_310 = arith.constant 0 : i32
    %dma_start3A_311 = arith.constant 0 : i32
    %dma_start3A_312 = tpu.memref_slice %arg4[%dma_start3A_310, %dma_start3A_311] : memref<10128x128xf32, #tpu.memory_space<hbm>> -> memref<10128x128xf32, #tpu.memory_space<hbm>>
    tpu.enqueue_indirect_dma source(%dma_start3A_312 : memref<10128x128xf32, #tpu.memory_space<hbm>>) target(%arg9 : memref<128x128xf32, #tpu.memory_space<vmem>>) offsets(%dma_start3A_309 : memref<128xi32, #tpu.memory_space<vmem>>) semaphore(%arg12 : memref<!tpu.dma_semaphore, #tpu.memory_space<semaphore_mem>>)
    %run_scoped3A_313 = arith.constant 18 : i32
    "tpu.region"() ({
      %run_scoped3A_1258 = tpu.sem_alloc : memref<!tpu.dma_semaphore, #tpu.memory_space<semaphore_mem>>
      %dma_start3A_1259 = arith.constant 0 : i32
      %dma_start3A_1260 = tpu.memref_slice %arg7[%run_scoped3A_313, %dma_start3A_1259] : memref<40x128xi32, #tpu.memory_space<vmem>> -> memref<1x128xi32, #tpu.memory_space<vmem>>
      %dma_start3A_1261 = tpu.memref_squeeze %dma_start3A_1260 : memref<1x128xi32, #tpu.memory_space<vmem>> -> memref<128xi32, #tpu.memory_space<vmem>>
      %dma_start3A_1262 = arith.constant 0 : i32
      %dma_start3A_1263 = arith.constant 0 : i32
      %dma_start3A_1264 = tpu.memref_slice %arg10[%dma_start3A_1262, %dma_start3A_1263] : memref<10240x128xf32, #tpu.memory_space<vmem_shared>> -> memref<10240x128xf32, #tpu.memory_space<vmem_shared>>
      tpu.enqueue_indirect_dma source(%arg8 : memref<128x128xf32, #tpu.memory_space<vmem>>) target(%dma_start3A_1264 : memref<10240x128xf32, #tpu.memory_space<vmem_shared>>) offsets(%dma_start3A_1261 : memref<128xi32, #tpu.memory_space<vmem>>) semaphore(%run_scoped3A_1258 : memref<!tpu.dma_semaphore, #tpu.memory_space<semaphore_mem>>) {add = true}
      %dma_wait3A_1265 = arith.constant 0 : i32
      %dma_wait3A_1266 = tpu.memref_slice %arg7[%run_scoped3A_313, %dma_wait3A_1265] : memref<40x128xi32, #tpu.memory_space<vmem>> -> memref<1x128xi32, #tpu.memory_space<vmem>>
      %dma_wait3A_1267 = tpu.memref_squeeze %dma_wait3A_1266 : memref<1x128xi32, #tpu.memory_space<vmem>> -> memref<128xi32, #tpu.memory_space<vmem>>
      %dma_wait3A_1268 = arith.constant 0 : i32
      %dma_wait3A_1269 = arith.constant 0 : i32
      %dma_wait3A_1270 = tpu.memref_slice %arg10[%dma_wait3A_1268, %dma_wait3A_1269] : memref<10240x128xf32, #tpu.memory_space<vmem_shared>> -> memref<10240x128xf32, #tpu.memory_space<vmem_shared>>
      tpu.wait_indirect_dma semaphore(%run_scoped3A_1258 : memref<!tpu.dma_semaphore, #tpu.memory_space<semaphore_mem>>) src(%arg8 : memref<128x128xf32, #tpu.memory_space<vmem>>) dst(%dma_wait3A_1270 : memref<10240x128xf32, #tpu.memory_space<vmem_shared>>)
      tpu.yield
    }) : () -> ()
    %dma_wait3A_314 = arith.constant 19 : i32
    %dma_wait3A_315 = arith.constant 0 : i32
    %dma_wait3A_316 = tpu.memref_slice %arg6[%dma_wait3A_314, %dma_wait3A_315] : memref<40x128xi32, #tpu.memory_space<vmem>> -> memref<1x128xi32, #tpu.memory_space<vmem>>
    %dma_wait3A_317 = tpu.memref_squeeze %dma_wait3A_316 : memref<1x128xi32, #tpu.memory_space<vmem>> -> memref<128xi32, #tpu.memory_space<vmem>>
    %dma_wait3A_318 = arith.constant 0 : i32
    %dma_wait3A_319 = arith.constant 0 : i32
    %dma_wait3A_320 = tpu.memref_slice %arg4[%dma_wait3A_318, %dma_wait3A_319] : memref<10128x128xf32, #tpu.memory_space<hbm>> -> memref<10128x128xf32, #tpu.memory_space<hbm>>
    tpu.wait_indirect_dma semaphore(%arg12 : memref<!tpu.dma_semaphore, #tpu.memory_space<semaphore_mem>>) src(%dma_wait3A_320 : memref<10128x128xf32, #tpu.memory_space<hbm>>) dst(%arg9 : memref<128x128xf32, #tpu.memory_space<vmem>>)
    %dma_start3A_321 = arith.constant 20 : i32
    %dma_start3A_322 = arith.constant 0 : i32
    %dma_start3A_323 = tpu.memref_slice %arg6[%dma_start3A_321, %dma_start3A_322] : memref<40x128xi32, #tpu.memory_space<vmem>> -> memref<1x128xi32, #tpu.memory_space<vmem>>
    %dma_start3A_324 = tpu.memref_squeeze %dma_start3A_323 : memref<1x128xi32, #tpu.memory_space<vmem>> -> memref<128xi32, #tpu.memory_space<vmem>>
    %dma_start3A_325 = arith.constant 0 : i32
    %dma_start3A_326 = arith.constant 0 : i32
    %dma_start3A_327 = tpu.memref_slice %arg4[%dma_start3A_325, %dma_start3A_326] : memref<10128x128xf32, #tpu.memory_space<hbm>> -> memref<10128x128xf32, #tpu.memory_space<hbm>>
    tpu.enqueue_indirect_dma source(%dma_start3A_327 : memref<10128x128xf32, #tpu.memory_space<hbm>>) target(%arg8 : memref<128x128xf32, #tpu.memory_space<vmem>>) offsets(%dma_start3A_324 : memref<128xi32, #tpu.memory_space<vmem>>) semaphore(%arg11 : memref<!tpu.dma_semaphore, #tpu.memory_space<semaphore_mem>>)
    %run_scoped3A_328 = arith.constant 19 : i32
    "tpu.region"() ({
      %run_scoped3A_1258 = tpu.sem_alloc : memref<!tpu.dma_semaphore, #tpu.memory_space<semaphore_mem>>
      %dma_start3A_1259 = arith.constant 0 : i32
      %dma_start3A_1260 = tpu.memref_slice %arg7[%run_scoped3A_328, %dma_start3A_1259] : memref<40x128xi32, #tpu.memory_space<vmem>> -> memref<1x128xi32, #tpu.memory_space<vmem>>
      %dma_start3A_1261 = tpu.memref_squeeze %dma_start3A_1260 : memref<1x128xi32, #tpu.memory_space<vmem>> -> memref<128xi32, #tpu.memory_space<vmem>>
      %dma_start3A_1262 = arith.constant 0 : i32
      %dma_start3A_1263 = arith.constant 0 : i32
      %dma_start3A_1264 = tpu.memref_slice %arg10[%dma_start3A_1262, %dma_start3A_1263] : memref<10240x128xf32, #tpu.memory_space<vmem_shared>> -> memref<10240x128xf32, #tpu.memory_space<vmem_shared>>
      tpu.enqueue_indirect_dma source(%arg9 : memref<128x128xf32, #tpu.memory_space<vmem>>) target(%dma_start3A_1264 : memref<10240x128xf32, #tpu.memory_space<vmem_shared>>) offsets(%dma_start3A_1261 : memref<128xi32, #tpu.memory_space<vmem>>) semaphore(%run_scoped3A_1258 : memref<!tpu.dma_semaphore, #tpu.memory_space<semaphore_mem>>) {add = true}
      %dma_wait3A_1265 = arith.constant 0 : i32
      %dma_wait3A_1266 = tpu.memref_slice %arg7[%run_scoped3A_328, %dma_wait3A_1265] : memref<40x128xi32, #tpu.memory_space<vmem>> -> memref<1x128xi32, #tpu.memory_space<vmem>>
      %dma_wait3A_1267 = tpu.memref_squeeze %dma_wait3A_1266 : memref<1x128xi32, #tpu.memory_space<vmem>> -> memref<128xi32, #tpu.memory_space<vmem>>
      %dma_wait3A_1268 = arith.constant 0 : i32
      %dma_wait3A_1269 = arith.constant 0 : i32
      %dma_wait3A_1270 = tpu.memref_slice %arg10[%dma_wait3A_1268, %dma_wait3A_1269] : memref<10240x128xf32, #tpu.memory_space<vmem_shared>> -> memref<10240x128xf32, #tpu.memory_space<vmem_shared>>
      tpu.wait_indirect_dma semaphore(%run_scoped3A_1258 : memref<!tpu.dma_semaphore, #tpu.memory_space<semaphore_mem>>) src(%arg9 : memref<128x128xf32, #tpu.memory_space<vmem>>) dst(%dma_wait3A_1270 : memref<10240x128xf32, #tpu.memory_space<vmem_shared>>)
      tpu.yield
    }) : () -> ()
    %dma_wait3A_329 = arith.constant 20 : i32
    %dma_wait3A_330 = arith.constant 0 : i32
    %dma_wait3A_331 = tpu.memref_slice %arg6[%dma_wait3A_329, %dma_wait3A_330] : memref<40x128xi32, #tpu.memory_space<vmem>> -> memref<1x128xi32, #tpu.memory_space<vmem>>
    %dma_wait3A_332 = tpu.memref_squeeze %dma_wait3A_331 : memref<1x128xi32, #tpu.memory_space<vmem>> -> memref<128xi32, #tpu.memory_space<vmem>>
    %dma_wait3A_333 = arith.constant 0 : i32
    %dma_wait3A_334 = arith.constant 0 : i32
    %dma_wait3A_335 = tpu.memref_slice %arg4[%dma_wait3A_333, %dma_wait3A_334] : memref<10128x128xf32, #tpu.memory_space<hbm>> -> memref<10128x128xf32, #tpu.memory_space<hbm>>
    tpu.wait_indirect_dma semaphore(%arg11 : memref<!tpu.dma_semaphore, #tpu.memory_space<semaphore_mem>>) src(%dma_wait3A_335 : memref<10128x128xf32, #tpu.memory_space<hbm>>) dst(%arg8 : memref<128x128xf32, #tpu.memory_space<vmem>>)
    %dma_start3A_336 = arith.constant 21 : i32
    %dma_start3A_337 = arith.constant 0 : i32
    %dma_start3A_338 = tpu.memref_slice %arg6[%dma_start3A_336, %dma_start3A_337] : memref<40x128xi32, #tpu.memory_space<vmem>> -> memref<1x128xi32, #tpu.memory_space<vmem>>
    %dma_start3A_339 = tpu.memref_squeeze %dma_start3A_338 : memref<1x128xi32, #tpu.memory_space<vmem>> -> memref<128xi32, #tpu.memory_space<vmem>>
    %dma_start3A_340 = arith.constant 0 : i32
    %dma_start3A_341 = arith.constant 0 : i32
    %dma_start3A_342 = tpu.memref_slice %arg4[%dma_start3A_340, %dma_start3A_341] : memref<10128x128xf32, #tpu.memory_space<hbm>> -> memref<10128x128xf32, #tpu.memory_space<hbm>>
    tpu.enqueue_indirect_dma source(%dma_start3A_342 : memref<10128x128xf32, #tpu.memory_space<hbm>>) target(%arg9 : memref<128x128xf32, #tpu.memory_space<vmem>>) offsets(%dma_start3A_339 : memref<128xi32, #tpu.memory_space<vmem>>) semaphore(%arg12 : memref<!tpu.dma_semaphore, #tpu.memory_space<semaphore_mem>>)
    %run_scoped3A_343 = arith.constant 20 : i32
    "tpu.region"() ({
      %run_scoped3A_1258 = tpu.sem_alloc : memref<!tpu.dma_semaphore, #tpu.memory_space<semaphore_mem>>
      %dma_start3A_1259 = arith.constant 0 : i32
      %dma_start3A_1260 = tpu.memref_slice %arg7[%run_scoped3A_343, %dma_start3A_1259] : memref<40x128xi32, #tpu.memory_space<vmem>> -> memref<1x128xi32, #tpu.memory_space<vmem>>
      %dma_start3A_1261 = tpu.memref_squeeze %dma_start3A_1260 : memref<1x128xi32, #tpu.memory_space<vmem>> -> memref<128xi32, #tpu.memory_space<vmem>>
      %dma_start3A_1262 = arith.constant 0 : i32
      %dma_start3A_1263 = arith.constant 0 : i32
      %dma_start3A_1264 = tpu.memref_slice %arg10[%dma_start3A_1262, %dma_start3A_1263] : memref<10240x128xf32, #tpu.memory_space<vmem_shared>> -> memref<10240x128xf32, #tpu.memory_space<vmem_shared>>
      tpu.enqueue_indirect_dma source(%arg8 : memref<128x128xf32, #tpu.memory_space<vmem>>) target(%dma_start3A_1264 : memref<10240x128xf32, #tpu.memory_space<vmem_shared>>) offsets(%dma_start3A_1261 : memref<128xi32, #tpu.memory_space<vmem>>) semaphore(%run_scoped3A_1258 : memref<!tpu.dma_semaphore, #tpu.memory_space<semaphore_mem>>) {add = true}
      %dma_wait3A_1265 = arith.constant 0 : i32
      %dma_wait3A_1266 = tpu.memref_slice %arg7[%run_scoped3A_343, %dma_wait3A_1265] : memref<40x128xi32, #tpu.memory_space<vmem>> -> memref<1x128xi32, #tpu.memory_space<vmem>>
      %dma_wait3A_1267 = tpu.memref_squeeze %dma_wait3A_1266 : memref<1x128xi32, #tpu.memory_space<vmem>> -> memref<128xi32, #tpu.memory_space<vmem>>
      %dma_wait3A_1268 = arith.constant 0 : i32
      %dma_wait3A_1269 = arith.constant 0 : i32
      %dma_wait3A_1270 = tpu.memref_slice %arg10[%dma_wait3A_1268, %dma_wait3A_1269] : memref<10240x128xf32, #tpu.memory_space<vmem_shared>> -> memref<10240x128xf32, #tpu.memory_space<vmem_shared>>
      tpu.wait_indirect_dma semaphore(%run_scoped3A_1258 : memref<!tpu.dma_semaphore, #tpu.memory_space<semaphore_mem>>) src(%arg8 : memref<128x128xf32, #tpu.memory_space<vmem>>) dst(%dma_wait3A_1270 : memref<10240x128xf32, #tpu.memory_space<vmem_shared>>)
      tpu.yield
    }) : () -> ()
    %dma_wait3A_344 = arith.constant 21 : i32
    %dma_wait3A_345 = arith.constant 0 : i32
    %dma_wait3A_346 = tpu.memref_slice %arg6[%dma_wait3A_344, %dma_wait3A_345] : memref<40x128xi32, #tpu.memory_space<vmem>> -> memref<1x128xi32, #tpu.memory_space<vmem>>
    %dma_wait3A_347 = tpu.memref_squeeze %dma_wait3A_346 : memref<1x128xi32, #tpu.memory_space<vmem>> -> memref<128xi32, #tpu.memory_space<vmem>>
    %dma_wait3A_348 = arith.constant 0 : i32
    %dma_wait3A_349 = arith.constant 0 : i32
    %dma_wait3A_350 = tpu.memref_slice %arg4[%dma_wait3A_348, %dma_wait3A_349] : memref<10128x128xf32, #tpu.memory_space<hbm>> -> memref<10128x128xf32, #tpu.memory_space<hbm>>
    tpu.wait_indirect_dma semaphore(%arg12 : memref<!tpu.dma_semaphore, #tpu.memory_space<semaphore_mem>>) src(%dma_wait3A_350 : memref<10128x128xf32, #tpu.memory_space<hbm>>) dst(%arg9 : memref<128x128xf32, #tpu.memory_space<vmem>>)
    %dma_start3A_351 = arith.constant 22 : i32
    %dma_start3A_352 = arith.constant 0 : i32
    %dma_start3A_353 = tpu.memref_slice %arg6[%dma_start3A_351, %dma_start3A_352] : memref<40x128xi32, #tpu.memory_space<vmem>> -> memref<1x128xi32, #tpu.memory_space<vmem>>
    %dma_start3A_354 = tpu.memref_squeeze %dma_start3A_353 : memref<1x128xi32, #tpu.memory_space<vmem>> -> memref<128xi32, #tpu.memory_space<vmem>>
    %dma_start3A_355 = arith.constant 0 : i32
    %dma_start3A_356 = arith.constant 0 : i32
    %dma_start3A_357 = tpu.memref_slice %arg4[%dma_start3A_355, %dma_start3A_356] : memref<10128x128xf32, #tpu.memory_space<hbm>> -> memref<10128x128xf32, #tpu.memory_space<hbm>>
    tpu.enqueue_indirect_dma source(%dma_start3A_357 : memref<10128x128xf32, #tpu.memory_space<hbm>>) target(%arg8 : memref<128x128xf32, #tpu.memory_space<vmem>>) offsets(%dma_start3A_354 : memref<128xi32, #tpu.memory_space<vmem>>) semaphore(%arg11 : memref<!tpu.dma_semaphore, #tpu.memory_space<semaphore_mem>>)
    %run_scoped3A_358 = arith.constant 21 : i32
    "tpu.region"() ({
      %run_scoped3A_1258 = tpu.sem_alloc : memref<!tpu.dma_semaphore, #tpu.memory_space<semaphore_mem>>
      %dma_start3A_1259 = arith.constant 0 : i32
      %dma_start3A_1260 = tpu.memref_slice %arg7[%run_scoped3A_358, %dma_start3A_1259] : memref<40x128xi32, #tpu.memory_space<vmem>> -> memref<1x128xi32, #tpu.memory_space<vmem>>
      %dma_start3A_1261 = tpu.memref_squeeze %dma_start3A_1260 : memref<1x128xi32, #tpu.memory_space<vmem>> -> memref<128xi32, #tpu.memory_space<vmem>>
      %dma_start3A_1262 = arith.constant 0 : i32
      %dma_start3A_1263 = arith.constant 0 : i32
      %dma_start3A_1264 = tpu.memref_slice %arg10[%dma_start3A_1262, %dma_start3A_1263] : memref<10240x128xf32, #tpu.memory_space<vmem_shared>> -> memref<10240x128xf32, #tpu.memory_space<vmem_shared>>
      tpu.enqueue_indirect_dma source(%arg9 : memref<128x128xf32, #tpu.memory_space<vmem>>) target(%dma_start3A_1264 : memref<10240x128xf32, #tpu.memory_space<vmem_shared>>) offsets(%dma_start3A_1261 : memref<128xi32, #tpu.memory_space<vmem>>) semaphore(%run_scoped3A_1258 : memref<!tpu.dma_semaphore, #tpu.memory_space<semaphore_mem>>) {add = true}
      %dma_wait3A_1265 = arith.constant 0 : i32
      %dma_wait3A_1266 = tpu.memref_slice %arg7[%run_scoped3A_358, %dma_wait3A_1265] : memref<40x128xi32, #tpu.memory_space<vmem>> -> memref<1x128xi32, #tpu.memory_space<vmem>>
      %dma_wait3A_1267 = tpu.memref_squeeze %dma_wait3A_1266 : memref<1x128xi32, #tpu.memory_space<vmem>> -> memref<128xi32, #tpu.memory_space<vmem>>
      %dma_wait3A_1268 = arith.constant 0 : i32
      %dma_wait3A_1269 = arith.constant 0 : i32
      %dma_wait3A_1270 = tpu.memref_slice %arg10[%dma_wait3A_1268, %dma_wait3A_1269] : memref<10240x128xf32, #tpu.memory_space<vmem_shared>> -> memref<10240x128xf32, #tpu.memory_space<vmem_shared>>
      tpu.wait_indirect_dma semaphore(%run_scoped3A_1258 : memref<!tpu.dma_semaphore, #tpu.memory_space<semaphore_mem>>) src(%arg9 : memref<128x128xf32, #tpu.memory_space<vmem>>) dst(%dma_wait3A_1270 : memref<10240x128xf32, #tpu.memory_space<vmem_shared>>)
      tpu.yield
    }) : () -> ()
    %dma_wait3A_359 = arith.constant 22 : i32
    %dma_wait3A_360 = arith.constant 0 : i32
    %dma_wait3A_361 = tpu.memref_slice %arg6[%dma_wait3A_359, %dma_wait3A_360] : memref<40x128xi32, #tpu.memory_space<vmem>> -> memref<1x128xi32, #tpu.memory_space<vmem>>
    %dma_wait3A_362 = tpu.memref_squeeze %dma_wait3A_361 : memref<1x128xi32, #tpu.memory_space<vmem>> -> memref<128xi32, #tpu.memory_space<vmem>>
    %dma_wait3A_363 = arith.constant 0 : i32
    %dma_wait3A_364 = arith.constant 0 : i32
    %dma_wait3A_365 = tpu.memref_slice %arg4[%dma_wait3A_363, %dma_wait3A_364] : memref<10128x128xf32, #tpu.memory_space<hbm>> -> memref<10128x128xf32, #tpu.memory_space<hbm>>
    tpu.wait_indirect_dma semaphore(%arg11 : memref<!tpu.dma_semaphore, #tpu.memory_space<semaphore_mem>>) src(%dma_wait3A_365 : memref<10128x128xf32, #tpu.memory_space<hbm>>) dst(%arg8 : memref<128x128xf32, #tpu.memory_space<vmem>>)
    %dma_start3A_366 = arith.constant 23 : i32
    %dma_start3A_367 = arith.constant 0 : i32
    %dma_start3A_368 = tpu.memref_slice %arg6[%dma_start3A_366, %dma_start3A_367] : memref<40x128xi32, #tpu.memory_space<vmem>> -> memref<1x128xi32, #tpu.memory_space<vmem>>
    %dma_start3A_369 = tpu.memref_squeeze %dma_start3A_368 : memref<1x128xi32, #tpu.memory_space<vmem>> -> memref<128xi32, #tpu.memory_space<vmem>>
    %dma_start3A_370 = arith.constant 0 : i32
    %dma_start3A_371 = arith.constant 0 : i32
    %dma_start3A_372 = tpu.memref_slice %arg4[%dma_start3A_370, %dma_start3A_371] : memref<10128x128xf32, #tpu.memory_space<hbm>> -> memref<10128x128xf32, #tpu.memory_space<hbm>>
    tpu.enqueue_indirect_dma source(%dma_start3A_372 : memref<10128x128xf32, #tpu.memory_space<hbm>>) target(%arg9 : memref<128x128xf32, #tpu.memory_space<vmem>>) offsets(%dma_start3A_369 : memref<128xi32, #tpu.memory_space<vmem>>) semaphore(%arg12 : memref<!tpu.dma_semaphore, #tpu.memory_space<semaphore_mem>>)
    %run_scoped3A_373 = arith.constant 22 : i32
    "tpu.region"() ({
      %run_scoped3A_1258 = tpu.sem_alloc : memref<!tpu.dma_semaphore, #tpu.memory_space<semaphore_mem>>
      %dma_start3A_1259 = arith.constant 0 : i32
      %dma_start3A_1260 = tpu.memref_slice %arg7[%run_scoped3A_373, %dma_start3A_1259] : memref<40x128xi32, #tpu.memory_space<vmem>> -> memref<1x128xi32, #tpu.memory_space<vmem>>
      %dma_start3A_1261 = tpu.memref_squeeze %dma_start3A_1260 : memref<1x128xi32, #tpu.memory_space<vmem>> -> memref<128xi32, #tpu.memory_space<vmem>>
      %dma_start3A_1262 = arith.constant 0 : i32
      %dma_start3A_1263 = arith.constant 0 : i32
      %dma_start3A_1264 = tpu.memref_slice %arg10[%dma_start3A_1262, %dma_start3A_1263] : memref<10240x128xf32, #tpu.memory_space<vmem_shared>> -> memref<10240x128xf32, #tpu.memory_space<vmem_shared>>
      tpu.enqueue_indirect_dma source(%arg8 : memref<128x128xf32, #tpu.memory_space<vmem>>) target(%dma_start3A_1264 : memref<10240x128xf32, #tpu.memory_space<vmem_shared>>) offsets(%dma_start3A_1261 : memref<128xi32, #tpu.memory_space<vmem>>) semaphore(%run_scoped3A_1258 : memref<!tpu.dma_semaphore, #tpu.memory_space<semaphore_mem>>) {add = true}
      %dma_wait3A_1265 = arith.constant 0 : i32
      %dma_wait3A_1266 = tpu.memref_slice %arg7[%run_scoped3A_373, %dma_wait3A_1265] : memref<40x128xi32, #tpu.memory_space<vmem>> -> memref<1x128xi32, #tpu.memory_space<vmem>>
      %dma_wait3A_1267 = tpu.memref_squeeze %dma_wait3A_1266 : memref<1x128xi32, #tpu.memory_space<vmem>> -> memref<128xi32, #tpu.memory_space<vmem>>
      %dma_wait3A_1268 = arith.constant 0 : i32
      %dma_wait3A_1269 = arith.constant 0 : i32
      %dma_wait3A_1270 = tpu.memref_slice %arg10[%dma_wait3A_1268, %dma_wait3A_1269] : memref<10240x128xf32, #tpu.memory_space<vmem_shared>> -> memref<10240x128xf32, #tpu.memory_space<vmem_shared>>
      tpu.wait_indirect_dma semaphore(%run_scoped3A_1258 : memref<!tpu.dma_semaphore, #tpu.memory_space<semaphore_mem>>) src(%arg8 : memref<128x128xf32, #tpu.memory_space<vmem>>) dst(%dma_wait3A_1270 : memref<10240x128xf32, #tpu.memory_space<vmem_shared>>)
      tpu.yield
    }) : () -> ()
    %dma_wait3A_374 = arith.constant 23 : i32
    %dma_wait3A_375 = arith.constant 0 : i32
    %dma_wait3A_376 = tpu.memref_slice %arg6[%dma_wait3A_374, %dma_wait3A_375] : memref<40x128xi32, #tpu.memory_space<vmem>> -> memref<1x128xi32, #tpu.memory_space<vmem>>
    %dma_wait3A_377 = tpu.memref_squeeze %dma_wait3A_376 : memref<1x128xi32, #tpu.memory_space<vmem>> -> memref<128xi32, #tpu.memory_space<vmem>>
    %dma_wait3A_378 = arith.constant 0 : i32
    %dma_wait3A_379 = arith.constant 0 : i32
    %dma_wait3A_380 = tpu.memref_slice %arg4[%dma_wait3A_378, %dma_wait3A_379] : memref<10128x128xf32, #tpu.memory_space<hbm>> -> memref<10128x128xf32, #tpu.memory_space<hbm>>
    tpu.wait_indirect_dma semaphore(%arg12 : memref<!tpu.dma_semaphore, #tpu.memory_space<semaphore_mem>>) src(%dma_wait3A_380 : memref<10128x128xf32, #tpu.memory_space<hbm>>) dst(%arg9 : memref<128x128xf32, #tpu.memory_space<vmem>>)
    %dma_start3A_381 = arith.constant 24 : i32
    %dma_start3A_382 = arith.constant 0 : i32
    %dma_start3A_383 = tpu.memref_slice %arg6[%dma_start3A_381, %dma_start3A_382] : memref<40x128xi32, #tpu.memory_space<vmem>> -> memref<1x128xi32, #tpu.memory_space<vmem>>
    %dma_start3A_384 = tpu.memref_squeeze %dma_start3A_383 : memref<1x128xi32, #tpu.memory_space<vmem>> -> memref<128xi32, #tpu.memory_space<vmem>>
    %dma_start3A_385 = arith.constant 0 : i32
    %dma_start3A_386 = arith.constant 0 : i32
    %dma_start3A_387 = tpu.memref_slice %arg4[%dma_start3A_385, %dma_start3A_386] : memref<10128x128xf32, #tpu.memory_space<hbm>> -> memref<10128x128xf32, #tpu.memory_space<hbm>>
    tpu.enqueue_indirect_dma source(%dma_start3A_387 : memref<10128x128xf32, #tpu.memory_space<hbm>>) target(%arg8 : memref<128x128xf32, #tpu.memory_space<vmem>>) offsets(%dma_start3A_384 : memref<128xi32, #tpu.memory_space<vmem>>) semaphore(%arg11 : memref<!tpu.dma_semaphore, #tpu.memory_space<semaphore_mem>>)
    %run_scoped3A_388 = arith.constant 23 : i32
    "tpu.region"() ({
      %run_scoped3A_1258 = tpu.sem_alloc : memref<!tpu.dma_semaphore, #tpu.memory_space<semaphore_mem>>
      %dma_start3A_1259 = arith.constant 0 : i32
      %dma_start3A_1260 = tpu.memref_slice %arg7[%run_scoped3A_388, %dma_start3A_1259] : memref<40x128xi32, #tpu.memory_space<vmem>> -> memref<1x128xi32, #tpu.memory_space<vmem>>
      %dma_start3A_1261 = tpu.memref_squeeze %dma_start3A_1260 : memref<1x128xi32, #tpu.memory_space<vmem>> -> memref<128xi32, #tpu.memory_space<vmem>>
      %dma_start3A_1262 = arith.constant 0 : i32
      %dma_start3A_1263 = arith.constant 0 : i32
      %dma_start3A_1264 = tpu.memref_slice %arg10[%dma_start3A_1262, %dma_start3A_1263] : memref<10240x128xf32, #tpu.memory_space<vmem_shared>> -> memref<10240x128xf32, #tpu.memory_space<vmem_shared>>
      tpu.enqueue_indirect_dma source(%arg9 : memref<128x128xf32, #tpu.memory_space<vmem>>) target(%dma_start3A_1264 : memref<10240x128xf32, #tpu.memory_space<vmem_shared>>) offsets(%dma_start3A_1261 : memref<128xi32, #tpu.memory_space<vmem>>) semaphore(%run_scoped3A_1258 : memref<!tpu.dma_semaphore, #tpu.memory_space<semaphore_mem>>) {add = true}
      %dma_wait3A_1265 = arith.constant 0 : i32
      %dma_wait3A_1266 = tpu.memref_slice %arg7[%run_scoped3A_388, %dma_wait3A_1265] : memref<40x128xi32, #tpu.memory_space<vmem>> -> memref<1x128xi32, #tpu.memory_space<vmem>>
      %dma_wait3A_1267 = tpu.memref_squeeze %dma_wait3A_1266 : memref<1x128xi32, #tpu.memory_space<vmem>> -> memref<128xi32, #tpu.memory_space<vmem>>
      %dma_wait3A_1268 = arith.constant 0 : i32
      %dma_wait3A_1269 = arith.constant 0 : i32
      %dma_wait3A_1270 = tpu.memref_slice %arg10[%dma_wait3A_1268, %dma_wait3A_1269] : memref<10240x128xf32, #tpu.memory_space<vmem_shared>> -> memref<10240x128xf32, #tpu.memory_space<vmem_shared>>
      tpu.wait_indirect_dma semaphore(%run_scoped3A_1258 : memref<!tpu.dma_semaphore, #tpu.memory_space<semaphore_mem>>) src(%arg9 : memref<128x128xf32, #tpu.memory_space<vmem>>) dst(%dma_wait3A_1270 : memref<10240x128xf32, #tpu.memory_space<vmem_shared>>)
      tpu.yield
    }) : () -> ()
    %dma_wait3A_389 = arith.constant 24 : i32
    %dma_wait3A_390 = arith.constant 0 : i32
    %dma_wait3A_391 = tpu.memref_slice %arg6[%dma_wait3A_389, %dma_wait3A_390] : memref<40x128xi32, #tpu.memory_space<vmem>> -> memref<1x128xi32, #tpu.memory_space<vmem>>
    %dma_wait3A_392 = tpu.memref_squeeze %dma_wait3A_391 : memref<1x128xi32, #tpu.memory_space<vmem>> -> memref<128xi32, #tpu.memory_space<vmem>>
    %dma_wait3A_393 = arith.constant 0 : i32
    %dma_wait3A_394 = arith.constant 0 : i32
    %dma_wait3A_395 = tpu.memref_slice %arg4[%dma_wait3A_393, %dma_wait3A_394] : memref<10128x128xf32, #tpu.memory_space<hbm>> -> memref<10128x128xf32, #tpu.memory_space<hbm>>
    tpu.wait_indirect_dma semaphore(%arg11 : memref<!tpu.dma_semaphore, #tpu.memory_space<semaphore_mem>>) src(%dma_wait3A_395 : memref<10128x128xf32, #tpu.memory_space<hbm>>) dst(%arg8 : memref<128x128xf32, #tpu.memory_space<vmem>>)
    %dma_start3A_396 = arith.constant 25 : i32
    %dma_start3A_397 = arith.constant 0 : i32
    %dma_start3A_398 = tpu.memref_slice %arg6[%dma_start3A_396, %dma_start3A_397] : memref<40x128xi32, #tpu.memory_space<vmem>> -> memref<1x128xi32, #tpu.memory_space<vmem>>
    %dma_start3A_399 = tpu.memref_squeeze %dma_start3A_398 : memref<1x128xi32, #tpu.memory_space<vmem>> -> memref<128xi32, #tpu.memory_space<vmem>>
    %dma_start3A_400 = arith.constant 0 : i32
    %dma_start3A_401 = arith.constant 0 : i32
    %dma_start3A_402 = tpu.memref_slice %arg4[%dma_start3A_400, %dma_start3A_401] : memref<10128x128xf32, #tpu.memory_space<hbm>> -> memref<10128x128xf32, #tpu.memory_space<hbm>>
    tpu.enqueue_indirect_dma source(%dma_start3A_402 : memref<10128x128xf32, #tpu.memory_space<hbm>>) target(%arg9 : memref<128x128xf32, #tpu.memory_space<vmem>>) offsets(%dma_start3A_399 : memref<128xi32, #tpu.memory_space<vmem>>) semaphore(%arg12 : memref<!tpu.dma_semaphore, #tpu.memory_space<semaphore_mem>>)
    %run_scoped3A_403 = arith.constant 24 : i32
    "tpu.region"() ({
      %run_scoped3A_1258 = tpu.sem_alloc : memref<!tpu.dma_semaphore, #tpu.memory_space<semaphore_mem>>
      %dma_start3A_1259 = arith.constant 0 : i32
      %dma_start3A_1260 = tpu.memref_slice %arg7[%run_scoped3A_403, %dma_start3A_1259] : memref<40x128xi32, #tpu.memory_space<vmem>> -> memref<1x128xi32, #tpu.memory_space<vmem>>
      %dma_start3A_1261 = tpu.memref_squeeze %dma_start3A_1260 : memref<1x128xi32, #tpu.memory_space<vmem>> -> memref<128xi32, #tpu.memory_space<vmem>>
      %dma_start3A_1262 = arith.constant 0 : i32
      %dma_start3A_1263 = arith.constant 0 : i32
      %dma_start3A_1264 = tpu.memref_slice %arg10[%dma_start3A_1262, %dma_start3A_1263] : memref<10240x128xf32, #tpu.memory_space<vmem_shared>> -> memref<10240x128xf32, #tpu.memory_space<vmem_shared>>
      tpu.enqueue_indirect_dma source(%arg8 : memref<128x128xf32, #tpu.memory_space<vmem>>) target(%dma_start3A_1264 : memref<10240x128xf32, #tpu.memory_space<vmem_shared>>) offsets(%dma_start3A_1261 : memref<128xi32, #tpu.memory_space<vmem>>) semaphore(%run_scoped3A_1258 : memref<!tpu.dma_semaphore, #tpu.memory_space<semaphore_mem>>) {add = true}
      %dma_wait3A_1265 = arith.constant 0 : i32
      %dma_wait3A_1266 = tpu.memref_slice %arg7[%run_scoped3A_403, %dma_wait3A_1265] : memref<40x128xi32, #tpu.memory_space<vmem>> -> memref<1x128xi32, #tpu.memory_space<vmem>>
      %dma_wait3A_1267 = tpu.memref_squeeze %dma_wait3A_1266 : memref<1x128xi32, #tpu.memory_space<vmem>> -> memref<128xi32, #tpu.memory_space<vmem>>
      %dma_wait3A_1268 = arith.constant 0 : i32
      %dma_wait3A_1269 = arith.constant 0 : i32
      %dma_wait3A_1270 = tpu.memref_slice %arg10[%dma_wait3A_1268, %dma_wait3A_1269] : memref<10240x128xf32, #tpu.memory_space<vmem_shared>> -> memref<10240x128xf32, #tpu.memory_space<vmem_shared>>
      tpu.wait_indirect_dma semaphore(%run_scoped3A_1258 : memref<!tpu.dma_semaphore, #tpu.memory_space<semaphore_mem>>) src(%arg8 : memref<128x128xf32, #tpu.memory_space<vmem>>) dst(%dma_wait3A_1270 : memref<10240x128xf32, #tpu.memory_space<vmem_shared>>)
      tpu.yield
    }) : () -> ()
    %dma_wait3A_404 = arith.constant 25 : i32
    %dma_wait3A_405 = arith.constant 0 : i32
    %dma_wait3A_406 = tpu.memref_slice %arg6[%dma_wait3A_404, %dma_wait3A_405] : memref<40x128xi32, #tpu.memory_space<vmem>> -> memref<1x128xi32, #tpu.memory_space<vmem>>
    %dma_wait3A_407 = tpu.memref_squeeze %dma_wait3A_406 : memref<1x128xi32, #tpu.memory_space<vmem>> -> memref<128xi32, #tpu.memory_space<vmem>>
    %dma_wait3A_408 = arith.constant 0 : i32
    %dma_wait3A_409 = arith.constant 0 : i32
    %dma_wait3A_410 = tpu.memref_slice %arg4[%dma_wait3A_408, %dma_wait3A_409] : memref<10128x128xf32, #tpu.memory_space<hbm>> -> memref<10128x128xf32, #tpu.memory_space<hbm>>
    tpu.wait_indirect_dma semaphore(%arg12 : memref<!tpu.dma_semaphore, #tpu.memory_space<semaphore_mem>>) src(%dma_wait3A_410 : memref<10128x128xf32, #tpu.memory_space<hbm>>) dst(%arg9 : memref<128x128xf32, #tpu.memory_space<vmem>>)
    %dma_start3A_411 = arith.constant 26 : i32
    %dma_start3A_412 = arith.constant 0 : i32
    %dma_start3A_413 = tpu.memref_slice %arg6[%dma_start3A_411, %dma_start3A_412] : memref<40x128xi32, #tpu.memory_space<vmem>> -> memref<1x128xi32, #tpu.memory_space<vmem>>
    %dma_start3A_414 = tpu.memref_squeeze %dma_start3A_413 : memref<1x128xi32, #tpu.memory_space<vmem>> -> memref<128xi32, #tpu.memory_space<vmem>>
    %dma_start3A_415 = arith.constant 0 : i32
    %dma_start3A_416 = arith.constant 0 : i32
    %dma_start3A_417 = tpu.memref_slice %arg4[%dma_start3A_415, %dma_start3A_416] : memref<10128x128xf32, #tpu.memory_space<hbm>> -> memref<10128x128xf32, #tpu.memory_space<hbm>>
    tpu.enqueue_indirect_dma source(%dma_start3A_417 : memref<10128x128xf32, #tpu.memory_space<hbm>>) target(%arg8 : memref<128x128xf32, #tpu.memory_space<vmem>>) offsets(%dma_start3A_414 : memref<128xi32, #tpu.memory_space<vmem>>) semaphore(%arg11 : memref<!tpu.dma_semaphore, #tpu.memory_space<semaphore_mem>>)
    %run_scoped3A_418 = arith.constant 25 : i32
    "tpu.region"() ({
      %run_scoped3A_1258 = tpu.sem_alloc : memref<!tpu.dma_semaphore, #tpu.memory_space<semaphore_mem>>
      %dma_start3A_1259 = arith.constant 0 : i32
      %dma_start3A_1260 = tpu.memref_slice %arg7[%run_scoped3A_418, %dma_start3A_1259] : memref<40x128xi32, #tpu.memory_space<vmem>> -> memref<1x128xi32, #tpu.memory_space<vmem>>
      %dma_start3A_1261 = tpu.memref_squeeze %dma_start3A_1260 : memref<1x128xi32, #tpu.memory_space<vmem>> -> memref<128xi32, #tpu.memory_space<vmem>>
      %dma_start3A_1262 = arith.constant 0 : i32
      %dma_start3A_1263 = arith.constant 0 : i32
      %dma_start3A_1264 = tpu.memref_slice %arg10[%dma_start3A_1262, %dma_start3A_1263] : memref<10240x128xf32, #tpu.memory_space<vmem_shared>> -> memref<10240x128xf32, #tpu.memory_space<vmem_shared>>
      tpu.enqueue_indirect_dma source(%arg9 : memref<128x128xf32, #tpu.memory_space<vmem>>) target(%dma_start3A_1264 : memref<10240x128xf32, #tpu.memory_space<vmem_shared>>) offsets(%dma_start3A_1261 : memref<128xi32, #tpu.memory_space<vmem>>) semaphore(%run_scoped3A_1258 : memref<!tpu.dma_semaphore, #tpu.memory_space<semaphore_mem>>) {add = true}
      %dma_wait3A_1265 = arith.constant 0 : i32
      %dma_wait3A_1266 = tpu.memref_slice %arg7[%run_scoped3A_418, %dma_wait3A_1265] : memref<40x128xi32, #tpu.memory_space<vmem>> -> memref<1x128xi32, #tpu.memory_space<vmem>>
      %dma_wait3A_1267 = tpu.memref_squeeze %dma_wait3A_1266 : memref<1x128xi32, #tpu.memory_space<vmem>> -> memref<128xi32, #tpu.memory_space<vmem>>
      %dma_wait3A_1268 = arith.constant 0 : i32
      %dma_wait3A_1269 = arith.constant 0 : i32
      %dma_wait3A_1270 = tpu.memref_slice %arg10[%dma_wait3A_1268, %dma_wait3A_1269] : memref<10240x128xf32, #tpu.memory_space<vmem_shared>> -> memref<10240x128xf32, #tpu.memory_space<vmem_shared>>
      tpu.wait_indirect_dma semaphore(%run_scoped3A_1258 : memref<!tpu.dma_semaphore, #tpu.memory_space<semaphore_mem>>) src(%arg9 : memref<128x128xf32, #tpu.memory_space<vmem>>) dst(%dma_wait3A_1270 : memref<10240x128xf32, #tpu.memory_space<vmem_shared>>)
      tpu.yield
    }) : () -> ()
    %dma_wait3A_419 = arith.constant 26 : i32
    %dma_wait3A_420 = arith.constant 0 : i32
    %dma_wait3A_421 = tpu.memref_slice %arg6[%dma_wait3A_419, %dma_wait3A_420] : memref<40x128xi32, #tpu.memory_space<vmem>> -> memref<1x128xi32, #tpu.memory_space<vmem>>
    %dma_wait3A_422 = tpu.memref_squeeze %dma_wait3A_421 : memref<1x128xi32, #tpu.memory_space<vmem>> -> memref<128xi32, #tpu.memory_space<vmem>>
    %dma_wait3A_423 = arith.constant 0 : i32
    %dma_wait3A_424 = arith.constant 0 : i32
    %dma_wait3A_425 = tpu.memref_slice %arg4[%dma_wait3A_423, %dma_wait3A_424] : memref<10128x128xf32, #tpu.memory_space<hbm>> -> memref<10128x128xf32, #tpu.memory_space<hbm>>
    tpu.wait_indirect_dma semaphore(%arg11 : memref<!tpu.dma_semaphore, #tpu.memory_space<semaphore_mem>>) src(%dma_wait3A_425 : memref<10128x128xf32, #tpu.memory_space<hbm>>) dst(%arg8 : memref<128x128xf32, #tpu.memory_space<vmem>>)
    %dma_start3A_426 = arith.constant 27 : i32
    %dma_start3A_427 = arith.constant 0 : i32
    %dma_start3A_428 = tpu.memref_slice %arg6[%dma_start3A_426, %dma_start3A_427] : memref<40x128xi32, #tpu.memory_space<vmem>> -> memref<1x128xi32, #tpu.memory_space<vmem>>
    %dma_start3A_429 = tpu.memref_squeeze %dma_start3A_428 : memref<1x128xi32, #tpu.memory_space<vmem>> -> memref<128xi32, #tpu.memory_space<vmem>>
    %dma_start3A_430 = arith.constant 0 : i32
    %dma_start3A_431 = arith.constant 0 : i32
    %dma_start3A_432 = tpu.memref_slice %arg4[%dma_start3A_430, %dma_start3A_431] : memref<10128x128xf32, #tpu.memory_space<hbm>> -> memref<10128x128xf32, #tpu.memory_space<hbm>>
    tpu.enqueue_indirect_dma source(%dma_start3A_432 : memref<10128x128xf32, #tpu.memory_space<hbm>>) target(%arg9 : memref<128x128xf32, #tpu.memory_space<vmem>>) offsets(%dma_start3A_429 : memref<128xi32, #tpu.memory_space<vmem>>) semaphore(%arg12 : memref<!tpu.dma_semaphore, #tpu.memory_space<semaphore_mem>>)
    %run_scoped3A_433 = arith.constant 26 : i32
    "tpu.region"() ({
      %run_scoped3A_1258 = tpu.sem_alloc : memref<!tpu.dma_semaphore, #tpu.memory_space<semaphore_mem>>
      %dma_start3A_1259 = arith.constant 0 : i32
      %dma_start3A_1260 = tpu.memref_slice %arg7[%run_scoped3A_433, %dma_start3A_1259] : memref<40x128xi32, #tpu.memory_space<vmem>> -> memref<1x128xi32, #tpu.memory_space<vmem>>
      %dma_start3A_1261 = tpu.memref_squeeze %dma_start3A_1260 : memref<1x128xi32, #tpu.memory_space<vmem>> -> memref<128xi32, #tpu.memory_space<vmem>>
      %dma_start3A_1262 = arith.constant 0 : i32
      %dma_start3A_1263 = arith.constant 0 : i32
      %dma_start3A_1264 = tpu.memref_slice %arg10[%dma_start3A_1262, %dma_start3A_1263] : memref<10240x128xf32, #tpu.memory_space<vmem_shared>> -> memref<10240x128xf32, #tpu.memory_space<vmem_shared>>
      tpu.enqueue_indirect_dma source(%arg8 : memref<128x128xf32, #tpu.memory_space<vmem>>) target(%dma_start3A_1264 : memref<10240x128xf32, #tpu.memory_space<vmem_shared>>) offsets(%dma_start3A_1261 : memref<128xi32, #tpu.memory_space<vmem>>) semaphore(%run_scoped3A_1258 : memref<!tpu.dma_semaphore, #tpu.memory_space<semaphore_mem>>) {add = true}
      %dma_wait3A_1265 = arith.constant 0 : i32
      %dma_wait3A_1266 = tpu.memref_slice %arg7[%run_scoped3A_433, %dma_wait3A_1265] : memref<40x128xi32, #tpu.memory_space<vmem>> -> memref<1x128xi32, #tpu.memory_space<vmem>>
      %dma_wait3A_1267 = tpu.memref_squeeze %dma_wait3A_1266 : memref<1x128xi32, #tpu.memory_space<vmem>> -> memref<128xi32, #tpu.memory_space<vmem>>
      %dma_wait3A_1268 = arith.constant 0 : i32
      %dma_wait3A_1269 = arith.constant 0 : i32
      %dma_wait3A_1270 = tpu.memref_slice %arg10[%dma_wait3A_1268, %dma_wait3A_1269] : memref<10240x128xf32, #tpu.memory_space<vmem_shared>> -> memref<10240x128xf32, #tpu.memory_space<vmem_shared>>
      tpu.wait_indirect_dma semaphore(%run_scoped3A_1258 : memref<!tpu.dma_semaphore, #tpu.memory_space<semaphore_mem>>) src(%arg8 : memref<128x128xf32, #tpu.memory_space<vmem>>) dst(%dma_wait3A_1270 : memref<10240x128xf32, #tpu.memory_space<vmem_shared>>)
      tpu.yield
    }) : () -> ()
    %dma_wait3A_434 = arith.constant 27 : i32
    %dma_wait3A_435 = arith.constant 0 : i32
    %dma_wait3A_436 = tpu.memref_slice %arg6[%dma_wait3A_434, %dma_wait3A_435] : memref<40x128xi32, #tpu.memory_space<vmem>> -> memref<1x128xi32, #tpu.memory_space<vmem>>
    %dma_wait3A_437 = tpu.memref_squeeze %dma_wait3A_436 : memref<1x128xi32, #tpu.memory_space<vmem>> -> memref<128xi32, #tpu.memory_space<vmem>>
    %dma_wait3A_438 = arith.constant 0 : i32
    %dma_wait3A_439 = arith.constant 0 : i32
    %dma_wait3A_440 = tpu.memref_slice %arg4[%dma_wait3A_438, %dma_wait3A_439] : memref<10128x128xf32, #tpu.memory_space<hbm>> -> memref<10128x128xf32, #tpu.memory_space<hbm>>
    tpu.wait_indirect_dma semaphore(%arg12 : memref<!tpu.dma_semaphore, #tpu.memory_space<semaphore_mem>>) src(%dma_wait3A_440 : memref<10128x128xf32, #tpu.memory_space<hbm>>) dst(%arg9 : memref<128x128xf32, #tpu.memory_space<vmem>>)
    %dma_start3A_441 = arith.constant 28 : i32
    %dma_start3A_442 = arith.constant 0 : i32
    %dma_start3A_443 = tpu.memref_slice %arg6[%dma_start3A_441, %dma_start3A_442] : memref<40x128xi32, #tpu.memory_space<vmem>> -> memref<1x128xi32, #tpu.memory_space<vmem>>
    %dma_start3A_444 = tpu.memref_squeeze %dma_start3A_443 : memref<1x128xi32, #tpu.memory_space<vmem>> -> memref<128xi32, #tpu.memory_space<vmem>>
    %dma_start3A_445 = arith.constant 0 : i32
    %dma_start3A_446 = arith.constant 0 : i32
    %dma_start3A_447 = tpu.memref_slice %arg4[%dma_start3A_445, %dma_start3A_446] : memref<10128x128xf32, #tpu.memory_space<hbm>> -> memref<10128x128xf32, #tpu.memory_space<hbm>>
    tpu.enqueue_indirect_dma source(%dma_start3A_447 : memref<10128x128xf32, #tpu.memory_space<hbm>>) target(%arg8 : memref<128x128xf32, #tpu.memory_space<vmem>>) offsets(%dma_start3A_444 : memref<128xi32, #tpu.memory_space<vmem>>) semaphore(%arg11 : memref<!tpu.dma_semaphore, #tpu.memory_space<semaphore_mem>>)
    %run_scoped3A_448 = arith.constant 27 : i32
    "tpu.region"() ({
      %run_scoped3A_1258 = tpu.sem_alloc : memref<!tpu.dma_semaphore, #tpu.memory_space<semaphore_mem>>
      %dma_start3A_1259 = arith.constant 0 : i32
      %dma_start3A_1260 = tpu.memref_slice %arg7[%run_scoped3A_448, %dma_start3A_1259] : memref<40x128xi32, #tpu.memory_space<vmem>> -> memref<1x128xi32, #tpu.memory_space<vmem>>
      %dma_start3A_1261 = tpu.memref_squeeze %dma_start3A_1260 : memref<1x128xi32, #tpu.memory_space<vmem>> -> memref<128xi32, #tpu.memory_space<vmem>>
      %dma_start3A_1262 = arith.constant 0 : i32
      %dma_start3A_1263 = arith.constant 0 : i32
      %dma_start3A_1264 = tpu.memref_slice %arg10[%dma_start3A_1262, %dma_start3A_1263] : memref<10240x128xf32, #tpu.memory_space<vmem_shared>> -> memref<10240x128xf32, #tpu.memory_space<vmem_shared>>
      tpu.enqueue_indirect_dma source(%arg9 : memref<128x128xf32, #tpu.memory_space<vmem>>) target(%dma_start3A_1264 : memref<10240x128xf32, #tpu.memory_space<vmem_shared>>) offsets(%dma_start3A_1261 : memref<128xi32, #tpu.memory_space<vmem>>) semaphore(%run_scoped3A_1258 : memref<!tpu.dma_semaphore, #tpu.memory_space<semaphore_mem>>) {add = true}
      %dma_wait3A_1265 = arith.constant 0 : i32
      %dma_wait3A_1266 = tpu.memref_slice %arg7[%run_scoped3A_448, %dma_wait3A_1265] : memref<40x128xi32, #tpu.memory_space<vmem>> -> memref<1x128xi32, #tpu.memory_space<vmem>>
      %dma_wait3A_1267 = tpu.memref_squeeze %dma_wait3A_1266 : memref<1x128xi32, #tpu.memory_space<vmem>> -> memref<128xi32, #tpu.memory_space<vmem>>
      %dma_wait3A_1268 = arith.constant 0 : i32
      %dma_wait3A_1269 = arith.constant 0 : i32
      %dma_wait3A_1270 = tpu.memref_slice %arg10[%dma_wait3A_1268, %dma_wait3A_1269] : memref<10240x128xf32, #tpu.memory_space<vmem_shared>> -> memref<10240x128xf32, #tpu.memory_space<vmem_shared>>
      tpu.wait_indirect_dma semaphore(%run_scoped3A_1258 : memref<!tpu.dma_semaphore, #tpu.memory_space<semaphore_mem>>) src(%arg9 : memref<128x128xf32, #tpu.memory_space<vmem>>) dst(%dma_wait3A_1270 : memref<10240x128xf32, #tpu.memory_space<vmem_shared>>)
      tpu.yield
    }) : () -> ()
    %dma_wait3A_449 = arith.constant 28 : i32
    %dma_wait3A_450 = arith.constant 0 : i32
    %dma_wait3A_451 = tpu.memref_slice %arg6[%dma_wait3A_449, %dma_wait3A_450] : memref<40x128xi32, #tpu.memory_space<vmem>> -> memref<1x128xi32, #tpu.memory_space<vmem>>
    %dma_wait3A_452 = tpu.memref_squeeze %dma_wait3A_451 : memref<1x128xi32, #tpu.memory_space<vmem>> -> memref<128xi32, #tpu.memory_space<vmem>>
    %dma_wait3A_453 = arith.constant 0 : i32
    %dma_wait3A_454 = arith.constant 0 : i32
    %dma_wait3A_455 = tpu.memref_slice %arg4[%dma_wait3A_453, %dma_wait3A_454] : memref<10128x128xf32, #tpu.memory_space<hbm>> -> memref<10128x128xf32, #tpu.memory_space<hbm>>
    tpu.wait_indirect_dma semaphore(%arg11 : memref<!tpu.dma_semaphore, #tpu.memory_space<semaphore_mem>>) src(%dma_wait3A_455 : memref<10128x128xf32, #tpu.memory_space<hbm>>) dst(%arg8 : memref<128x128xf32, #tpu.memory_space<vmem>>)
    %dma_start3A_456 = arith.constant 29 : i32
    %dma_start3A_457 = arith.constant 0 : i32
    %dma_start3A_458 = tpu.memref_slice %arg6[%dma_start3A_456, %dma_start3A_457] : memref<40x128xi32, #tpu.memory_space<vmem>> -> memref<1x128xi32, #tpu.memory_space<vmem>>
    %dma_start3A_459 = tpu.memref_squeeze %dma_start3A_458 : memref<1x128xi32, #tpu.memory_space<vmem>> -> memref<128xi32, #tpu.memory_space<vmem>>
    %dma_start3A_460 = arith.constant 0 : i32
    %dma_start3A_461 = arith.constant 0 : i32
    %dma_start3A_462 = tpu.memref_slice %arg4[%dma_start3A_460, %dma_start3A_461] : memref<10128x128xf32, #tpu.memory_space<hbm>> -> memref<10128x128xf32, #tpu.memory_space<hbm>>
    tpu.enqueue_indirect_dma source(%dma_start3A_462 : memref<10128x128xf32, #tpu.memory_space<hbm>>) target(%arg9 : memref<128x128xf32, #tpu.memory_space<vmem>>) offsets(%dma_start3A_459 : memref<128xi32, #tpu.memory_space<vmem>>) semaphore(%arg12 : memref<!tpu.dma_semaphore, #tpu.memory_space<semaphore_mem>>)
    %run_scoped3A_463 = arith.constant 28 : i32
    "tpu.region"() ({
      %run_scoped3A_1258 = tpu.sem_alloc : memref<!tpu.dma_semaphore, #tpu.memory_space<semaphore_mem>>
      %dma_start3A_1259 = arith.constant 0 : i32
      %dma_start3A_1260 = tpu.memref_slice %arg7[%run_scoped3A_463, %dma_start3A_1259] : memref<40x128xi32, #tpu.memory_space<vmem>> -> memref<1x128xi32, #tpu.memory_space<vmem>>
      %dma_start3A_1261 = tpu.memref_squeeze %dma_start3A_1260 : memref<1x128xi32, #tpu.memory_space<vmem>> -> memref<128xi32, #tpu.memory_space<vmem>>
      %dma_start3A_1262 = arith.constant 0 : i32
      %dma_start3A_1263 = arith.constant 0 : i32
      %dma_start3A_1264 = tpu.memref_slice %arg10[%dma_start3A_1262, %dma_start3A_1263] : memref<10240x128xf32, #tpu.memory_space<vmem_shared>> -> memref<10240x128xf32, #tpu.memory_space<vmem_shared>>
      tpu.enqueue_indirect_dma source(%arg8 : memref<128x128xf32, #tpu.memory_space<vmem>>) target(%dma_start3A_1264 : memref<10240x128xf32, #tpu.memory_space<vmem_shared>>) offsets(%dma_start3A_1261 : memref<128xi32, #tpu.memory_space<vmem>>) semaphore(%run_scoped3A_1258 : memref<!tpu.dma_semaphore, #tpu.memory_space<semaphore_mem>>) {add = true}
      %dma_wait3A_1265 = arith.constant 0 : i32
      %dma_wait3A_1266 = tpu.memref_slice %arg7[%run_scoped3A_463, %dma_wait3A_1265] : memref<40x128xi32, #tpu.memory_space<vmem>> -> memref<1x128xi32, #tpu.memory_space<vmem>>
      %dma_wait3A_1267 = tpu.memref_squeeze %dma_wait3A_1266 : memref<1x128xi32, #tpu.memory_space<vmem>> -> memref<128xi32, #tpu.memory_space<vmem>>
      %dma_wait3A_1268 = arith.constant 0 : i32
      %dma_wait3A_1269 = arith.constant 0 : i32
      %dma_wait3A_1270 = tpu.memref_slice %arg10[%dma_wait3A_1268, %dma_wait3A_1269] : memref<10240x128xf32, #tpu.memory_space<vmem_shared>> -> memref<10240x128xf32, #tpu.memory_space<vmem_shared>>
      tpu.wait_indirect_dma semaphore(%run_scoped3A_1258 : memref<!tpu.dma_semaphore, #tpu.memory_space<semaphore_mem>>) src(%arg8 : memref<128x128xf32, #tpu.memory_space<vmem>>) dst(%dma_wait3A_1270 : memref<10240x128xf32, #tpu.memory_space<vmem_shared>>)
      tpu.yield
    }) : () -> ()
    %dma_wait3A_464 = arith.constant 29 : i32
    %dma_wait3A_465 = arith.constant 0 : i32
    %dma_wait3A_466 = tpu.memref_slice %arg6[%dma_wait3A_464, %dma_wait3A_465] : memref<40x128xi32, #tpu.memory_space<vmem>> -> memref<1x128xi32, #tpu.memory_space<vmem>>
    %dma_wait3A_467 = tpu.memref_squeeze %dma_wait3A_466 : memref<1x128xi32, #tpu.memory_space<vmem>> -> memref<128xi32, #tpu.memory_space<vmem>>
    %dma_wait3A_468 = arith.constant 0 : i32
    %dma_wait3A_469 = arith.constant 0 : i32
    %dma_wait3A_470 = tpu.memref_slice %arg4[%dma_wait3A_468, %dma_wait3A_469] : memref<10128x128xf32, #tpu.memory_space<hbm>> -> memref<10128x128xf32, #tpu.memory_space<hbm>>
    tpu.wait_indirect_dma semaphore(%arg12 : memref<!tpu.dma_semaphore, #tpu.memory_space<semaphore_mem>>) src(%dma_wait3A_470 : memref<10128x128xf32, #tpu.memory_space<hbm>>) dst(%arg9 : memref<128x128xf32, #tpu.memory_space<vmem>>)
    %dma_start3A_471 = arith.constant 30 : i32
    %dma_start3A_472 = arith.constant 0 : i32
    %dma_start3A_473 = tpu.memref_slice %arg6[%dma_start3A_471, %dma_start3A_472] : memref<40x128xi32, #tpu.memory_space<vmem>> -> memref<1x128xi32, #tpu.memory_space<vmem>>
    %dma_start3A_474 = tpu.memref_squeeze %dma_start3A_473 : memref<1x128xi32, #tpu.memory_space<vmem>> -> memref<128xi32, #tpu.memory_space<vmem>>
    %dma_start3A_475 = arith.constant 0 : i32
    %dma_start3A_476 = arith.constant 0 : i32
    %dma_start3A_477 = tpu.memref_slice %arg4[%dma_start3A_475, %dma_start3A_476] : memref<10128x128xf32, #tpu.memory_space<hbm>> -> memref<10128x128xf32, #tpu.memory_space<hbm>>
    tpu.enqueue_indirect_dma source(%dma_start3A_477 : memref<10128x128xf32, #tpu.memory_space<hbm>>) target(%arg8 : memref<128x128xf32, #tpu.memory_space<vmem>>) offsets(%dma_start3A_474 : memref<128xi32, #tpu.memory_space<vmem>>) semaphore(%arg11 : memref<!tpu.dma_semaphore, #tpu.memory_space<semaphore_mem>>)
    %run_scoped3A_478 = arith.constant 29 : i32
    "tpu.region"() ({
      %run_scoped3A_1258 = tpu.sem_alloc : memref<!tpu.dma_semaphore, #tpu.memory_space<semaphore_mem>>
      %dma_start3A_1259 = arith.constant 0 : i32
      %dma_start3A_1260 = tpu.memref_slice %arg7[%run_scoped3A_478, %dma_start3A_1259] : memref<40x128xi32, #tpu.memory_space<vmem>> -> memref<1x128xi32, #tpu.memory_space<vmem>>
      %dma_start3A_1261 = tpu.memref_squeeze %dma_start3A_1260 : memref<1x128xi32, #tpu.memory_space<vmem>> -> memref<128xi32, #tpu.memory_space<vmem>>
      %dma_start3A_1262 = arith.constant 0 : i32
      %dma_start3A_1263 = arith.constant 0 : i32
      %dma_start3A_1264 = tpu.memref_slice %arg10[%dma_start3A_1262, %dma_start3A_1263] : memref<10240x128xf32, #tpu.memory_space<vmem_shared>> -> memref<10240x128xf32, #tpu.memory_space<vmem_shared>>
      tpu.enqueue_indirect_dma source(%arg9 : memref<128x128xf32, #tpu.memory_space<vmem>>) target(%dma_start3A_1264 : memref<10240x128xf32, #tpu.memory_space<vmem_shared>>) offsets(%dma_start3A_1261 : memref<128xi32, #tpu.memory_space<vmem>>) semaphore(%run_scoped3A_1258 : memref<!tpu.dma_semaphore, #tpu.memory_space<semaphore_mem>>) {add = true}
      %dma_wait3A_1265 = arith.constant 0 : i32
      %dma_wait3A_1266 = tpu.memref_slice %arg7[%run_scoped3A_478, %dma_wait3A_1265] : memref<40x128xi32, #tpu.memory_space<vmem>> -> memref<1x128xi32, #tpu.memory_space<vmem>>
      %dma_wait3A_1267 = tpu.memref_squeeze %dma_wait3A_1266 : memref<1x128xi32, #tpu.memory_space<vmem>> -> memref<128xi32, #tpu.memory_space<vmem>>
      %dma_wait3A_1268 = arith.constant 0 : i32
      %dma_wait3A_1269 = arith.constant 0 : i32
      %dma_wait3A_1270 = tpu.memref_slice %arg10[%dma_wait3A_1268, %dma_wait3A_1269] : memref<10240x128xf32, #tpu.memory_space<vmem_shared>> -> memref<10240x128xf32, #tpu.memory_space<vmem_shared>>
      tpu.wait_indirect_dma semaphore(%run_scoped3A_1258 : memref<!tpu.dma_semaphore, #tpu.memory_space<semaphore_mem>>) src(%arg9 : memref<128x128xf32, #tpu.memory_space<vmem>>) dst(%dma_wait3A_1270 : memref<10240x128xf32, #tpu.memory_space<vmem_shared>>)
      tpu.yield
    }) : () -> ()
    %dma_wait3A_479 = arith.constant 30 : i32
    %dma_wait3A_480 = arith.constant 0 : i32
    %dma_wait3A_481 = tpu.memref_slice %arg6[%dma_wait3A_479, %dma_wait3A_480] : memref<40x128xi32, #tpu.memory_space<vmem>> -> memref<1x128xi32, #tpu.memory_space<vmem>>
    %dma_wait3A_482 = tpu.memref_squeeze %dma_wait3A_481 : memref<1x128xi32, #tpu.memory_space<vmem>> -> memref<128xi32, #tpu.memory_space<vmem>>
    %dma_wait3A_483 = arith.constant 0 : i32
    %dma_wait3A_484 = arith.constant 0 : i32
    %dma_wait3A_485 = tpu.memref_slice %arg4[%dma_wait3A_483, %dma_wait3A_484] : memref<10128x128xf32, #tpu.memory_space<hbm>> -> memref<10128x128xf32, #tpu.memory_space<hbm>>
    tpu.wait_indirect_dma semaphore(%arg11 : memref<!tpu.dma_semaphore, #tpu.memory_space<semaphore_mem>>) src(%dma_wait3A_485 : memref<10128x128xf32, #tpu.memory_space<hbm>>) dst(%arg8 : memref<128x128xf32, #tpu.memory_space<vmem>>)
    %dma_start3A_486 = arith.constant 31 : i32
    %dma_start3A_487 = arith.constant 0 : i32
    %dma_start3A_488 = tpu.memref_slice %arg6[%dma_start3A_486, %dma_start3A_487] : memref<40x128xi32, #tpu.memory_space<vmem>> -> memref<1x128xi32, #tpu.memory_space<vmem>>
    %dma_start3A_489 = tpu.memref_squeeze %dma_start3A_488 : memref<1x128xi32, #tpu.memory_space<vmem>> -> memref<128xi32, #tpu.memory_space<vmem>>
    %dma_start3A_490 = arith.constant 0 : i32
    %dma_start3A_491 = arith.constant 0 : i32
    %dma_start3A_492 = tpu.memref_slice %arg4[%dma_start3A_490, %dma_start3A_491] : memref<10128x128xf32, #tpu.memory_space<hbm>> -> memref<10128x128xf32, #tpu.memory_space<hbm>>
    tpu.enqueue_indirect_dma source(%dma_start3A_492 : memref<10128x128xf32, #tpu.memory_space<hbm>>) target(%arg9 : memref<128x128xf32, #tpu.memory_space<vmem>>) offsets(%dma_start3A_489 : memref<128xi32, #tpu.memory_space<vmem>>) semaphore(%arg12 : memref<!tpu.dma_semaphore, #tpu.memory_space<semaphore_mem>>)
    %run_scoped3A_493 = arith.constant 30 : i32
    "tpu.region"() ({
      %run_scoped3A_1258 = tpu.sem_alloc : memref<!tpu.dma_semaphore, #tpu.memory_space<semaphore_mem>>
      %dma_start3A_1259 = arith.constant 0 : i32
      %dma_start3A_1260 = tpu.memref_slice %arg7[%run_scoped3A_493, %dma_start3A_1259] : memref<40x128xi32, #tpu.memory_space<vmem>> -> memref<1x128xi32, #tpu.memory_space<vmem>>
      %dma_start3A_1261 = tpu.memref_squeeze %dma_start3A_1260 : memref<1x128xi32, #tpu.memory_space<vmem>> -> memref<128xi32, #tpu.memory_space<vmem>>
      %dma_start3A_1262 = arith.constant 0 : i32
      %dma_start3A_1263 = arith.constant 0 : i32
      %dma_start3A_1264 = tpu.memref_slice %arg10[%dma_start3A_1262, %dma_start3A_1263] : memref<10240x128xf32, #tpu.memory_space<vmem_shared>> -> memref<10240x128xf32, #tpu.memory_space<vmem_shared>>
      tpu.enqueue_indirect_dma source(%arg8 : memref<128x128xf32, #tpu.memory_space<vmem>>) target(%dma_start3A_1264 : memref<10240x128xf32, #tpu.memory_space<vmem_shared>>) offsets(%dma_start3A_1261 : memref<128xi32, #tpu.memory_space<vmem>>) semaphore(%run_scoped3A_1258 : memref<!tpu.dma_semaphore, #tpu.memory_space<semaphore_mem>>) {add = true}
      %dma_wait3A_1265 = arith.constant 0 : i32
      %dma_wait3A_1266 = tpu.memref_slice %arg7[%run_scoped3A_493, %dma_wait3A_1265] : memref<40x128xi32, #tpu.memory_space<vmem>> -> memref<1x128xi32, #tpu.memory_space<vmem>>
      %dma_wait3A_1267 = tpu.memref_squeeze %dma_wait3A_1266 : memref<1x128xi32, #tpu.memory_space<vmem>> -> memref<128xi32, #tpu.memory_space<vmem>>
      %dma_wait3A_1268 = arith.constant 0 : i32
      %dma_wait3A_1269 = arith.constant 0 : i32
      %dma_wait3A_1270 = tpu.memref_slice %arg10[%dma_wait3A_1268, %dma_wait3A_1269] : memref<10240x128xf32, #tpu.memory_space<vmem_shared>> -> memref<10240x128xf32, #tpu.memory_space<vmem_shared>>
      tpu.wait_indirect_dma semaphore(%run_scoped3A_1258 : memref<!tpu.dma_semaphore, #tpu.memory_space<semaphore_mem>>) src(%arg8 : memref<128x128xf32, #tpu.memory_space<vmem>>) dst(%dma_wait3A_1270 : memref<10240x128xf32, #tpu.memory_space<vmem_shared>>)
      tpu.yield
    }) : () -> ()
    %dma_wait3A_494 = arith.constant 31 : i32
    %dma_wait3A_495 = arith.constant 0 : i32
    %dma_wait3A_496 = tpu.memref_slice %arg6[%dma_wait3A_494, %dma_wait3A_495] : memref<40x128xi32, #tpu.memory_space<vmem>> -> memref<1x128xi32, #tpu.memory_space<vmem>>
    %dma_wait3A_497 = tpu.memref_squeeze %dma_wait3A_496 : memref<1x128xi32, #tpu.memory_space<vmem>> -> memref<128xi32, #tpu.memory_space<vmem>>
    %dma_wait3A_498 = arith.constant 0 : i32
    %dma_wait3A_499 = arith.constant 0 : i32
    %dma_wait3A_500 = tpu.memref_slice %arg4[%dma_wait3A_498, %dma_wait3A_499] : memref<10128x128xf32, #tpu.memory_space<hbm>> -> memref<10128x128xf32, #tpu.memory_space<hbm>>
    tpu.wait_indirect_dma semaphore(%arg12 : memref<!tpu.dma_semaphore, #tpu.memory_space<semaphore_mem>>) src(%dma_wait3A_500 : memref<10128x128xf32, #tpu.memory_space<hbm>>) dst(%arg9 : memref<128x128xf32, #tpu.memory_space<vmem>>)
    %dma_start3A_501 = arith.constant 32 : i32
    %dma_start3A_502 = arith.constant 0 : i32
    %dma_start3A_503 = tpu.memref_slice %arg6[%dma_start3A_501, %dma_start3A_502] : memref<40x128xi32, #tpu.memory_space<vmem>> -> memref<1x128xi32, #tpu.memory_space<vmem>>
    %dma_start3A_504 = tpu.memref_squeeze %dma_start3A_503 : memref<1x128xi32, #tpu.memory_space<vmem>> -> memref<128xi32, #tpu.memory_space<vmem>>
    %dma_start3A_505 = arith.constant 0 : i32
    %dma_start3A_506 = arith.constant 0 : i32
    %dma_start3A_507 = tpu.memref_slice %arg4[%dma_start3A_505, %dma_start3A_506] : memref<10128x128xf32, #tpu.memory_space<hbm>> -> memref<10128x128xf32, #tpu.memory_space<hbm>>
    tpu.enqueue_indirect_dma source(%dma_start3A_507 : memref<10128x128xf32, #tpu.memory_space<hbm>>) target(%arg8 : memref<128x128xf32, #tpu.memory_space<vmem>>) offsets(%dma_start3A_504 : memref<128xi32, #tpu.memory_space<vmem>>) semaphore(%arg11 : memref<!tpu.dma_semaphore, #tpu.memory_space<semaphore_mem>>)
    %run_scoped3A_508 = arith.constant 31 : i32
    "tpu.region"() ({
      %run_scoped3A_1258 = tpu.sem_alloc : memref<!tpu.dma_semaphore, #tpu.memory_space<semaphore_mem>>
      %dma_start3A_1259 = arith.constant 0 : i32
      %dma_start3A_1260 = tpu.memref_slice %arg7[%run_scoped3A_508, %dma_start3A_1259] : memref<40x128xi32, #tpu.memory_space<vmem>> -> memref<1x128xi32, #tpu.memory_space<vmem>>
      %dma_start3A_1261 = tpu.memref_squeeze %dma_start3A_1260 : memref<1x128xi32, #tpu.memory_space<vmem>> -> memref<128xi32, #tpu.memory_space<vmem>>
      %dma_start3A_1262 = arith.constant 0 : i32
      %dma_start3A_1263 = arith.constant 0 : i32
      %dma_start3A_1264 = tpu.memref_slice %arg10[%dma_start3A_1262, %dma_start3A_1263] : memref<10240x128xf32, #tpu.memory_space<vmem_shared>> -> memref<10240x128xf32, #tpu.memory_space<vmem_shared>>
      tpu.enqueue_indirect_dma source(%arg9 : memref<128x128xf32, #tpu.memory_space<vmem>>) target(%dma_start3A_1264 : memref<10240x128xf32, #tpu.memory_space<vmem_shared>>) offsets(%dma_start3A_1261 : memref<128xi32, #tpu.memory_space<vmem>>) semaphore(%run_scoped3A_1258 : memref<!tpu.dma_semaphore, #tpu.memory_space<semaphore_mem>>) {add = true}
      %dma_wait3A_1265 = arith.constant 0 : i32
      %dma_wait3A_1266 = tpu.memref_slice %arg7[%run_scoped3A_508, %dma_wait3A_1265] : memref<40x128xi32, #tpu.memory_space<vmem>> -> memref<1x128xi32, #tpu.memory_space<vmem>>
      %dma_wait3A_1267 = tpu.memref_squeeze %dma_wait3A_1266 : memref<1x128xi32, #tpu.memory_space<vmem>> -> memref<128xi32, #tpu.memory_space<vmem>>
      %dma_wait3A_1268 = arith.constant 0 : i32
      %dma_wait3A_1269 = arith.constant 0 : i32
      %dma_wait3A_1270 = tpu.memref_slice %arg10[%dma_wait3A_1268, %dma_wait3A_1269] : memref<10240x128xf32, #tpu.memory_space<vmem_shared>> -> memref<10240x128xf32, #tpu.memory_space<vmem_shared>>
      tpu.wait_indirect_dma semaphore(%run_scoped3A_1258 : memref<!tpu.dma_semaphore, #tpu.memory_space<semaphore_mem>>) src(%arg9 : memref<128x128xf32, #tpu.memory_space<vmem>>) dst(%dma_wait3A_1270 : memref<10240x128xf32, #tpu.memory_space<vmem_shared>>)
      tpu.yield
    }) : () -> ()
    %dma_wait3A_509 = arith.constant 32 : i32
    %dma_wait3A_510 = arith.constant 0 : i32
    %dma_wait3A_511 = tpu.memref_slice %arg6[%dma_wait3A_509, %dma_wait3A_510] : memref<40x128xi32, #tpu.memory_space<vmem>> -> memref<1x128xi32, #tpu.memory_space<vmem>>
    %dma_wait3A_512 = tpu.memref_squeeze %dma_wait3A_511 : memref<1x128xi32, #tpu.memory_space<vmem>> -> memref<128xi32, #tpu.memory_space<vmem>>
    %dma_wait3A_513 = arith.constant 0 : i32
    %dma_wait3A_514 = arith.constant 0 : i32
    %dma_wait3A_515 = tpu.memref_slice %arg4[%dma_wait3A_513, %dma_wait3A_514] : memref<10128x128xf32, #tpu.memory_space<hbm>> -> memref<10128x128xf32, #tpu.memory_space<hbm>>
    tpu.wait_indirect_dma semaphore(%arg11 : memref<!tpu.dma_semaphore, #tpu.memory_space<semaphore_mem>>) src(%dma_wait3A_515 : memref<10128x128xf32, #tpu.memory_space<hbm>>) dst(%arg8 : memref<128x128xf32, #tpu.memory_space<vmem>>)
    %dma_start3A_516 = arith.constant 33 : i32
    %dma_start3A_517 = arith.constant 0 : i32
    %dma_start3A_518 = tpu.memref_slice %arg6[%dma_start3A_516, %dma_start3A_517] : memref<40x128xi32, #tpu.memory_space<vmem>> -> memref<1x128xi32, #tpu.memory_space<vmem>>
    %dma_start3A_519 = tpu.memref_squeeze %dma_start3A_518 : memref<1x128xi32, #tpu.memory_space<vmem>> -> memref<128xi32, #tpu.memory_space<vmem>>
    %dma_start3A_520 = arith.constant 0 : i32
    %dma_start3A_521 = arith.constant 0 : i32
    %dma_start3A_522 = tpu.memref_slice %arg4[%dma_start3A_520, %dma_start3A_521] : memref<10128x128xf32, #tpu.memory_space<hbm>> -> memref<10128x128xf32, #tpu.memory_space<hbm>>
    tpu.enqueue_indirect_dma source(%dma_start3A_522 : memref<10128x128xf32, #tpu.memory_space<hbm>>) target(%arg9 : memref<128x128xf32, #tpu.memory_space<vmem>>) offsets(%dma_start3A_519 : memref<128xi32, #tpu.memory_space<vmem>>) semaphore(%arg12 : memref<!tpu.dma_semaphore, #tpu.memory_space<semaphore_mem>>)
    %run_scoped3A_523 = arith.constant 32 : i32
    "tpu.region"() ({
      %run_scoped3A_1258 = tpu.sem_alloc : memref<!tpu.dma_semaphore, #tpu.memory_space<semaphore_mem>>
      %dma_start3A_1259 = arith.constant 0 : i32
      %dma_start3A_1260 = tpu.memref_slice %arg7[%run_scoped3A_523, %dma_start3A_1259] : memref<40x128xi32, #tpu.memory_space<vmem>> -> memref<1x128xi32, #tpu.memory_space<vmem>>
      %dma_start3A_1261 = tpu.memref_squeeze %dma_start3A_1260 : memref<1x128xi32, #tpu.memory_space<vmem>> -> memref<128xi32, #tpu.memory_space<vmem>>
      %dma_start3A_1262 = arith.constant 0 : i32
      %dma_start3A_1263 = arith.constant 0 : i32
      %dma_start3A_1264 = tpu.memref_slice %arg10[%dma_start3A_1262, %dma_start3A_1263] : memref<10240x128xf32, #tpu.memory_space<vmem_shared>> -> memref<10240x128xf32, #tpu.memory_space<vmem_shared>>
      tpu.enqueue_indirect_dma source(%arg8 : memref<128x128xf32, #tpu.memory_space<vmem>>) target(%dma_start3A_1264 : memref<10240x128xf32, #tpu.memory_space<vmem_shared>>) offsets(%dma_start3A_1261 : memref<128xi32, #tpu.memory_space<vmem>>) semaphore(%run_scoped3A_1258 : memref<!tpu.dma_semaphore, #tpu.memory_space<semaphore_mem>>) {add = true}
      %dma_wait3A_1265 = arith.constant 0 : i32
      %dma_wait3A_1266 = tpu.memref_slice %arg7[%run_scoped3A_523, %dma_wait3A_1265] : memref<40x128xi32, #tpu.memory_space<vmem>> -> memref<1x128xi32, #tpu.memory_space<vmem>>
      %dma_wait3A_1267 = tpu.memref_squeeze %dma_wait3A_1266 : memref<1x128xi32, #tpu.memory_space<vmem>> -> memref<128xi32, #tpu.memory_space<vmem>>
      %dma_wait3A_1268 = arith.constant 0 : i32
      %dma_wait3A_1269 = arith.constant 0 : i32
      %dma_wait3A_1270 = tpu.memref_slice %arg10[%dma_wait3A_1268, %dma_wait3A_1269] : memref<10240x128xf32, #tpu.memory_space<vmem_shared>> -> memref<10240x128xf32, #tpu.memory_space<vmem_shared>>
      tpu.wait_indirect_dma semaphore(%run_scoped3A_1258 : memref<!tpu.dma_semaphore, #tpu.memory_space<semaphore_mem>>) src(%arg8 : memref<128x128xf32, #tpu.memory_space<vmem>>) dst(%dma_wait3A_1270 : memref<10240x128xf32, #tpu.memory_space<vmem_shared>>)
      tpu.yield
    }) : () -> ()
    %dma_wait3A_524 = arith.constant 33 : i32
    %dma_wait3A_525 = arith.constant 0 : i32
    %dma_wait3A_526 = tpu.memref_slice %arg6[%dma_wait3A_524, %dma_wait3A_525] : memref<40x128xi32, #tpu.memory_space<vmem>> -> memref<1x128xi32, #tpu.memory_space<vmem>>
    %dma_wait3A_527 = tpu.memref_squeeze %dma_wait3A_526 : memref<1x128xi32, #tpu.memory_space<vmem>> -> memref<128xi32, #tpu.memory_space<vmem>>
    %dma_wait3A_528 = arith.constant 0 : i32
    %dma_wait3A_529 = arith.constant 0 : i32
    %dma_wait3A_530 = tpu.memref_slice %arg4[%dma_wait3A_528, %dma_wait3A_529] : memref<10128x128xf32, #tpu.memory_space<hbm>> -> memref<10128x128xf32, #tpu.memory_space<hbm>>
    tpu.wait_indirect_dma semaphore(%arg12 : memref<!tpu.dma_semaphore, #tpu.memory_space<semaphore_mem>>) src(%dma_wait3A_530 : memref<10128x128xf32, #tpu.memory_space<hbm>>) dst(%arg9 : memref<128x128xf32, #tpu.memory_space<vmem>>)
    %dma_start3A_531 = arith.constant 34 : i32
    %dma_start3A_532 = arith.constant 0 : i32
    %dma_start3A_533 = tpu.memref_slice %arg6[%dma_start3A_531, %dma_start3A_532] : memref<40x128xi32, #tpu.memory_space<vmem>> -> memref<1x128xi32, #tpu.memory_space<vmem>>
    %dma_start3A_534 = tpu.memref_squeeze %dma_start3A_533 : memref<1x128xi32, #tpu.memory_space<vmem>> -> memref<128xi32, #tpu.memory_space<vmem>>
    %dma_start3A_535 = arith.constant 0 : i32
    %dma_start3A_536 = arith.constant 0 : i32
    %dma_start3A_537 = tpu.memref_slice %arg4[%dma_start3A_535, %dma_start3A_536] : memref<10128x128xf32, #tpu.memory_space<hbm>> -> memref<10128x128xf32, #tpu.memory_space<hbm>>
    tpu.enqueue_indirect_dma source(%dma_start3A_537 : memref<10128x128xf32, #tpu.memory_space<hbm>>) target(%arg8 : memref<128x128xf32, #tpu.memory_space<vmem>>) offsets(%dma_start3A_534 : memref<128xi32, #tpu.memory_space<vmem>>) semaphore(%arg11 : memref<!tpu.dma_semaphore, #tpu.memory_space<semaphore_mem>>)
    %run_scoped3A_538 = arith.constant 33 : i32
    "tpu.region"() ({
      %run_scoped3A_1258 = tpu.sem_alloc : memref<!tpu.dma_semaphore, #tpu.memory_space<semaphore_mem>>
      %dma_start3A_1259 = arith.constant 0 : i32
      %dma_start3A_1260 = tpu.memref_slice %arg7[%run_scoped3A_538, %dma_start3A_1259] : memref<40x128xi32, #tpu.memory_space<vmem>> -> memref<1x128xi32, #tpu.memory_space<vmem>>
      %dma_start3A_1261 = tpu.memref_squeeze %dma_start3A_1260 : memref<1x128xi32, #tpu.memory_space<vmem>> -> memref<128xi32, #tpu.memory_space<vmem>>
      %dma_start3A_1262 = arith.constant 0 : i32
      %dma_start3A_1263 = arith.constant 0 : i32
      %dma_start3A_1264 = tpu.memref_slice %arg10[%dma_start3A_1262, %dma_start3A_1263] : memref<10240x128xf32, #tpu.memory_space<vmem_shared>> -> memref<10240x128xf32, #tpu.memory_space<vmem_shared>>
      tpu.enqueue_indirect_dma source(%arg9 : memref<128x128xf32, #tpu.memory_space<vmem>>) target(%dma_start3A_1264 : memref<10240x128xf32, #tpu.memory_space<vmem_shared>>) offsets(%dma_start3A_1261 : memref<128xi32, #tpu.memory_space<vmem>>) semaphore(%run_scoped3A_1258 : memref<!tpu.dma_semaphore, #tpu.memory_space<semaphore_mem>>) {add = true}
      %dma_wait3A_1265 = arith.constant 0 : i32
      %dma_wait3A_1266 = tpu.memref_slice %arg7[%run_scoped3A_538, %dma_wait3A_1265] : memref<40x128xi32, #tpu.memory_space<vmem>> -> memref<1x128xi32, #tpu.memory_space<vmem>>
      %dma_wait3A_1267 = tpu.memref_squeeze %dma_wait3A_1266 : memref<1x128xi32, #tpu.memory_space<vmem>> -> memref<128xi32, #tpu.memory_space<vmem>>
      %dma_wait3A_1268 = arith.constant 0 : i32
      %dma_wait3A_1269 = arith.constant 0 : i32
      %dma_wait3A_1270 = tpu.memref_slice %arg10[%dma_wait3A_1268, %dma_wait3A_1269] : memref<10240x128xf32, #tpu.memory_space<vmem_shared>> -> memref<10240x128xf32, #tpu.memory_space<vmem_shared>>
      tpu.wait_indirect_dma semaphore(%run_scoped3A_1258 : memref<!tpu.dma_semaphore, #tpu.memory_space<semaphore_mem>>) src(%arg9 : memref<128x128xf32, #tpu.memory_space<vmem>>) dst(%dma_wait3A_1270 : memref<10240x128xf32, #tpu.memory_space<vmem_shared>>)
      tpu.yield
    }) : () -> ()
    %dma_wait3A_539 = arith.constant 34 : i32
    %dma_wait3A_540 = arith.constant 0 : i32
    %dma_wait3A_541 = tpu.memref_slice %arg6[%dma_wait3A_539, %dma_wait3A_540] : memref<40x128xi32, #tpu.memory_space<vmem>> -> memref<1x128xi32, #tpu.memory_space<vmem>>
    %dma_wait3A_542 = tpu.memref_squeeze %dma_wait3A_541 : memref<1x128xi32, #tpu.memory_space<vmem>> -> memref<128xi32, #tpu.memory_space<vmem>>
    %dma_wait3A_543 = arith.constant 0 : i32
    %dma_wait3A_544 = arith.constant 0 : i32
    %dma_wait3A_545 = tpu.memref_slice %arg4[%dma_wait3A_543, %dma_wait3A_544] : memref<10128x128xf32, #tpu.memory_space<hbm>> -> memref<10128x128xf32, #tpu.memory_space<hbm>>
    tpu.wait_indirect_dma semaphore(%arg11 : memref<!tpu.dma_semaphore, #tpu.memory_space<semaphore_mem>>) src(%dma_wait3A_545 : memref<10128x128xf32, #tpu.memory_space<hbm>>) dst(%arg8 : memref<128x128xf32, #tpu.memory_space<vmem>>)
    %dma_start3A_546 = arith.constant 35 : i32
    %dma_start3A_547 = arith.constant 0 : i32
    %dma_start3A_548 = tpu.memref_slice %arg6[%dma_start3A_546, %dma_start3A_547] : memref<40x128xi32, #tpu.memory_space<vmem>> -> memref<1x128xi32, #tpu.memory_space<vmem>>
    %dma_start3A_549 = tpu.memref_squeeze %dma_start3A_548 : memref<1x128xi32, #tpu.memory_space<vmem>> -> memref<128xi32, #tpu.memory_space<vmem>>
    %dma_start3A_550 = arith.constant 0 : i32
    %dma_start3A_551 = arith.constant 0 : i32
    %dma_start3A_552 = tpu.memref_slice %arg4[%dma_start3A_550, %dma_start3A_551] : memref<10128x128xf32, #tpu.memory_space<hbm>> -> memref<10128x128xf32, #tpu.memory_space<hbm>>
    tpu.enqueue_indirect_dma source(%dma_start3A_552 : memref<10128x128xf32, #tpu.memory_space<hbm>>) target(%arg9 : memref<128x128xf32, #tpu.memory_space<vmem>>) offsets(%dma_start3A_549 : memref<128xi32, #tpu.memory_space<vmem>>) semaphore(%arg12 : memref<!tpu.dma_semaphore, #tpu.memory_space<semaphore_mem>>)
    %run_scoped3A_553 = arith.constant 34 : i32
    "tpu.region"() ({
      %run_scoped3A_1258 = tpu.sem_alloc : memref<!tpu.dma_semaphore, #tpu.memory_space<semaphore_mem>>
      %dma_start3A_1259 = arith.constant 0 : i32
      %dma_start3A_1260 = tpu.memref_slice %arg7[%run_scoped3A_553, %dma_start3A_1259] : memref<40x128xi32, #tpu.memory_space<vmem>> -> memref<1x128xi32, #tpu.memory_space<vmem>>
      %dma_start3A_1261 = tpu.memref_squeeze %dma_start3A_1260 : memref<1x128xi32, #tpu.memory_space<vmem>> -> memref<128xi32, #tpu.memory_space<vmem>>
      %dma_start3A_1262 = arith.constant 0 : i32
      %dma_start3A_1263 = arith.constant 0 : i32
      %dma_start3A_1264 = tpu.memref_slice %arg10[%dma_start3A_1262, %dma_start3A_1263] : memref<10240x128xf32, #tpu.memory_space<vmem_shared>> -> memref<10240x128xf32, #tpu.memory_space<vmem_shared>>
      tpu.enqueue_indirect_dma source(%arg8 : memref<128x128xf32, #tpu.memory_space<vmem>>) target(%dma_start3A_1264 : memref<10240x128xf32, #tpu.memory_space<vmem_shared>>) offsets(%dma_start3A_1261 : memref<128xi32, #tpu.memory_space<vmem>>) semaphore(%run_scoped3A_1258 : memref<!tpu.dma_semaphore, #tpu.memory_space<semaphore_mem>>) {add = true}
      %dma_wait3A_1265 = arith.constant 0 : i32
      %dma_wait3A_1266 = tpu.memref_slice %arg7[%run_scoped3A_553, %dma_wait3A_1265] : memref<40x128xi32, #tpu.memory_space<vmem>> -> memref<1x128xi32, #tpu.memory_space<vmem>>
      %dma_wait3A_1267 = tpu.memref_squeeze %dma_wait3A_1266 : memref<1x128xi32, #tpu.memory_space<vmem>> -> memref<128xi32, #tpu.memory_space<vmem>>
      %dma_wait3A_1268 = arith.constant 0 : i32
      %dma_wait3A_1269 = arith.constant 0 : i32
      %dma_wait3A_1270 = tpu.memref_slice %arg10[%dma_wait3A_1268, %dma_wait3A_1269] : memref<10240x128xf32, #tpu.memory_space<vmem_shared>> -> memref<10240x128xf32, #tpu.memory_space<vmem_shared>>
      tpu.wait_indirect_dma semaphore(%run_scoped3A_1258 : memref<!tpu.dma_semaphore, #tpu.memory_space<semaphore_mem>>) src(%arg8 : memref<128x128xf32, #tpu.memory_space<vmem>>) dst(%dma_wait3A_1270 : memref<10240x128xf32, #tpu.memory_space<vmem_shared>>)
      tpu.yield
    }) : () -> ()
    %dma_wait3A_554 = arith.constant 35 : i32
    %dma_wait3A_555 = arith.constant 0 : i32
    %dma_wait3A_556 = tpu.memref_slice %arg6[%dma_wait3A_554, %dma_wait3A_555] : memref<40x128xi32, #tpu.memory_space<vmem>> -> memref<1x128xi32, #tpu.memory_space<vmem>>
    %dma_wait3A_557 = tpu.memref_squeeze %dma_wait3A_556 : memref<1x128xi32, #tpu.memory_space<vmem>> -> memref<128xi32, #tpu.memory_space<vmem>>
    %dma_wait3A_558 = arith.constant 0 : i32
    %dma_wait3A_559 = arith.constant 0 : i32
    %dma_wait3A_560 = tpu.memref_slice %arg4[%dma_wait3A_558, %dma_wait3A_559] : memref<10128x128xf32, #tpu.memory_space<hbm>> -> memref<10128x128xf32, #tpu.memory_space<hbm>>
    tpu.wait_indirect_dma semaphore(%arg12 : memref<!tpu.dma_semaphore, #tpu.memory_space<semaphore_mem>>) src(%dma_wait3A_560 : memref<10128x128xf32, #tpu.memory_space<hbm>>) dst(%arg9 : memref<128x128xf32, #tpu.memory_space<vmem>>)
    %dma_start3A_561 = arith.constant 36 : i32
    %dma_start3A_562 = arith.constant 0 : i32
    %dma_start3A_563 = tpu.memref_slice %arg6[%dma_start3A_561, %dma_start3A_562] : memref<40x128xi32, #tpu.memory_space<vmem>> -> memref<1x128xi32, #tpu.memory_space<vmem>>
    %dma_start3A_564 = tpu.memref_squeeze %dma_start3A_563 : memref<1x128xi32, #tpu.memory_space<vmem>> -> memref<128xi32, #tpu.memory_space<vmem>>
    %dma_start3A_565 = arith.constant 0 : i32
    %dma_start3A_566 = arith.constant 0 : i32
    %dma_start3A_567 = tpu.memref_slice %arg4[%dma_start3A_565, %dma_start3A_566] : memref<10128x128xf32, #tpu.memory_space<hbm>> -> memref<10128x128xf32, #tpu.memory_space<hbm>>
    tpu.enqueue_indirect_dma source(%dma_start3A_567 : memref<10128x128xf32, #tpu.memory_space<hbm>>) target(%arg8 : memref<128x128xf32, #tpu.memory_space<vmem>>) offsets(%dma_start3A_564 : memref<128xi32, #tpu.memory_space<vmem>>) semaphore(%arg11 : memref<!tpu.dma_semaphore, #tpu.memory_space<semaphore_mem>>)
    %run_scoped3A_568 = arith.constant 35 : i32
    "tpu.region"() ({
      %run_scoped3A_1258 = tpu.sem_alloc : memref<!tpu.dma_semaphore, #tpu.memory_space<semaphore_mem>>
      %dma_start3A_1259 = arith.constant 0 : i32
      %dma_start3A_1260 = tpu.memref_slice %arg7[%run_scoped3A_568, %dma_start3A_1259] : memref<40x128xi32, #tpu.memory_space<vmem>> -> memref<1x128xi32, #tpu.memory_space<vmem>>
      %dma_start3A_1261 = tpu.memref_squeeze %dma_start3A_1260 : memref<1x128xi32, #tpu.memory_space<vmem>> -> memref<128xi32, #tpu.memory_space<vmem>>
      %dma_start3A_1262 = arith.constant 0 : i32
      %dma_start3A_1263 = arith.constant 0 : i32
      %dma_start3A_1264 = tpu.memref_slice %arg10[%dma_start3A_1262, %dma_start3A_1263] : memref<10240x128xf32, #tpu.memory_space<vmem_shared>> -> memref<10240x128xf32, #tpu.memory_space<vmem_shared>>
      tpu.enqueue_indirect_dma source(%arg9 : memref<128x128xf32, #tpu.memory_space<vmem>>) target(%dma_start3A_1264 : memref<10240x128xf32, #tpu.memory_space<vmem_shared>>) offsets(%dma_start3A_1261 : memref<128xi32, #tpu.memory_space<vmem>>) semaphore(%run_scoped3A_1258 : memref<!tpu.dma_semaphore, #tpu.memory_space<semaphore_mem>>) {add = true}
      %dma_wait3A_1265 = arith.constant 0 : i32
      %dma_wait3A_1266 = tpu.memref_slice %arg7[%run_scoped3A_568, %dma_wait3A_1265] : memref<40x128xi32, #tpu.memory_space<vmem>> -> memref<1x128xi32, #tpu.memory_space<vmem>>
      %dma_wait3A_1267 = tpu.memref_squeeze %dma_wait3A_1266 : memref<1x128xi32, #tpu.memory_space<vmem>> -> memref<128xi32, #tpu.memory_space<vmem>>
      %dma_wait3A_1268 = arith.constant 0 : i32
      %dma_wait3A_1269 = arith.constant 0 : i32
      %dma_wait3A_1270 = tpu.memref_slice %arg10[%dma_wait3A_1268, %dma_wait3A_1269] : memref<10240x128xf32, #tpu.memory_space<vmem_shared>> -> memref<10240x128xf32, #tpu.memory_space<vmem_shared>>
      tpu.wait_indirect_dma semaphore(%run_scoped3A_1258 : memref<!tpu.dma_semaphore, #tpu.memory_space<semaphore_mem>>) src(%arg9 : memref<128x128xf32, #tpu.memory_space<vmem>>) dst(%dma_wait3A_1270 : memref<10240x128xf32, #tpu.memory_space<vmem_shared>>)
      tpu.yield
    }) : () -> ()
    %dma_wait3A_569 = arith.constant 36 : i32
    %dma_wait3A_570 = arith.constant 0 : i32
    %dma_wait3A_571 = tpu.memref_slice %arg6[%dma_wait3A_569, %dma_wait3A_570] : memref<40x128xi32, #tpu.memory_space<vmem>> -> memref<1x128xi32, #tpu.memory_space<vmem>>
    %dma_wait3A_572 = tpu.memref_squeeze %dma_wait3A_571 : memref<1x128xi32, #tpu.memory_space<vmem>> -> memref<128xi32, #tpu.memory_space<vmem>>
    %dma_wait3A_573 = arith.constant 0 : i32
    %dma_wait3A_574 = arith.constant 0 : i32
    %dma_wait3A_575 = tpu.memref_slice %arg4[%dma_wait3A_573, %dma_wait3A_574] : memref<10128x128xf32, #tpu.memory_space<hbm>> -> memref<10128x128xf32, #tpu.memory_space<hbm>>
    tpu.wait_indirect_dma semaphore(%arg11 : memref<!tpu.dma_semaphore, #tpu.memory_space<semaphore_mem>>) src(%dma_wait3A_575 : memref<10128x128xf32, #tpu.memory_space<hbm>>) dst(%arg8 : memref<128x128xf32, #tpu.memory_space<vmem>>)
    %dma_start3A_576 = arith.constant 37 : i32
    %dma_start3A_577 = arith.constant 0 : i32
    %dma_start3A_578 = tpu.memref_slice %arg6[%dma_start3A_576, %dma_start3A_577] : memref<40x128xi32, #tpu.memory_space<vmem>> -> memref<1x128xi32, #tpu.memory_space<vmem>>
    %dma_start3A_579 = tpu.memref_squeeze %dma_start3A_578 : memref<1x128xi32, #tpu.memory_space<vmem>> -> memref<128xi32, #tpu.memory_space<vmem>>
    %dma_start3A_580 = arith.constant 0 : i32
    %dma_start3A_581 = arith.constant 0 : i32
    %dma_start3A_582 = tpu.memref_slice %arg4[%dma_start3A_580, %dma_start3A_581] : memref<10128x128xf32, #tpu.memory_space<hbm>> -> memref<10128x128xf32, #tpu.memory_space<hbm>>
    tpu.enqueue_indirect_dma source(%dma_start3A_582 : memref<10128x128xf32, #tpu.memory_space<hbm>>) target(%arg9 : memref<128x128xf32, #tpu.memory_space<vmem>>) offsets(%dma_start3A_579 : memref<128xi32, #tpu.memory_space<vmem>>) semaphore(%arg12 : memref<!tpu.dma_semaphore, #tpu.memory_space<semaphore_mem>>)
    %run_scoped3A_583 = arith.constant 36 : i32
    "tpu.region"() ({
      %run_scoped3A_1258 = tpu.sem_alloc : memref<!tpu.dma_semaphore, #tpu.memory_space<semaphore_mem>>
      %dma_start3A_1259 = arith.constant 0 : i32
      %dma_start3A_1260 = tpu.memref_slice %arg7[%run_scoped3A_583, %dma_start3A_1259] : memref<40x128xi32, #tpu.memory_space<vmem>> -> memref<1x128xi32, #tpu.memory_space<vmem>>
      %dma_start3A_1261 = tpu.memref_squeeze %dma_start3A_1260 : memref<1x128xi32, #tpu.memory_space<vmem>> -> memref<128xi32, #tpu.memory_space<vmem>>
      %dma_start3A_1262 = arith.constant 0 : i32
      %dma_start3A_1263 = arith.constant 0 : i32
      %dma_start3A_1264 = tpu.memref_slice %arg10[%dma_start3A_1262, %dma_start3A_1263] : memref<10240x128xf32, #tpu.memory_space<vmem_shared>> -> memref<10240x128xf32, #tpu.memory_space<vmem_shared>>
      tpu.enqueue_indirect_dma source(%arg8 : memref<128x128xf32, #tpu.memory_space<vmem>>) target(%dma_start3A_1264 : memref<10240x128xf32, #tpu.memory_space<vmem_shared>>) offsets(%dma_start3A_1261 : memref<128xi32, #tpu.memory_space<vmem>>) semaphore(%run_scoped3A_1258 : memref<!tpu.dma_semaphore, #tpu.memory_space<semaphore_mem>>) {add = true}
      %dma_wait3A_1265 = arith.constant 0 : i32
      %dma_wait3A_1266 = tpu.memref_slice %arg7[%run_scoped3A_583, %dma_wait3A_1265] : memref<40x128xi32, #tpu.memory_space<vmem>> -> memref<1x128xi32, #tpu.memory_space<vmem>>
      %dma_wait3A_1267 = tpu.memref_squeeze %dma_wait3A_1266 : memref<1x128xi32, #tpu.memory_space<vmem>> -> memref<128xi32, #tpu.memory_space<vmem>>
      %dma_wait3A_1268 = arith.constant 0 : i32
      %dma_wait3A_1269 = arith.constant 0 : i32
      %dma_wait3A_1270 = tpu.memref_slice %arg10[%dma_wait3A_1268, %dma_wait3A_1269] : memref<10240x128xf32, #tpu.memory_space<vmem_shared>> -> memref<10240x128xf32, #tpu.memory_space<vmem_shared>>
      tpu.wait_indirect_dma semaphore(%run_scoped3A_1258 : memref<!tpu.dma_semaphore, #tpu.memory_space<semaphore_mem>>) src(%arg8 : memref<128x128xf32, #tpu.memory_space<vmem>>) dst(%dma_wait3A_1270 : memref<10240x128xf32, #tpu.memory_space<vmem_shared>>)
      tpu.yield
    }) : () -> ()
    %dma_wait3A_584 = arith.constant 37 : i32
    %dma_wait3A_585 = arith.constant 0 : i32
    %dma_wait3A_586 = tpu.memref_slice %arg6[%dma_wait3A_584, %dma_wait3A_585] : memref<40x128xi32, #tpu.memory_space<vmem>> -> memref<1x128xi32, #tpu.memory_space<vmem>>
    %dma_wait3A_587 = tpu.memref_squeeze %dma_wait3A_586 : memref<1x128xi32, #tpu.memory_space<vmem>> -> memref<128xi32, #tpu.memory_space<vmem>>
    %dma_wait3A_588 = arith.constant 0 : i32
    %dma_wait3A_589 = arith.constant 0 : i32
    %dma_wait3A_590 = tpu.memref_slice %arg4[%dma_wait3A_588, %dma_wait3A_589] : memref<10128x128xf32, #tpu.memory_space<hbm>> -> memref<10128x128xf32, #tpu.memory_space<hbm>>
    tpu.wait_indirect_dma semaphore(%arg12 : memref<!tpu.dma_semaphore, #tpu.memory_space<semaphore_mem>>) src(%dma_wait3A_590 : memref<10128x128xf32, #tpu.memory_space<hbm>>) dst(%arg9 : memref<128x128xf32, #tpu.memory_space<vmem>>)
    %dma_start3A_591 = arith.constant 38 : i32
    %dma_start3A_592 = arith.constant 0 : i32
    %dma_start3A_593 = tpu.memref_slice %arg6[%dma_start3A_591, %dma_start3A_592] : memref<40x128xi32, #tpu.memory_space<vmem>> -> memref<1x128xi32, #tpu.memory_space<vmem>>
    %dma_start3A_594 = tpu.memref_squeeze %dma_start3A_593 : memref<1x128xi32, #tpu.memory_space<vmem>> -> memref<128xi32, #tpu.memory_space<vmem>>
    %dma_start3A_595 = arith.constant 0 : i32
    %dma_start3A_596 = arith.constant 0 : i32
    %dma_start3A_597 = tpu.memref_slice %arg4[%dma_start3A_595, %dma_start3A_596] : memref<10128x128xf32, #tpu.memory_space<hbm>> -> memref<10128x128xf32, #tpu.memory_space<hbm>>
    tpu.enqueue_indirect_dma source(%dma_start3A_597 : memref<10128x128xf32, #tpu.memory_space<hbm>>) target(%arg8 : memref<128x128xf32, #tpu.memory_space<vmem>>) offsets(%dma_start3A_594 : memref<128xi32, #tpu.memory_space<vmem>>) semaphore(%arg11 : memref<!tpu.dma_semaphore, #tpu.memory_space<semaphore_mem>>)
    %run_scoped3A_598 = arith.constant 37 : i32
    "tpu.region"() ({
      %run_scoped3A_1258 = tpu.sem_alloc : memref<!tpu.dma_semaphore, #tpu.memory_space<semaphore_mem>>
      %dma_start3A_1259 = arith.constant 0 : i32
      %dma_start3A_1260 = tpu.memref_slice %arg7[%run_scoped3A_598, %dma_start3A_1259] : memref<40x128xi32, #tpu.memory_space<vmem>> -> memref<1x128xi32, #tpu.memory_space<vmem>>
      %dma_start3A_1261 = tpu.memref_squeeze %dma_start3A_1260 : memref<1x128xi32, #tpu.memory_space<vmem>> -> memref<128xi32, #tpu.memory_space<vmem>>
      %dma_start3A_1262 = arith.constant 0 : i32
      %dma_start3A_1263 = arith.constant 0 : i32
      %dma_start3A_1264 = tpu.memref_slice %arg10[%dma_start3A_1262, %dma_start3A_1263] : memref<10240x128xf32, #tpu.memory_space<vmem_shared>> -> memref<10240x128xf32, #tpu.memory_space<vmem_shared>>
      tpu.enqueue_indirect_dma source(%arg9 : memref<128x128xf32, #tpu.memory_space<vmem>>) target(%dma_start3A_1264 : memref<10240x128xf32, #tpu.memory_space<vmem_shared>>) offsets(%dma_start3A_1261 : memref<128xi32, #tpu.memory_space<vmem>>) semaphore(%run_scoped3A_1258 : memref<!tpu.dma_semaphore, #tpu.memory_space<semaphore_mem>>) {add = true}
      %dma_wait3A_1265 = arith.constant 0 : i32
      %dma_wait3A_1266 = tpu.memref_slice %arg7[%run_scoped3A_598, %dma_wait3A_1265] : memref<40x128xi32, #tpu.memory_space<vmem>> -> memref<1x128xi32, #tpu.memory_space<vmem>>
      %dma_wait3A_1267 = tpu.memref_squeeze %dma_wait3A_1266 : memref<1x128xi32, #tpu.memory_space<vmem>> -> memref<128xi32, #tpu.memory_space<vmem>>
      %dma_wait3A_1268 = arith.constant 0 : i32
      %dma_wait3A_1269 = arith.constant 0 : i32
      %dma_wait3A_1270 = tpu.memref_slice %arg10[%dma_wait3A_1268, %dma_wait3A_1269] : memref<10240x128xf32, #tpu.memory_space<vmem_shared>> -> memref<10240x128xf32, #tpu.memory_space<vmem_shared>>
      tpu.wait_indirect_dma semaphore(%run_scoped3A_1258 : memref<!tpu.dma_semaphore, #tpu.memory_space<semaphore_mem>>) src(%arg9 : memref<128x128xf32, #tpu.memory_space<vmem>>) dst(%dma_wait3A_1270 : memref<10240x128xf32, #tpu.memory_space<vmem_shared>>)
      tpu.yield
    }) : () -> ()
    %dma_wait3A_599 = arith.constant 38 : i32
    %dma_wait3A_600 = arith.constant 0 : i32
    %dma_wait3A_601 = tpu.memref_slice %arg6[%dma_wait3A_599, %dma_wait3A_600] : memref<40x128xi32, #tpu.memory_space<vmem>> -> memref<1x128xi32, #tpu.memory_space<vmem>>
    %dma_wait3A_602 = tpu.memref_squeeze %dma_wait3A_601 : memref<1x128xi32, #tpu.memory_space<vmem>> -> memref<128xi32, #tpu.memory_space<vmem>>
    %dma_wait3A_603 = arith.constant 0 : i32
    %dma_wait3A_604 = arith.constant 0 : i32
    %dma_wait3A_605 = tpu.memref_slice %arg4[%dma_wait3A_603, %dma_wait3A_604] : memref<10128x128xf32, #tpu.memory_space<hbm>> -> memref<10128x128xf32, #tpu.memory_space<hbm>>
    tpu.wait_indirect_dma semaphore(%arg11 : memref<!tpu.dma_semaphore, #tpu.memory_space<semaphore_mem>>) src(%dma_wait3A_605 : memref<10128x128xf32, #tpu.memory_space<hbm>>) dst(%arg8 : memref<128x128xf32, #tpu.memory_space<vmem>>)
    %dma_start3A_606 = arith.constant 39 : i32
    %dma_start3A_607 = arith.constant 0 : i32
    %dma_start3A_608 = tpu.memref_slice %arg6[%dma_start3A_606, %dma_start3A_607] : memref<40x128xi32, #tpu.memory_space<vmem>> -> memref<1x128xi32, #tpu.memory_space<vmem>>
    %dma_start3A_609 = tpu.memref_squeeze %dma_start3A_608 : memref<1x128xi32, #tpu.memory_space<vmem>> -> memref<128xi32, #tpu.memory_space<vmem>>
    %dma_start3A_610 = arith.constant 0 : i32
    %dma_start3A_611 = arith.constant 0 : i32
    %dma_start3A_612 = tpu.memref_slice %arg4[%dma_start3A_610, %dma_start3A_611] : memref<10128x128xf32, #tpu.memory_space<hbm>> -> memref<10128x128xf32, #tpu.memory_space<hbm>>
    tpu.enqueue_indirect_dma source(%dma_start3A_612 : memref<10128x128xf32, #tpu.memory_space<hbm>>) target(%arg9 : memref<128x128xf32, #tpu.memory_space<vmem>>) offsets(%dma_start3A_609 : memref<128xi32, #tpu.memory_space<vmem>>) semaphore(%arg12 : memref<!tpu.dma_semaphore, #tpu.memory_space<semaphore_mem>>)
    %run_scoped3A_613 = arith.constant 38 : i32
    "tpu.region"() ({
      %run_scoped3A_1258 = tpu.sem_alloc : memref<!tpu.dma_semaphore, #tpu.memory_space<semaphore_mem>>
      %dma_start3A_1259 = arith.constant 0 : i32
      %dma_start3A_1260 = tpu.memref_slice %arg7[%run_scoped3A_613, %dma_start3A_1259] : memref<40x128xi32, #tpu.memory_space<vmem>> -> memref<1x128xi32, #tpu.memory_space<vmem>>
      %dma_start3A_1261 = tpu.memref_squeeze %dma_start3A_1260 : memref<1x128xi32, #tpu.memory_space<vmem>> -> memref<128xi32, #tpu.memory_space<vmem>>
      %dma_start3A_1262 = arith.constant 0 : i32
      %dma_start3A_1263 = arith.constant 0 : i32
      %dma_start3A_1264 = tpu.memref_slice %arg10[%dma_start3A_1262, %dma_start3A_1263] : memref<10240x128xf32, #tpu.memory_space<vmem_shared>> -> memref<10240x128xf32, #tpu.memory_space<vmem_shared>>
      tpu.enqueue_indirect_dma source(%arg8 : memref<128x128xf32, #tpu.memory_space<vmem>>) target(%dma_start3A_1264 : memref<10240x128xf32, #tpu.memory_space<vmem_shared>>) offsets(%dma_start3A_1261 : memref<128xi32, #tpu.memory_space<vmem>>) semaphore(%run_scoped3A_1258 : memref<!tpu.dma_semaphore, #tpu.memory_space<semaphore_mem>>) {add = true}
      %dma_wait3A_1265 = arith.constant 0 : i32
      %dma_wait3A_1266 = tpu.memref_slice %arg7[%run_scoped3A_613, %dma_wait3A_1265] : memref<40x128xi32, #tpu.memory_space<vmem>> -> memref<1x128xi32, #tpu.memory_space<vmem>>
      %dma_wait3A_1267 = tpu.memref_squeeze %dma_wait3A_1266 : memref<1x128xi32, #tpu.memory_space<vmem>> -> memref<128xi32, #tpu.memory_space<vmem>>
      %dma_wait3A_1268 = arith.constant 0 : i32
      %dma_wait3A_1269 = arith.constant 0 : i32
      %dma_wait3A_1270 = tpu.memref_slice %arg10[%dma_wait3A_1268, %dma_wait3A_1269] : memref<10240x128xf32, #tpu.memory_space<vmem_shared>> -> memref<10240x128xf32, #tpu.memory_space<vmem_shared>>
      tpu.wait_indirect_dma semaphore(%run_scoped3A_1258 : memref<!tpu.dma_semaphore, #tpu.memory_space<semaphore_mem>>) src(%arg8 : memref<128x128xf32, #tpu.memory_space<vmem>>) dst(%dma_wait3A_1270 : memref<10240x128xf32, #tpu.memory_space<vmem_shared>>)
      tpu.yield
    }) : () -> ()
    %dma_wait3A_614 = arith.constant 39 : i32
    %dma_wait3A_615 = arith.constant 0 : i32
    %dma_wait3A_616 = tpu.memref_slice %arg6[%dma_wait3A_614, %dma_wait3A_615] : memref<40x128xi32, #tpu.memory_space<vmem>> -> memref<1x128xi32, #tpu.memory_space<vmem>>
    %dma_wait3A_617 = tpu.memref_squeeze %dma_wait3A_616 : memref<1x128xi32, #tpu.memory_space<vmem>> -> memref<128xi32, #tpu.memory_space<vmem>>
    %dma_wait3A_618 = arith.constant 0 : i32
    %dma_wait3A_619 = arith.constant 0 : i32
    %dma_wait3A_620 = tpu.memref_slice %arg4[%dma_wait3A_618, %dma_wait3A_619] : memref<10128x128xf32, #tpu.memory_space<hbm>> -> memref<10128x128xf32, #tpu.memory_space<hbm>>
    tpu.wait_indirect_dma semaphore(%arg12 : memref<!tpu.dma_semaphore, #tpu.memory_space<semaphore_mem>>) src(%dma_wait3A_620 : memref<10128x128xf32, #tpu.memory_space<hbm>>) dst(%arg9 : memref<128x128xf32, #tpu.memory_space<vmem>>)
    %run_scoped3A_621 = arith.constant 39 : i32
    "tpu.region"() ({
      %run_scoped3A_1258 = tpu.sem_alloc : memref<!tpu.dma_semaphore, #tpu.memory_space<semaphore_mem>>
      %dma_start3A_1259 = arith.constant 0 : i32
      %dma_start3A_1260 = tpu.memref_slice %arg7[%run_scoped3A_621, %dma_start3A_1259] : memref<40x128xi32, #tpu.memory_space<vmem>> -> memref<1x128xi32, #tpu.memory_space<vmem>>
      %dma_start3A_1261 = tpu.memref_squeeze %dma_start3A_1260 : memref<1x128xi32, #tpu.memory_space<vmem>> -> memref<128xi32, #tpu.memory_space<vmem>>
      %dma_start3A_1262 = arith.constant 0 : i32
      %dma_start3A_1263 = arith.constant 0 : i32
      %dma_start3A_1264 = tpu.memref_slice %arg10[%dma_start3A_1262, %dma_start3A_1263] : memref<10240x128xf32, #tpu.memory_space<vmem_shared>> -> memref<10240x128xf32, #tpu.memory_space<vmem_shared>>
      tpu.enqueue_indirect_dma source(%arg9 : memref<128x128xf32, #tpu.memory_space<vmem>>) target(%dma_start3A_1264 : memref<10240x128xf32, #tpu.memory_space<vmem_shared>>) offsets(%dma_start3A_1261 : memref<128xi32, #tpu.memory_space<vmem>>) semaphore(%run_scoped3A_1258 : memref<!tpu.dma_semaphore, #tpu.memory_space<semaphore_mem>>) {add = true}
      %dma_wait3A_1265 = arith.constant 0 : i32
      %dma_wait3A_1266 = tpu.memref_slice %arg7[%run_scoped3A_621, %dma_wait3A_1265] : memref<40x128xi32, #tpu.memory_space<vmem>> -> memref<1x128xi32, #tpu.memory_space<vmem>>
      %dma_wait3A_1267 = tpu.memref_squeeze %dma_wait3A_1266 : memref<1x128xi32, #tpu.memory_space<vmem>> -> memref<128xi32, #tpu.memory_space<vmem>>
      %dma_wait3A_1268 = arith.constant 0 : i32
      %dma_wait3A_1269 = arith.constant 0 : i32
      %dma_wait3A_1270 = tpu.memref_slice %arg10[%dma_wait3A_1268, %dma_wait3A_1269] : memref<10240x128xf32, #tpu.memory_space<vmem_shared>> -> memref<10240x128xf32, #tpu.memory_space<vmem_shared>>
      tpu.wait_indirect_dma semaphore(%run_scoped3A_1258 : memref<!tpu.dma_semaphore, #tpu.memory_space<semaphore_mem>>) src(%arg9 : memref<128x128xf32, #tpu.memory_space<vmem>>) dst(%dma_wait3A_1270 : memref<10240x128xf32, #tpu.memory_space<vmem_shared>>)
      tpu.yield
    }) : () -> ()
    %mul3A_622 = arith.constant 80 : i32
    %mul3A_623 = arith.muli %add3A_20, %mul3A_622 : i32
    %add3A_624 = arith.constant 40 : i32
    %add3A_625 = arith.addi %mul3A_623, %add3A_624 : i32
    "tpu.region"() ({
      %run_scoped3A_1258 = tpu.sem_alloc : memref<!tpu.dma_semaphore, #tpu.memory_space<semaphore_mem>>
      %dma_start3A_1259 = arith.constant 0 : i32
      %dma_start3A_1260 = tpu.memref_slice %arg2[%add3A_625, %dma_start3A_1259] : memref<2560x128xi32, #tpu.memory_space<hbm>> -> memref<40x128xi32, #tpu.memory_space<hbm>>
      %dma_start3A_1261 = arith.constant 0 : i32
      %dma_start3A_1262 = tpu.memref_slice %arg2[%add3A_625, %dma_start3A_1261] : memref<2560x128xi32, #tpu.memory_space<hbm>> -> memref<40x128xi32, #tpu.memory_space<hbm>>
      tpu.enqueue_dma source(%dma_start3A_1262 : memref<40x128xi32, #tpu.memory_space<hbm>>) target(%arg6 : memref<40x128xi32, #tpu.memory_space<vmem>>) target_semaphore(%run_scoped3A_1258 : memref<!tpu.dma_semaphore, #tpu.memory_space<semaphore_mem>>)
      %dma_wait3A_1263 = arith.constant 0 : i32
      %dma_wait3A_1264 = tpu.memref_slice %arg2[%add3A_625, %dma_wait3A_1263] : memref<2560x128xi32, #tpu.memory_space<hbm>> -> memref<40x128xi32, #tpu.memory_space<hbm>>
      %dma_wait3A_1265 = arith.constant 0 : i32
      %dma_wait3A_1266 = tpu.memref_slice %arg2[%add3A_625, %dma_wait3A_1265] : memref<2560x128xi32, #tpu.memory_space<hbm>> -> memref<40x128xi32, #tpu.memory_space<hbm>>
      tpu.wait_dma2 semaphore(%run_scoped3A_1258 : memref<!tpu.dma_semaphore, #tpu.memory_space<semaphore_mem>>) src(%dma_wait3A_1266 : memref<40x128xi32, #tpu.memory_space<hbm>>) dst(%arg6 : memref<40x128xi32, #tpu.memory_space<vmem>>)
      tpu.yield
    }) : () -> ()
    "tpu.region"() ({
      %run_scoped3A_1258 = tpu.sem_alloc : memref<!tpu.dma_semaphore, #tpu.memory_space<semaphore_mem>>
      %dma_start3A_1259 = arith.constant 0 : i32
      %dma_start3A_1260 = tpu.memref_slice %arg3[%add3A_625, %dma_start3A_1259] : memref<2560x128xi32, #tpu.memory_space<hbm>> -> memref<40x128xi32, #tpu.memory_space<hbm>>
      %dma_start3A_1261 = arith.constant 0 : i32
      %dma_start3A_1262 = tpu.memref_slice %arg3[%add3A_625, %dma_start3A_1261] : memref<2560x128xi32, #tpu.memory_space<hbm>> -> memref<40x128xi32, #tpu.memory_space<hbm>>
      tpu.enqueue_dma source(%dma_start3A_1262 : memref<40x128xi32, #tpu.memory_space<hbm>>) target(%arg7 : memref<40x128xi32, #tpu.memory_space<vmem>>) target_semaphore(%run_scoped3A_1258 : memref<!tpu.dma_semaphore, #tpu.memory_space<semaphore_mem>>)
      %dma_wait3A_1263 = arith.constant 0 : i32
      %dma_wait3A_1264 = tpu.memref_slice %arg3[%add3A_625, %dma_wait3A_1263] : memref<2560x128xi32, #tpu.memory_space<hbm>> -> memref<40x128xi32, #tpu.memory_space<hbm>>
      %dma_wait3A_1265 = arith.constant 0 : i32
      %dma_wait3A_1266 = tpu.memref_slice %arg3[%add3A_625, %dma_wait3A_1265] : memref<2560x128xi32, #tpu.memory_space<hbm>> -> memref<40x128xi32, #tpu.memory_space<hbm>>
      tpu.wait_dma2 semaphore(%run_scoped3A_1258 : memref<!tpu.dma_semaphore, #tpu.memory_space<semaphore_mem>>) src(%dma_wait3A_1266 : memref<40x128xi32, #tpu.memory_space<hbm>>) dst(%arg7 : memref<40x128xi32, #tpu.memory_space<vmem>>)
      tpu.yield
    }) : () -> ()
    %dma_start3A_626 = arith.constant 0 : i32
    %dma_start3A_627 = arith.constant 0 : i32
    %dma_start3A_628 = tpu.memref_slice %arg6[%dma_start3A_626, %dma_start3A_627] : memref<40x128xi32, #tpu.memory_space<vmem>> -> memref<1x128xi32, #tpu.memory_space<vmem>>
    %dma_start3A_629 = tpu.memref_squeeze %dma_start3A_628 : memref<1x128xi32, #tpu.memory_space<vmem>> -> memref<128xi32, #tpu.memory_space<vmem>>
    %dma_start3A_630 = arith.constant 0 : i32
    %dma_start3A_631 = arith.constant 0 : i32
    %dma_start3A_632 = tpu.memref_slice %arg4[%dma_start3A_630, %dma_start3A_631] : memref<10128x128xf32, #tpu.memory_space<hbm>> -> memref<10128x128xf32, #tpu.memory_space<hbm>>
    tpu.enqueue_indirect_dma source(%dma_start3A_632 : memref<10128x128xf32, #tpu.memory_space<hbm>>) target(%arg8 : memref<128x128xf32, #tpu.memory_space<vmem>>) offsets(%dma_start3A_629 : memref<128xi32, #tpu.memory_space<vmem>>) semaphore(%arg11 : memref<!tpu.dma_semaphore, #tpu.memory_space<semaphore_mem>>)
    %dma_wait3A_633 = arith.constant 0 : i32
    %dma_wait3A_634 = arith.constant 0 : i32
    %dma_wait3A_635 = tpu.memref_slice %arg6[%dma_wait3A_633, %dma_wait3A_634] : memref<40x128xi32, #tpu.memory_space<vmem>> -> memref<1x128xi32, #tpu.memory_space<vmem>>
    %dma_wait3A_636 = tpu.memref_squeeze %dma_wait3A_635 : memref<1x128xi32, #tpu.memory_space<vmem>> -> memref<128xi32, #tpu.memory_space<vmem>>
    %dma_wait3A_637 = arith.constant 0 : i32
    %dma_wait3A_638 = arith.constant 0 : i32
    %dma_wait3A_639 = tpu.memref_slice %arg4[%dma_wait3A_637, %dma_wait3A_638] : memref<10128x128xf32, #tpu.memory_space<hbm>> -> memref<10128x128xf32, #tpu.memory_space<hbm>>
    tpu.wait_indirect_dma semaphore(%arg11 : memref<!tpu.dma_semaphore, #tpu.memory_space<semaphore_mem>>) src(%dma_wait3A_639 : memref<10128x128xf32, #tpu.memory_space<hbm>>) dst(%arg8 : memref<128x128xf32, #tpu.memory_space<vmem>>)
    %dma_start3A_640 = arith.constant 1 : i32
    %dma_start3A_641 = arith.constant 0 : i32
    %dma_start3A_642 = tpu.memref_slice %arg6[%dma_start3A_640, %dma_start3A_641] : memref<40x128xi32, #tpu.memory_space<vmem>> -> memref<1x128xi32, #tpu.memory_space<vmem>>
    %dma_start3A_643 = tpu.memref_squeeze %dma_start3A_642 : memref<1x128xi32, #tpu.memory_space<vmem>> -> memref<128xi32, #tpu.memory_space<vmem>>
    %dma_start3A_644 = arith.constant 0 : i32
    %dma_start3A_645 = arith.constant 0 : i32
    %dma_start3A_646 = tpu.memref_slice %arg4[%dma_start3A_644, %dma_start3A_645] : memref<10128x128xf32, #tpu.memory_space<hbm>> -> memref<10128x128xf32, #tpu.memory_space<hbm>>
    tpu.enqueue_indirect_dma source(%dma_start3A_646 : memref<10128x128xf32, #tpu.memory_space<hbm>>) target(%arg9 : memref<128x128xf32, #tpu.memory_space<vmem>>) offsets(%dma_start3A_643 : memref<128xi32, #tpu.memory_space<vmem>>) semaphore(%arg12 : memref<!tpu.dma_semaphore, #tpu.memory_space<semaphore_mem>>)
    %run_scoped3A_647 = arith.constant 0 : i32
    "tpu.region"() ({
      %run_scoped3A_1258 = tpu.sem_alloc : memref<!tpu.dma_semaphore, #tpu.memory_space<semaphore_mem>>
      %dma_start3A_1259 = arith.constant 0 : i32
      %dma_start3A_1260 = tpu.memref_slice %arg7[%run_scoped3A_647, %dma_start3A_1259] : memref<40x128xi32, #tpu.memory_space<vmem>> -> memref<1x128xi32, #tpu.memory_space<vmem>>
      %dma_start3A_1261 = tpu.memref_squeeze %dma_start3A_1260 : memref<1x128xi32, #tpu.memory_space<vmem>> -> memref<128xi32, #tpu.memory_space<vmem>>
      %dma_start3A_1262 = arith.constant 0 : i32
      %dma_start3A_1263 = arith.constant 0 : i32
      %dma_start3A_1264 = tpu.memref_slice %arg10[%dma_start3A_1262, %dma_start3A_1263] : memref<10240x128xf32, #tpu.memory_space<vmem_shared>> -> memref<10240x128xf32, #tpu.memory_space<vmem_shared>>
      tpu.enqueue_indirect_dma source(%arg8 : memref<128x128xf32, #tpu.memory_space<vmem>>) target(%dma_start3A_1264 : memref<10240x128xf32, #tpu.memory_space<vmem_shared>>) offsets(%dma_start3A_1261 : memref<128xi32, #tpu.memory_space<vmem>>) semaphore(%run_scoped3A_1258 : memref<!tpu.dma_semaphore, #tpu.memory_space<semaphore_mem>>) {add = true}
      %dma_wait3A_1265 = arith.constant 0 : i32
      %dma_wait3A_1266 = tpu.memref_slice %arg7[%run_scoped3A_647, %dma_wait3A_1265] : memref<40x128xi32, #tpu.memory_space<vmem>> -> memref<1x128xi32, #tpu.memory_space<vmem>>
      %dma_wait3A_1267 = tpu.memref_squeeze %dma_wait3A_1266 : memref<1x128xi32, #tpu.memory_space<vmem>> -> memref<128xi32, #tpu.memory_space<vmem>>
      %dma_wait3A_1268 = arith.constant 0 : i32
      %dma_wait3A_1269 = arith.constant 0 : i32
      %dma_wait3A_1270 = tpu.memref_slice %arg10[%dma_wait3A_1268, %dma_wait3A_1269] : memref<10240x128xf32, #tpu.memory_space<vmem_shared>> -> memref<10240x128xf32, #tpu.memory_space<vmem_shared>>
      tpu.wait_indirect_dma semaphore(%run_scoped3A_1258 : memref<!tpu.dma_semaphore, #tpu.memory_space<semaphore_mem>>) src(%arg8 : memref<128x128xf32, #tpu.memory_space<vmem>>) dst(%dma_wait3A_1270 : memref<10240x128xf32, #tpu.memory_space<vmem_shared>>)
      tpu.yield
    }) : () -> ()
    %dma_wait3A_648 = arith.constant 1 : i32
    %dma_wait3A_649 = arith.constant 0 : i32
    %dma_wait3A_650 = tpu.memref_slice %arg6[%dma_wait3A_648, %dma_wait3A_649] : memref<40x128xi32, #tpu.memory_space<vmem>> -> memref<1x128xi32, #tpu.memory_space<vmem>>
    %dma_wait3A_651 = tpu.memref_squeeze %dma_wait3A_650 : memref<1x128xi32, #tpu.memory_space<vmem>> -> memref<128xi32, #tpu.memory_space<vmem>>
    %dma_wait3A_652 = arith.constant 0 : i32
    %dma_wait3A_653 = arith.constant 0 : i32
    %dma_wait3A_654 = tpu.memref_slice %arg4[%dma_wait3A_652, %dma_wait3A_653] : memref<10128x128xf32, #tpu.memory_space<hbm>> -> memref<10128x128xf32, #tpu.memory_space<hbm>>
    tpu.wait_indirect_dma semaphore(%arg12 : memref<!tpu.dma_semaphore, #tpu.memory_space<semaphore_mem>>) src(%dma_wait3A_654 : memref<10128x128xf32, #tpu.memory_space<hbm>>) dst(%arg9 : memref<128x128xf32, #tpu.memory_space<vmem>>)
    %dma_start3A_655 = arith.constant 2 : i32
    %dma_start3A_656 = arith.constant 0 : i32
    %dma_start3A_657 = tpu.memref_slice %arg6[%dma_start3A_655, %dma_start3A_656] : memref<40x128xi32, #tpu.memory_space<vmem>> -> memref<1x128xi32, #tpu.memory_space<vmem>>
    %dma_start3A_658 = tpu.memref_squeeze %dma_start3A_657 : memref<1x128xi32, #tpu.memory_space<vmem>> -> memref<128xi32, #tpu.memory_space<vmem>>
    %dma_start3A_659 = arith.constant 0 : i32
    %dma_start3A_660 = arith.constant 0 : i32
    %dma_start3A_661 = tpu.memref_slice %arg4[%dma_start3A_659, %dma_start3A_660] : memref<10128x128xf32, #tpu.memory_space<hbm>> -> memref<10128x128xf32, #tpu.memory_space<hbm>>
    tpu.enqueue_indirect_dma source(%dma_start3A_661 : memref<10128x128xf32, #tpu.memory_space<hbm>>) target(%arg8 : memref<128x128xf32, #tpu.memory_space<vmem>>) offsets(%dma_start3A_658 : memref<128xi32, #tpu.memory_space<vmem>>) semaphore(%arg11 : memref<!tpu.dma_semaphore, #tpu.memory_space<semaphore_mem>>)
    %run_scoped3A_662 = arith.constant 1 : i32
    "tpu.region"() ({
      %run_scoped3A_1258 = tpu.sem_alloc : memref<!tpu.dma_semaphore, #tpu.memory_space<semaphore_mem>>
      %dma_start3A_1259 = arith.constant 0 : i32
      %dma_start3A_1260 = tpu.memref_slice %arg7[%run_scoped3A_662, %dma_start3A_1259] : memref<40x128xi32, #tpu.memory_space<vmem>> -> memref<1x128xi32, #tpu.memory_space<vmem>>
      %dma_start3A_1261 = tpu.memref_squeeze %dma_start3A_1260 : memref<1x128xi32, #tpu.memory_space<vmem>> -> memref<128xi32, #tpu.memory_space<vmem>>
      %dma_start3A_1262 = arith.constant 0 : i32
      %dma_start3A_1263 = arith.constant 0 : i32
      %dma_start3A_1264 = tpu.memref_slice %arg10[%dma_start3A_1262, %dma_start3A_1263] : memref<10240x128xf32, #tpu.memory_space<vmem_shared>> -> memref<10240x128xf32, #tpu.memory_space<vmem_shared>>
      tpu.enqueue_indirect_dma source(%arg9 : memref<128x128xf32, #tpu.memory_space<vmem>>) target(%dma_start3A_1264 : memref<10240x128xf32, #tpu.memory_space<vmem_shared>>) offsets(%dma_start3A_1261 : memref<128xi32, #tpu.memory_space<vmem>>) semaphore(%run_scoped3A_1258 : memref<!tpu.dma_semaphore, #tpu.memory_space<semaphore_mem>>) {add = true}
      %dma_wait3A_1265 = arith.constant 0 : i32
      %dma_wait3A_1266 = tpu.memref_slice %arg7[%run_scoped3A_662, %dma_wait3A_1265] : memref<40x128xi32, #tpu.memory_space<vmem>> -> memref<1x128xi32, #tpu.memory_space<vmem>>
      %dma_wait3A_1267 = tpu.memref_squeeze %dma_wait3A_1266 : memref<1x128xi32, #tpu.memory_space<vmem>> -> memref<128xi32, #tpu.memory_space<vmem>>
      %dma_wait3A_1268 = arith.constant 0 : i32
      %dma_wait3A_1269 = arith.constant 0 : i32
      %dma_wait3A_1270 = tpu.memref_slice %arg10[%dma_wait3A_1268, %dma_wait3A_1269] : memref<10240x128xf32, #tpu.memory_space<vmem_shared>> -> memref<10240x128xf32, #tpu.memory_space<vmem_shared>>
      tpu.wait_indirect_dma semaphore(%run_scoped3A_1258 : memref<!tpu.dma_semaphore, #tpu.memory_space<semaphore_mem>>) src(%arg9 : memref<128x128xf32, #tpu.memory_space<vmem>>) dst(%dma_wait3A_1270 : memref<10240x128xf32, #tpu.memory_space<vmem_shared>>)
      tpu.yield
    }) : () -> ()
    %dma_wait3A_663 = arith.constant 2 : i32
    %dma_wait3A_664 = arith.constant 0 : i32
    %dma_wait3A_665 = tpu.memref_slice %arg6[%dma_wait3A_663, %dma_wait3A_664] : memref<40x128xi32, #tpu.memory_space<vmem>> -> memref<1x128xi32, #tpu.memory_space<vmem>>
    %dma_wait3A_666 = tpu.memref_squeeze %dma_wait3A_665 : memref<1x128xi32, #tpu.memory_space<vmem>> -> memref<128xi32, #tpu.memory_space<vmem>>
    %dma_wait3A_667 = arith.constant 0 : i32
    %dma_wait3A_668 = arith.constant 0 : i32
    %dma_wait3A_669 = tpu.memref_slice %arg4[%dma_wait3A_667, %dma_wait3A_668] : memref<10128x128xf32, #tpu.memory_space<hbm>> -> memref<10128x128xf32, #tpu.memory_space<hbm>>
    tpu.wait_indirect_dma semaphore(%arg11 : memref<!tpu.dma_semaphore, #tpu.memory_space<semaphore_mem>>) src(%dma_wait3A_669 : memref<10128x128xf32, #tpu.memory_space<hbm>>) dst(%arg8 : memref<128x128xf32, #tpu.memory_space<vmem>>)
    %dma_start3A_670 = arith.constant 3 : i32
    %dma_start3A_671 = arith.constant 0 : i32
    %dma_start3A_672 = tpu.memref_slice %arg6[%dma_start3A_670, %dma_start3A_671] : memref<40x128xi32, #tpu.memory_space<vmem>> -> memref<1x128xi32, #tpu.memory_space<vmem>>
    %dma_start3A_673 = tpu.memref_squeeze %dma_start3A_672 : memref<1x128xi32, #tpu.memory_space<vmem>> -> memref<128xi32, #tpu.memory_space<vmem>>
    %dma_start3A_674 = arith.constant 0 : i32
    %dma_start3A_675 = arith.constant 0 : i32
    %dma_start3A_676 = tpu.memref_slice %arg4[%dma_start3A_674, %dma_start3A_675] : memref<10128x128xf32, #tpu.memory_space<hbm>> -> memref<10128x128xf32, #tpu.memory_space<hbm>>
    tpu.enqueue_indirect_dma source(%dma_start3A_676 : memref<10128x128xf32, #tpu.memory_space<hbm>>) target(%arg9 : memref<128x128xf32, #tpu.memory_space<vmem>>) offsets(%dma_start3A_673 : memref<128xi32, #tpu.memory_space<vmem>>) semaphore(%arg12 : memref<!tpu.dma_semaphore, #tpu.memory_space<semaphore_mem>>)
    %run_scoped3A_677 = arith.constant 2 : i32
    "tpu.region"() ({
      %run_scoped3A_1258 = tpu.sem_alloc : memref<!tpu.dma_semaphore, #tpu.memory_space<semaphore_mem>>
      %dma_start3A_1259 = arith.constant 0 : i32
      %dma_start3A_1260 = tpu.memref_slice %arg7[%run_scoped3A_677, %dma_start3A_1259] : memref<40x128xi32, #tpu.memory_space<vmem>> -> memref<1x128xi32, #tpu.memory_space<vmem>>
      %dma_start3A_1261 = tpu.memref_squeeze %dma_start3A_1260 : memref<1x128xi32, #tpu.memory_space<vmem>> -> memref<128xi32, #tpu.memory_space<vmem>>
      %dma_start3A_1262 = arith.constant 0 : i32
      %dma_start3A_1263 = arith.constant 0 : i32
      %dma_start3A_1264 = tpu.memref_slice %arg10[%dma_start3A_1262, %dma_start3A_1263] : memref<10240x128xf32, #tpu.memory_space<vmem_shared>> -> memref<10240x128xf32, #tpu.memory_space<vmem_shared>>
      tpu.enqueue_indirect_dma source(%arg8 : memref<128x128xf32, #tpu.memory_space<vmem>>) target(%dma_start3A_1264 : memref<10240x128xf32, #tpu.memory_space<vmem_shared>>) offsets(%dma_start3A_1261 : memref<128xi32, #tpu.memory_space<vmem>>) semaphore(%run_scoped3A_1258 : memref<!tpu.dma_semaphore, #tpu.memory_space<semaphore_mem>>) {add = true}
      %dma_wait3A_1265 = arith.constant 0 : i32
      %dma_wait3A_1266 = tpu.memref_slice %arg7[%run_scoped3A_677, %dma_wait3A_1265] : memref<40x128xi32, #tpu.memory_space<vmem>> -> memref<1x128xi32, #tpu.memory_space<vmem>>
      %dma_wait3A_1267 = tpu.memref_squeeze %dma_wait3A_1266 : memref<1x128xi32, #tpu.memory_space<vmem>> -> memref<128xi32, #tpu.memory_space<vmem>>
      %dma_wait3A_1268 = arith.constant 0 : i32
      %dma_wait3A_1269 = arith.constant 0 : i32
      %dma_wait3A_1270 = tpu.memref_slice %arg10[%dma_wait3A_1268, %dma_wait3A_1269] : memref<10240x128xf32, #tpu.memory_space<vmem_shared>> -> memref<10240x128xf32, #tpu.memory_space<vmem_shared>>
      tpu.wait_indirect_dma semaphore(%run_scoped3A_1258 : memref<!tpu.dma_semaphore, #tpu.memory_space<semaphore_mem>>) src(%arg8 : memref<128x128xf32, #tpu.memory_space<vmem>>) dst(%dma_wait3A_1270 : memref<10240x128xf32, #tpu.memory_space<vmem_shared>>)
      tpu.yield
    }) : () -> ()
    %dma_wait3A_678 = arith.constant 3 : i32
    %dma_wait3A_679 = arith.constant 0 : i32
    %dma_wait3A_680 = tpu.memref_slice %arg6[%dma_wait3A_678, %dma_wait3A_679] : memref<40x128xi32, #tpu.memory_space<vmem>> -> memref<1x128xi32, #tpu.memory_space<vmem>>
    %dma_wait3A_681 = tpu.memref_squeeze %dma_wait3A_680 : memref<1x128xi32, #tpu.memory_space<vmem>> -> memref<128xi32, #tpu.memory_space<vmem>>
    %dma_wait3A_682 = arith.constant 0 : i32
    %dma_wait3A_683 = arith.constant 0 : i32
    %dma_wait3A_684 = tpu.memref_slice %arg4[%dma_wait3A_682, %dma_wait3A_683] : memref<10128x128xf32, #tpu.memory_space<hbm>> -> memref<10128x128xf32, #tpu.memory_space<hbm>>
    tpu.wait_indirect_dma semaphore(%arg12 : memref<!tpu.dma_semaphore, #tpu.memory_space<semaphore_mem>>) src(%dma_wait3A_684 : memref<10128x128xf32, #tpu.memory_space<hbm>>) dst(%arg9 : memref<128x128xf32, #tpu.memory_space<vmem>>)
    %dma_start3A_685 = arith.constant 4 : i32
    %dma_start3A_686 = arith.constant 0 : i32
    %dma_start3A_687 = tpu.memref_slice %arg6[%dma_start3A_685, %dma_start3A_686] : memref<40x128xi32, #tpu.memory_space<vmem>> -> memref<1x128xi32, #tpu.memory_space<vmem>>
    %dma_start3A_688 = tpu.memref_squeeze %dma_start3A_687 : memref<1x128xi32, #tpu.memory_space<vmem>> -> memref<128xi32, #tpu.memory_space<vmem>>
    %dma_start3A_689 = arith.constant 0 : i32
    %dma_start3A_690 = arith.constant 0 : i32
    %dma_start3A_691 = tpu.memref_slice %arg4[%dma_start3A_689, %dma_start3A_690] : memref<10128x128xf32, #tpu.memory_space<hbm>> -> memref<10128x128xf32, #tpu.memory_space<hbm>>
    tpu.enqueue_indirect_dma source(%dma_start3A_691 : memref<10128x128xf32, #tpu.memory_space<hbm>>) target(%arg8 : memref<128x128xf32, #tpu.memory_space<vmem>>) offsets(%dma_start3A_688 : memref<128xi32, #tpu.memory_space<vmem>>) semaphore(%arg11 : memref<!tpu.dma_semaphore, #tpu.memory_space<semaphore_mem>>)
    %run_scoped3A_692 = arith.constant 3 : i32
    "tpu.region"() ({
      %run_scoped3A_1258 = tpu.sem_alloc : memref<!tpu.dma_semaphore, #tpu.memory_space<semaphore_mem>>
      %dma_start3A_1259 = arith.constant 0 : i32
      %dma_start3A_1260 = tpu.memref_slice %arg7[%run_scoped3A_692, %dma_start3A_1259] : memref<40x128xi32, #tpu.memory_space<vmem>> -> memref<1x128xi32, #tpu.memory_space<vmem>>
      %dma_start3A_1261 = tpu.memref_squeeze %dma_start3A_1260 : memref<1x128xi32, #tpu.memory_space<vmem>> -> memref<128xi32, #tpu.memory_space<vmem>>
      %dma_start3A_1262 = arith.constant 0 : i32
      %dma_start3A_1263 = arith.constant 0 : i32
      %dma_start3A_1264 = tpu.memref_slice %arg10[%dma_start3A_1262, %dma_start3A_1263] : memref<10240x128xf32, #tpu.memory_space<vmem_shared>> -> memref<10240x128xf32, #tpu.memory_space<vmem_shared>>
      tpu.enqueue_indirect_dma source(%arg9 : memref<128x128xf32, #tpu.memory_space<vmem>>) target(%dma_start3A_1264 : memref<10240x128xf32, #tpu.memory_space<vmem_shared>>) offsets(%dma_start3A_1261 : memref<128xi32, #tpu.memory_space<vmem>>) semaphore(%run_scoped3A_1258 : memref<!tpu.dma_semaphore, #tpu.memory_space<semaphore_mem>>) {add = true}
      %dma_wait3A_1265 = arith.constant 0 : i32
      %dma_wait3A_1266 = tpu.memref_slice %arg7[%run_scoped3A_692, %dma_wait3A_1265] : memref<40x128xi32, #tpu.memory_space<vmem>> -> memref<1x128xi32, #tpu.memory_space<vmem>>
      %dma_wait3A_1267 = tpu.memref_squeeze %dma_wait3A_1266 : memref<1x128xi32, #tpu.memory_space<vmem>> -> memref<128xi32, #tpu.memory_space<vmem>>
      %dma_wait3A_1268 = arith.constant 0 : i32
      %dma_wait3A_1269 = arith.constant 0 : i32
      %dma_wait3A_1270 = tpu.memref_slice %arg10[%dma_wait3A_1268, %dma_wait3A_1269] : memref<10240x128xf32, #tpu.memory_space<vmem_shared>> -> memref<10240x128xf32, #tpu.memory_space<vmem_shared>>
      tpu.wait_indirect_dma semaphore(%run_scoped3A_1258 : memref<!tpu.dma_semaphore, #tpu.memory_space<semaphore_mem>>) src(%arg9 : memref<128x128xf32, #tpu.memory_space<vmem>>) dst(%dma_wait3A_1270 : memref<10240x128xf32, #tpu.memory_space<vmem_shared>>)
      tpu.yield
    }) : () -> ()
    %dma_wait3A_693 = arith.constant 4 : i32
    %dma_wait3A_694 = arith.constant 0 : i32
    %dma_wait3A_695 = tpu.memref_slice %arg6[%dma_wait3A_693, %dma_wait3A_694] : memref<40x128xi32, #tpu.memory_space<vmem>> -> memref<1x128xi32, #tpu.memory_space<vmem>>
    %dma_wait3A_696 = tpu.memref_squeeze %dma_wait3A_695 : memref<1x128xi32, #tpu.memory_space<vmem>> -> memref<128xi32, #tpu.memory_space<vmem>>
    %dma_wait3A_697 = arith.constant 0 : i32
    %dma_wait3A_698 = arith.constant 0 : i32
    %dma_wait3A_699 = tpu.memref_slice %arg4[%dma_wait3A_697, %dma_wait3A_698] : memref<10128x128xf32, #tpu.memory_space<hbm>> -> memref<10128x128xf32, #tpu.memory_space<hbm>>
    tpu.wait_indirect_dma semaphore(%arg11 : memref<!tpu.dma_semaphore, #tpu.memory_space<semaphore_mem>>) src(%dma_wait3A_699 : memref<10128x128xf32, #tpu.memory_space<hbm>>) dst(%arg8 : memref<128x128xf32, #tpu.memory_space<vmem>>)
    %dma_start3A_700 = arith.constant 5 : i32
    %dma_start3A_701 = arith.constant 0 : i32
    %dma_start3A_702 = tpu.memref_slice %arg6[%dma_start3A_700, %dma_start3A_701] : memref<40x128xi32, #tpu.memory_space<vmem>> -> memref<1x128xi32, #tpu.memory_space<vmem>>
    %dma_start3A_703 = tpu.memref_squeeze %dma_start3A_702 : memref<1x128xi32, #tpu.memory_space<vmem>> -> memref<128xi32, #tpu.memory_space<vmem>>
    %dma_start3A_704 = arith.constant 0 : i32
    %dma_start3A_705 = arith.constant 0 : i32
    %dma_start3A_706 = tpu.memref_slice %arg4[%dma_start3A_704, %dma_start3A_705] : memref<10128x128xf32, #tpu.memory_space<hbm>> -> memref<10128x128xf32, #tpu.memory_space<hbm>>
    tpu.enqueue_indirect_dma source(%dma_start3A_706 : memref<10128x128xf32, #tpu.memory_space<hbm>>) target(%arg9 : memref<128x128xf32, #tpu.memory_space<vmem>>) offsets(%dma_start3A_703 : memref<128xi32, #tpu.memory_space<vmem>>) semaphore(%arg12 : memref<!tpu.dma_semaphore, #tpu.memory_space<semaphore_mem>>)
    %run_scoped3A_707 = arith.constant 4 : i32
    "tpu.region"() ({
      %run_scoped3A_1258 = tpu.sem_alloc : memref<!tpu.dma_semaphore, #tpu.memory_space<semaphore_mem>>
      %dma_start3A_1259 = arith.constant 0 : i32
      %dma_start3A_1260 = tpu.memref_slice %arg7[%run_scoped3A_707, %dma_start3A_1259] : memref<40x128xi32, #tpu.memory_space<vmem>> -> memref<1x128xi32, #tpu.memory_space<vmem>>
      %dma_start3A_1261 = tpu.memref_squeeze %dma_start3A_1260 : memref<1x128xi32, #tpu.memory_space<vmem>> -> memref<128xi32, #tpu.memory_space<vmem>>
      %dma_start3A_1262 = arith.constant 0 : i32
      %dma_start3A_1263 = arith.constant 0 : i32
      %dma_start3A_1264 = tpu.memref_slice %arg10[%dma_start3A_1262, %dma_start3A_1263] : memref<10240x128xf32, #tpu.memory_space<vmem_shared>> -> memref<10240x128xf32, #tpu.memory_space<vmem_shared>>
      tpu.enqueue_indirect_dma source(%arg8 : memref<128x128xf32, #tpu.memory_space<vmem>>) target(%dma_start3A_1264 : memref<10240x128xf32, #tpu.memory_space<vmem_shared>>) offsets(%dma_start3A_1261 : memref<128xi32, #tpu.memory_space<vmem>>) semaphore(%run_scoped3A_1258 : memref<!tpu.dma_semaphore, #tpu.memory_space<semaphore_mem>>) {add = true}
      %dma_wait3A_1265 = arith.constant 0 : i32
      %dma_wait3A_1266 = tpu.memref_slice %arg7[%run_scoped3A_707, %dma_wait3A_1265] : memref<40x128xi32, #tpu.memory_space<vmem>> -> memref<1x128xi32, #tpu.memory_space<vmem>>
      %dma_wait3A_1267 = tpu.memref_squeeze %dma_wait3A_1266 : memref<1x128xi32, #tpu.memory_space<vmem>> -> memref<128xi32, #tpu.memory_space<vmem>>
      %dma_wait3A_1268 = arith.constant 0 : i32
      %dma_wait3A_1269 = arith.constant 0 : i32
      %dma_wait3A_1270 = tpu.memref_slice %arg10[%dma_wait3A_1268, %dma_wait3A_1269] : memref<10240x128xf32, #tpu.memory_space<vmem_shared>> -> memref<10240x128xf32, #tpu.memory_space<vmem_shared>>
      tpu.wait_indirect_dma semaphore(%run_scoped3A_1258 : memref<!tpu.dma_semaphore, #tpu.memory_space<semaphore_mem>>) src(%arg8 : memref<128x128xf32, #tpu.memory_space<vmem>>) dst(%dma_wait3A_1270 : memref<10240x128xf32, #tpu.memory_space<vmem_shared>>)
      tpu.yield
    }) : () -> ()
    %dma_wait3A_708 = arith.constant 5 : i32
    %dma_wait3A_709 = arith.constant 0 : i32
    %dma_wait3A_710 = tpu.memref_slice %arg6[%dma_wait3A_708, %dma_wait3A_709] : memref<40x128xi32, #tpu.memory_space<vmem>> -> memref<1x128xi32, #tpu.memory_space<vmem>>
    %dma_wait3A_711 = tpu.memref_squeeze %dma_wait3A_710 : memref<1x128xi32, #tpu.memory_space<vmem>> -> memref<128xi32, #tpu.memory_space<vmem>>
    %dma_wait3A_712 = arith.constant 0 : i32
    %dma_wait3A_713 = arith.constant 0 : i32
    %dma_wait3A_714 = tpu.memref_slice %arg4[%dma_wait3A_712, %dma_wait3A_713] : memref<10128x128xf32, #tpu.memory_space<hbm>> -> memref<10128x128xf32, #tpu.memory_space<hbm>>
    tpu.wait_indirect_dma semaphore(%arg12 : memref<!tpu.dma_semaphore, #tpu.memory_space<semaphore_mem>>) src(%dma_wait3A_714 : memref<10128x128xf32, #tpu.memory_space<hbm>>) dst(%arg9 : memref<128x128xf32, #tpu.memory_space<vmem>>)
    %dma_start3A_715 = arith.constant 6 : i32
    %dma_start3A_716 = arith.constant 0 : i32
    %dma_start3A_717 = tpu.memref_slice %arg6[%dma_start3A_715, %dma_start3A_716] : memref<40x128xi32, #tpu.memory_space<vmem>> -> memref<1x128xi32, #tpu.memory_space<vmem>>
    %dma_start3A_718 = tpu.memref_squeeze %dma_start3A_717 : memref<1x128xi32, #tpu.memory_space<vmem>> -> memref<128xi32, #tpu.memory_space<vmem>>
    %dma_start3A_719 = arith.constant 0 : i32
    %dma_start3A_720 = arith.constant 0 : i32
    %dma_start3A_721 = tpu.memref_slice %arg4[%dma_start3A_719, %dma_start3A_720] : memref<10128x128xf32, #tpu.memory_space<hbm>> -> memref<10128x128xf32, #tpu.memory_space<hbm>>
    tpu.enqueue_indirect_dma source(%dma_start3A_721 : memref<10128x128xf32, #tpu.memory_space<hbm>>) target(%arg8 : memref<128x128xf32, #tpu.memory_space<vmem>>) offsets(%dma_start3A_718 : memref<128xi32, #tpu.memory_space<vmem>>) semaphore(%arg11 : memref<!tpu.dma_semaphore, #tpu.memory_space<semaphore_mem>>)
    %run_scoped3A_722 = arith.constant 5 : i32
    "tpu.region"() ({
      %run_scoped3A_1258 = tpu.sem_alloc : memref<!tpu.dma_semaphore, #tpu.memory_space<semaphore_mem>>
      %dma_start3A_1259 = arith.constant 0 : i32
      %dma_start3A_1260 = tpu.memref_slice %arg7[%run_scoped3A_722, %dma_start3A_1259] : memref<40x128xi32, #tpu.memory_space<vmem>> -> memref<1x128xi32, #tpu.memory_space<vmem>>
      %dma_start3A_1261 = tpu.memref_squeeze %dma_start3A_1260 : memref<1x128xi32, #tpu.memory_space<vmem>> -> memref<128xi32, #tpu.memory_space<vmem>>
      %dma_start3A_1262 = arith.constant 0 : i32
      %dma_start3A_1263 = arith.constant 0 : i32
      %dma_start3A_1264 = tpu.memref_slice %arg10[%dma_start3A_1262, %dma_start3A_1263] : memref<10240x128xf32, #tpu.memory_space<vmem_shared>> -> memref<10240x128xf32, #tpu.memory_space<vmem_shared>>
      tpu.enqueue_indirect_dma source(%arg9 : memref<128x128xf32, #tpu.memory_space<vmem>>) target(%dma_start3A_1264 : memref<10240x128xf32, #tpu.memory_space<vmem_shared>>) offsets(%dma_start3A_1261 : memref<128xi32, #tpu.memory_space<vmem>>) semaphore(%run_scoped3A_1258 : memref<!tpu.dma_semaphore, #tpu.memory_space<semaphore_mem>>) {add = true}
      %dma_wait3A_1265 = arith.constant 0 : i32
      %dma_wait3A_1266 = tpu.memref_slice %arg7[%run_scoped3A_722, %dma_wait3A_1265] : memref<40x128xi32, #tpu.memory_space<vmem>> -> memref<1x128xi32, #tpu.memory_space<vmem>>
      %dma_wait3A_1267 = tpu.memref_squeeze %dma_wait3A_1266 : memref<1x128xi32, #tpu.memory_space<vmem>> -> memref<128xi32, #tpu.memory_space<vmem>>
      %dma_wait3A_1268 = arith.constant 0 : i32
      %dma_wait3A_1269 = arith.constant 0 : i32
      %dma_wait3A_1270 = tpu.memref_slice %arg10[%dma_wait3A_1268, %dma_wait3A_1269] : memref<10240x128xf32, #tpu.memory_space<vmem_shared>> -> memref<10240x128xf32, #tpu.memory_space<vmem_shared>>
      tpu.wait_indirect_dma semaphore(%run_scoped3A_1258 : memref<!tpu.dma_semaphore, #tpu.memory_space<semaphore_mem>>) src(%arg9 : memref<128x128xf32, #tpu.memory_space<vmem>>) dst(%dma_wait3A_1270 : memref<10240x128xf32, #tpu.memory_space<vmem_shared>>)
      tpu.yield
    }) : () -> ()
    %dma_wait3A_723 = arith.constant 6 : i32
    %dma_wait3A_724 = arith.constant 0 : i32
    %dma_wait3A_725 = tpu.memref_slice %arg6[%dma_wait3A_723, %dma_wait3A_724] : memref<40x128xi32, #tpu.memory_space<vmem>> -> memref<1x128xi32, #tpu.memory_space<vmem>>
    %dma_wait3A_726 = tpu.memref_squeeze %dma_wait3A_725 : memref<1x128xi32, #tpu.memory_space<vmem>> -> memref<128xi32, #tpu.memory_space<vmem>>
    %dma_wait3A_727 = arith.constant 0 : i32
    %dma_wait3A_728 = arith.constant 0 : i32
    %dma_wait3A_729 = tpu.memref_slice %arg4[%dma_wait3A_727, %dma_wait3A_728] : memref<10128x128xf32, #tpu.memory_space<hbm>> -> memref<10128x128xf32, #tpu.memory_space<hbm>>
    tpu.wait_indirect_dma semaphore(%arg11 : memref<!tpu.dma_semaphore, #tpu.memory_space<semaphore_mem>>) src(%dma_wait3A_729 : memref<10128x128xf32, #tpu.memory_space<hbm>>) dst(%arg8 : memref<128x128xf32, #tpu.memory_space<vmem>>)
    %dma_start3A_730 = arith.constant 7 : i32
    %dma_start3A_731 = arith.constant 0 : i32
    %dma_start3A_732 = tpu.memref_slice %arg6[%dma_start3A_730, %dma_start3A_731] : memref<40x128xi32, #tpu.memory_space<vmem>> -> memref<1x128xi32, #tpu.memory_space<vmem>>
    %dma_start3A_733 = tpu.memref_squeeze %dma_start3A_732 : memref<1x128xi32, #tpu.memory_space<vmem>> -> memref<128xi32, #tpu.memory_space<vmem>>
    %dma_start3A_734 = arith.constant 0 : i32
    %dma_start3A_735 = arith.constant 0 : i32
    %dma_start3A_736 = tpu.memref_slice %arg4[%dma_start3A_734, %dma_start3A_735] : memref<10128x128xf32, #tpu.memory_space<hbm>> -> memref<10128x128xf32, #tpu.memory_space<hbm>>
    tpu.enqueue_indirect_dma source(%dma_start3A_736 : memref<10128x128xf32, #tpu.memory_space<hbm>>) target(%arg9 : memref<128x128xf32, #tpu.memory_space<vmem>>) offsets(%dma_start3A_733 : memref<128xi32, #tpu.memory_space<vmem>>) semaphore(%arg12 : memref<!tpu.dma_semaphore, #tpu.memory_space<semaphore_mem>>)
    %run_scoped3A_737 = arith.constant 6 : i32
    "tpu.region"() ({
      %run_scoped3A_1258 = tpu.sem_alloc : memref<!tpu.dma_semaphore, #tpu.memory_space<semaphore_mem>>
      %dma_start3A_1259 = arith.constant 0 : i32
      %dma_start3A_1260 = tpu.memref_slice %arg7[%run_scoped3A_737, %dma_start3A_1259] : memref<40x128xi32, #tpu.memory_space<vmem>> -> memref<1x128xi32, #tpu.memory_space<vmem>>
      %dma_start3A_1261 = tpu.memref_squeeze %dma_start3A_1260 : memref<1x128xi32, #tpu.memory_space<vmem>> -> memref<128xi32, #tpu.memory_space<vmem>>
      %dma_start3A_1262 = arith.constant 0 : i32
      %dma_start3A_1263 = arith.constant 0 : i32
      %dma_start3A_1264 = tpu.memref_slice %arg10[%dma_start3A_1262, %dma_start3A_1263] : memref<10240x128xf32, #tpu.memory_space<vmem_shared>> -> memref<10240x128xf32, #tpu.memory_space<vmem_shared>>
      tpu.enqueue_indirect_dma source(%arg8 : memref<128x128xf32, #tpu.memory_space<vmem>>) target(%dma_start3A_1264 : memref<10240x128xf32, #tpu.memory_space<vmem_shared>>) offsets(%dma_start3A_1261 : memref<128xi32, #tpu.memory_space<vmem>>) semaphore(%run_scoped3A_1258 : memref<!tpu.dma_semaphore, #tpu.memory_space<semaphore_mem>>) {add = true}
      %dma_wait3A_1265 = arith.constant 0 : i32
      %dma_wait3A_1266 = tpu.memref_slice %arg7[%run_scoped3A_737, %dma_wait3A_1265] : memref<40x128xi32, #tpu.memory_space<vmem>> -> memref<1x128xi32, #tpu.memory_space<vmem>>
      %dma_wait3A_1267 = tpu.memref_squeeze %dma_wait3A_1266 : memref<1x128xi32, #tpu.memory_space<vmem>> -> memref<128xi32, #tpu.memory_space<vmem>>
      %dma_wait3A_1268 = arith.constant 0 : i32
      %dma_wait3A_1269 = arith.constant 0 : i32
      %dma_wait3A_1270 = tpu.memref_slice %arg10[%dma_wait3A_1268, %dma_wait3A_1269] : memref<10240x128xf32, #tpu.memory_space<vmem_shared>> -> memref<10240x128xf32, #tpu.memory_space<vmem_shared>>
      tpu.wait_indirect_dma semaphore(%run_scoped3A_1258 : memref<!tpu.dma_semaphore, #tpu.memory_space<semaphore_mem>>) src(%arg8 : memref<128x128xf32, #tpu.memory_space<vmem>>) dst(%dma_wait3A_1270 : memref<10240x128xf32, #tpu.memory_space<vmem_shared>>)
      tpu.yield
    }) : () -> ()
    %dma_wait3A_738 = arith.constant 7 : i32
    %dma_wait3A_739 = arith.constant 0 : i32
    %dma_wait3A_740 = tpu.memref_slice %arg6[%dma_wait3A_738, %dma_wait3A_739] : memref<40x128xi32, #tpu.memory_space<vmem>> -> memref<1x128xi32, #tpu.memory_space<vmem>>
    %dma_wait3A_741 = tpu.memref_squeeze %dma_wait3A_740 : memref<1x128xi32, #tpu.memory_space<vmem>> -> memref<128xi32, #tpu.memory_space<vmem>>
    %dma_wait3A_742 = arith.constant 0 : i32
    %dma_wait3A_743 = arith.constant 0 : i32
    %dma_wait3A_744 = tpu.memref_slice %arg4[%dma_wait3A_742, %dma_wait3A_743] : memref<10128x128xf32, #tpu.memory_space<hbm>> -> memref<10128x128xf32, #tpu.memory_space<hbm>>
    tpu.wait_indirect_dma semaphore(%arg12 : memref<!tpu.dma_semaphore, #tpu.memory_space<semaphore_mem>>) src(%dma_wait3A_744 : memref<10128x128xf32, #tpu.memory_space<hbm>>) dst(%arg9 : memref<128x128xf32, #tpu.memory_space<vmem>>)
    %dma_start3A_745 = arith.constant 8 : i32
    %dma_start3A_746 = arith.constant 0 : i32
    %dma_start3A_747 = tpu.memref_slice %arg6[%dma_start3A_745, %dma_start3A_746] : memref<40x128xi32, #tpu.memory_space<vmem>> -> memref<1x128xi32, #tpu.memory_space<vmem>>
    %dma_start3A_748 = tpu.memref_squeeze %dma_start3A_747 : memref<1x128xi32, #tpu.memory_space<vmem>> -> memref<128xi32, #tpu.memory_space<vmem>>
    %dma_start3A_749 = arith.constant 0 : i32
    %dma_start3A_750 = arith.constant 0 : i32
    %dma_start3A_751 = tpu.memref_slice %arg4[%dma_start3A_749, %dma_start3A_750] : memref<10128x128xf32, #tpu.memory_space<hbm>> -> memref<10128x128xf32, #tpu.memory_space<hbm>>
    tpu.enqueue_indirect_dma source(%dma_start3A_751 : memref<10128x128xf32, #tpu.memory_space<hbm>>) target(%arg8 : memref<128x128xf32, #tpu.memory_space<vmem>>) offsets(%dma_start3A_748 : memref<128xi32, #tpu.memory_space<vmem>>) semaphore(%arg11 : memref<!tpu.dma_semaphore, #tpu.memory_space<semaphore_mem>>)
    %run_scoped3A_752 = arith.constant 7 : i32
    "tpu.region"() ({
      %run_scoped3A_1258 = tpu.sem_alloc : memref<!tpu.dma_semaphore, #tpu.memory_space<semaphore_mem>>
      %dma_start3A_1259 = arith.constant 0 : i32
      %dma_start3A_1260 = tpu.memref_slice %arg7[%run_scoped3A_752, %dma_start3A_1259] : memref<40x128xi32, #tpu.memory_space<vmem>> -> memref<1x128xi32, #tpu.memory_space<vmem>>
      %dma_start3A_1261 = tpu.memref_squeeze %dma_start3A_1260 : memref<1x128xi32, #tpu.memory_space<vmem>> -> memref<128xi32, #tpu.memory_space<vmem>>
      %dma_start3A_1262 = arith.constant 0 : i32
      %dma_start3A_1263 = arith.constant 0 : i32
      %dma_start3A_1264 = tpu.memref_slice %arg10[%dma_start3A_1262, %dma_start3A_1263] : memref<10240x128xf32, #tpu.memory_space<vmem_shared>> -> memref<10240x128xf32, #tpu.memory_space<vmem_shared>>
      tpu.enqueue_indirect_dma source(%arg9 : memref<128x128xf32, #tpu.memory_space<vmem>>) target(%dma_start3A_1264 : memref<10240x128xf32, #tpu.memory_space<vmem_shared>>) offsets(%dma_start3A_1261 : memref<128xi32, #tpu.memory_space<vmem>>) semaphore(%run_scoped3A_1258 : memref<!tpu.dma_semaphore, #tpu.memory_space<semaphore_mem>>) {add = true}
      %dma_wait3A_1265 = arith.constant 0 : i32
      %dma_wait3A_1266 = tpu.memref_slice %arg7[%run_scoped3A_752, %dma_wait3A_1265] : memref<40x128xi32, #tpu.memory_space<vmem>> -> memref<1x128xi32, #tpu.memory_space<vmem>>
      %dma_wait3A_1267 = tpu.memref_squeeze %dma_wait3A_1266 : memref<1x128xi32, #tpu.memory_space<vmem>> -> memref<128xi32, #tpu.memory_space<vmem>>
      %dma_wait3A_1268 = arith.constant 0 : i32
      %dma_wait3A_1269 = arith.constant 0 : i32
      %dma_wait3A_1270 = tpu.memref_slice %arg10[%dma_wait3A_1268, %dma_wait3A_1269] : memref<10240x128xf32, #tpu.memory_space<vmem_shared>> -> memref<10240x128xf32, #tpu.memory_space<vmem_shared>>
      tpu.wait_indirect_dma semaphore(%run_scoped3A_1258 : memref<!tpu.dma_semaphore, #tpu.memory_space<semaphore_mem>>) src(%arg9 : memref<128x128xf32, #tpu.memory_space<vmem>>) dst(%dma_wait3A_1270 : memref<10240x128xf32, #tpu.memory_space<vmem_shared>>)
      tpu.yield
    }) : () -> ()
    %dma_wait3A_753 = arith.constant 8 : i32
    %dma_wait3A_754 = arith.constant 0 : i32
    %dma_wait3A_755 = tpu.memref_slice %arg6[%dma_wait3A_753, %dma_wait3A_754] : memref<40x128xi32, #tpu.memory_space<vmem>> -> memref<1x128xi32, #tpu.memory_space<vmem>>
    %dma_wait3A_756 = tpu.memref_squeeze %dma_wait3A_755 : memref<1x128xi32, #tpu.memory_space<vmem>> -> memref<128xi32, #tpu.memory_space<vmem>>
    %dma_wait3A_757 = arith.constant 0 : i32
    %dma_wait3A_758 = arith.constant 0 : i32
    %dma_wait3A_759 = tpu.memref_slice %arg4[%dma_wait3A_757, %dma_wait3A_758] : memref<10128x128xf32, #tpu.memory_space<hbm>> -> memref<10128x128xf32, #tpu.memory_space<hbm>>
    tpu.wait_indirect_dma semaphore(%arg11 : memref<!tpu.dma_semaphore, #tpu.memory_space<semaphore_mem>>) src(%dma_wait3A_759 : memref<10128x128xf32, #tpu.memory_space<hbm>>) dst(%arg8 : memref<128x128xf32, #tpu.memory_space<vmem>>)
    %dma_start3A_760 = arith.constant 9 : i32
    %dma_start3A_761 = arith.constant 0 : i32
    %dma_start3A_762 = tpu.memref_slice %arg6[%dma_start3A_760, %dma_start3A_761] : memref<40x128xi32, #tpu.memory_space<vmem>> -> memref<1x128xi32, #tpu.memory_space<vmem>>
    %dma_start3A_763 = tpu.memref_squeeze %dma_start3A_762 : memref<1x128xi32, #tpu.memory_space<vmem>> -> memref<128xi32, #tpu.memory_space<vmem>>
    %dma_start3A_764 = arith.constant 0 : i32
    %dma_start3A_765 = arith.constant 0 : i32
    %dma_start3A_766 = tpu.memref_slice %arg4[%dma_start3A_764, %dma_start3A_765] : memref<10128x128xf32, #tpu.memory_space<hbm>> -> memref<10128x128xf32, #tpu.memory_space<hbm>>
    tpu.enqueue_indirect_dma source(%dma_start3A_766 : memref<10128x128xf32, #tpu.memory_space<hbm>>) target(%arg9 : memref<128x128xf32, #tpu.memory_space<vmem>>) offsets(%dma_start3A_763 : memref<128xi32, #tpu.memory_space<vmem>>) semaphore(%arg12 : memref<!tpu.dma_semaphore, #tpu.memory_space<semaphore_mem>>)
    %run_scoped3A_767 = arith.constant 8 : i32
    "tpu.region"() ({
      %run_scoped3A_1258 = tpu.sem_alloc : memref<!tpu.dma_semaphore, #tpu.memory_space<semaphore_mem>>
      %dma_start3A_1259 = arith.constant 0 : i32
      %dma_start3A_1260 = tpu.memref_slice %arg7[%run_scoped3A_767, %dma_start3A_1259] : memref<40x128xi32, #tpu.memory_space<vmem>> -> memref<1x128xi32, #tpu.memory_space<vmem>>
      %dma_start3A_1261 = tpu.memref_squeeze %dma_start3A_1260 : memref<1x128xi32, #tpu.memory_space<vmem>> -> memref<128xi32, #tpu.memory_space<vmem>>
      %dma_start3A_1262 = arith.constant 0 : i32
      %dma_start3A_1263 = arith.constant 0 : i32
      %dma_start3A_1264 = tpu.memref_slice %arg10[%dma_start3A_1262, %dma_start3A_1263] : memref<10240x128xf32, #tpu.memory_space<vmem_shared>> -> memref<10240x128xf32, #tpu.memory_space<vmem_shared>>
      tpu.enqueue_indirect_dma source(%arg8 : memref<128x128xf32, #tpu.memory_space<vmem>>) target(%dma_start3A_1264 : memref<10240x128xf32, #tpu.memory_space<vmem_shared>>) offsets(%dma_start3A_1261 : memref<128xi32, #tpu.memory_space<vmem>>) semaphore(%run_scoped3A_1258 : memref<!tpu.dma_semaphore, #tpu.memory_space<semaphore_mem>>) {add = true}
      %dma_wait3A_1265 = arith.constant 0 : i32
      %dma_wait3A_1266 = tpu.memref_slice %arg7[%run_scoped3A_767, %dma_wait3A_1265] : memref<40x128xi32, #tpu.memory_space<vmem>> -> memref<1x128xi32, #tpu.memory_space<vmem>>
      %dma_wait3A_1267 = tpu.memref_squeeze %dma_wait3A_1266 : memref<1x128xi32, #tpu.memory_space<vmem>> -> memref<128xi32, #tpu.memory_space<vmem>>
      %dma_wait3A_1268 = arith.constant 0 : i32
      %dma_wait3A_1269 = arith.constant 0 : i32
      %dma_wait3A_1270 = tpu.memref_slice %arg10[%dma_wait3A_1268, %dma_wait3A_1269] : memref<10240x128xf32, #tpu.memory_space<vmem_shared>> -> memref<10240x128xf32, #tpu.memory_space<vmem_shared>>
      tpu.wait_indirect_dma semaphore(%run_scoped3A_1258 : memref<!tpu.dma_semaphore, #tpu.memory_space<semaphore_mem>>) src(%arg8 : memref<128x128xf32, #tpu.memory_space<vmem>>) dst(%dma_wait3A_1270 : memref<10240x128xf32, #tpu.memory_space<vmem_shared>>)
      tpu.yield
    }) : () -> ()
    %dma_wait3A_768 = arith.constant 9 : i32
    %dma_wait3A_769 = arith.constant 0 : i32
    %dma_wait3A_770 = tpu.memref_slice %arg6[%dma_wait3A_768, %dma_wait3A_769] : memref<40x128xi32, #tpu.memory_space<vmem>> -> memref<1x128xi32, #tpu.memory_space<vmem>>
    %dma_wait3A_771 = tpu.memref_squeeze %dma_wait3A_770 : memref<1x128xi32, #tpu.memory_space<vmem>> -> memref<128xi32, #tpu.memory_space<vmem>>
    %dma_wait3A_772 = arith.constant 0 : i32
    %dma_wait3A_773 = arith.constant 0 : i32
    %dma_wait3A_774 = tpu.memref_slice %arg4[%dma_wait3A_772, %dma_wait3A_773] : memref<10128x128xf32, #tpu.memory_space<hbm>> -> memref<10128x128xf32, #tpu.memory_space<hbm>>
    tpu.wait_indirect_dma semaphore(%arg12 : memref<!tpu.dma_semaphore, #tpu.memory_space<semaphore_mem>>) src(%dma_wait3A_774 : memref<10128x128xf32, #tpu.memory_space<hbm>>) dst(%arg9 : memref<128x128xf32, #tpu.memory_space<vmem>>)
    %dma_start3A_775 = arith.constant 10 : i32
    %dma_start3A_776 = arith.constant 0 : i32
    %dma_start3A_777 = tpu.memref_slice %arg6[%dma_start3A_775, %dma_start3A_776] : memref<40x128xi32, #tpu.memory_space<vmem>> -> memref<1x128xi32, #tpu.memory_space<vmem>>
    %dma_start3A_778 = tpu.memref_squeeze %dma_start3A_777 : memref<1x128xi32, #tpu.memory_space<vmem>> -> memref<128xi32, #tpu.memory_space<vmem>>
    %dma_start3A_779 = arith.constant 0 : i32
    %dma_start3A_780 = arith.constant 0 : i32
    %dma_start3A_781 = tpu.memref_slice %arg4[%dma_start3A_779, %dma_start3A_780] : memref<10128x128xf32, #tpu.memory_space<hbm>> -> memref<10128x128xf32, #tpu.memory_space<hbm>>
    tpu.enqueue_indirect_dma source(%dma_start3A_781 : memref<10128x128xf32, #tpu.memory_space<hbm>>) target(%arg8 : memref<128x128xf32, #tpu.memory_space<vmem>>) offsets(%dma_start3A_778 : memref<128xi32, #tpu.memory_space<vmem>>) semaphore(%arg11 : memref<!tpu.dma_semaphore, #tpu.memory_space<semaphore_mem>>)
    %run_scoped3A_782 = arith.constant 9 : i32
    "tpu.region"() ({
      %run_scoped3A_1258 = tpu.sem_alloc : memref<!tpu.dma_semaphore, #tpu.memory_space<semaphore_mem>>
      %dma_start3A_1259 = arith.constant 0 : i32
      %dma_start3A_1260 = tpu.memref_slice %arg7[%run_scoped3A_782, %dma_start3A_1259] : memref<40x128xi32, #tpu.memory_space<vmem>> -> memref<1x128xi32, #tpu.memory_space<vmem>>
      %dma_start3A_1261 = tpu.memref_squeeze %dma_start3A_1260 : memref<1x128xi32, #tpu.memory_space<vmem>> -> memref<128xi32, #tpu.memory_space<vmem>>
      %dma_start3A_1262 = arith.constant 0 : i32
      %dma_start3A_1263 = arith.constant 0 : i32
      %dma_start3A_1264 = tpu.memref_slice %arg10[%dma_start3A_1262, %dma_start3A_1263] : memref<10240x128xf32, #tpu.memory_space<vmem_shared>> -> memref<10240x128xf32, #tpu.memory_space<vmem_shared>>
      tpu.enqueue_indirect_dma source(%arg9 : memref<128x128xf32, #tpu.memory_space<vmem>>) target(%dma_start3A_1264 : memref<10240x128xf32, #tpu.memory_space<vmem_shared>>) offsets(%dma_start3A_1261 : memref<128xi32, #tpu.memory_space<vmem>>) semaphore(%run_scoped3A_1258 : memref<!tpu.dma_semaphore, #tpu.memory_space<semaphore_mem>>) {add = true}
      %dma_wait3A_1265 = arith.constant 0 : i32
      %dma_wait3A_1266 = tpu.memref_slice %arg7[%run_scoped3A_782, %dma_wait3A_1265] : memref<40x128xi32, #tpu.memory_space<vmem>> -> memref<1x128xi32, #tpu.memory_space<vmem>>
      %dma_wait3A_1267 = tpu.memref_squeeze %dma_wait3A_1266 : memref<1x128xi32, #tpu.memory_space<vmem>> -> memref<128xi32, #tpu.memory_space<vmem>>
      %dma_wait3A_1268 = arith.constant 0 : i32
      %dma_wait3A_1269 = arith.constant 0 : i32
      %dma_wait3A_1270 = tpu.memref_slice %arg10[%dma_wait3A_1268, %dma_wait3A_1269] : memref<10240x128xf32, #tpu.memory_space<vmem_shared>> -> memref<10240x128xf32, #tpu.memory_space<vmem_shared>>
      tpu.wait_indirect_dma semaphore(%run_scoped3A_1258 : memref<!tpu.dma_semaphore, #tpu.memory_space<semaphore_mem>>) src(%arg9 : memref<128x128xf32, #tpu.memory_space<vmem>>) dst(%dma_wait3A_1270 : memref<10240x128xf32, #tpu.memory_space<vmem_shared>>)
      tpu.yield
    }) : () -> ()
    %dma_wait3A_783 = arith.constant 10 : i32
    %dma_wait3A_784 = arith.constant 0 : i32
    %dma_wait3A_785 = tpu.memref_slice %arg6[%dma_wait3A_783, %dma_wait3A_784] : memref<40x128xi32, #tpu.memory_space<vmem>> -> memref<1x128xi32, #tpu.memory_space<vmem>>
    %dma_wait3A_786 = tpu.memref_squeeze %dma_wait3A_785 : memref<1x128xi32, #tpu.memory_space<vmem>> -> memref<128xi32, #tpu.memory_space<vmem>>
    %dma_wait3A_787 = arith.constant 0 : i32
    %dma_wait3A_788 = arith.constant 0 : i32
    %dma_wait3A_789 = tpu.memref_slice %arg4[%dma_wait3A_787, %dma_wait3A_788] : memref<10128x128xf32, #tpu.memory_space<hbm>> -> memref<10128x128xf32, #tpu.memory_space<hbm>>
    tpu.wait_indirect_dma semaphore(%arg11 : memref<!tpu.dma_semaphore, #tpu.memory_space<semaphore_mem>>) src(%dma_wait3A_789 : memref<10128x128xf32, #tpu.memory_space<hbm>>) dst(%arg8 : memref<128x128xf32, #tpu.memory_space<vmem>>)
    %dma_start3A_790 = arith.constant 11 : i32
    %dma_start3A_791 = arith.constant 0 : i32
    %dma_start3A_792 = tpu.memref_slice %arg6[%dma_start3A_790, %dma_start3A_791] : memref<40x128xi32, #tpu.memory_space<vmem>> -> memref<1x128xi32, #tpu.memory_space<vmem>>
    %dma_start3A_793 = tpu.memref_squeeze %dma_start3A_792 : memref<1x128xi32, #tpu.memory_space<vmem>> -> memref<128xi32, #tpu.memory_space<vmem>>
    %dma_start3A_794 = arith.constant 0 : i32
    %dma_start3A_795 = arith.constant 0 : i32
    %dma_start3A_796 = tpu.memref_slice %arg4[%dma_start3A_794, %dma_start3A_795] : memref<10128x128xf32, #tpu.memory_space<hbm>> -> memref<10128x128xf32, #tpu.memory_space<hbm>>
    tpu.enqueue_indirect_dma source(%dma_start3A_796 : memref<10128x128xf32, #tpu.memory_space<hbm>>) target(%arg9 : memref<128x128xf32, #tpu.memory_space<vmem>>) offsets(%dma_start3A_793 : memref<128xi32, #tpu.memory_space<vmem>>) semaphore(%arg12 : memref<!tpu.dma_semaphore, #tpu.memory_space<semaphore_mem>>)
    %run_scoped3A_797 = arith.constant 10 : i32
    "tpu.region"() ({
      %run_scoped3A_1258 = tpu.sem_alloc : memref<!tpu.dma_semaphore, #tpu.memory_space<semaphore_mem>>
      %dma_start3A_1259 = arith.constant 0 : i32
      %dma_start3A_1260 = tpu.memref_slice %arg7[%run_scoped3A_797, %dma_start3A_1259] : memref<40x128xi32, #tpu.memory_space<vmem>> -> memref<1x128xi32, #tpu.memory_space<vmem>>
      %dma_start3A_1261 = tpu.memref_squeeze %dma_start3A_1260 : memref<1x128xi32, #tpu.memory_space<vmem>> -> memref<128xi32, #tpu.memory_space<vmem>>
      %dma_start3A_1262 = arith.constant 0 : i32
      %dma_start3A_1263 = arith.constant 0 : i32
      %dma_start3A_1264 = tpu.memref_slice %arg10[%dma_start3A_1262, %dma_start3A_1263] : memref<10240x128xf32, #tpu.memory_space<vmem_shared>> -> memref<10240x128xf32, #tpu.memory_space<vmem_shared>>
      tpu.enqueue_indirect_dma source(%arg8 : memref<128x128xf32, #tpu.memory_space<vmem>>) target(%dma_start3A_1264 : memref<10240x128xf32, #tpu.memory_space<vmem_shared>>) offsets(%dma_start3A_1261 : memref<128xi32, #tpu.memory_space<vmem>>) semaphore(%run_scoped3A_1258 : memref<!tpu.dma_semaphore, #tpu.memory_space<semaphore_mem>>) {add = true}
      %dma_wait3A_1265 = arith.constant 0 : i32
      %dma_wait3A_1266 = tpu.memref_slice %arg7[%run_scoped3A_797, %dma_wait3A_1265] : memref<40x128xi32, #tpu.memory_space<vmem>> -> memref<1x128xi32, #tpu.memory_space<vmem>>
      %dma_wait3A_1267 = tpu.memref_squeeze %dma_wait3A_1266 : memref<1x128xi32, #tpu.memory_space<vmem>> -> memref<128xi32, #tpu.memory_space<vmem>>
      %dma_wait3A_1268 = arith.constant 0 : i32
      %dma_wait3A_1269 = arith.constant 0 : i32
      %dma_wait3A_1270 = tpu.memref_slice %arg10[%dma_wait3A_1268, %dma_wait3A_1269] : memref<10240x128xf32, #tpu.memory_space<vmem_shared>> -> memref<10240x128xf32, #tpu.memory_space<vmem_shared>>
      tpu.wait_indirect_dma semaphore(%run_scoped3A_1258 : memref<!tpu.dma_semaphore, #tpu.memory_space<semaphore_mem>>) src(%arg8 : memref<128x128xf32, #tpu.memory_space<vmem>>) dst(%dma_wait3A_1270 : memref<10240x128xf32, #tpu.memory_space<vmem_shared>>)
      tpu.yield
    }) : () -> ()
    %dma_wait3A_798 = arith.constant 11 : i32
    %dma_wait3A_799 = arith.constant 0 : i32
    %dma_wait3A_800 = tpu.memref_slice %arg6[%dma_wait3A_798, %dma_wait3A_799] : memref<40x128xi32, #tpu.memory_space<vmem>> -> memref<1x128xi32, #tpu.memory_space<vmem>>
    %dma_wait3A_801 = tpu.memref_squeeze %dma_wait3A_800 : memref<1x128xi32, #tpu.memory_space<vmem>> -> memref<128xi32, #tpu.memory_space<vmem>>
    %dma_wait3A_802 = arith.constant 0 : i32
    %dma_wait3A_803 = arith.constant 0 : i32
    %dma_wait3A_804 = tpu.memref_slice %arg4[%dma_wait3A_802, %dma_wait3A_803] : memref<10128x128xf32, #tpu.memory_space<hbm>> -> memref<10128x128xf32, #tpu.memory_space<hbm>>
    tpu.wait_indirect_dma semaphore(%arg12 : memref<!tpu.dma_semaphore, #tpu.memory_space<semaphore_mem>>) src(%dma_wait3A_804 : memref<10128x128xf32, #tpu.memory_space<hbm>>) dst(%arg9 : memref<128x128xf32, #tpu.memory_space<vmem>>)
    %dma_start3A_805 = arith.constant 12 : i32
    %dma_start3A_806 = arith.constant 0 : i32
    %dma_start3A_807 = tpu.memref_slice %arg6[%dma_start3A_805, %dma_start3A_806] : memref<40x128xi32, #tpu.memory_space<vmem>> -> memref<1x128xi32, #tpu.memory_space<vmem>>
    %dma_start3A_808 = tpu.memref_squeeze %dma_start3A_807 : memref<1x128xi32, #tpu.memory_space<vmem>> -> memref<128xi32, #tpu.memory_space<vmem>>
    %dma_start3A_809 = arith.constant 0 : i32
    %dma_start3A_810 = arith.constant 0 : i32
    %dma_start3A_811 = tpu.memref_slice %arg4[%dma_start3A_809, %dma_start3A_810] : memref<10128x128xf32, #tpu.memory_space<hbm>> -> memref<10128x128xf32, #tpu.memory_space<hbm>>
    tpu.enqueue_indirect_dma source(%dma_start3A_811 : memref<10128x128xf32, #tpu.memory_space<hbm>>) target(%arg8 : memref<128x128xf32, #tpu.memory_space<vmem>>) offsets(%dma_start3A_808 : memref<128xi32, #tpu.memory_space<vmem>>) semaphore(%arg11 : memref<!tpu.dma_semaphore, #tpu.memory_space<semaphore_mem>>)
    %run_scoped3A_812 = arith.constant 11 : i32
    "tpu.region"() ({
      %run_scoped3A_1258 = tpu.sem_alloc : memref<!tpu.dma_semaphore, #tpu.memory_space<semaphore_mem>>
      %dma_start3A_1259 = arith.constant 0 : i32
      %dma_start3A_1260 = tpu.memref_slice %arg7[%run_scoped3A_812, %dma_start3A_1259] : memref<40x128xi32, #tpu.memory_space<vmem>> -> memref<1x128xi32, #tpu.memory_space<vmem>>
      %dma_start3A_1261 = tpu.memref_squeeze %dma_start3A_1260 : memref<1x128xi32, #tpu.memory_space<vmem>> -> memref<128xi32, #tpu.memory_space<vmem>>
      %dma_start3A_1262 = arith.constant 0 : i32
      %dma_start3A_1263 = arith.constant 0 : i32
      %dma_start3A_1264 = tpu.memref_slice %arg10[%dma_start3A_1262, %dma_start3A_1263] : memref<10240x128xf32, #tpu.memory_space<vmem_shared>> -> memref<10240x128xf32, #tpu.memory_space<vmem_shared>>
      tpu.enqueue_indirect_dma source(%arg9 : memref<128x128xf32, #tpu.memory_space<vmem>>) target(%dma_start3A_1264 : memref<10240x128xf32, #tpu.memory_space<vmem_shared>>) offsets(%dma_start3A_1261 : memref<128xi32, #tpu.memory_space<vmem>>) semaphore(%run_scoped3A_1258 : memref<!tpu.dma_semaphore, #tpu.memory_space<semaphore_mem>>) {add = true}
      %dma_wait3A_1265 = arith.constant 0 : i32
      %dma_wait3A_1266 = tpu.memref_slice %arg7[%run_scoped3A_812, %dma_wait3A_1265] : memref<40x128xi32, #tpu.memory_space<vmem>> -> memref<1x128xi32, #tpu.memory_space<vmem>>
      %dma_wait3A_1267 = tpu.memref_squeeze %dma_wait3A_1266 : memref<1x128xi32, #tpu.memory_space<vmem>> -> memref<128xi32, #tpu.memory_space<vmem>>
      %dma_wait3A_1268 = arith.constant 0 : i32
      %dma_wait3A_1269 = arith.constant 0 : i32
      %dma_wait3A_1270 = tpu.memref_slice %arg10[%dma_wait3A_1268, %dma_wait3A_1269] : memref<10240x128xf32, #tpu.memory_space<vmem_shared>> -> memref<10240x128xf32, #tpu.memory_space<vmem_shared>>
      tpu.wait_indirect_dma semaphore(%run_scoped3A_1258 : memref<!tpu.dma_semaphore, #tpu.memory_space<semaphore_mem>>) src(%arg9 : memref<128x128xf32, #tpu.memory_space<vmem>>) dst(%dma_wait3A_1270 : memref<10240x128xf32, #tpu.memory_space<vmem_shared>>)
      tpu.yield
    }) : () -> ()
    %dma_wait3A_813 = arith.constant 12 : i32
    %dma_wait3A_814 = arith.constant 0 : i32
    %dma_wait3A_815 = tpu.memref_slice %arg6[%dma_wait3A_813, %dma_wait3A_814] : memref<40x128xi32, #tpu.memory_space<vmem>> -> memref<1x128xi32, #tpu.memory_space<vmem>>
    %dma_wait3A_816 = tpu.memref_squeeze %dma_wait3A_815 : memref<1x128xi32, #tpu.memory_space<vmem>> -> memref<128xi32, #tpu.memory_space<vmem>>
    %dma_wait3A_817 = arith.constant 0 : i32
    %dma_wait3A_818 = arith.constant 0 : i32
    %dma_wait3A_819 = tpu.memref_slice %arg4[%dma_wait3A_817, %dma_wait3A_818] : memref<10128x128xf32, #tpu.memory_space<hbm>> -> memref<10128x128xf32, #tpu.memory_space<hbm>>
    tpu.wait_indirect_dma semaphore(%arg11 : memref<!tpu.dma_semaphore, #tpu.memory_space<semaphore_mem>>) src(%dma_wait3A_819 : memref<10128x128xf32, #tpu.memory_space<hbm>>) dst(%arg8 : memref<128x128xf32, #tpu.memory_space<vmem>>)
    %dma_start3A_820 = arith.constant 13 : i32
    %dma_start3A_821 = arith.constant 0 : i32
    %dma_start3A_822 = tpu.memref_slice %arg6[%dma_start3A_820, %dma_start3A_821] : memref<40x128xi32, #tpu.memory_space<vmem>> -> memref<1x128xi32, #tpu.memory_space<vmem>>
    %dma_start3A_823 = tpu.memref_squeeze %dma_start3A_822 : memref<1x128xi32, #tpu.memory_space<vmem>> -> memref<128xi32, #tpu.memory_space<vmem>>
    %dma_start3A_824 = arith.constant 0 : i32
    %dma_start3A_825 = arith.constant 0 : i32
    %dma_start3A_826 = tpu.memref_slice %arg4[%dma_start3A_824, %dma_start3A_825] : memref<10128x128xf32, #tpu.memory_space<hbm>> -> memref<10128x128xf32, #tpu.memory_space<hbm>>
    tpu.enqueue_indirect_dma source(%dma_start3A_826 : memref<10128x128xf32, #tpu.memory_space<hbm>>) target(%arg9 : memref<128x128xf32, #tpu.memory_space<vmem>>) offsets(%dma_start3A_823 : memref<128xi32, #tpu.memory_space<vmem>>) semaphore(%arg12 : memref<!tpu.dma_semaphore, #tpu.memory_space<semaphore_mem>>)
    %run_scoped3A_827 = arith.constant 12 : i32
    "tpu.region"() ({
      %run_scoped3A_1258 = tpu.sem_alloc : memref<!tpu.dma_semaphore, #tpu.memory_space<semaphore_mem>>
      %dma_start3A_1259 = arith.constant 0 : i32
      %dma_start3A_1260 = tpu.memref_slice %arg7[%run_scoped3A_827, %dma_start3A_1259] : memref<40x128xi32, #tpu.memory_space<vmem>> -> memref<1x128xi32, #tpu.memory_space<vmem>>
      %dma_start3A_1261 = tpu.memref_squeeze %dma_start3A_1260 : memref<1x128xi32, #tpu.memory_space<vmem>> -> memref<128xi32, #tpu.memory_space<vmem>>
      %dma_start3A_1262 = arith.constant 0 : i32
      %dma_start3A_1263 = arith.constant 0 : i32
      %dma_start3A_1264 = tpu.memref_slice %arg10[%dma_start3A_1262, %dma_start3A_1263] : memref<10240x128xf32, #tpu.memory_space<vmem_shared>> -> memref<10240x128xf32, #tpu.memory_space<vmem_shared>>
      tpu.enqueue_indirect_dma source(%arg8 : memref<128x128xf32, #tpu.memory_space<vmem>>) target(%dma_start3A_1264 : memref<10240x128xf32, #tpu.memory_space<vmem_shared>>) offsets(%dma_start3A_1261 : memref<128xi32, #tpu.memory_space<vmem>>) semaphore(%run_scoped3A_1258 : memref<!tpu.dma_semaphore, #tpu.memory_space<semaphore_mem>>) {add = true}
      %dma_wait3A_1265 = arith.constant 0 : i32
      %dma_wait3A_1266 = tpu.memref_slice %arg7[%run_scoped3A_827, %dma_wait3A_1265] : memref<40x128xi32, #tpu.memory_space<vmem>> -> memref<1x128xi32, #tpu.memory_space<vmem>>
      %dma_wait3A_1267 = tpu.memref_squeeze %dma_wait3A_1266 : memref<1x128xi32, #tpu.memory_space<vmem>> -> memref<128xi32, #tpu.memory_space<vmem>>
      %dma_wait3A_1268 = arith.constant 0 : i32
      %dma_wait3A_1269 = arith.constant 0 : i32
      %dma_wait3A_1270 = tpu.memref_slice %arg10[%dma_wait3A_1268, %dma_wait3A_1269] : memref<10240x128xf32, #tpu.memory_space<vmem_shared>> -> memref<10240x128xf32, #tpu.memory_space<vmem_shared>>
      tpu.wait_indirect_dma semaphore(%run_scoped3A_1258 : memref<!tpu.dma_semaphore, #tpu.memory_space<semaphore_mem>>) src(%arg8 : memref<128x128xf32, #tpu.memory_space<vmem>>) dst(%dma_wait3A_1270 : memref<10240x128xf32, #tpu.memory_space<vmem_shared>>)
      tpu.yield
    }) : () -> ()
    %dma_wait3A_828 = arith.constant 13 : i32
    %dma_wait3A_829 = arith.constant 0 : i32
    %dma_wait3A_830 = tpu.memref_slice %arg6[%dma_wait3A_828, %dma_wait3A_829] : memref<40x128xi32, #tpu.memory_space<vmem>> -> memref<1x128xi32, #tpu.memory_space<vmem>>
    %dma_wait3A_831 = tpu.memref_squeeze %dma_wait3A_830 : memref<1x128xi32, #tpu.memory_space<vmem>> -> memref<128xi32, #tpu.memory_space<vmem>>
    %dma_wait3A_832 = arith.constant 0 : i32
    %dma_wait3A_833 = arith.constant 0 : i32
    %dma_wait3A_834 = tpu.memref_slice %arg4[%dma_wait3A_832, %dma_wait3A_833] : memref<10128x128xf32, #tpu.memory_space<hbm>> -> memref<10128x128xf32, #tpu.memory_space<hbm>>
    tpu.wait_indirect_dma semaphore(%arg12 : memref<!tpu.dma_semaphore, #tpu.memory_space<semaphore_mem>>) src(%dma_wait3A_834 : memref<10128x128xf32, #tpu.memory_space<hbm>>) dst(%arg9 : memref<128x128xf32, #tpu.memory_space<vmem>>)
    %dma_start3A_835 = arith.constant 14 : i32
    %dma_start3A_836 = arith.constant 0 : i32
    %dma_start3A_837 = tpu.memref_slice %arg6[%dma_start3A_835, %dma_start3A_836] : memref<40x128xi32, #tpu.memory_space<vmem>> -> memref<1x128xi32, #tpu.memory_space<vmem>>
    %dma_start3A_838 = tpu.memref_squeeze %dma_start3A_837 : memref<1x128xi32, #tpu.memory_space<vmem>> -> memref<128xi32, #tpu.memory_space<vmem>>
    %dma_start3A_839 = arith.constant 0 : i32
    %dma_start3A_840 = arith.constant 0 : i32
    %dma_start3A_841 = tpu.memref_slice %arg4[%dma_start3A_839, %dma_start3A_840] : memref<10128x128xf32, #tpu.memory_space<hbm>> -> memref<10128x128xf32, #tpu.memory_space<hbm>>
    tpu.enqueue_indirect_dma source(%dma_start3A_841 : memref<10128x128xf32, #tpu.memory_space<hbm>>) target(%arg8 : memref<128x128xf32, #tpu.memory_space<vmem>>) offsets(%dma_start3A_838 : memref<128xi32, #tpu.memory_space<vmem>>) semaphore(%arg11 : memref<!tpu.dma_semaphore, #tpu.memory_space<semaphore_mem>>)
    %run_scoped3A_842 = arith.constant 13 : i32
    "tpu.region"() ({
      %run_scoped3A_1258 = tpu.sem_alloc : memref<!tpu.dma_semaphore, #tpu.memory_space<semaphore_mem>>
      %dma_start3A_1259 = arith.constant 0 : i32
      %dma_start3A_1260 = tpu.memref_slice %arg7[%run_scoped3A_842, %dma_start3A_1259] : memref<40x128xi32, #tpu.memory_space<vmem>> -> memref<1x128xi32, #tpu.memory_space<vmem>>
      %dma_start3A_1261 = tpu.memref_squeeze %dma_start3A_1260 : memref<1x128xi32, #tpu.memory_space<vmem>> -> memref<128xi32, #tpu.memory_space<vmem>>
      %dma_start3A_1262 = arith.constant 0 : i32
      %dma_start3A_1263 = arith.constant 0 : i32
      %dma_start3A_1264 = tpu.memref_slice %arg10[%dma_start3A_1262, %dma_start3A_1263] : memref<10240x128xf32, #tpu.memory_space<vmem_shared>> -> memref<10240x128xf32, #tpu.memory_space<vmem_shared>>
      tpu.enqueue_indirect_dma source(%arg9 : memref<128x128xf32, #tpu.memory_space<vmem>>) target(%dma_start3A_1264 : memref<10240x128xf32, #tpu.memory_space<vmem_shared>>) offsets(%dma_start3A_1261 : memref<128xi32, #tpu.memory_space<vmem>>) semaphore(%run_scoped3A_1258 : memref<!tpu.dma_semaphore, #tpu.memory_space<semaphore_mem>>) {add = true}
      %dma_wait3A_1265 = arith.constant 0 : i32
      %dma_wait3A_1266 = tpu.memref_slice %arg7[%run_scoped3A_842, %dma_wait3A_1265] : memref<40x128xi32, #tpu.memory_space<vmem>> -> memref<1x128xi32, #tpu.memory_space<vmem>>
      %dma_wait3A_1267 = tpu.memref_squeeze %dma_wait3A_1266 : memref<1x128xi32, #tpu.memory_space<vmem>> -> memref<128xi32, #tpu.memory_space<vmem>>
      %dma_wait3A_1268 = arith.constant 0 : i32
      %dma_wait3A_1269 = arith.constant 0 : i32
      %dma_wait3A_1270 = tpu.memref_slice %arg10[%dma_wait3A_1268, %dma_wait3A_1269] : memref<10240x128xf32, #tpu.memory_space<vmem_shared>> -> memref<10240x128xf32, #tpu.memory_space<vmem_shared>>
      tpu.wait_indirect_dma semaphore(%run_scoped3A_1258 : memref<!tpu.dma_semaphore, #tpu.memory_space<semaphore_mem>>) src(%arg9 : memref<128x128xf32, #tpu.memory_space<vmem>>) dst(%dma_wait3A_1270 : memref<10240x128xf32, #tpu.memory_space<vmem_shared>>)
      tpu.yield
    }) : () -> ()
    %dma_wait3A_843 = arith.constant 14 : i32
    %dma_wait3A_844 = arith.constant 0 : i32
    %dma_wait3A_845 = tpu.memref_slice %arg6[%dma_wait3A_843, %dma_wait3A_844] : memref<40x128xi32, #tpu.memory_space<vmem>> -> memref<1x128xi32, #tpu.memory_space<vmem>>
    %dma_wait3A_846 = tpu.memref_squeeze %dma_wait3A_845 : memref<1x128xi32, #tpu.memory_space<vmem>> -> memref<128xi32, #tpu.memory_space<vmem>>
    %dma_wait3A_847 = arith.constant 0 : i32
    %dma_wait3A_848 = arith.constant 0 : i32
    %dma_wait3A_849 = tpu.memref_slice %arg4[%dma_wait3A_847, %dma_wait3A_848] : memref<10128x128xf32, #tpu.memory_space<hbm>> -> memref<10128x128xf32, #tpu.memory_space<hbm>>
    tpu.wait_indirect_dma semaphore(%arg11 : memref<!tpu.dma_semaphore, #tpu.memory_space<semaphore_mem>>) src(%dma_wait3A_849 : memref<10128x128xf32, #tpu.memory_space<hbm>>) dst(%arg8 : memref<128x128xf32, #tpu.memory_space<vmem>>)
    %dma_start3A_850 = arith.constant 15 : i32
    %dma_start3A_851 = arith.constant 0 : i32
    %dma_start3A_852 = tpu.memref_slice %arg6[%dma_start3A_850, %dma_start3A_851] : memref<40x128xi32, #tpu.memory_space<vmem>> -> memref<1x128xi32, #tpu.memory_space<vmem>>
    %dma_start3A_853 = tpu.memref_squeeze %dma_start3A_852 : memref<1x128xi32, #tpu.memory_space<vmem>> -> memref<128xi32, #tpu.memory_space<vmem>>
    %dma_start3A_854 = arith.constant 0 : i32
    %dma_start3A_855 = arith.constant 0 : i32
    %dma_start3A_856 = tpu.memref_slice %arg4[%dma_start3A_854, %dma_start3A_855] : memref<10128x128xf32, #tpu.memory_space<hbm>> -> memref<10128x128xf32, #tpu.memory_space<hbm>>
    tpu.enqueue_indirect_dma source(%dma_start3A_856 : memref<10128x128xf32, #tpu.memory_space<hbm>>) target(%arg9 : memref<128x128xf32, #tpu.memory_space<vmem>>) offsets(%dma_start3A_853 : memref<128xi32, #tpu.memory_space<vmem>>) semaphore(%arg12 : memref<!tpu.dma_semaphore, #tpu.memory_space<semaphore_mem>>)
    %run_scoped3A_857 = arith.constant 14 : i32
    "tpu.region"() ({
      %run_scoped3A_1258 = tpu.sem_alloc : memref<!tpu.dma_semaphore, #tpu.memory_space<semaphore_mem>>
      %dma_start3A_1259 = arith.constant 0 : i32
      %dma_start3A_1260 = tpu.memref_slice %arg7[%run_scoped3A_857, %dma_start3A_1259] : memref<40x128xi32, #tpu.memory_space<vmem>> -> memref<1x128xi32, #tpu.memory_space<vmem>>
      %dma_start3A_1261 = tpu.memref_squeeze %dma_start3A_1260 : memref<1x128xi32, #tpu.memory_space<vmem>> -> memref<128xi32, #tpu.memory_space<vmem>>
      %dma_start3A_1262 = arith.constant 0 : i32
      %dma_start3A_1263 = arith.constant 0 : i32
      %dma_start3A_1264 = tpu.memref_slice %arg10[%dma_start3A_1262, %dma_start3A_1263] : memref<10240x128xf32, #tpu.memory_space<vmem_shared>> -> memref<10240x128xf32, #tpu.memory_space<vmem_shared>>
      tpu.enqueue_indirect_dma source(%arg8 : memref<128x128xf32, #tpu.memory_space<vmem>>) target(%dma_start3A_1264 : memref<10240x128xf32, #tpu.memory_space<vmem_shared>>) offsets(%dma_start3A_1261 : memref<128xi32, #tpu.memory_space<vmem>>) semaphore(%run_scoped3A_1258 : memref<!tpu.dma_semaphore, #tpu.memory_space<semaphore_mem>>) {add = true}
      %dma_wait3A_1265 = arith.constant 0 : i32
      %dma_wait3A_1266 = tpu.memref_slice %arg7[%run_scoped3A_857, %dma_wait3A_1265] : memref<40x128xi32, #tpu.memory_space<vmem>> -> memref<1x128xi32, #tpu.memory_space<vmem>>
      %dma_wait3A_1267 = tpu.memref_squeeze %dma_wait3A_1266 : memref<1x128xi32, #tpu.memory_space<vmem>> -> memref<128xi32, #tpu.memory_space<vmem>>
      %dma_wait3A_1268 = arith.constant 0 : i32
      %dma_wait3A_1269 = arith.constant 0 : i32
      %dma_wait3A_1270 = tpu.memref_slice %arg10[%dma_wait3A_1268, %dma_wait3A_1269] : memref<10240x128xf32, #tpu.memory_space<vmem_shared>> -> memref<10240x128xf32, #tpu.memory_space<vmem_shared>>
      tpu.wait_indirect_dma semaphore(%run_scoped3A_1258 : memref<!tpu.dma_semaphore, #tpu.memory_space<semaphore_mem>>) src(%arg8 : memref<128x128xf32, #tpu.memory_space<vmem>>) dst(%dma_wait3A_1270 : memref<10240x128xf32, #tpu.memory_space<vmem_shared>>)
      tpu.yield
    }) : () -> ()
    %dma_wait3A_858 = arith.constant 15 : i32
    %dma_wait3A_859 = arith.constant 0 : i32
    %dma_wait3A_860 = tpu.memref_slice %arg6[%dma_wait3A_858, %dma_wait3A_859] : memref<40x128xi32, #tpu.memory_space<vmem>> -> memref<1x128xi32, #tpu.memory_space<vmem>>
    %dma_wait3A_861 = tpu.memref_squeeze %dma_wait3A_860 : memref<1x128xi32, #tpu.memory_space<vmem>> -> memref<128xi32, #tpu.memory_space<vmem>>
    %dma_wait3A_862 = arith.constant 0 : i32
    %dma_wait3A_863 = arith.constant 0 : i32
    %dma_wait3A_864 = tpu.memref_slice %arg4[%dma_wait3A_862, %dma_wait3A_863] : memref<10128x128xf32, #tpu.memory_space<hbm>> -> memref<10128x128xf32, #tpu.memory_space<hbm>>
    tpu.wait_indirect_dma semaphore(%arg12 : memref<!tpu.dma_semaphore, #tpu.memory_space<semaphore_mem>>) src(%dma_wait3A_864 : memref<10128x128xf32, #tpu.memory_space<hbm>>) dst(%arg9 : memref<128x128xf32, #tpu.memory_space<vmem>>)
    %dma_start3A_865 = arith.constant 16 : i32
    %dma_start3A_866 = arith.constant 0 : i32
    %dma_start3A_867 = tpu.memref_slice %arg6[%dma_start3A_865, %dma_start3A_866] : memref<40x128xi32, #tpu.memory_space<vmem>> -> memref<1x128xi32, #tpu.memory_space<vmem>>
    %dma_start3A_868 = tpu.memref_squeeze %dma_start3A_867 : memref<1x128xi32, #tpu.memory_space<vmem>> -> memref<128xi32, #tpu.memory_space<vmem>>
    %dma_start3A_869 = arith.constant 0 : i32
    %dma_start3A_870 = arith.constant 0 : i32
    %dma_start3A_871 = tpu.memref_slice %arg4[%dma_start3A_869, %dma_start3A_870] : memref<10128x128xf32, #tpu.memory_space<hbm>> -> memref<10128x128xf32, #tpu.memory_space<hbm>>
    tpu.enqueue_indirect_dma source(%dma_start3A_871 : memref<10128x128xf32, #tpu.memory_space<hbm>>) target(%arg8 : memref<128x128xf32, #tpu.memory_space<vmem>>) offsets(%dma_start3A_868 : memref<128xi32, #tpu.memory_space<vmem>>) semaphore(%arg11 : memref<!tpu.dma_semaphore, #tpu.memory_space<semaphore_mem>>)
    %run_scoped3A_872 = arith.constant 15 : i32
    "tpu.region"() ({
      %run_scoped3A_1258 = tpu.sem_alloc : memref<!tpu.dma_semaphore, #tpu.memory_space<semaphore_mem>>
      %dma_start3A_1259 = arith.constant 0 : i32
      %dma_start3A_1260 = tpu.memref_slice %arg7[%run_scoped3A_872, %dma_start3A_1259] : memref<40x128xi32, #tpu.memory_space<vmem>> -> memref<1x128xi32, #tpu.memory_space<vmem>>
      %dma_start3A_1261 = tpu.memref_squeeze %dma_start3A_1260 : memref<1x128xi32, #tpu.memory_space<vmem>> -> memref<128xi32, #tpu.memory_space<vmem>>
      %dma_start3A_1262 = arith.constant 0 : i32
      %dma_start3A_1263 = arith.constant 0 : i32
      %dma_start3A_1264 = tpu.memref_slice %arg10[%dma_start3A_1262, %dma_start3A_1263] : memref<10240x128xf32, #tpu.memory_space<vmem_shared>> -> memref<10240x128xf32, #tpu.memory_space<vmem_shared>>
      tpu.enqueue_indirect_dma source(%arg9 : memref<128x128xf32, #tpu.memory_space<vmem>>) target(%dma_start3A_1264 : memref<10240x128xf32, #tpu.memory_space<vmem_shared>>) offsets(%dma_start3A_1261 : memref<128xi32, #tpu.memory_space<vmem>>) semaphore(%run_scoped3A_1258 : memref<!tpu.dma_semaphore, #tpu.memory_space<semaphore_mem>>) {add = true}
      %dma_wait3A_1265 = arith.constant 0 : i32
      %dma_wait3A_1266 = tpu.memref_slice %arg7[%run_scoped3A_872, %dma_wait3A_1265] : memref<40x128xi32, #tpu.memory_space<vmem>> -> memref<1x128xi32, #tpu.memory_space<vmem>>
      %dma_wait3A_1267 = tpu.memref_squeeze %dma_wait3A_1266 : memref<1x128xi32, #tpu.memory_space<vmem>> -> memref<128xi32, #tpu.memory_space<vmem>>
      %dma_wait3A_1268 = arith.constant 0 : i32
      %dma_wait3A_1269 = arith.constant 0 : i32
      %dma_wait3A_1270 = tpu.memref_slice %arg10[%dma_wait3A_1268, %dma_wait3A_1269] : memref<10240x128xf32, #tpu.memory_space<vmem_shared>> -> memref<10240x128xf32, #tpu.memory_space<vmem_shared>>
      tpu.wait_indirect_dma semaphore(%run_scoped3A_1258 : memref<!tpu.dma_semaphore, #tpu.memory_space<semaphore_mem>>) src(%arg9 : memref<128x128xf32, #tpu.memory_space<vmem>>) dst(%dma_wait3A_1270 : memref<10240x128xf32, #tpu.memory_space<vmem_shared>>)
      tpu.yield
    }) : () -> ()
    %dma_wait3A_873 = arith.constant 16 : i32
    %dma_wait3A_874 = arith.constant 0 : i32
    %dma_wait3A_875 = tpu.memref_slice %arg6[%dma_wait3A_873, %dma_wait3A_874] : memref<40x128xi32, #tpu.memory_space<vmem>> -> memref<1x128xi32, #tpu.memory_space<vmem>>
    %dma_wait3A_876 = tpu.memref_squeeze %dma_wait3A_875 : memref<1x128xi32, #tpu.memory_space<vmem>> -> memref<128xi32, #tpu.memory_space<vmem>>
    %dma_wait3A_877 = arith.constant 0 : i32
    %dma_wait3A_878 = arith.constant 0 : i32
    %dma_wait3A_879 = tpu.memref_slice %arg4[%dma_wait3A_877, %dma_wait3A_878] : memref<10128x128xf32, #tpu.memory_space<hbm>> -> memref<10128x128xf32, #tpu.memory_space<hbm>>
    tpu.wait_indirect_dma semaphore(%arg11 : memref<!tpu.dma_semaphore, #tpu.memory_space<semaphore_mem>>) src(%dma_wait3A_879 : memref<10128x128xf32, #tpu.memory_space<hbm>>) dst(%arg8 : memref<128x128xf32, #tpu.memory_space<vmem>>)
    %dma_start3A_880 = arith.constant 17 : i32
    %dma_start3A_881 = arith.constant 0 : i32
    %dma_start3A_882 = tpu.memref_slice %arg6[%dma_start3A_880, %dma_start3A_881] : memref<40x128xi32, #tpu.memory_space<vmem>> -> memref<1x128xi32, #tpu.memory_space<vmem>>
    %dma_start3A_883 = tpu.memref_squeeze %dma_start3A_882 : memref<1x128xi32, #tpu.memory_space<vmem>> -> memref<128xi32, #tpu.memory_space<vmem>>
    %dma_start3A_884 = arith.constant 0 : i32
    %dma_start3A_885 = arith.constant 0 : i32
    %dma_start3A_886 = tpu.memref_slice %arg4[%dma_start3A_884, %dma_start3A_885] : memref<10128x128xf32, #tpu.memory_space<hbm>> -> memref<10128x128xf32, #tpu.memory_space<hbm>>
    tpu.enqueue_indirect_dma source(%dma_start3A_886 : memref<10128x128xf32, #tpu.memory_space<hbm>>) target(%arg9 : memref<128x128xf32, #tpu.memory_space<vmem>>) offsets(%dma_start3A_883 : memref<128xi32, #tpu.memory_space<vmem>>) semaphore(%arg12 : memref<!tpu.dma_semaphore, #tpu.memory_space<semaphore_mem>>)
    %run_scoped3A_887 = arith.constant 16 : i32
    "tpu.region"() ({
      %run_scoped3A_1258 = tpu.sem_alloc : memref<!tpu.dma_semaphore, #tpu.memory_space<semaphore_mem>>
      %dma_start3A_1259 = arith.constant 0 : i32
      %dma_start3A_1260 = tpu.memref_slice %arg7[%run_scoped3A_887, %dma_start3A_1259] : memref<40x128xi32, #tpu.memory_space<vmem>> -> memref<1x128xi32, #tpu.memory_space<vmem>>
      %dma_start3A_1261 = tpu.memref_squeeze %dma_start3A_1260 : memref<1x128xi32, #tpu.memory_space<vmem>> -> memref<128xi32, #tpu.memory_space<vmem>>
      %dma_start3A_1262 = arith.constant 0 : i32
      %dma_start3A_1263 = arith.constant 0 : i32
      %dma_start3A_1264 = tpu.memref_slice %arg10[%dma_start3A_1262, %dma_start3A_1263] : memref<10240x128xf32, #tpu.memory_space<vmem_shared>> -> memref<10240x128xf32, #tpu.memory_space<vmem_shared>>
      tpu.enqueue_indirect_dma source(%arg8 : memref<128x128xf32, #tpu.memory_space<vmem>>) target(%dma_start3A_1264 : memref<10240x128xf32, #tpu.memory_space<vmem_shared>>) offsets(%dma_start3A_1261 : memref<128xi32, #tpu.memory_space<vmem>>) semaphore(%run_scoped3A_1258 : memref<!tpu.dma_semaphore, #tpu.memory_space<semaphore_mem>>) {add = true}
      %dma_wait3A_1265 = arith.constant 0 : i32
      %dma_wait3A_1266 = tpu.memref_slice %arg7[%run_scoped3A_887, %dma_wait3A_1265] : memref<40x128xi32, #tpu.memory_space<vmem>> -> memref<1x128xi32, #tpu.memory_space<vmem>>
      %dma_wait3A_1267 = tpu.memref_squeeze %dma_wait3A_1266 : memref<1x128xi32, #tpu.memory_space<vmem>> -> memref<128xi32, #tpu.memory_space<vmem>>
      %dma_wait3A_1268 = arith.constant 0 : i32
      %dma_wait3A_1269 = arith.constant 0 : i32
      %dma_wait3A_1270 = tpu.memref_slice %arg10[%dma_wait3A_1268, %dma_wait3A_1269] : memref<10240x128xf32, #tpu.memory_space<vmem_shared>> -> memref<10240x128xf32, #tpu.memory_space<vmem_shared>>
      tpu.wait_indirect_dma semaphore(%run_scoped3A_1258 : memref<!tpu.dma_semaphore, #tpu.memory_space<semaphore_mem>>) src(%arg8 : memref<128x128xf32, #tpu.memory_space<vmem>>) dst(%dma_wait3A_1270 : memref<10240x128xf32, #tpu.memory_space<vmem_shared>>)
      tpu.yield
    }) : () -> ()
    %dma_wait3A_888 = arith.constant 17 : i32
    %dma_wait3A_889 = arith.constant 0 : i32
    %dma_wait3A_890 = tpu.memref_slice %arg6[%dma_wait3A_888, %dma_wait3A_889] : memref<40x128xi32, #tpu.memory_space<vmem>> -> memref<1x128xi32, #tpu.memory_space<vmem>>
    %dma_wait3A_891 = tpu.memref_squeeze %dma_wait3A_890 : memref<1x128xi32, #tpu.memory_space<vmem>> -> memref<128xi32, #tpu.memory_space<vmem>>
    %dma_wait3A_892 = arith.constant 0 : i32
    %dma_wait3A_893 = arith.constant 0 : i32
    %dma_wait3A_894 = tpu.memref_slice %arg4[%dma_wait3A_892, %dma_wait3A_893] : memref<10128x128xf32, #tpu.memory_space<hbm>> -> memref<10128x128xf32, #tpu.memory_space<hbm>>
    tpu.wait_indirect_dma semaphore(%arg12 : memref<!tpu.dma_semaphore, #tpu.memory_space<semaphore_mem>>) src(%dma_wait3A_894 : memref<10128x128xf32, #tpu.memory_space<hbm>>) dst(%arg9 : memref<128x128xf32, #tpu.memory_space<vmem>>)
    %dma_start3A_895 = arith.constant 18 : i32
    %dma_start3A_896 = arith.constant 0 : i32
    %dma_start3A_897 = tpu.memref_slice %arg6[%dma_start3A_895, %dma_start3A_896] : memref<40x128xi32, #tpu.memory_space<vmem>> -> memref<1x128xi32, #tpu.memory_space<vmem>>
    %dma_start3A_898 = tpu.memref_squeeze %dma_start3A_897 : memref<1x128xi32, #tpu.memory_space<vmem>> -> memref<128xi32, #tpu.memory_space<vmem>>
    %dma_start3A_899 = arith.constant 0 : i32
    %dma_start3A_900 = arith.constant 0 : i32
    %dma_start3A_901 = tpu.memref_slice %arg4[%dma_start3A_899, %dma_start3A_900] : memref<10128x128xf32, #tpu.memory_space<hbm>> -> memref<10128x128xf32, #tpu.memory_space<hbm>>
    tpu.enqueue_indirect_dma source(%dma_start3A_901 : memref<10128x128xf32, #tpu.memory_space<hbm>>) target(%arg8 : memref<128x128xf32, #tpu.memory_space<vmem>>) offsets(%dma_start3A_898 : memref<128xi32, #tpu.memory_space<vmem>>) semaphore(%arg11 : memref<!tpu.dma_semaphore, #tpu.memory_space<semaphore_mem>>)
    %run_scoped3A_902 = arith.constant 17 : i32
    "tpu.region"() ({
      %run_scoped3A_1258 = tpu.sem_alloc : memref<!tpu.dma_semaphore, #tpu.memory_space<semaphore_mem>>
      %dma_start3A_1259 = arith.constant 0 : i32
      %dma_start3A_1260 = tpu.memref_slice %arg7[%run_scoped3A_902, %dma_start3A_1259] : memref<40x128xi32, #tpu.memory_space<vmem>> -> memref<1x128xi32, #tpu.memory_space<vmem>>
      %dma_start3A_1261 = tpu.memref_squeeze %dma_start3A_1260 : memref<1x128xi32, #tpu.memory_space<vmem>> -> memref<128xi32, #tpu.memory_space<vmem>>
      %dma_start3A_1262 = arith.constant 0 : i32
      %dma_start3A_1263 = arith.constant 0 : i32
      %dma_start3A_1264 = tpu.memref_slice %arg10[%dma_start3A_1262, %dma_start3A_1263] : memref<10240x128xf32, #tpu.memory_space<vmem_shared>> -> memref<10240x128xf32, #tpu.memory_space<vmem_shared>>
      tpu.enqueue_indirect_dma source(%arg9 : memref<128x128xf32, #tpu.memory_space<vmem>>) target(%dma_start3A_1264 : memref<10240x128xf32, #tpu.memory_space<vmem_shared>>) offsets(%dma_start3A_1261 : memref<128xi32, #tpu.memory_space<vmem>>) semaphore(%run_scoped3A_1258 : memref<!tpu.dma_semaphore, #tpu.memory_space<semaphore_mem>>) {add = true}
      %dma_wait3A_1265 = arith.constant 0 : i32
      %dma_wait3A_1266 = tpu.memref_slice %arg7[%run_scoped3A_902, %dma_wait3A_1265] : memref<40x128xi32, #tpu.memory_space<vmem>> -> memref<1x128xi32, #tpu.memory_space<vmem>>
      %dma_wait3A_1267 = tpu.memref_squeeze %dma_wait3A_1266 : memref<1x128xi32, #tpu.memory_space<vmem>> -> memref<128xi32, #tpu.memory_space<vmem>>
      %dma_wait3A_1268 = arith.constant 0 : i32
      %dma_wait3A_1269 = arith.constant 0 : i32
      %dma_wait3A_1270 = tpu.memref_slice %arg10[%dma_wait3A_1268, %dma_wait3A_1269] : memref<10240x128xf32, #tpu.memory_space<vmem_shared>> -> memref<10240x128xf32, #tpu.memory_space<vmem_shared>>
      tpu.wait_indirect_dma semaphore(%run_scoped3A_1258 : memref<!tpu.dma_semaphore, #tpu.memory_space<semaphore_mem>>) src(%arg9 : memref<128x128xf32, #tpu.memory_space<vmem>>) dst(%dma_wait3A_1270 : memref<10240x128xf32, #tpu.memory_space<vmem_shared>>)
      tpu.yield
    }) : () -> ()
    %dma_wait3A_903 = arith.constant 18 : i32
    %dma_wait3A_904 = arith.constant 0 : i32
    %dma_wait3A_905 = tpu.memref_slice %arg6[%dma_wait3A_903, %dma_wait3A_904] : memref<40x128xi32, #tpu.memory_space<vmem>> -> memref<1x128xi32, #tpu.memory_space<vmem>>
    %dma_wait3A_906 = tpu.memref_squeeze %dma_wait3A_905 : memref<1x128xi32, #tpu.memory_space<vmem>> -> memref<128xi32, #tpu.memory_space<vmem>>
    %dma_wait3A_907 = arith.constant 0 : i32
    %dma_wait3A_908 = arith.constant 0 : i32
    %dma_wait3A_909 = tpu.memref_slice %arg4[%dma_wait3A_907, %dma_wait3A_908] : memref<10128x128xf32, #tpu.memory_space<hbm>> -> memref<10128x128xf32, #tpu.memory_space<hbm>>
    tpu.wait_indirect_dma semaphore(%arg11 : memref<!tpu.dma_semaphore, #tpu.memory_space<semaphore_mem>>) src(%dma_wait3A_909 : memref<10128x128xf32, #tpu.memory_space<hbm>>) dst(%arg8 : memref<128x128xf32, #tpu.memory_space<vmem>>)
    %dma_start3A_910 = arith.constant 19 : i32
    %dma_start3A_911 = arith.constant 0 : i32
    %dma_start3A_912 = tpu.memref_slice %arg6[%dma_start3A_910, %dma_start3A_911] : memref<40x128xi32, #tpu.memory_space<vmem>> -> memref<1x128xi32, #tpu.memory_space<vmem>>
    %dma_start3A_913 = tpu.memref_squeeze %dma_start3A_912 : memref<1x128xi32, #tpu.memory_space<vmem>> -> memref<128xi32, #tpu.memory_space<vmem>>
    %dma_start3A_914 = arith.constant 0 : i32
    %dma_start3A_915 = arith.constant 0 : i32
    %dma_start3A_916 = tpu.memref_slice %arg4[%dma_start3A_914, %dma_start3A_915] : memref<10128x128xf32, #tpu.memory_space<hbm>> -> memref<10128x128xf32, #tpu.memory_space<hbm>>
    tpu.enqueue_indirect_dma source(%dma_start3A_916 : memref<10128x128xf32, #tpu.memory_space<hbm>>) target(%arg9 : memref<128x128xf32, #tpu.memory_space<vmem>>) offsets(%dma_start3A_913 : memref<128xi32, #tpu.memory_space<vmem>>) semaphore(%arg12 : memref<!tpu.dma_semaphore, #tpu.memory_space<semaphore_mem>>)
    %run_scoped3A_917 = arith.constant 18 : i32
    "tpu.region"() ({
      %run_scoped3A_1258 = tpu.sem_alloc : memref<!tpu.dma_semaphore, #tpu.memory_space<semaphore_mem>>
      %dma_start3A_1259 = arith.constant 0 : i32
      %dma_start3A_1260 = tpu.memref_slice %arg7[%run_scoped3A_917, %dma_start3A_1259] : memref<40x128xi32, #tpu.memory_space<vmem>> -> memref<1x128xi32, #tpu.memory_space<vmem>>
      %dma_start3A_1261 = tpu.memref_squeeze %dma_start3A_1260 : memref<1x128xi32, #tpu.memory_space<vmem>> -> memref<128xi32, #tpu.memory_space<vmem>>
      %dma_start3A_1262 = arith.constant 0 : i32
      %dma_start3A_1263 = arith.constant 0 : i32
      %dma_start3A_1264 = tpu.memref_slice %arg10[%dma_start3A_1262, %dma_start3A_1263] : memref<10240x128xf32, #tpu.memory_space<vmem_shared>> -> memref<10240x128xf32, #tpu.memory_space<vmem_shared>>
      tpu.enqueue_indirect_dma source(%arg8 : memref<128x128xf32, #tpu.memory_space<vmem>>) target(%dma_start3A_1264 : memref<10240x128xf32, #tpu.memory_space<vmem_shared>>) offsets(%dma_start3A_1261 : memref<128xi32, #tpu.memory_space<vmem>>) semaphore(%run_scoped3A_1258 : memref<!tpu.dma_semaphore, #tpu.memory_space<semaphore_mem>>) {add = true}
      %dma_wait3A_1265 = arith.constant 0 : i32
      %dma_wait3A_1266 = tpu.memref_slice %arg7[%run_scoped3A_917, %dma_wait3A_1265] : memref<40x128xi32, #tpu.memory_space<vmem>> -> memref<1x128xi32, #tpu.memory_space<vmem>>
      %dma_wait3A_1267 = tpu.memref_squeeze %dma_wait3A_1266 : memref<1x128xi32, #tpu.memory_space<vmem>> -> memref<128xi32, #tpu.memory_space<vmem>>
      %dma_wait3A_1268 = arith.constant 0 : i32
      %dma_wait3A_1269 = arith.constant 0 : i32
      %dma_wait3A_1270 = tpu.memref_slice %arg10[%dma_wait3A_1268, %dma_wait3A_1269] : memref<10240x128xf32, #tpu.memory_space<vmem_shared>> -> memref<10240x128xf32, #tpu.memory_space<vmem_shared>>
      tpu.wait_indirect_dma semaphore(%run_scoped3A_1258 : memref<!tpu.dma_semaphore, #tpu.memory_space<semaphore_mem>>) src(%arg8 : memref<128x128xf32, #tpu.memory_space<vmem>>) dst(%dma_wait3A_1270 : memref<10240x128xf32, #tpu.memory_space<vmem_shared>>)
      tpu.yield
    }) : () -> ()
    %dma_wait3A_918 = arith.constant 19 : i32
    %dma_wait3A_919 = arith.constant 0 : i32
    %dma_wait3A_920 = tpu.memref_slice %arg6[%dma_wait3A_918, %dma_wait3A_919] : memref<40x128xi32, #tpu.memory_space<vmem>> -> memref<1x128xi32, #tpu.memory_space<vmem>>
    %dma_wait3A_921 = tpu.memref_squeeze %dma_wait3A_920 : memref<1x128xi32, #tpu.memory_space<vmem>> -> memref<128xi32, #tpu.memory_space<vmem>>
    %dma_wait3A_922 = arith.constant 0 : i32
    %dma_wait3A_923 = arith.constant 0 : i32
    %dma_wait3A_924 = tpu.memref_slice %arg4[%dma_wait3A_922, %dma_wait3A_923] : memref<10128x128xf32, #tpu.memory_space<hbm>> -> memref<10128x128xf32, #tpu.memory_space<hbm>>
    tpu.wait_indirect_dma semaphore(%arg12 : memref<!tpu.dma_semaphore, #tpu.memory_space<semaphore_mem>>) src(%dma_wait3A_924 : memref<10128x128xf32, #tpu.memory_space<hbm>>) dst(%arg9 : memref<128x128xf32, #tpu.memory_space<vmem>>)
    %dma_start3A_925 = arith.constant 20 : i32
    %dma_start3A_926 = arith.constant 0 : i32
    %dma_start3A_927 = tpu.memref_slice %arg6[%dma_start3A_925, %dma_start3A_926] : memref<40x128xi32, #tpu.memory_space<vmem>> -> memref<1x128xi32, #tpu.memory_space<vmem>>
    %dma_start3A_928 = tpu.memref_squeeze %dma_start3A_927 : memref<1x128xi32, #tpu.memory_space<vmem>> -> memref<128xi32, #tpu.memory_space<vmem>>
    %dma_start3A_929 = arith.constant 0 : i32
    %dma_start3A_930 = arith.constant 0 : i32
    %dma_start3A_931 = tpu.memref_slice %arg4[%dma_start3A_929, %dma_start3A_930] : memref<10128x128xf32, #tpu.memory_space<hbm>> -> memref<10128x128xf32, #tpu.memory_space<hbm>>
    tpu.enqueue_indirect_dma source(%dma_start3A_931 : memref<10128x128xf32, #tpu.memory_space<hbm>>) target(%arg8 : memref<128x128xf32, #tpu.memory_space<vmem>>) offsets(%dma_start3A_928 : memref<128xi32, #tpu.memory_space<vmem>>) semaphore(%arg11 : memref<!tpu.dma_semaphore, #tpu.memory_space<semaphore_mem>>)
    %run_scoped3A_932 = arith.constant 19 : i32
    "tpu.region"() ({
      %run_scoped3A_1258 = tpu.sem_alloc : memref<!tpu.dma_semaphore, #tpu.memory_space<semaphore_mem>>
      %dma_start3A_1259 = arith.constant 0 : i32
      %dma_start3A_1260 = tpu.memref_slice %arg7[%run_scoped3A_932, %dma_start3A_1259] : memref<40x128xi32, #tpu.memory_space<vmem>> -> memref<1x128xi32, #tpu.memory_space<vmem>>
      %dma_start3A_1261 = tpu.memref_squeeze %dma_start3A_1260 : memref<1x128xi32, #tpu.memory_space<vmem>> -> memref<128xi32, #tpu.memory_space<vmem>>
      %dma_start3A_1262 = arith.constant 0 : i32
      %dma_start3A_1263 = arith.constant 0 : i32
      %dma_start3A_1264 = tpu.memref_slice %arg10[%dma_start3A_1262, %dma_start3A_1263] : memref<10240x128xf32, #tpu.memory_space<vmem_shared>> -> memref<10240x128xf32, #tpu.memory_space<vmem_shared>>
      tpu.enqueue_indirect_dma source(%arg9 : memref<128x128xf32, #tpu.memory_space<vmem>>) target(%dma_start3A_1264 : memref<10240x128xf32, #tpu.memory_space<vmem_shared>>) offsets(%dma_start3A_1261 : memref<128xi32, #tpu.memory_space<vmem>>) semaphore(%run_scoped3A_1258 : memref<!tpu.dma_semaphore, #tpu.memory_space<semaphore_mem>>) {add = true}
      %dma_wait3A_1265 = arith.constant 0 : i32
      %dma_wait3A_1266 = tpu.memref_slice %arg7[%run_scoped3A_932, %dma_wait3A_1265] : memref<40x128xi32, #tpu.memory_space<vmem>> -> memref<1x128xi32, #tpu.memory_space<vmem>>
      %dma_wait3A_1267 = tpu.memref_squeeze %dma_wait3A_1266 : memref<1x128xi32, #tpu.memory_space<vmem>> -> memref<128xi32, #tpu.memory_space<vmem>>
      %dma_wait3A_1268 = arith.constant 0 : i32
      %dma_wait3A_1269 = arith.constant 0 : i32
      %dma_wait3A_1270 = tpu.memref_slice %arg10[%dma_wait3A_1268, %dma_wait3A_1269] : memref<10240x128xf32, #tpu.memory_space<vmem_shared>> -> memref<10240x128xf32, #tpu.memory_space<vmem_shared>>
      tpu.wait_indirect_dma semaphore(%run_scoped3A_1258 : memref<!tpu.dma_semaphore, #tpu.memory_space<semaphore_mem>>) src(%arg9 : memref<128x128xf32, #tpu.memory_space<vmem>>) dst(%dma_wait3A_1270 : memref<10240x128xf32, #tpu.memory_space<vmem_shared>>)
      tpu.yield
    }) : () -> ()
    %dma_wait3A_933 = arith.constant 20 : i32
    %dma_wait3A_934 = arith.constant 0 : i32
    %dma_wait3A_935 = tpu.memref_slice %arg6[%dma_wait3A_933, %dma_wait3A_934] : memref<40x128xi32, #tpu.memory_space<vmem>> -> memref<1x128xi32, #tpu.memory_space<vmem>>
    %dma_wait3A_936 = tpu.memref_squeeze %dma_wait3A_935 : memref<1x128xi32, #tpu.memory_space<vmem>> -> memref<128xi32, #tpu.memory_space<vmem>>
    %dma_wait3A_937 = arith.constant 0 : i32
    %dma_wait3A_938 = arith.constant 0 : i32
    %dma_wait3A_939 = tpu.memref_slice %arg4[%dma_wait3A_937, %dma_wait3A_938] : memref<10128x128xf32, #tpu.memory_space<hbm>> -> memref<10128x128xf32, #tpu.memory_space<hbm>>
    tpu.wait_indirect_dma semaphore(%arg11 : memref<!tpu.dma_semaphore, #tpu.memory_space<semaphore_mem>>) src(%dma_wait3A_939 : memref<10128x128xf32, #tpu.memory_space<hbm>>) dst(%arg8 : memref<128x128xf32, #tpu.memory_space<vmem>>)
    %dma_start3A_940 = arith.constant 21 : i32
    %dma_start3A_941 = arith.constant 0 : i32
    %dma_start3A_942 = tpu.memref_slice %arg6[%dma_start3A_940, %dma_start3A_941] : memref<40x128xi32, #tpu.memory_space<vmem>> -> memref<1x128xi32, #tpu.memory_space<vmem>>
    %dma_start3A_943 = tpu.memref_squeeze %dma_start3A_942 : memref<1x128xi32, #tpu.memory_space<vmem>> -> memref<128xi32, #tpu.memory_space<vmem>>
    %dma_start3A_944 = arith.constant 0 : i32
    %dma_start3A_945 = arith.constant 0 : i32
    %dma_start3A_946 = tpu.memref_slice %arg4[%dma_start3A_944, %dma_start3A_945] : memref<10128x128xf32, #tpu.memory_space<hbm>> -> memref<10128x128xf32, #tpu.memory_space<hbm>>
    tpu.enqueue_indirect_dma source(%dma_start3A_946 : memref<10128x128xf32, #tpu.memory_space<hbm>>) target(%arg9 : memref<128x128xf32, #tpu.memory_space<vmem>>) offsets(%dma_start3A_943 : memref<128xi32, #tpu.memory_space<vmem>>) semaphore(%arg12 : memref<!tpu.dma_semaphore, #tpu.memory_space<semaphore_mem>>)
    %run_scoped3A_947 = arith.constant 20 : i32
    "tpu.region"() ({
      %run_scoped3A_1258 = tpu.sem_alloc : memref<!tpu.dma_semaphore, #tpu.memory_space<semaphore_mem>>
      %dma_start3A_1259 = arith.constant 0 : i32
      %dma_start3A_1260 = tpu.memref_slice %arg7[%run_scoped3A_947, %dma_start3A_1259] : memref<40x128xi32, #tpu.memory_space<vmem>> -> memref<1x128xi32, #tpu.memory_space<vmem>>
      %dma_start3A_1261 = tpu.memref_squeeze %dma_start3A_1260 : memref<1x128xi32, #tpu.memory_space<vmem>> -> memref<128xi32, #tpu.memory_space<vmem>>
      %dma_start3A_1262 = arith.constant 0 : i32
      %dma_start3A_1263 = arith.constant 0 : i32
      %dma_start3A_1264 = tpu.memref_slice %arg10[%dma_start3A_1262, %dma_start3A_1263] : memref<10240x128xf32, #tpu.memory_space<vmem_shared>> -> memref<10240x128xf32, #tpu.memory_space<vmem_shared>>
      tpu.enqueue_indirect_dma source(%arg8 : memref<128x128xf32, #tpu.memory_space<vmem>>) target(%dma_start3A_1264 : memref<10240x128xf32, #tpu.memory_space<vmem_shared>>) offsets(%dma_start3A_1261 : memref<128xi32, #tpu.memory_space<vmem>>) semaphore(%run_scoped3A_1258 : memref<!tpu.dma_semaphore, #tpu.memory_space<semaphore_mem>>) {add = true}
      %dma_wait3A_1265 = arith.constant 0 : i32
      %dma_wait3A_1266 = tpu.memref_slice %arg7[%run_scoped3A_947, %dma_wait3A_1265] : memref<40x128xi32, #tpu.memory_space<vmem>> -> memref<1x128xi32, #tpu.memory_space<vmem>>
      %dma_wait3A_1267 = tpu.memref_squeeze %dma_wait3A_1266 : memref<1x128xi32, #tpu.memory_space<vmem>> -> memref<128xi32, #tpu.memory_space<vmem>>
      %dma_wait3A_1268 = arith.constant 0 : i32
      %dma_wait3A_1269 = arith.constant 0 : i32
      %dma_wait3A_1270 = tpu.memref_slice %arg10[%dma_wait3A_1268, %dma_wait3A_1269] : memref<10240x128xf32, #tpu.memory_space<vmem_shared>> -> memref<10240x128xf32, #tpu.memory_space<vmem_shared>>
      tpu.wait_indirect_dma semaphore(%run_scoped3A_1258 : memref<!tpu.dma_semaphore, #tpu.memory_space<semaphore_mem>>) src(%arg8 : memref<128x128xf32, #tpu.memory_space<vmem>>) dst(%dma_wait3A_1270 : memref<10240x128xf32, #tpu.memory_space<vmem_shared>>)
      tpu.yield
    }) : () -> ()
    %dma_wait3A_948 = arith.constant 21 : i32
    %dma_wait3A_949 = arith.constant 0 : i32
    %dma_wait3A_950 = tpu.memref_slice %arg6[%dma_wait3A_948, %dma_wait3A_949] : memref<40x128xi32, #tpu.memory_space<vmem>> -> memref<1x128xi32, #tpu.memory_space<vmem>>
    %dma_wait3A_951 = tpu.memref_squeeze %dma_wait3A_950 : memref<1x128xi32, #tpu.memory_space<vmem>> -> memref<128xi32, #tpu.memory_space<vmem>>
    %dma_wait3A_952 = arith.constant 0 : i32
    %dma_wait3A_953 = arith.constant 0 : i32
    %dma_wait3A_954 = tpu.memref_slice %arg4[%dma_wait3A_952, %dma_wait3A_953] : memref<10128x128xf32, #tpu.memory_space<hbm>> -> memref<10128x128xf32, #tpu.memory_space<hbm>>
    tpu.wait_indirect_dma semaphore(%arg12 : memref<!tpu.dma_semaphore, #tpu.memory_space<semaphore_mem>>) src(%dma_wait3A_954 : memref<10128x128xf32, #tpu.memory_space<hbm>>) dst(%arg9 : memref<128x128xf32, #tpu.memory_space<vmem>>)
    %dma_start3A_955 = arith.constant 22 : i32
    %dma_start3A_956 = arith.constant 0 : i32
    %dma_start3A_957 = tpu.memref_slice %arg6[%dma_start3A_955, %dma_start3A_956] : memref<40x128xi32, #tpu.memory_space<vmem>> -> memref<1x128xi32, #tpu.memory_space<vmem>>
    %dma_start3A_958 = tpu.memref_squeeze %dma_start3A_957 : memref<1x128xi32, #tpu.memory_space<vmem>> -> memref<128xi32, #tpu.memory_space<vmem>>
    %dma_start3A_959 = arith.constant 0 : i32
    %dma_start3A_960 = arith.constant 0 : i32
    %dma_start3A_961 = tpu.memref_slice %arg4[%dma_start3A_959, %dma_start3A_960] : memref<10128x128xf32, #tpu.memory_space<hbm>> -> memref<10128x128xf32, #tpu.memory_space<hbm>>
    tpu.enqueue_indirect_dma source(%dma_start3A_961 : memref<10128x128xf32, #tpu.memory_space<hbm>>) target(%arg8 : memref<128x128xf32, #tpu.memory_space<vmem>>) offsets(%dma_start3A_958 : memref<128xi32, #tpu.memory_space<vmem>>) semaphore(%arg11 : memref<!tpu.dma_semaphore, #tpu.memory_space<semaphore_mem>>)
    %run_scoped3A_962 = arith.constant 21 : i32
    "tpu.region"() ({
      %run_scoped3A_1258 = tpu.sem_alloc : memref<!tpu.dma_semaphore, #tpu.memory_space<semaphore_mem>>
      %dma_start3A_1259 = arith.constant 0 : i32
      %dma_start3A_1260 = tpu.memref_slice %arg7[%run_scoped3A_962, %dma_start3A_1259] : memref<40x128xi32, #tpu.memory_space<vmem>> -> memref<1x128xi32, #tpu.memory_space<vmem>>
      %dma_start3A_1261 = tpu.memref_squeeze %dma_start3A_1260 : memref<1x128xi32, #tpu.memory_space<vmem>> -> memref<128xi32, #tpu.memory_space<vmem>>
      %dma_start3A_1262 = arith.constant 0 : i32
      %dma_start3A_1263 = arith.constant 0 : i32
      %dma_start3A_1264 = tpu.memref_slice %arg10[%dma_start3A_1262, %dma_start3A_1263] : memref<10240x128xf32, #tpu.memory_space<vmem_shared>> -> memref<10240x128xf32, #tpu.memory_space<vmem_shared>>
      tpu.enqueue_indirect_dma source(%arg9 : memref<128x128xf32, #tpu.memory_space<vmem>>) target(%dma_start3A_1264 : memref<10240x128xf32, #tpu.memory_space<vmem_shared>>) offsets(%dma_start3A_1261 : memref<128xi32, #tpu.memory_space<vmem>>) semaphore(%run_scoped3A_1258 : memref<!tpu.dma_semaphore, #tpu.memory_space<semaphore_mem>>) {add = true}
      %dma_wait3A_1265 = arith.constant 0 : i32
      %dma_wait3A_1266 = tpu.memref_slice %arg7[%run_scoped3A_962, %dma_wait3A_1265] : memref<40x128xi32, #tpu.memory_space<vmem>> -> memref<1x128xi32, #tpu.memory_space<vmem>>
      %dma_wait3A_1267 = tpu.memref_squeeze %dma_wait3A_1266 : memref<1x128xi32, #tpu.memory_space<vmem>> -> memref<128xi32, #tpu.memory_space<vmem>>
      %dma_wait3A_1268 = arith.constant 0 : i32
      %dma_wait3A_1269 = arith.constant 0 : i32
      %dma_wait3A_1270 = tpu.memref_slice %arg10[%dma_wait3A_1268, %dma_wait3A_1269] : memref<10240x128xf32, #tpu.memory_space<vmem_shared>> -> memref<10240x128xf32, #tpu.memory_space<vmem_shared>>
      tpu.wait_indirect_dma semaphore(%run_scoped3A_1258 : memref<!tpu.dma_semaphore, #tpu.memory_space<semaphore_mem>>) src(%arg9 : memref<128x128xf32, #tpu.memory_space<vmem>>) dst(%dma_wait3A_1270 : memref<10240x128xf32, #tpu.memory_space<vmem_shared>>)
      tpu.yield
    }) : () -> ()
    %dma_wait3A_963 = arith.constant 22 : i32
    %dma_wait3A_964 = arith.constant 0 : i32
    %dma_wait3A_965 = tpu.memref_slice %arg6[%dma_wait3A_963, %dma_wait3A_964] : memref<40x128xi32, #tpu.memory_space<vmem>> -> memref<1x128xi32, #tpu.memory_space<vmem>>
    %dma_wait3A_966 = tpu.memref_squeeze %dma_wait3A_965 : memref<1x128xi32, #tpu.memory_space<vmem>> -> memref<128xi32, #tpu.memory_space<vmem>>
    %dma_wait3A_967 = arith.constant 0 : i32
    %dma_wait3A_968 = arith.constant 0 : i32
    %dma_wait3A_969 = tpu.memref_slice %arg4[%dma_wait3A_967, %dma_wait3A_968] : memref<10128x128xf32, #tpu.memory_space<hbm>> -> memref<10128x128xf32, #tpu.memory_space<hbm>>
    tpu.wait_indirect_dma semaphore(%arg11 : memref<!tpu.dma_semaphore, #tpu.memory_space<semaphore_mem>>) src(%dma_wait3A_969 : memref<10128x128xf32, #tpu.memory_space<hbm>>) dst(%arg8 : memref<128x128xf32, #tpu.memory_space<vmem>>)
    %dma_start3A_970 = arith.constant 23 : i32
    %dma_start3A_971 = arith.constant 0 : i32
    %dma_start3A_972 = tpu.memref_slice %arg6[%dma_start3A_970, %dma_start3A_971] : memref<40x128xi32, #tpu.memory_space<vmem>> -> memref<1x128xi32, #tpu.memory_space<vmem>>
    %dma_start3A_973 = tpu.memref_squeeze %dma_start3A_972 : memref<1x128xi32, #tpu.memory_space<vmem>> -> memref<128xi32, #tpu.memory_space<vmem>>
    %dma_start3A_974 = arith.constant 0 : i32
    %dma_start3A_975 = arith.constant 0 : i32
    %dma_start3A_976 = tpu.memref_slice %arg4[%dma_start3A_974, %dma_start3A_975] : memref<10128x128xf32, #tpu.memory_space<hbm>> -> memref<10128x128xf32, #tpu.memory_space<hbm>>
    tpu.enqueue_indirect_dma source(%dma_start3A_976 : memref<10128x128xf32, #tpu.memory_space<hbm>>) target(%arg9 : memref<128x128xf32, #tpu.memory_space<vmem>>) offsets(%dma_start3A_973 : memref<128xi32, #tpu.memory_space<vmem>>) semaphore(%arg12 : memref<!tpu.dma_semaphore, #tpu.memory_space<semaphore_mem>>)
    %run_scoped3A_977 = arith.constant 22 : i32
    "tpu.region"() ({
      %run_scoped3A_1258 = tpu.sem_alloc : memref<!tpu.dma_semaphore, #tpu.memory_space<semaphore_mem>>
      %dma_start3A_1259 = arith.constant 0 : i32
      %dma_start3A_1260 = tpu.memref_slice %arg7[%run_scoped3A_977, %dma_start3A_1259] : memref<40x128xi32, #tpu.memory_space<vmem>> -> memref<1x128xi32, #tpu.memory_space<vmem>>
      %dma_start3A_1261 = tpu.memref_squeeze %dma_start3A_1260 : memref<1x128xi32, #tpu.memory_space<vmem>> -> memref<128xi32, #tpu.memory_space<vmem>>
      %dma_start3A_1262 = arith.constant 0 : i32
      %dma_start3A_1263 = arith.constant 0 : i32
      %dma_start3A_1264 = tpu.memref_slice %arg10[%dma_start3A_1262, %dma_start3A_1263] : memref<10240x128xf32, #tpu.memory_space<vmem_shared>> -> memref<10240x128xf32, #tpu.memory_space<vmem_shared>>
      tpu.enqueue_indirect_dma source(%arg8 : memref<128x128xf32, #tpu.memory_space<vmem>>) target(%dma_start3A_1264 : memref<10240x128xf32, #tpu.memory_space<vmem_shared>>) offsets(%dma_start3A_1261 : memref<128xi32, #tpu.memory_space<vmem>>) semaphore(%run_scoped3A_1258 : memref<!tpu.dma_semaphore, #tpu.memory_space<semaphore_mem>>) {add = true}
      %dma_wait3A_1265 = arith.constant 0 : i32
      %dma_wait3A_1266 = tpu.memref_slice %arg7[%run_scoped3A_977, %dma_wait3A_1265] : memref<40x128xi32, #tpu.memory_space<vmem>> -> memref<1x128xi32, #tpu.memory_space<vmem>>
      %dma_wait3A_1267 = tpu.memref_squeeze %dma_wait3A_1266 : memref<1x128xi32, #tpu.memory_space<vmem>> -> memref<128xi32, #tpu.memory_space<vmem>>
      %dma_wait3A_1268 = arith.constant 0 : i32
      %dma_wait3A_1269 = arith.constant 0 : i32
      %dma_wait3A_1270 = tpu.memref_slice %arg10[%dma_wait3A_1268, %dma_wait3A_1269] : memref<10240x128xf32, #tpu.memory_space<vmem_shared>> -> memref<10240x128xf32, #tpu.memory_space<vmem_shared>>
      tpu.wait_indirect_dma semaphore(%run_scoped3A_1258 : memref<!tpu.dma_semaphore, #tpu.memory_space<semaphore_mem>>) src(%arg8 : memref<128x128xf32, #tpu.memory_space<vmem>>) dst(%dma_wait3A_1270 : memref<10240x128xf32, #tpu.memory_space<vmem_shared>>)
      tpu.yield
    }) : () -> ()
    %dma_wait3A_978 = arith.constant 23 : i32
    %dma_wait3A_979 = arith.constant 0 : i32
    %dma_wait3A_980 = tpu.memref_slice %arg6[%dma_wait3A_978, %dma_wait3A_979] : memref<40x128xi32, #tpu.memory_space<vmem>> -> memref<1x128xi32, #tpu.memory_space<vmem>>
    %dma_wait3A_981 = tpu.memref_squeeze %dma_wait3A_980 : memref<1x128xi32, #tpu.memory_space<vmem>> -> memref<128xi32, #tpu.memory_space<vmem>>
    %dma_wait3A_982 = arith.constant 0 : i32
    %dma_wait3A_983 = arith.constant 0 : i32
    %dma_wait3A_984 = tpu.memref_slice %arg4[%dma_wait3A_982, %dma_wait3A_983] : memref<10128x128xf32, #tpu.memory_space<hbm>> -> memref<10128x128xf32, #tpu.memory_space<hbm>>
    tpu.wait_indirect_dma semaphore(%arg12 : memref<!tpu.dma_semaphore, #tpu.memory_space<semaphore_mem>>) src(%dma_wait3A_984 : memref<10128x128xf32, #tpu.memory_space<hbm>>) dst(%arg9 : memref<128x128xf32, #tpu.memory_space<vmem>>)
    %dma_start3A_985 = arith.constant 24 : i32
    %dma_start3A_986 = arith.constant 0 : i32
    %dma_start3A_987 = tpu.memref_slice %arg6[%dma_start3A_985, %dma_start3A_986] : memref<40x128xi32, #tpu.memory_space<vmem>> -> memref<1x128xi32, #tpu.memory_space<vmem>>
    %dma_start3A_988 = tpu.memref_squeeze %dma_start3A_987 : memref<1x128xi32, #tpu.memory_space<vmem>> -> memref<128xi32, #tpu.memory_space<vmem>>
    %dma_start3A_989 = arith.constant 0 : i32
    %dma_start3A_990 = arith.constant 0 : i32
    %dma_start3A_991 = tpu.memref_slice %arg4[%dma_start3A_989, %dma_start3A_990] : memref<10128x128xf32, #tpu.memory_space<hbm>> -> memref<10128x128xf32, #tpu.memory_space<hbm>>
    tpu.enqueue_indirect_dma source(%dma_start3A_991 : memref<10128x128xf32, #tpu.memory_space<hbm>>) target(%arg8 : memref<128x128xf32, #tpu.memory_space<vmem>>) offsets(%dma_start3A_988 : memref<128xi32, #tpu.memory_space<vmem>>) semaphore(%arg11 : memref<!tpu.dma_semaphore, #tpu.memory_space<semaphore_mem>>)
    %run_scoped3A_992 = arith.constant 23 : i32
    "tpu.region"() ({
      %run_scoped3A_1258 = tpu.sem_alloc : memref<!tpu.dma_semaphore, #tpu.memory_space<semaphore_mem>>
      %dma_start3A_1259 = arith.constant 0 : i32
      %dma_start3A_1260 = tpu.memref_slice %arg7[%run_scoped3A_992, %dma_start3A_1259] : memref<40x128xi32, #tpu.memory_space<vmem>> -> memref<1x128xi32, #tpu.memory_space<vmem>>
      %dma_start3A_1261 = tpu.memref_squeeze %dma_start3A_1260 : memref<1x128xi32, #tpu.memory_space<vmem>> -> memref<128xi32, #tpu.memory_space<vmem>>
      %dma_start3A_1262 = arith.constant 0 : i32
      %dma_start3A_1263 = arith.constant 0 : i32
      %dma_start3A_1264 = tpu.memref_slice %arg10[%dma_start3A_1262, %dma_start3A_1263] : memref<10240x128xf32, #tpu.memory_space<vmem_shared>> -> memref<10240x128xf32, #tpu.memory_space<vmem_shared>>
      tpu.enqueue_indirect_dma source(%arg9 : memref<128x128xf32, #tpu.memory_space<vmem>>) target(%dma_start3A_1264 : memref<10240x128xf32, #tpu.memory_space<vmem_shared>>) offsets(%dma_start3A_1261 : memref<128xi32, #tpu.memory_space<vmem>>) semaphore(%run_scoped3A_1258 : memref<!tpu.dma_semaphore, #tpu.memory_space<semaphore_mem>>) {add = true}
      %dma_wait3A_1265 = arith.constant 0 : i32
      %dma_wait3A_1266 = tpu.memref_slice %arg7[%run_scoped3A_992, %dma_wait3A_1265] : memref<40x128xi32, #tpu.memory_space<vmem>> -> memref<1x128xi32, #tpu.memory_space<vmem>>
      %dma_wait3A_1267 = tpu.memref_squeeze %dma_wait3A_1266 : memref<1x128xi32, #tpu.memory_space<vmem>> -> memref<128xi32, #tpu.memory_space<vmem>>
      %dma_wait3A_1268 = arith.constant 0 : i32
      %dma_wait3A_1269 = arith.constant 0 : i32
      %dma_wait3A_1270 = tpu.memref_slice %arg10[%dma_wait3A_1268, %dma_wait3A_1269] : memref<10240x128xf32, #tpu.memory_space<vmem_shared>> -> memref<10240x128xf32, #tpu.memory_space<vmem_shared>>
      tpu.wait_indirect_dma semaphore(%run_scoped3A_1258 : memref<!tpu.dma_semaphore, #tpu.memory_space<semaphore_mem>>) src(%arg9 : memref<128x128xf32, #tpu.memory_space<vmem>>) dst(%dma_wait3A_1270 : memref<10240x128xf32, #tpu.memory_space<vmem_shared>>)
      tpu.yield
    }) : () -> ()
    %dma_wait3A_993 = arith.constant 24 : i32
    %dma_wait3A_994 = arith.constant 0 : i32
    %dma_wait3A_995 = tpu.memref_slice %arg6[%dma_wait3A_993, %dma_wait3A_994] : memref<40x128xi32, #tpu.memory_space<vmem>> -> memref<1x128xi32, #tpu.memory_space<vmem>>
    %dma_wait3A_996 = tpu.memref_squeeze %dma_wait3A_995 : memref<1x128xi32, #tpu.memory_space<vmem>> -> memref<128xi32, #tpu.memory_space<vmem>>
    %dma_wait3A_997 = arith.constant 0 : i32
    %dma_wait3A_998 = arith.constant 0 : i32
    %dma_wait3A_999 = tpu.memref_slice %arg4[%dma_wait3A_997, %dma_wait3A_998] : memref<10128x128xf32, #tpu.memory_space<hbm>> -> memref<10128x128xf32, #tpu.memory_space<hbm>>
    tpu.wait_indirect_dma semaphore(%arg11 : memref<!tpu.dma_semaphore, #tpu.memory_space<semaphore_mem>>) src(%dma_wait3A_999 : memref<10128x128xf32, #tpu.memory_space<hbm>>) dst(%arg8 : memref<128x128xf32, #tpu.memory_space<vmem>>)
    %dma_start3A_1000 = arith.constant 25 : i32
    %dma_start3A_1001 = arith.constant 0 : i32
    %dma_start3A_1002 = tpu.memref_slice %arg6[%dma_start3A_1000, %dma_start3A_1001] : memref<40x128xi32, #tpu.memory_space<vmem>> -> memref<1x128xi32, #tpu.memory_space<vmem>>
    %dma_start3A_1003 = tpu.memref_squeeze %dma_start3A_1002 : memref<1x128xi32, #tpu.memory_space<vmem>> -> memref<128xi32, #tpu.memory_space<vmem>>
    %dma_start3A_1004 = arith.constant 0 : i32
    %dma_start3A_1005 = arith.constant 0 : i32
    %dma_start3A_1006 = tpu.memref_slice %arg4[%dma_start3A_1004, %dma_start3A_1005] : memref<10128x128xf32, #tpu.memory_space<hbm>> -> memref<10128x128xf32, #tpu.memory_space<hbm>>
    tpu.enqueue_indirect_dma source(%dma_start3A_1006 : memref<10128x128xf32, #tpu.memory_space<hbm>>) target(%arg9 : memref<128x128xf32, #tpu.memory_space<vmem>>) offsets(%dma_start3A_1003 : memref<128xi32, #tpu.memory_space<vmem>>) semaphore(%arg12 : memref<!tpu.dma_semaphore, #tpu.memory_space<semaphore_mem>>)
    %run_scoped3A_1007 = arith.constant 24 : i32
    "tpu.region"() ({
      %run_scoped3A_1258 = tpu.sem_alloc : memref<!tpu.dma_semaphore, #tpu.memory_space<semaphore_mem>>
      %dma_start3A_1259 = arith.constant 0 : i32
      %dma_start3A_1260 = tpu.memref_slice %arg7[%run_scoped3A_1007, %dma_start3A_1259] : memref<40x128xi32, #tpu.memory_space<vmem>> -> memref<1x128xi32, #tpu.memory_space<vmem>>
      %dma_start3A_1261 = tpu.memref_squeeze %dma_start3A_1260 : memref<1x128xi32, #tpu.memory_space<vmem>> -> memref<128xi32, #tpu.memory_space<vmem>>
      %dma_start3A_1262 = arith.constant 0 : i32
      %dma_start3A_1263 = arith.constant 0 : i32
      %dma_start3A_1264 = tpu.memref_slice %arg10[%dma_start3A_1262, %dma_start3A_1263] : memref<10240x128xf32, #tpu.memory_space<vmem_shared>> -> memref<10240x128xf32, #tpu.memory_space<vmem_shared>>
      tpu.enqueue_indirect_dma source(%arg8 : memref<128x128xf32, #tpu.memory_space<vmem>>) target(%dma_start3A_1264 : memref<10240x128xf32, #tpu.memory_space<vmem_shared>>) offsets(%dma_start3A_1261 : memref<128xi32, #tpu.memory_space<vmem>>) semaphore(%run_scoped3A_1258 : memref<!tpu.dma_semaphore, #tpu.memory_space<semaphore_mem>>) {add = true}
      %dma_wait3A_1265 = arith.constant 0 : i32
      %dma_wait3A_1266 = tpu.memref_slice %arg7[%run_scoped3A_1007, %dma_wait3A_1265] : memref<40x128xi32, #tpu.memory_space<vmem>> -> memref<1x128xi32, #tpu.memory_space<vmem>>
      %dma_wait3A_1267 = tpu.memref_squeeze %dma_wait3A_1266 : memref<1x128xi32, #tpu.memory_space<vmem>> -> memref<128xi32, #tpu.memory_space<vmem>>
      %dma_wait3A_1268 = arith.constant 0 : i32
      %dma_wait3A_1269 = arith.constant 0 : i32
      %dma_wait3A_1270 = tpu.memref_slice %arg10[%dma_wait3A_1268, %dma_wait3A_1269] : memref<10240x128xf32, #tpu.memory_space<vmem_shared>> -> memref<10240x128xf32, #tpu.memory_space<vmem_shared>>
      tpu.wait_indirect_dma semaphore(%run_scoped3A_1258 : memref<!tpu.dma_semaphore, #tpu.memory_space<semaphore_mem>>) src(%arg8 : memref<128x128xf32, #tpu.memory_space<vmem>>) dst(%dma_wait3A_1270 : memref<10240x128xf32, #tpu.memory_space<vmem_shared>>)
      tpu.yield
    }) : () -> ()
    %dma_wait3A_1008 = arith.constant 25 : i32
    %dma_wait3A_1009 = arith.constant 0 : i32
    %dma_wait3A_1010 = tpu.memref_slice %arg6[%dma_wait3A_1008, %dma_wait3A_1009] : memref<40x128xi32, #tpu.memory_space<vmem>> -> memref<1x128xi32, #tpu.memory_space<vmem>>
    %dma_wait3A_1011 = tpu.memref_squeeze %dma_wait3A_1010 : memref<1x128xi32, #tpu.memory_space<vmem>> -> memref<128xi32, #tpu.memory_space<vmem>>
    %dma_wait3A_1012 = arith.constant 0 : i32
    %dma_wait3A_1013 = arith.constant 0 : i32
    %dma_wait3A_1014 = tpu.memref_slice %arg4[%dma_wait3A_1012, %dma_wait3A_1013] : memref<10128x128xf32, #tpu.memory_space<hbm>> -> memref<10128x128xf32, #tpu.memory_space<hbm>>
    tpu.wait_indirect_dma semaphore(%arg12 : memref<!tpu.dma_semaphore, #tpu.memory_space<semaphore_mem>>) src(%dma_wait3A_1014 : memref<10128x128xf32, #tpu.memory_space<hbm>>) dst(%arg9 : memref<128x128xf32, #tpu.memory_space<vmem>>)
    %dma_start3A_1015 = arith.constant 26 : i32
    %dma_start3A_1016 = arith.constant 0 : i32
    %dma_start3A_1017 = tpu.memref_slice %arg6[%dma_start3A_1015, %dma_start3A_1016] : memref<40x128xi32, #tpu.memory_space<vmem>> -> memref<1x128xi32, #tpu.memory_space<vmem>>
    %dma_start3A_1018 = tpu.memref_squeeze %dma_start3A_1017 : memref<1x128xi32, #tpu.memory_space<vmem>> -> memref<128xi32, #tpu.memory_space<vmem>>
    %dma_start3A_1019 = arith.constant 0 : i32
    %dma_start3A_1020 = arith.constant 0 : i32
    %dma_start3A_1021 = tpu.memref_slice %arg4[%dma_start3A_1019, %dma_start3A_1020] : memref<10128x128xf32, #tpu.memory_space<hbm>> -> memref<10128x128xf32, #tpu.memory_space<hbm>>
    tpu.enqueue_indirect_dma source(%dma_start3A_1021 : memref<10128x128xf32, #tpu.memory_space<hbm>>) target(%arg8 : memref<128x128xf32, #tpu.memory_space<vmem>>) offsets(%dma_start3A_1018 : memref<128xi32, #tpu.memory_space<vmem>>) semaphore(%arg11 : memref<!tpu.dma_semaphore, #tpu.memory_space<semaphore_mem>>)
    %run_scoped3A_1022 = arith.constant 25 : i32
    "tpu.region"() ({
      %run_scoped3A_1258 = tpu.sem_alloc : memref<!tpu.dma_semaphore, #tpu.memory_space<semaphore_mem>>
      %dma_start3A_1259 = arith.constant 0 : i32
      %dma_start3A_1260 = tpu.memref_slice %arg7[%run_scoped3A_1022, %dma_start3A_1259] : memref<40x128xi32, #tpu.memory_space<vmem>> -> memref<1x128xi32, #tpu.memory_space<vmem>>
      %dma_start3A_1261 = tpu.memref_squeeze %dma_start3A_1260 : memref<1x128xi32, #tpu.memory_space<vmem>> -> memref<128xi32, #tpu.memory_space<vmem>>
      %dma_start3A_1262 = arith.constant 0 : i32
      %dma_start3A_1263 = arith.constant 0 : i32
      %dma_start3A_1264 = tpu.memref_slice %arg10[%dma_start3A_1262, %dma_start3A_1263] : memref<10240x128xf32, #tpu.memory_space<vmem_shared>> -> memref<10240x128xf32, #tpu.memory_space<vmem_shared>>
      tpu.enqueue_indirect_dma source(%arg9 : memref<128x128xf32, #tpu.memory_space<vmem>>) target(%dma_start3A_1264 : memref<10240x128xf32, #tpu.memory_space<vmem_shared>>) offsets(%dma_start3A_1261 : memref<128xi32, #tpu.memory_space<vmem>>) semaphore(%run_scoped3A_1258 : memref<!tpu.dma_semaphore, #tpu.memory_space<semaphore_mem>>) {add = true}
      %dma_wait3A_1265 = arith.constant 0 : i32
      %dma_wait3A_1266 = tpu.memref_slice %arg7[%run_scoped3A_1022, %dma_wait3A_1265] : memref<40x128xi32, #tpu.memory_space<vmem>> -> memref<1x128xi32, #tpu.memory_space<vmem>>
      %dma_wait3A_1267 = tpu.memref_squeeze %dma_wait3A_1266 : memref<1x128xi32, #tpu.memory_space<vmem>> -> memref<128xi32, #tpu.memory_space<vmem>>
      %dma_wait3A_1268 = arith.constant 0 : i32
      %dma_wait3A_1269 = arith.constant 0 : i32
      %dma_wait3A_1270 = tpu.memref_slice %arg10[%dma_wait3A_1268, %dma_wait3A_1269] : memref<10240x128xf32, #tpu.memory_space<vmem_shared>> -> memref<10240x128xf32, #tpu.memory_space<vmem_shared>>
      tpu.wait_indirect_dma semaphore(%run_scoped3A_1258 : memref<!tpu.dma_semaphore, #tpu.memory_space<semaphore_mem>>) src(%arg9 : memref<128x128xf32, #tpu.memory_space<vmem>>) dst(%dma_wait3A_1270 : memref<10240x128xf32, #tpu.memory_space<vmem_shared>>)
      tpu.yield
    }) : () -> ()
    %dma_wait3A_1023 = arith.constant 26 : i32
    %dma_wait3A_1024 = arith.constant 0 : i32
    %dma_wait3A_1025 = tpu.memref_slice %arg6[%dma_wait3A_1023, %dma_wait3A_1024] : memref<40x128xi32, #tpu.memory_space<vmem>> -> memref<1x128xi32, #tpu.memory_space<vmem>>
    %dma_wait3A_1026 = tpu.memref_squeeze %dma_wait3A_1025 : memref<1x128xi32, #tpu.memory_space<vmem>> -> memref<128xi32, #tpu.memory_space<vmem>>
    %dma_wait3A_1027 = arith.constant 0 : i32
    %dma_wait3A_1028 = arith.constant 0 : i32
    %dma_wait3A_1029 = tpu.memref_slice %arg4[%dma_wait3A_1027, %dma_wait3A_1028] : memref<10128x128xf32, #tpu.memory_space<hbm>> -> memref<10128x128xf32, #tpu.memory_space<hbm>>
    tpu.wait_indirect_dma semaphore(%arg11 : memref<!tpu.dma_semaphore, #tpu.memory_space<semaphore_mem>>) src(%dma_wait3A_1029 : memref<10128x128xf32, #tpu.memory_space<hbm>>) dst(%arg8 : memref<128x128xf32, #tpu.memory_space<vmem>>)
    %dma_start3A_1030 = arith.constant 27 : i32
    %dma_start3A_1031 = arith.constant 0 : i32
    %dma_start3A_1032 = tpu.memref_slice %arg6[%dma_start3A_1030, %dma_start3A_1031] : memref<40x128xi32, #tpu.memory_space<vmem>> -> memref<1x128xi32, #tpu.memory_space<vmem>>
    %dma_start3A_1033 = tpu.memref_squeeze %dma_start3A_1032 : memref<1x128xi32, #tpu.memory_space<vmem>> -> memref<128xi32, #tpu.memory_space<vmem>>
    %dma_start3A_1034 = arith.constant 0 : i32
    %dma_start3A_1035 = arith.constant 0 : i32
    %dma_start3A_1036 = tpu.memref_slice %arg4[%dma_start3A_1034, %dma_start3A_1035] : memref<10128x128xf32, #tpu.memory_space<hbm>> -> memref<10128x128xf32, #tpu.memory_space<hbm>>
    tpu.enqueue_indirect_dma source(%dma_start3A_1036 : memref<10128x128xf32, #tpu.memory_space<hbm>>) target(%arg9 : memref<128x128xf32, #tpu.memory_space<vmem>>) offsets(%dma_start3A_1033 : memref<128xi32, #tpu.memory_space<vmem>>) semaphore(%arg12 : memref<!tpu.dma_semaphore, #tpu.memory_space<semaphore_mem>>)
    %run_scoped3A_1037 = arith.constant 26 : i32
    "tpu.region"() ({
      %run_scoped3A_1258 = tpu.sem_alloc : memref<!tpu.dma_semaphore, #tpu.memory_space<semaphore_mem>>
      %dma_start3A_1259 = arith.constant 0 : i32
      %dma_start3A_1260 = tpu.memref_slice %arg7[%run_scoped3A_1037, %dma_start3A_1259] : memref<40x128xi32, #tpu.memory_space<vmem>> -> memref<1x128xi32, #tpu.memory_space<vmem>>
      %dma_start3A_1261 = tpu.memref_squeeze %dma_start3A_1260 : memref<1x128xi32, #tpu.memory_space<vmem>> -> memref<128xi32, #tpu.memory_space<vmem>>
      %dma_start3A_1262 = arith.constant 0 : i32
      %dma_start3A_1263 = arith.constant 0 : i32
      %dma_start3A_1264 = tpu.memref_slice %arg10[%dma_start3A_1262, %dma_start3A_1263] : memref<10240x128xf32, #tpu.memory_space<vmem_shared>> -> memref<10240x128xf32, #tpu.memory_space<vmem_shared>>
      tpu.enqueue_indirect_dma source(%arg8 : memref<128x128xf32, #tpu.memory_space<vmem>>) target(%dma_start3A_1264 : memref<10240x128xf32, #tpu.memory_space<vmem_shared>>) offsets(%dma_start3A_1261 : memref<128xi32, #tpu.memory_space<vmem>>) semaphore(%run_scoped3A_1258 : memref<!tpu.dma_semaphore, #tpu.memory_space<semaphore_mem>>) {add = true}
      %dma_wait3A_1265 = arith.constant 0 : i32
      %dma_wait3A_1266 = tpu.memref_slice %arg7[%run_scoped3A_1037, %dma_wait3A_1265] : memref<40x128xi32, #tpu.memory_space<vmem>> -> memref<1x128xi32, #tpu.memory_space<vmem>>
      %dma_wait3A_1267 = tpu.memref_squeeze %dma_wait3A_1266 : memref<1x128xi32, #tpu.memory_space<vmem>> -> memref<128xi32, #tpu.memory_space<vmem>>
      %dma_wait3A_1268 = arith.constant 0 : i32
      %dma_wait3A_1269 = arith.constant 0 : i32
      %dma_wait3A_1270 = tpu.memref_slice %arg10[%dma_wait3A_1268, %dma_wait3A_1269] : memref<10240x128xf32, #tpu.memory_space<vmem_shared>> -> memref<10240x128xf32, #tpu.memory_space<vmem_shared>>
      tpu.wait_indirect_dma semaphore(%run_scoped3A_1258 : memref<!tpu.dma_semaphore, #tpu.memory_space<semaphore_mem>>) src(%arg8 : memref<128x128xf32, #tpu.memory_space<vmem>>) dst(%dma_wait3A_1270 : memref<10240x128xf32, #tpu.memory_space<vmem_shared>>)
      tpu.yield
    }) : () -> ()
    %dma_wait3A_1038 = arith.constant 27 : i32
    %dma_wait3A_1039 = arith.constant 0 : i32
    %dma_wait3A_1040 = tpu.memref_slice %arg6[%dma_wait3A_1038, %dma_wait3A_1039] : memref<40x128xi32, #tpu.memory_space<vmem>> -> memref<1x128xi32, #tpu.memory_space<vmem>>
    %dma_wait3A_1041 = tpu.memref_squeeze %dma_wait3A_1040 : memref<1x128xi32, #tpu.memory_space<vmem>> -> memref<128xi32, #tpu.memory_space<vmem>>
    %dma_wait3A_1042 = arith.constant 0 : i32
    %dma_wait3A_1043 = arith.constant 0 : i32
    %dma_wait3A_1044 = tpu.memref_slice %arg4[%dma_wait3A_1042, %dma_wait3A_1043] : memref<10128x128xf32, #tpu.memory_space<hbm>> -> memref<10128x128xf32, #tpu.memory_space<hbm>>
    tpu.wait_indirect_dma semaphore(%arg12 : memref<!tpu.dma_semaphore, #tpu.memory_space<semaphore_mem>>) src(%dma_wait3A_1044 : memref<10128x128xf32, #tpu.memory_space<hbm>>) dst(%arg9 : memref<128x128xf32, #tpu.memory_space<vmem>>)
    %dma_start3A_1045 = arith.constant 28 : i32
    %dma_start3A_1046 = arith.constant 0 : i32
    %dma_start3A_1047 = tpu.memref_slice %arg6[%dma_start3A_1045, %dma_start3A_1046] : memref<40x128xi32, #tpu.memory_space<vmem>> -> memref<1x128xi32, #tpu.memory_space<vmem>>
    %dma_start3A_1048 = tpu.memref_squeeze %dma_start3A_1047 : memref<1x128xi32, #tpu.memory_space<vmem>> -> memref<128xi32, #tpu.memory_space<vmem>>
    %dma_start3A_1049 = arith.constant 0 : i32
    %dma_start3A_1050 = arith.constant 0 : i32
    %dma_start3A_1051 = tpu.memref_slice %arg4[%dma_start3A_1049, %dma_start3A_1050] : memref<10128x128xf32, #tpu.memory_space<hbm>> -> memref<10128x128xf32, #tpu.memory_space<hbm>>
    tpu.enqueue_indirect_dma source(%dma_start3A_1051 : memref<10128x128xf32, #tpu.memory_space<hbm>>) target(%arg8 : memref<128x128xf32, #tpu.memory_space<vmem>>) offsets(%dma_start3A_1048 : memref<128xi32, #tpu.memory_space<vmem>>) semaphore(%arg11 : memref<!tpu.dma_semaphore, #tpu.memory_space<semaphore_mem>>)
    %run_scoped3A_1052 = arith.constant 27 : i32
    "tpu.region"() ({
      %run_scoped3A_1258 = tpu.sem_alloc : memref<!tpu.dma_semaphore, #tpu.memory_space<semaphore_mem>>
      %dma_start3A_1259 = arith.constant 0 : i32
      %dma_start3A_1260 = tpu.memref_slice %arg7[%run_scoped3A_1052, %dma_start3A_1259] : memref<40x128xi32, #tpu.memory_space<vmem>> -> memref<1x128xi32, #tpu.memory_space<vmem>>
      %dma_start3A_1261 = tpu.memref_squeeze %dma_start3A_1260 : memref<1x128xi32, #tpu.memory_space<vmem>> -> memref<128xi32, #tpu.memory_space<vmem>>
      %dma_start3A_1262 = arith.constant 0 : i32
      %dma_start3A_1263 = arith.constant 0 : i32
      %dma_start3A_1264 = tpu.memref_slice %arg10[%dma_start3A_1262, %dma_start3A_1263] : memref<10240x128xf32, #tpu.memory_space<vmem_shared>> -> memref<10240x128xf32, #tpu.memory_space<vmem_shared>>
      tpu.enqueue_indirect_dma source(%arg9 : memref<128x128xf32, #tpu.memory_space<vmem>>) target(%dma_start3A_1264 : memref<10240x128xf32, #tpu.memory_space<vmem_shared>>) offsets(%dma_start3A_1261 : memref<128xi32, #tpu.memory_space<vmem>>) semaphore(%run_scoped3A_1258 : memref<!tpu.dma_semaphore, #tpu.memory_space<semaphore_mem>>) {add = true}
      %dma_wait3A_1265 = arith.constant 0 : i32
      %dma_wait3A_1266 = tpu.memref_slice %arg7[%run_scoped3A_1052, %dma_wait3A_1265] : memref<40x128xi32, #tpu.memory_space<vmem>> -> memref<1x128xi32, #tpu.memory_space<vmem>>
      %dma_wait3A_1267 = tpu.memref_squeeze %dma_wait3A_1266 : memref<1x128xi32, #tpu.memory_space<vmem>> -> memref<128xi32, #tpu.memory_space<vmem>>
      %dma_wait3A_1268 = arith.constant 0 : i32
      %dma_wait3A_1269 = arith.constant 0 : i32
      %dma_wait3A_1270 = tpu.memref_slice %arg10[%dma_wait3A_1268, %dma_wait3A_1269] : memref<10240x128xf32, #tpu.memory_space<vmem_shared>> -> memref<10240x128xf32, #tpu.memory_space<vmem_shared>>
      tpu.wait_indirect_dma semaphore(%run_scoped3A_1258 : memref<!tpu.dma_semaphore, #tpu.memory_space<semaphore_mem>>) src(%arg9 : memref<128x128xf32, #tpu.memory_space<vmem>>) dst(%dma_wait3A_1270 : memref<10240x128xf32, #tpu.memory_space<vmem_shared>>)
      tpu.yield
    }) : () -> ()
    %dma_wait3A_1053 = arith.constant 28 : i32
    %dma_wait3A_1054 = arith.constant 0 : i32
    %dma_wait3A_1055 = tpu.memref_slice %arg6[%dma_wait3A_1053, %dma_wait3A_1054] : memref<40x128xi32, #tpu.memory_space<vmem>> -> memref<1x128xi32, #tpu.memory_space<vmem>>
    %dma_wait3A_1056 = tpu.memref_squeeze %dma_wait3A_1055 : memref<1x128xi32, #tpu.memory_space<vmem>> -> memref<128xi32, #tpu.memory_space<vmem>>
    %dma_wait3A_1057 = arith.constant 0 : i32
    %dma_wait3A_1058 = arith.constant 0 : i32
    %dma_wait3A_1059 = tpu.memref_slice %arg4[%dma_wait3A_1057, %dma_wait3A_1058] : memref<10128x128xf32, #tpu.memory_space<hbm>> -> memref<10128x128xf32, #tpu.memory_space<hbm>>
    tpu.wait_indirect_dma semaphore(%arg11 : memref<!tpu.dma_semaphore, #tpu.memory_space<semaphore_mem>>) src(%dma_wait3A_1059 : memref<10128x128xf32, #tpu.memory_space<hbm>>) dst(%arg8 : memref<128x128xf32, #tpu.memory_space<vmem>>)
    %dma_start3A_1060 = arith.constant 29 : i32
    %dma_start3A_1061 = arith.constant 0 : i32
    %dma_start3A_1062 = tpu.memref_slice %arg6[%dma_start3A_1060, %dma_start3A_1061] : memref<40x128xi32, #tpu.memory_space<vmem>> -> memref<1x128xi32, #tpu.memory_space<vmem>>
    %dma_start3A_1063 = tpu.memref_squeeze %dma_start3A_1062 : memref<1x128xi32, #tpu.memory_space<vmem>> -> memref<128xi32, #tpu.memory_space<vmem>>
    %dma_start3A_1064 = arith.constant 0 : i32
    %dma_start3A_1065 = arith.constant 0 : i32
    %dma_start3A_1066 = tpu.memref_slice %arg4[%dma_start3A_1064, %dma_start3A_1065] : memref<10128x128xf32, #tpu.memory_space<hbm>> -> memref<10128x128xf32, #tpu.memory_space<hbm>>
    tpu.enqueue_indirect_dma source(%dma_start3A_1066 : memref<10128x128xf32, #tpu.memory_space<hbm>>) target(%arg9 : memref<128x128xf32, #tpu.memory_space<vmem>>) offsets(%dma_start3A_1063 : memref<128xi32, #tpu.memory_space<vmem>>) semaphore(%arg12 : memref<!tpu.dma_semaphore, #tpu.memory_space<semaphore_mem>>)
    %run_scoped3A_1067 = arith.constant 28 : i32
    "tpu.region"() ({
      %run_scoped3A_1258 = tpu.sem_alloc : memref<!tpu.dma_semaphore, #tpu.memory_space<semaphore_mem>>
      %dma_start3A_1259 = arith.constant 0 : i32
      %dma_start3A_1260 = tpu.memref_slice %arg7[%run_scoped3A_1067, %dma_start3A_1259] : memref<40x128xi32, #tpu.memory_space<vmem>> -> memref<1x128xi32, #tpu.memory_space<vmem>>
      %dma_start3A_1261 = tpu.memref_squeeze %dma_start3A_1260 : memref<1x128xi32, #tpu.memory_space<vmem>> -> memref<128xi32, #tpu.memory_space<vmem>>
      %dma_start3A_1262 = arith.constant 0 : i32
      %dma_start3A_1263 = arith.constant 0 : i32
      %dma_start3A_1264 = tpu.memref_slice %arg10[%dma_start3A_1262, %dma_start3A_1263] : memref<10240x128xf32, #tpu.memory_space<vmem_shared>> -> memref<10240x128xf32, #tpu.memory_space<vmem_shared>>
      tpu.enqueue_indirect_dma source(%arg8 : memref<128x128xf32, #tpu.memory_space<vmem>>) target(%dma_start3A_1264 : memref<10240x128xf32, #tpu.memory_space<vmem_shared>>) offsets(%dma_start3A_1261 : memref<128xi32, #tpu.memory_space<vmem>>) semaphore(%run_scoped3A_1258 : memref<!tpu.dma_semaphore, #tpu.memory_space<semaphore_mem>>) {add = true}
      %dma_wait3A_1265 = arith.constant 0 : i32
      %dma_wait3A_1266 = tpu.memref_slice %arg7[%run_scoped3A_1067, %dma_wait3A_1265] : memref<40x128xi32, #tpu.memory_space<vmem>> -> memref<1x128xi32, #tpu.memory_space<vmem>>
      %dma_wait3A_1267 = tpu.memref_squeeze %dma_wait3A_1266 : memref<1x128xi32, #tpu.memory_space<vmem>> -> memref<128xi32, #tpu.memory_space<vmem>>
      %dma_wait3A_1268 = arith.constant 0 : i32
      %dma_wait3A_1269 = arith.constant 0 : i32
      %dma_wait3A_1270 = tpu.memref_slice %arg10[%dma_wait3A_1268, %dma_wait3A_1269] : memref<10240x128xf32, #tpu.memory_space<vmem_shared>> -> memref<10240x128xf32, #tpu.memory_space<vmem_shared>>
      tpu.wait_indirect_dma semaphore(%run_scoped3A_1258 : memref<!tpu.dma_semaphore, #tpu.memory_space<semaphore_mem>>) src(%arg8 : memref<128x128xf32, #tpu.memory_space<vmem>>) dst(%dma_wait3A_1270 : memref<10240x128xf32, #tpu.memory_space<vmem_shared>>)
      tpu.yield
    }) : () -> ()
    %dma_wait3A_1068 = arith.constant 29 : i32
    %dma_wait3A_1069 = arith.constant 0 : i32
    %dma_wait3A_1070 = tpu.memref_slice %arg6[%dma_wait3A_1068, %dma_wait3A_1069] : memref<40x128xi32, #tpu.memory_space<vmem>> -> memref<1x128xi32, #tpu.memory_space<vmem>>
    %dma_wait3A_1071 = tpu.memref_squeeze %dma_wait3A_1070 : memref<1x128xi32, #tpu.memory_space<vmem>> -> memref<128xi32, #tpu.memory_space<vmem>>
    %dma_wait3A_1072 = arith.constant 0 : i32
    %dma_wait3A_1073 = arith.constant 0 : i32
    %dma_wait3A_1074 = tpu.memref_slice %arg4[%dma_wait3A_1072, %dma_wait3A_1073] : memref<10128x128xf32, #tpu.memory_space<hbm>> -> memref<10128x128xf32, #tpu.memory_space<hbm>>
    tpu.wait_indirect_dma semaphore(%arg12 : memref<!tpu.dma_semaphore, #tpu.memory_space<semaphore_mem>>) src(%dma_wait3A_1074 : memref<10128x128xf32, #tpu.memory_space<hbm>>) dst(%arg9 : memref<128x128xf32, #tpu.memory_space<vmem>>)
    %dma_start3A_1075 = arith.constant 30 : i32
    %dma_start3A_1076 = arith.constant 0 : i32
    %dma_start3A_1077 = tpu.memref_slice %arg6[%dma_start3A_1075, %dma_start3A_1076] : memref<40x128xi32, #tpu.memory_space<vmem>> -> memref<1x128xi32, #tpu.memory_space<vmem>>
    %dma_start3A_1078 = tpu.memref_squeeze %dma_start3A_1077 : memref<1x128xi32, #tpu.memory_space<vmem>> -> memref<128xi32, #tpu.memory_space<vmem>>
    %dma_start3A_1079 = arith.constant 0 : i32
    %dma_start3A_1080 = arith.constant 0 : i32
    %dma_start3A_1081 = tpu.memref_slice %arg4[%dma_start3A_1079, %dma_start3A_1080] : memref<10128x128xf32, #tpu.memory_space<hbm>> -> memref<10128x128xf32, #tpu.memory_space<hbm>>
    tpu.enqueue_indirect_dma source(%dma_start3A_1081 : memref<10128x128xf32, #tpu.memory_space<hbm>>) target(%arg8 : memref<128x128xf32, #tpu.memory_space<vmem>>) offsets(%dma_start3A_1078 : memref<128xi32, #tpu.memory_space<vmem>>) semaphore(%arg11 : memref<!tpu.dma_semaphore, #tpu.memory_space<semaphore_mem>>)
    %run_scoped3A_1082 = arith.constant 29 : i32
    "tpu.region"() ({
      %run_scoped3A_1258 = tpu.sem_alloc : memref<!tpu.dma_semaphore, #tpu.memory_space<semaphore_mem>>
      %dma_start3A_1259 = arith.constant 0 : i32
      %dma_start3A_1260 = tpu.memref_slice %arg7[%run_scoped3A_1082, %dma_start3A_1259] : memref<40x128xi32, #tpu.memory_space<vmem>> -> memref<1x128xi32, #tpu.memory_space<vmem>>
      %dma_start3A_1261 = tpu.memref_squeeze %dma_start3A_1260 : memref<1x128xi32, #tpu.memory_space<vmem>> -> memref<128xi32, #tpu.memory_space<vmem>>
      %dma_start3A_1262 = arith.constant 0 : i32
      %dma_start3A_1263 = arith.constant 0 : i32
      %dma_start3A_1264 = tpu.memref_slice %arg10[%dma_start3A_1262, %dma_start3A_1263] : memref<10240x128xf32, #tpu.memory_space<vmem_shared>> -> memref<10240x128xf32, #tpu.memory_space<vmem_shared>>
      tpu.enqueue_indirect_dma source(%arg9 : memref<128x128xf32, #tpu.memory_space<vmem>>) target(%dma_start3A_1264 : memref<10240x128xf32, #tpu.memory_space<vmem_shared>>) offsets(%dma_start3A_1261 : memref<128xi32, #tpu.memory_space<vmem>>) semaphore(%run_scoped3A_1258 : memref<!tpu.dma_semaphore, #tpu.memory_space<semaphore_mem>>) {add = true}
      %dma_wait3A_1265 = arith.constant 0 : i32
      %dma_wait3A_1266 = tpu.memref_slice %arg7[%run_scoped3A_1082, %dma_wait3A_1265] : memref<40x128xi32, #tpu.memory_space<vmem>> -> memref<1x128xi32, #tpu.memory_space<vmem>>
      %dma_wait3A_1267 = tpu.memref_squeeze %dma_wait3A_1266 : memref<1x128xi32, #tpu.memory_space<vmem>> -> memref<128xi32, #tpu.memory_space<vmem>>
      %dma_wait3A_1268 = arith.constant 0 : i32
      %dma_wait3A_1269 = arith.constant 0 : i32
      %dma_wait3A_1270 = tpu.memref_slice %arg10[%dma_wait3A_1268, %dma_wait3A_1269] : memref<10240x128xf32, #tpu.memory_space<vmem_shared>> -> memref<10240x128xf32, #tpu.memory_space<vmem_shared>>
      tpu.wait_indirect_dma semaphore(%run_scoped3A_1258 : memref<!tpu.dma_semaphore, #tpu.memory_space<semaphore_mem>>) src(%arg9 : memref<128x128xf32, #tpu.memory_space<vmem>>) dst(%dma_wait3A_1270 : memref<10240x128xf32, #tpu.memory_space<vmem_shared>>)
      tpu.yield
    }) : () -> ()
    %dma_wait3A_1083 = arith.constant 30 : i32
    %dma_wait3A_1084 = arith.constant 0 : i32
    %dma_wait3A_1085 = tpu.memref_slice %arg6[%dma_wait3A_1083, %dma_wait3A_1084] : memref<40x128xi32, #tpu.memory_space<vmem>> -> memref<1x128xi32, #tpu.memory_space<vmem>>
    %dma_wait3A_1086 = tpu.memref_squeeze %dma_wait3A_1085 : memref<1x128xi32, #tpu.memory_space<vmem>> -> memref<128xi32, #tpu.memory_space<vmem>>
    %dma_wait3A_1087 = arith.constant 0 : i32
    %dma_wait3A_1088 = arith.constant 0 : i32
    %dma_wait3A_1089 = tpu.memref_slice %arg4[%dma_wait3A_1087, %dma_wait3A_1088] : memref<10128x128xf32, #tpu.memory_space<hbm>> -> memref<10128x128xf32, #tpu.memory_space<hbm>>
    tpu.wait_indirect_dma semaphore(%arg11 : memref<!tpu.dma_semaphore, #tpu.memory_space<semaphore_mem>>) src(%dma_wait3A_1089 : memref<10128x128xf32, #tpu.memory_space<hbm>>) dst(%arg8 : memref<128x128xf32, #tpu.memory_space<vmem>>)
    %dma_start3A_1090 = arith.constant 31 : i32
    %dma_start3A_1091 = arith.constant 0 : i32
    %dma_start3A_1092 = tpu.memref_slice %arg6[%dma_start3A_1090, %dma_start3A_1091] : memref<40x128xi32, #tpu.memory_space<vmem>> -> memref<1x128xi32, #tpu.memory_space<vmem>>
    %dma_start3A_1093 = tpu.memref_squeeze %dma_start3A_1092 : memref<1x128xi32, #tpu.memory_space<vmem>> -> memref<128xi32, #tpu.memory_space<vmem>>
    %dma_start3A_1094 = arith.constant 0 : i32
    %dma_start3A_1095 = arith.constant 0 : i32
    %dma_start3A_1096 = tpu.memref_slice %arg4[%dma_start3A_1094, %dma_start3A_1095] : memref<10128x128xf32, #tpu.memory_space<hbm>> -> memref<10128x128xf32, #tpu.memory_space<hbm>>
    tpu.enqueue_indirect_dma source(%dma_start3A_1096 : memref<10128x128xf32, #tpu.memory_space<hbm>>) target(%arg9 : memref<128x128xf32, #tpu.memory_space<vmem>>) offsets(%dma_start3A_1093 : memref<128xi32, #tpu.memory_space<vmem>>) semaphore(%arg12 : memref<!tpu.dma_semaphore, #tpu.memory_space<semaphore_mem>>)
    %run_scoped3A_1097 = arith.constant 30 : i32
    "tpu.region"() ({
      %run_scoped3A_1258 = tpu.sem_alloc : memref<!tpu.dma_semaphore, #tpu.memory_space<semaphore_mem>>
      %dma_start3A_1259 = arith.constant 0 : i32
      %dma_start3A_1260 = tpu.memref_slice %arg7[%run_scoped3A_1097, %dma_start3A_1259] : memref<40x128xi32, #tpu.memory_space<vmem>> -> memref<1x128xi32, #tpu.memory_space<vmem>>
      %dma_start3A_1261 = tpu.memref_squeeze %dma_start3A_1260 : memref<1x128xi32, #tpu.memory_space<vmem>> -> memref<128xi32, #tpu.memory_space<vmem>>
      %dma_start3A_1262 = arith.constant 0 : i32
      %dma_start3A_1263 = arith.constant 0 : i32
      %dma_start3A_1264 = tpu.memref_slice %arg10[%dma_start3A_1262, %dma_start3A_1263] : memref<10240x128xf32, #tpu.memory_space<vmem_shared>> -> memref<10240x128xf32, #tpu.memory_space<vmem_shared>>
      tpu.enqueue_indirect_dma source(%arg8 : memref<128x128xf32, #tpu.memory_space<vmem>>) target(%dma_start3A_1264 : memref<10240x128xf32, #tpu.memory_space<vmem_shared>>) offsets(%dma_start3A_1261 : memref<128xi32, #tpu.memory_space<vmem>>) semaphore(%run_scoped3A_1258 : memref<!tpu.dma_semaphore, #tpu.memory_space<semaphore_mem>>) {add = true}
      %dma_wait3A_1265 = arith.constant 0 : i32
      %dma_wait3A_1266 = tpu.memref_slice %arg7[%run_scoped3A_1097, %dma_wait3A_1265] : memref<40x128xi32, #tpu.memory_space<vmem>> -> memref<1x128xi32, #tpu.memory_space<vmem>>
      %dma_wait3A_1267 = tpu.memref_squeeze %dma_wait3A_1266 : memref<1x128xi32, #tpu.memory_space<vmem>> -> memref<128xi32, #tpu.memory_space<vmem>>
      %dma_wait3A_1268 = arith.constant 0 : i32
      %dma_wait3A_1269 = arith.constant 0 : i32
      %dma_wait3A_1270 = tpu.memref_slice %arg10[%dma_wait3A_1268, %dma_wait3A_1269] : memref<10240x128xf32, #tpu.memory_space<vmem_shared>> -> memref<10240x128xf32, #tpu.memory_space<vmem_shared>>
      tpu.wait_indirect_dma semaphore(%run_scoped3A_1258 : memref<!tpu.dma_semaphore, #tpu.memory_space<semaphore_mem>>) src(%arg8 : memref<128x128xf32, #tpu.memory_space<vmem>>) dst(%dma_wait3A_1270 : memref<10240x128xf32, #tpu.memory_space<vmem_shared>>)
      tpu.yield
    }) : () -> ()
    %dma_wait3A_1098 = arith.constant 31 : i32
    %dma_wait3A_1099 = arith.constant 0 : i32
    %dma_wait3A_1100 = tpu.memref_slice %arg6[%dma_wait3A_1098, %dma_wait3A_1099] : memref<40x128xi32, #tpu.memory_space<vmem>> -> memref<1x128xi32, #tpu.memory_space<vmem>>
    %dma_wait3A_1101 = tpu.memref_squeeze %dma_wait3A_1100 : memref<1x128xi32, #tpu.memory_space<vmem>> -> memref<128xi32, #tpu.memory_space<vmem>>
    %dma_wait3A_1102 = arith.constant 0 : i32
    %dma_wait3A_1103 = arith.constant 0 : i32
    %dma_wait3A_1104 = tpu.memref_slice %arg4[%dma_wait3A_1102, %dma_wait3A_1103] : memref<10128x128xf32, #tpu.memory_space<hbm>> -> memref<10128x128xf32, #tpu.memory_space<hbm>>
    tpu.wait_indirect_dma semaphore(%arg12 : memref<!tpu.dma_semaphore, #tpu.memory_space<semaphore_mem>>) src(%dma_wait3A_1104 : memref<10128x128xf32, #tpu.memory_space<hbm>>) dst(%arg9 : memref<128x128xf32, #tpu.memory_space<vmem>>)
    %dma_start3A_1105 = arith.constant 32 : i32
    %dma_start3A_1106 = arith.constant 0 : i32
    %dma_start3A_1107 = tpu.memref_slice %arg6[%dma_start3A_1105, %dma_start3A_1106] : memref<40x128xi32, #tpu.memory_space<vmem>> -> memref<1x128xi32, #tpu.memory_space<vmem>>
    %dma_start3A_1108 = tpu.memref_squeeze %dma_start3A_1107 : memref<1x128xi32, #tpu.memory_space<vmem>> -> memref<128xi32, #tpu.memory_space<vmem>>
    %dma_start3A_1109 = arith.constant 0 : i32
    %dma_start3A_1110 = arith.constant 0 : i32
    %dma_start3A_1111 = tpu.memref_slice %arg4[%dma_start3A_1109, %dma_start3A_1110] : memref<10128x128xf32, #tpu.memory_space<hbm>> -> memref<10128x128xf32, #tpu.memory_space<hbm>>
    tpu.enqueue_indirect_dma source(%dma_start3A_1111 : memref<10128x128xf32, #tpu.memory_space<hbm>>) target(%arg8 : memref<128x128xf32, #tpu.memory_space<vmem>>) offsets(%dma_start3A_1108 : memref<128xi32, #tpu.memory_space<vmem>>) semaphore(%arg11 : memref<!tpu.dma_semaphore, #tpu.memory_space<semaphore_mem>>)
    %run_scoped3A_1112 = arith.constant 31 : i32
    "tpu.region"() ({
      %run_scoped3A_1258 = tpu.sem_alloc : memref<!tpu.dma_semaphore, #tpu.memory_space<semaphore_mem>>
      %dma_start3A_1259 = arith.constant 0 : i32
      %dma_start3A_1260 = tpu.memref_slice %arg7[%run_scoped3A_1112, %dma_start3A_1259] : memref<40x128xi32, #tpu.memory_space<vmem>> -> memref<1x128xi32, #tpu.memory_space<vmem>>
      %dma_start3A_1261 = tpu.memref_squeeze %dma_start3A_1260 : memref<1x128xi32, #tpu.memory_space<vmem>> -> memref<128xi32, #tpu.memory_space<vmem>>
      %dma_start3A_1262 = arith.constant 0 : i32
      %dma_start3A_1263 = arith.constant 0 : i32
      %dma_start3A_1264 = tpu.memref_slice %arg10[%dma_start3A_1262, %dma_start3A_1263] : memref<10240x128xf32, #tpu.memory_space<vmem_shared>> -> memref<10240x128xf32, #tpu.memory_space<vmem_shared>>
      tpu.enqueue_indirect_dma source(%arg9 : memref<128x128xf32, #tpu.memory_space<vmem>>) target(%dma_start3A_1264 : memref<10240x128xf32, #tpu.memory_space<vmem_shared>>) offsets(%dma_start3A_1261 : memref<128xi32, #tpu.memory_space<vmem>>) semaphore(%run_scoped3A_1258 : memref<!tpu.dma_semaphore, #tpu.memory_space<semaphore_mem>>) {add = true}
      %dma_wait3A_1265 = arith.constant 0 : i32
      %dma_wait3A_1266 = tpu.memref_slice %arg7[%run_scoped3A_1112, %dma_wait3A_1265] : memref<40x128xi32, #tpu.memory_space<vmem>> -> memref<1x128xi32, #tpu.memory_space<vmem>>
      %dma_wait3A_1267 = tpu.memref_squeeze %dma_wait3A_1266 : memref<1x128xi32, #tpu.memory_space<vmem>> -> memref<128xi32, #tpu.memory_space<vmem>>
      %dma_wait3A_1268 = arith.constant 0 : i32
      %dma_wait3A_1269 = arith.constant 0 : i32
      %dma_wait3A_1270 = tpu.memref_slice %arg10[%dma_wait3A_1268, %dma_wait3A_1269] : memref<10240x128xf32, #tpu.memory_space<vmem_shared>> -> memref<10240x128xf32, #tpu.memory_space<vmem_shared>>
      tpu.wait_indirect_dma semaphore(%run_scoped3A_1258 : memref<!tpu.dma_semaphore, #tpu.memory_space<semaphore_mem>>) src(%arg9 : memref<128x128xf32, #tpu.memory_space<vmem>>) dst(%dma_wait3A_1270 : memref<10240x128xf32, #tpu.memory_space<vmem_shared>>)
      tpu.yield
    }) : () -> ()
    %dma_wait3A_1113 = arith.constant 32 : i32
    %dma_wait3A_1114 = arith.constant 0 : i32
    %dma_wait3A_1115 = tpu.memref_slice %arg6[%dma_wait3A_1113, %dma_wait3A_1114] : memref<40x128xi32, #tpu.memory_space<vmem>> -> memref<1x128xi32, #tpu.memory_space<vmem>>
    %dma_wait3A_1116 = tpu.memref_squeeze %dma_wait3A_1115 : memref<1x128xi32, #tpu.memory_space<vmem>> -> memref<128xi32, #tpu.memory_space<vmem>>
    %dma_wait3A_1117 = arith.constant 0 : i32
    %dma_wait3A_1118 = arith.constant 0 : i32
    %dma_wait3A_1119 = tpu.memref_slice %arg4[%dma_wait3A_1117, %dma_wait3A_1118] : memref<10128x128xf32, #tpu.memory_space<hbm>> -> memref<10128x128xf32, #tpu.memory_space<hbm>>
    tpu.wait_indirect_dma semaphore(%arg11 : memref<!tpu.dma_semaphore, #tpu.memory_space<semaphore_mem>>) src(%dma_wait3A_1119 : memref<10128x128xf32, #tpu.memory_space<hbm>>) dst(%arg8 : memref<128x128xf32, #tpu.memory_space<vmem>>)
    %dma_start3A_1120 = arith.constant 33 : i32
    %dma_start3A_1121 = arith.constant 0 : i32
    %dma_start3A_1122 = tpu.memref_slice %arg6[%dma_start3A_1120, %dma_start3A_1121] : memref<40x128xi32, #tpu.memory_space<vmem>> -> memref<1x128xi32, #tpu.memory_space<vmem>>
    %dma_start3A_1123 = tpu.memref_squeeze %dma_start3A_1122 : memref<1x128xi32, #tpu.memory_space<vmem>> -> memref<128xi32, #tpu.memory_space<vmem>>
    %dma_start3A_1124 = arith.constant 0 : i32
    %dma_start3A_1125 = arith.constant 0 : i32
    %dma_start3A_1126 = tpu.memref_slice %arg4[%dma_start3A_1124, %dma_start3A_1125] : memref<10128x128xf32, #tpu.memory_space<hbm>> -> memref<10128x128xf32, #tpu.memory_space<hbm>>
    tpu.enqueue_indirect_dma source(%dma_start3A_1126 : memref<10128x128xf32, #tpu.memory_space<hbm>>) target(%arg9 : memref<128x128xf32, #tpu.memory_space<vmem>>) offsets(%dma_start3A_1123 : memref<128xi32, #tpu.memory_space<vmem>>) semaphore(%arg12 : memref<!tpu.dma_semaphore, #tpu.memory_space<semaphore_mem>>)
    %run_scoped3A_1127 = arith.constant 32 : i32
    "tpu.region"() ({
      %run_scoped3A_1258 = tpu.sem_alloc : memref<!tpu.dma_semaphore, #tpu.memory_space<semaphore_mem>>
      %dma_start3A_1259 = arith.constant 0 : i32
      %dma_start3A_1260 = tpu.memref_slice %arg7[%run_scoped3A_1127, %dma_start3A_1259] : memref<40x128xi32, #tpu.memory_space<vmem>> -> memref<1x128xi32, #tpu.memory_space<vmem>>
      %dma_start3A_1261 = tpu.memref_squeeze %dma_start3A_1260 : memref<1x128xi32, #tpu.memory_space<vmem>> -> memref<128xi32, #tpu.memory_space<vmem>>
      %dma_start3A_1262 = arith.constant 0 : i32
      %dma_start3A_1263 = arith.constant 0 : i32
      %dma_start3A_1264 = tpu.memref_slice %arg10[%dma_start3A_1262, %dma_start3A_1263] : memref<10240x128xf32, #tpu.memory_space<vmem_shared>> -> memref<10240x128xf32, #tpu.memory_space<vmem_shared>>
      tpu.enqueue_indirect_dma source(%arg8 : memref<128x128xf32, #tpu.memory_space<vmem>>) target(%dma_start3A_1264 : memref<10240x128xf32, #tpu.memory_space<vmem_shared>>) offsets(%dma_start3A_1261 : memref<128xi32, #tpu.memory_space<vmem>>) semaphore(%run_scoped3A_1258 : memref<!tpu.dma_semaphore, #tpu.memory_space<semaphore_mem>>) {add = true}
      %dma_wait3A_1265 = arith.constant 0 : i32
      %dma_wait3A_1266 = tpu.memref_slice %arg7[%run_scoped3A_1127, %dma_wait3A_1265] : memref<40x128xi32, #tpu.memory_space<vmem>> -> memref<1x128xi32, #tpu.memory_space<vmem>>
      %dma_wait3A_1267 = tpu.memref_squeeze %dma_wait3A_1266 : memref<1x128xi32, #tpu.memory_space<vmem>> -> memref<128xi32, #tpu.memory_space<vmem>>
      %dma_wait3A_1268 = arith.constant 0 : i32
      %dma_wait3A_1269 = arith.constant 0 : i32
      %dma_wait3A_1270 = tpu.memref_slice %arg10[%dma_wait3A_1268, %dma_wait3A_1269] : memref<10240x128xf32, #tpu.memory_space<vmem_shared>> -> memref<10240x128xf32, #tpu.memory_space<vmem_shared>>
      tpu.wait_indirect_dma semaphore(%run_scoped3A_1258 : memref<!tpu.dma_semaphore, #tpu.memory_space<semaphore_mem>>) src(%arg8 : memref<128x128xf32, #tpu.memory_space<vmem>>) dst(%dma_wait3A_1270 : memref<10240x128xf32, #tpu.memory_space<vmem_shared>>)
      tpu.yield
    }) : () -> ()
    %dma_wait3A_1128 = arith.constant 33 : i32
    %dma_wait3A_1129 = arith.constant 0 : i32
    %dma_wait3A_1130 = tpu.memref_slice %arg6[%dma_wait3A_1128, %dma_wait3A_1129] : memref<40x128xi32, #tpu.memory_space<vmem>> -> memref<1x128xi32, #tpu.memory_space<vmem>>
    %dma_wait3A_1131 = tpu.memref_squeeze %dma_wait3A_1130 : memref<1x128xi32, #tpu.memory_space<vmem>> -> memref<128xi32, #tpu.memory_space<vmem>>
    %dma_wait3A_1132 = arith.constant 0 : i32
    %dma_wait3A_1133 = arith.constant 0 : i32
    %dma_wait3A_1134 = tpu.memref_slice %arg4[%dma_wait3A_1132, %dma_wait3A_1133] : memref<10128x128xf32, #tpu.memory_space<hbm>> -> memref<10128x128xf32, #tpu.memory_space<hbm>>
    tpu.wait_indirect_dma semaphore(%arg12 : memref<!tpu.dma_semaphore, #tpu.memory_space<semaphore_mem>>) src(%dma_wait3A_1134 : memref<10128x128xf32, #tpu.memory_space<hbm>>) dst(%arg9 : memref<128x128xf32, #tpu.memory_space<vmem>>)
    %dma_start3A_1135 = arith.constant 34 : i32
    %dma_start3A_1136 = arith.constant 0 : i32
    %dma_start3A_1137 = tpu.memref_slice %arg6[%dma_start3A_1135, %dma_start3A_1136] : memref<40x128xi32, #tpu.memory_space<vmem>> -> memref<1x128xi32, #tpu.memory_space<vmem>>
    %dma_start3A_1138 = tpu.memref_squeeze %dma_start3A_1137 : memref<1x128xi32, #tpu.memory_space<vmem>> -> memref<128xi32, #tpu.memory_space<vmem>>
    %dma_start3A_1139 = arith.constant 0 : i32
    %dma_start3A_1140 = arith.constant 0 : i32
    %dma_start3A_1141 = tpu.memref_slice %arg4[%dma_start3A_1139, %dma_start3A_1140] : memref<10128x128xf32, #tpu.memory_space<hbm>> -> memref<10128x128xf32, #tpu.memory_space<hbm>>
    tpu.enqueue_indirect_dma source(%dma_start3A_1141 : memref<10128x128xf32, #tpu.memory_space<hbm>>) target(%arg8 : memref<128x128xf32, #tpu.memory_space<vmem>>) offsets(%dma_start3A_1138 : memref<128xi32, #tpu.memory_space<vmem>>) semaphore(%arg11 : memref<!tpu.dma_semaphore, #tpu.memory_space<semaphore_mem>>)
    %run_scoped3A_1142 = arith.constant 33 : i32
    "tpu.region"() ({
      %run_scoped3A_1258 = tpu.sem_alloc : memref<!tpu.dma_semaphore, #tpu.memory_space<semaphore_mem>>
      %dma_start3A_1259 = arith.constant 0 : i32
      %dma_start3A_1260 = tpu.memref_slice %arg7[%run_scoped3A_1142, %dma_start3A_1259] : memref<40x128xi32, #tpu.memory_space<vmem>> -> memref<1x128xi32, #tpu.memory_space<vmem>>
      %dma_start3A_1261 = tpu.memref_squeeze %dma_start3A_1260 : memref<1x128xi32, #tpu.memory_space<vmem>> -> memref<128xi32, #tpu.memory_space<vmem>>
      %dma_start3A_1262 = arith.constant 0 : i32
      %dma_start3A_1263 = arith.constant 0 : i32
      %dma_start3A_1264 = tpu.memref_slice %arg10[%dma_start3A_1262, %dma_start3A_1263] : memref<10240x128xf32, #tpu.memory_space<vmem_shared>> -> memref<10240x128xf32, #tpu.memory_space<vmem_shared>>
      tpu.enqueue_indirect_dma source(%arg9 : memref<128x128xf32, #tpu.memory_space<vmem>>) target(%dma_start3A_1264 : memref<10240x128xf32, #tpu.memory_space<vmem_shared>>) offsets(%dma_start3A_1261 : memref<128xi32, #tpu.memory_space<vmem>>) semaphore(%run_scoped3A_1258 : memref<!tpu.dma_semaphore, #tpu.memory_space<semaphore_mem>>) {add = true}
      %dma_wait3A_1265 = arith.constant 0 : i32
      %dma_wait3A_1266 = tpu.memref_slice %arg7[%run_scoped3A_1142, %dma_wait3A_1265] : memref<40x128xi32, #tpu.memory_space<vmem>> -> memref<1x128xi32, #tpu.memory_space<vmem>>
      %dma_wait3A_1267 = tpu.memref_squeeze %dma_wait3A_1266 : memref<1x128xi32, #tpu.memory_space<vmem>> -> memref<128xi32, #tpu.memory_space<vmem>>
      %dma_wait3A_1268 = arith.constant 0 : i32
      %dma_wait3A_1269 = arith.constant 0 : i32
      %dma_wait3A_1270 = tpu.memref_slice %arg10[%dma_wait3A_1268, %dma_wait3A_1269] : memref<10240x128xf32, #tpu.memory_space<vmem_shared>> -> memref<10240x128xf32, #tpu.memory_space<vmem_shared>>
      tpu.wait_indirect_dma semaphore(%run_scoped3A_1258 : memref<!tpu.dma_semaphore, #tpu.memory_space<semaphore_mem>>) src(%arg9 : memref<128x128xf32, #tpu.memory_space<vmem>>) dst(%dma_wait3A_1270 : memref<10240x128xf32, #tpu.memory_space<vmem_shared>>)
      tpu.yield
    }) : () -> ()
    %dma_wait3A_1143 = arith.constant 34 : i32
    %dma_wait3A_1144 = arith.constant 0 : i32
    %dma_wait3A_1145 = tpu.memref_slice %arg6[%dma_wait3A_1143, %dma_wait3A_1144] : memref<40x128xi32, #tpu.memory_space<vmem>> -> memref<1x128xi32, #tpu.memory_space<vmem>>
    %dma_wait3A_1146 = tpu.memref_squeeze %dma_wait3A_1145 : memref<1x128xi32, #tpu.memory_space<vmem>> -> memref<128xi32, #tpu.memory_space<vmem>>
    %dma_wait3A_1147 = arith.constant 0 : i32
    %dma_wait3A_1148 = arith.constant 0 : i32
    %dma_wait3A_1149 = tpu.memref_slice %arg4[%dma_wait3A_1147, %dma_wait3A_1148] : memref<10128x128xf32, #tpu.memory_space<hbm>> -> memref<10128x128xf32, #tpu.memory_space<hbm>>
    tpu.wait_indirect_dma semaphore(%arg11 : memref<!tpu.dma_semaphore, #tpu.memory_space<semaphore_mem>>) src(%dma_wait3A_1149 : memref<10128x128xf32, #tpu.memory_space<hbm>>) dst(%arg8 : memref<128x128xf32, #tpu.memory_space<vmem>>)
    %dma_start3A_1150 = arith.constant 35 : i32
    %dma_start3A_1151 = arith.constant 0 : i32
    %dma_start3A_1152 = tpu.memref_slice %arg6[%dma_start3A_1150, %dma_start3A_1151] : memref<40x128xi32, #tpu.memory_space<vmem>> -> memref<1x128xi32, #tpu.memory_space<vmem>>
    %dma_start3A_1153 = tpu.memref_squeeze %dma_start3A_1152 : memref<1x128xi32, #tpu.memory_space<vmem>> -> memref<128xi32, #tpu.memory_space<vmem>>
    %dma_start3A_1154 = arith.constant 0 : i32
    %dma_start3A_1155 = arith.constant 0 : i32
    %dma_start3A_1156 = tpu.memref_slice %arg4[%dma_start3A_1154, %dma_start3A_1155] : memref<10128x128xf32, #tpu.memory_space<hbm>> -> memref<10128x128xf32, #tpu.memory_space<hbm>>
    tpu.enqueue_indirect_dma source(%dma_start3A_1156 : memref<10128x128xf32, #tpu.memory_space<hbm>>) target(%arg9 : memref<128x128xf32, #tpu.memory_space<vmem>>) offsets(%dma_start3A_1153 : memref<128xi32, #tpu.memory_space<vmem>>) semaphore(%arg12 : memref<!tpu.dma_semaphore, #tpu.memory_space<semaphore_mem>>)
    %run_scoped3A_1157 = arith.constant 34 : i32
    "tpu.region"() ({
      %run_scoped3A_1258 = tpu.sem_alloc : memref<!tpu.dma_semaphore, #tpu.memory_space<semaphore_mem>>
      %dma_start3A_1259 = arith.constant 0 : i32
      %dma_start3A_1260 = tpu.memref_slice %arg7[%run_scoped3A_1157, %dma_start3A_1259] : memref<40x128xi32, #tpu.memory_space<vmem>> -> memref<1x128xi32, #tpu.memory_space<vmem>>
      %dma_start3A_1261 = tpu.memref_squeeze %dma_start3A_1260 : memref<1x128xi32, #tpu.memory_space<vmem>> -> memref<128xi32, #tpu.memory_space<vmem>>
      %dma_start3A_1262 = arith.constant 0 : i32
      %dma_start3A_1263 = arith.constant 0 : i32
      %dma_start3A_1264 = tpu.memref_slice %arg10[%dma_start3A_1262, %dma_start3A_1263] : memref<10240x128xf32, #tpu.memory_space<vmem_shared>> -> memref<10240x128xf32, #tpu.memory_space<vmem_shared>>
      tpu.enqueue_indirect_dma source(%arg8 : memref<128x128xf32, #tpu.memory_space<vmem>>) target(%dma_start3A_1264 : memref<10240x128xf32, #tpu.memory_space<vmem_shared>>) offsets(%dma_start3A_1261 : memref<128xi32, #tpu.memory_space<vmem>>) semaphore(%run_scoped3A_1258 : memref<!tpu.dma_semaphore, #tpu.memory_space<semaphore_mem>>) {add = true}
      %dma_wait3A_1265 = arith.constant 0 : i32
      %dma_wait3A_1266 = tpu.memref_slice %arg7[%run_scoped3A_1157, %dma_wait3A_1265] : memref<40x128xi32, #tpu.memory_space<vmem>> -> memref<1x128xi32, #tpu.memory_space<vmem>>
      %dma_wait3A_1267 = tpu.memref_squeeze %dma_wait3A_1266 : memref<1x128xi32, #tpu.memory_space<vmem>> -> memref<128xi32, #tpu.memory_space<vmem>>
      %dma_wait3A_1268 = arith.constant 0 : i32
      %dma_wait3A_1269 = arith.constant 0 : i32
      %dma_wait3A_1270 = tpu.memref_slice %arg10[%dma_wait3A_1268, %dma_wait3A_1269] : memref<10240x128xf32, #tpu.memory_space<vmem_shared>> -> memref<10240x128xf32, #tpu.memory_space<vmem_shared>>
      tpu.wait_indirect_dma semaphore(%run_scoped3A_1258 : memref<!tpu.dma_semaphore, #tpu.memory_space<semaphore_mem>>) src(%arg8 : memref<128x128xf32, #tpu.memory_space<vmem>>) dst(%dma_wait3A_1270 : memref<10240x128xf32, #tpu.memory_space<vmem_shared>>)
      tpu.yield
    }) : () -> ()
    %dma_wait3A_1158 = arith.constant 35 : i32
    %dma_wait3A_1159 = arith.constant 0 : i32
    %dma_wait3A_1160 = tpu.memref_slice %arg6[%dma_wait3A_1158, %dma_wait3A_1159] : memref<40x128xi32, #tpu.memory_space<vmem>> -> memref<1x128xi32, #tpu.memory_space<vmem>>
    %dma_wait3A_1161 = tpu.memref_squeeze %dma_wait3A_1160 : memref<1x128xi32, #tpu.memory_space<vmem>> -> memref<128xi32, #tpu.memory_space<vmem>>
    %dma_wait3A_1162 = arith.constant 0 : i32
    %dma_wait3A_1163 = arith.constant 0 : i32
    %dma_wait3A_1164 = tpu.memref_slice %arg4[%dma_wait3A_1162, %dma_wait3A_1163] : memref<10128x128xf32, #tpu.memory_space<hbm>> -> memref<10128x128xf32, #tpu.memory_space<hbm>>
    tpu.wait_indirect_dma semaphore(%arg12 : memref<!tpu.dma_semaphore, #tpu.memory_space<semaphore_mem>>) src(%dma_wait3A_1164 : memref<10128x128xf32, #tpu.memory_space<hbm>>) dst(%arg9 : memref<128x128xf32, #tpu.memory_space<vmem>>)
    %dma_start3A_1165 = arith.constant 36 : i32
    %dma_start3A_1166 = arith.constant 0 : i32
    %dma_start3A_1167 = tpu.memref_slice %arg6[%dma_start3A_1165, %dma_start3A_1166] : memref<40x128xi32, #tpu.memory_space<vmem>> -> memref<1x128xi32, #tpu.memory_space<vmem>>
    %dma_start3A_1168 = tpu.memref_squeeze %dma_start3A_1167 : memref<1x128xi32, #tpu.memory_space<vmem>> -> memref<128xi32, #tpu.memory_space<vmem>>
    %dma_start3A_1169 = arith.constant 0 : i32
    %dma_start3A_1170 = arith.constant 0 : i32
    %dma_start3A_1171 = tpu.memref_slice %arg4[%dma_start3A_1169, %dma_start3A_1170] : memref<10128x128xf32, #tpu.memory_space<hbm>> -> memref<10128x128xf32, #tpu.memory_space<hbm>>
    tpu.enqueue_indirect_dma source(%dma_start3A_1171 : memref<10128x128xf32, #tpu.memory_space<hbm>>) target(%arg8 : memref<128x128xf32, #tpu.memory_space<vmem>>) offsets(%dma_start3A_1168 : memref<128xi32, #tpu.memory_space<vmem>>) semaphore(%arg11 : memref<!tpu.dma_semaphore, #tpu.memory_space<semaphore_mem>>)
    %run_scoped3A_1172 = arith.constant 35 : i32
    "tpu.region"() ({
      %run_scoped3A_1258 = tpu.sem_alloc : memref<!tpu.dma_semaphore, #tpu.memory_space<semaphore_mem>>
      %dma_start3A_1259 = arith.constant 0 : i32
      %dma_start3A_1260 = tpu.memref_slice %arg7[%run_scoped3A_1172, %dma_start3A_1259] : memref<40x128xi32, #tpu.memory_space<vmem>> -> memref<1x128xi32, #tpu.memory_space<vmem>>
      %dma_start3A_1261 = tpu.memref_squeeze %dma_start3A_1260 : memref<1x128xi32, #tpu.memory_space<vmem>> -> memref<128xi32, #tpu.memory_space<vmem>>
      %dma_start3A_1262 = arith.constant 0 : i32
      %dma_start3A_1263 = arith.constant 0 : i32
      %dma_start3A_1264 = tpu.memref_slice %arg10[%dma_start3A_1262, %dma_start3A_1263] : memref<10240x128xf32, #tpu.memory_space<vmem_shared>> -> memref<10240x128xf32, #tpu.memory_space<vmem_shared>>
      tpu.enqueue_indirect_dma source(%arg9 : memref<128x128xf32, #tpu.memory_space<vmem>>) target(%dma_start3A_1264 : memref<10240x128xf32, #tpu.memory_space<vmem_shared>>) offsets(%dma_start3A_1261 : memref<128xi32, #tpu.memory_space<vmem>>) semaphore(%run_scoped3A_1258 : memref<!tpu.dma_semaphore, #tpu.memory_space<semaphore_mem>>) {add = true}
      %dma_wait3A_1265 = arith.constant 0 : i32
      %dma_wait3A_1266 = tpu.memref_slice %arg7[%run_scoped3A_1172, %dma_wait3A_1265] : memref<40x128xi32, #tpu.memory_space<vmem>> -> memref<1x128xi32, #tpu.memory_space<vmem>>
      %dma_wait3A_1267 = tpu.memref_squeeze %dma_wait3A_1266 : memref<1x128xi32, #tpu.memory_space<vmem>> -> memref<128xi32, #tpu.memory_space<vmem>>
      %dma_wait3A_1268 = arith.constant 0 : i32
      %dma_wait3A_1269 = arith.constant 0 : i32
      %dma_wait3A_1270 = tpu.memref_slice %arg10[%dma_wait3A_1268, %dma_wait3A_1269] : memref<10240x128xf32, #tpu.memory_space<vmem_shared>> -> memref<10240x128xf32, #tpu.memory_space<vmem_shared>>
      tpu.wait_indirect_dma semaphore(%run_scoped3A_1258 : memref<!tpu.dma_semaphore, #tpu.memory_space<semaphore_mem>>) src(%arg9 : memref<128x128xf32, #tpu.memory_space<vmem>>) dst(%dma_wait3A_1270 : memref<10240x128xf32, #tpu.memory_space<vmem_shared>>)
      tpu.yield
    }) : () -> ()
    %dma_wait3A_1173 = arith.constant 36 : i32
    %dma_wait3A_1174 = arith.constant 0 : i32
    %dma_wait3A_1175 = tpu.memref_slice %arg6[%dma_wait3A_1173, %dma_wait3A_1174] : memref<40x128xi32, #tpu.memory_space<vmem>> -> memref<1x128xi32, #tpu.memory_space<vmem>>
    %dma_wait3A_1176 = tpu.memref_squeeze %dma_wait3A_1175 : memref<1x128xi32, #tpu.memory_space<vmem>> -> memref<128xi32, #tpu.memory_space<vmem>>
    %dma_wait3A_1177 = arith.constant 0 : i32
    %dma_wait3A_1178 = arith.constant 0 : i32
    %dma_wait3A_1179 = tpu.memref_slice %arg4[%dma_wait3A_1177, %dma_wait3A_1178] : memref<10128x128xf32, #tpu.memory_space<hbm>> -> memref<10128x128xf32, #tpu.memory_space<hbm>>
    tpu.wait_indirect_dma semaphore(%arg11 : memref<!tpu.dma_semaphore, #tpu.memory_space<semaphore_mem>>) src(%dma_wait3A_1179 : memref<10128x128xf32, #tpu.memory_space<hbm>>) dst(%arg8 : memref<128x128xf32, #tpu.memory_space<vmem>>)
    %dma_start3A_1180 = arith.constant 37 : i32
    %dma_start3A_1181 = arith.constant 0 : i32
    %dma_start3A_1182 = tpu.memref_slice %arg6[%dma_start3A_1180, %dma_start3A_1181] : memref<40x128xi32, #tpu.memory_space<vmem>> -> memref<1x128xi32, #tpu.memory_space<vmem>>
    %dma_start3A_1183 = tpu.memref_squeeze %dma_start3A_1182 : memref<1x128xi32, #tpu.memory_space<vmem>> -> memref<128xi32, #tpu.memory_space<vmem>>
    %dma_start3A_1184 = arith.constant 0 : i32
    %dma_start3A_1185 = arith.constant 0 : i32
    %dma_start3A_1186 = tpu.memref_slice %arg4[%dma_start3A_1184, %dma_start3A_1185] : memref<10128x128xf32, #tpu.memory_space<hbm>> -> memref<10128x128xf32, #tpu.memory_space<hbm>>
    tpu.enqueue_indirect_dma source(%dma_start3A_1186 : memref<10128x128xf32, #tpu.memory_space<hbm>>) target(%arg9 : memref<128x128xf32, #tpu.memory_space<vmem>>) offsets(%dma_start3A_1183 : memref<128xi32, #tpu.memory_space<vmem>>) semaphore(%arg12 : memref<!tpu.dma_semaphore, #tpu.memory_space<semaphore_mem>>)
    %run_scoped3A_1187 = arith.constant 36 : i32
    "tpu.region"() ({
      %run_scoped3A_1258 = tpu.sem_alloc : memref<!tpu.dma_semaphore, #tpu.memory_space<semaphore_mem>>
      %dma_start3A_1259 = arith.constant 0 : i32
      %dma_start3A_1260 = tpu.memref_slice %arg7[%run_scoped3A_1187, %dma_start3A_1259] : memref<40x128xi32, #tpu.memory_space<vmem>> -> memref<1x128xi32, #tpu.memory_space<vmem>>
      %dma_start3A_1261 = tpu.memref_squeeze %dma_start3A_1260 : memref<1x128xi32, #tpu.memory_space<vmem>> -> memref<128xi32, #tpu.memory_space<vmem>>
      %dma_start3A_1262 = arith.constant 0 : i32
      %dma_start3A_1263 = arith.constant 0 : i32
      %dma_start3A_1264 = tpu.memref_slice %arg10[%dma_start3A_1262, %dma_start3A_1263] : memref<10240x128xf32, #tpu.memory_space<vmem_shared>> -> memref<10240x128xf32, #tpu.memory_space<vmem_shared>>
      tpu.enqueue_indirect_dma source(%arg8 : memref<128x128xf32, #tpu.memory_space<vmem>>) target(%dma_start3A_1264 : memref<10240x128xf32, #tpu.memory_space<vmem_shared>>) offsets(%dma_start3A_1261 : memref<128xi32, #tpu.memory_space<vmem>>) semaphore(%run_scoped3A_1258 : memref<!tpu.dma_semaphore, #tpu.memory_space<semaphore_mem>>) {add = true}
      %dma_wait3A_1265 = arith.constant 0 : i32
      %dma_wait3A_1266 = tpu.memref_slice %arg7[%run_scoped3A_1187, %dma_wait3A_1265] : memref<40x128xi32, #tpu.memory_space<vmem>> -> memref<1x128xi32, #tpu.memory_space<vmem>>
      %dma_wait3A_1267 = tpu.memref_squeeze %dma_wait3A_1266 : memref<1x128xi32, #tpu.memory_space<vmem>> -> memref<128xi32, #tpu.memory_space<vmem>>
      %dma_wait3A_1268 = arith.constant 0 : i32
      %dma_wait3A_1269 = arith.constant 0 : i32
      %dma_wait3A_1270 = tpu.memref_slice %arg10[%dma_wait3A_1268, %dma_wait3A_1269] : memref<10240x128xf32, #tpu.memory_space<vmem_shared>> -> memref<10240x128xf32, #tpu.memory_space<vmem_shared>>
      tpu.wait_indirect_dma semaphore(%run_scoped3A_1258 : memref<!tpu.dma_semaphore, #tpu.memory_space<semaphore_mem>>) src(%arg8 : memref<128x128xf32, #tpu.memory_space<vmem>>) dst(%dma_wait3A_1270 : memref<10240x128xf32, #tpu.memory_space<vmem_shared>>)
      tpu.yield
    }) : () -> ()
    %dma_wait3A_1188 = arith.constant 37 : i32
    %dma_wait3A_1189 = arith.constant 0 : i32
    %dma_wait3A_1190 = tpu.memref_slice %arg6[%dma_wait3A_1188, %dma_wait3A_1189] : memref<40x128xi32, #tpu.memory_space<vmem>> -> memref<1x128xi32, #tpu.memory_space<vmem>>
    %dma_wait3A_1191 = tpu.memref_squeeze %dma_wait3A_1190 : memref<1x128xi32, #tpu.memory_space<vmem>> -> memref<128xi32, #tpu.memory_space<vmem>>
    %dma_wait3A_1192 = arith.constant 0 : i32
    %dma_wait3A_1193 = arith.constant 0 : i32
    %dma_wait3A_1194 = tpu.memref_slice %arg4[%dma_wait3A_1192, %dma_wait3A_1193] : memref<10128x128xf32, #tpu.memory_space<hbm>> -> memref<10128x128xf32, #tpu.memory_space<hbm>>
    tpu.wait_indirect_dma semaphore(%arg12 : memref<!tpu.dma_semaphore, #tpu.memory_space<semaphore_mem>>) src(%dma_wait3A_1194 : memref<10128x128xf32, #tpu.memory_space<hbm>>) dst(%arg9 : memref<128x128xf32, #tpu.memory_space<vmem>>)
    %dma_start3A_1195 = arith.constant 38 : i32
    %dma_start3A_1196 = arith.constant 0 : i32
    %dma_start3A_1197 = tpu.memref_slice %arg6[%dma_start3A_1195, %dma_start3A_1196] : memref<40x128xi32, #tpu.memory_space<vmem>> -> memref<1x128xi32, #tpu.memory_space<vmem>>
    %dma_start3A_1198 = tpu.memref_squeeze %dma_start3A_1197 : memref<1x128xi32, #tpu.memory_space<vmem>> -> memref<128xi32, #tpu.memory_space<vmem>>
    %dma_start3A_1199 = arith.constant 0 : i32
    %dma_start3A_1200 = arith.constant 0 : i32
    %dma_start3A_1201 = tpu.memref_slice %arg4[%dma_start3A_1199, %dma_start3A_1200] : memref<10128x128xf32, #tpu.memory_space<hbm>> -> memref<10128x128xf32, #tpu.memory_space<hbm>>
    tpu.enqueue_indirect_dma source(%dma_start3A_1201 : memref<10128x128xf32, #tpu.memory_space<hbm>>) target(%arg8 : memref<128x128xf32, #tpu.memory_space<vmem>>) offsets(%dma_start3A_1198 : memref<128xi32, #tpu.memory_space<vmem>>) semaphore(%arg11 : memref<!tpu.dma_semaphore, #tpu.memory_space<semaphore_mem>>)
    %run_scoped3A_1202 = arith.constant 37 : i32
    "tpu.region"() ({
      %run_scoped3A_1258 = tpu.sem_alloc : memref<!tpu.dma_semaphore, #tpu.memory_space<semaphore_mem>>
      %dma_start3A_1259 = arith.constant 0 : i32
      %dma_start3A_1260 = tpu.memref_slice %arg7[%run_scoped3A_1202, %dma_start3A_1259] : memref<40x128xi32, #tpu.memory_space<vmem>> -> memref<1x128xi32, #tpu.memory_space<vmem>>
      %dma_start3A_1261 = tpu.memref_squeeze %dma_start3A_1260 : memref<1x128xi32, #tpu.memory_space<vmem>> -> memref<128xi32, #tpu.memory_space<vmem>>
      %dma_start3A_1262 = arith.constant 0 : i32
      %dma_start3A_1263 = arith.constant 0 : i32
      %dma_start3A_1264 = tpu.memref_slice %arg10[%dma_start3A_1262, %dma_start3A_1263] : memref<10240x128xf32, #tpu.memory_space<vmem_shared>> -> memref<10240x128xf32, #tpu.memory_space<vmem_shared>>
      tpu.enqueue_indirect_dma source(%arg9 : memref<128x128xf32, #tpu.memory_space<vmem>>) target(%dma_start3A_1264 : memref<10240x128xf32, #tpu.memory_space<vmem_shared>>) offsets(%dma_start3A_1261 : memref<128xi32, #tpu.memory_space<vmem>>) semaphore(%run_scoped3A_1258 : memref<!tpu.dma_semaphore, #tpu.memory_space<semaphore_mem>>) {add = true}
      %dma_wait3A_1265 = arith.constant 0 : i32
      %dma_wait3A_1266 = tpu.memref_slice %arg7[%run_scoped3A_1202, %dma_wait3A_1265] : memref<40x128xi32, #tpu.memory_space<vmem>> -> memref<1x128xi32, #tpu.memory_space<vmem>>
      %dma_wait3A_1267 = tpu.memref_squeeze %dma_wait3A_1266 : memref<1x128xi32, #tpu.memory_space<vmem>> -> memref<128xi32, #tpu.memory_space<vmem>>
      %dma_wait3A_1268 = arith.constant 0 : i32
      %dma_wait3A_1269 = arith.constant 0 : i32
      %dma_wait3A_1270 = tpu.memref_slice %arg10[%dma_wait3A_1268, %dma_wait3A_1269] : memref<10240x128xf32, #tpu.memory_space<vmem_shared>> -> memref<10240x128xf32, #tpu.memory_space<vmem_shared>>
      tpu.wait_indirect_dma semaphore(%run_scoped3A_1258 : memref<!tpu.dma_semaphore, #tpu.memory_space<semaphore_mem>>) src(%arg9 : memref<128x128xf32, #tpu.memory_space<vmem>>) dst(%dma_wait3A_1270 : memref<10240x128xf32, #tpu.memory_space<vmem_shared>>)
      tpu.yield
    }) : () -> ()
    %dma_wait3A_1203 = arith.constant 38 : i32
    %dma_wait3A_1204 = arith.constant 0 : i32
    %dma_wait3A_1205 = tpu.memref_slice %arg6[%dma_wait3A_1203, %dma_wait3A_1204] : memref<40x128xi32, #tpu.memory_space<vmem>> -> memref<1x128xi32, #tpu.memory_space<vmem>>
    %dma_wait3A_1206 = tpu.memref_squeeze %dma_wait3A_1205 : memref<1x128xi32, #tpu.memory_space<vmem>> -> memref<128xi32, #tpu.memory_space<vmem>>
    %dma_wait3A_1207 = arith.constant 0 : i32
    %dma_wait3A_1208 = arith.constant 0 : i32
    %dma_wait3A_1209 = tpu.memref_slice %arg4[%dma_wait3A_1207, %dma_wait3A_1208] : memref<10128x128xf32, #tpu.memory_space<hbm>> -> memref<10128x128xf32, #tpu.memory_space<hbm>>
    tpu.wait_indirect_dma semaphore(%arg11 : memref<!tpu.dma_semaphore, #tpu.memory_space<semaphore_mem>>) src(%dma_wait3A_1209 : memref<10128x128xf32, #tpu.memory_space<hbm>>) dst(%arg8 : memref<128x128xf32, #tpu.memory_space<vmem>>)
    %dma_start3A_1210 = arith.constant 39 : i32
    %dma_start3A_1211 = arith.constant 0 : i32
    %dma_start3A_1212 = tpu.memref_slice %arg6[%dma_start3A_1210, %dma_start3A_1211] : memref<40x128xi32, #tpu.memory_space<vmem>> -> memref<1x128xi32, #tpu.memory_space<vmem>>
    %dma_start3A_1213 = tpu.memref_squeeze %dma_start3A_1212 : memref<1x128xi32, #tpu.memory_space<vmem>> -> memref<128xi32, #tpu.memory_space<vmem>>
    %dma_start3A_1214 = arith.constant 0 : i32
    %dma_start3A_1215 = arith.constant 0 : i32
    %dma_start3A_1216 = tpu.memref_slice %arg4[%dma_start3A_1214, %dma_start3A_1215] : memref<10128x128xf32, #tpu.memory_space<hbm>> -> memref<10128x128xf32, #tpu.memory_space<hbm>>
    tpu.enqueue_indirect_dma source(%dma_start3A_1216 : memref<10128x128xf32, #tpu.memory_space<hbm>>) target(%arg9 : memref<128x128xf32, #tpu.memory_space<vmem>>) offsets(%dma_start3A_1213 : memref<128xi32, #tpu.memory_space<vmem>>) semaphore(%arg12 : memref<!tpu.dma_semaphore, #tpu.memory_space<semaphore_mem>>)
    %run_scoped3A_1217 = arith.constant 38 : i32
    "tpu.region"() ({
      %run_scoped3A_1258 = tpu.sem_alloc : memref<!tpu.dma_semaphore, #tpu.memory_space<semaphore_mem>>
      %dma_start3A_1259 = arith.constant 0 : i32
      %dma_start3A_1260 = tpu.memref_slice %arg7[%run_scoped3A_1217, %dma_start3A_1259] : memref<40x128xi32, #tpu.memory_space<vmem>> -> memref<1x128xi32, #tpu.memory_space<vmem>>
      %dma_start3A_1261 = tpu.memref_squeeze %dma_start3A_1260 : memref<1x128xi32, #tpu.memory_space<vmem>> -> memref<128xi32, #tpu.memory_space<vmem>>
      %dma_start3A_1262 = arith.constant 0 : i32
      %dma_start3A_1263 = arith.constant 0 : i32
      %dma_start3A_1264 = tpu.memref_slice %arg10[%dma_start3A_1262, %dma_start3A_1263] : memref<10240x128xf32, #tpu.memory_space<vmem_shared>> -> memref<10240x128xf32, #tpu.memory_space<vmem_shared>>
      tpu.enqueue_indirect_dma source(%arg8 : memref<128x128xf32, #tpu.memory_space<vmem>>) target(%dma_start3A_1264 : memref<10240x128xf32, #tpu.memory_space<vmem_shared>>) offsets(%dma_start3A_1261 : memref<128xi32, #tpu.memory_space<vmem>>) semaphore(%run_scoped3A_1258 : memref<!tpu.dma_semaphore, #tpu.memory_space<semaphore_mem>>) {add = true}
      %dma_wait3A_1265 = arith.constant 0 : i32
      %dma_wait3A_1266 = tpu.memref_slice %arg7[%run_scoped3A_1217, %dma_wait3A_1265] : memref<40x128xi32, #tpu.memory_space<vmem>> -> memref<1x128xi32, #tpu.memory_space<vmem>>
      %dma_wait3A_1267 = tpu.memref_squeeze %dma_wait3A_1266 : memref<1x128xi32, #tpu.memory_space<vmem>> -> memref<128xi32, #tpu.memory_space<vmem>>
      %dma_wait3A_1268 = arith.constant 0 : i32
      %dma_wait3A_1269 = arith.constant 0 : i32
      %dma_wait3A_1270 = tpu.memref_slice %arg10[%dma_wait3A_1268, %dma_wait3A_1269] : memref<10240x128xf32, #tpu.memory_space<vmem_shared>> -> memref<10240x128xf32, #tpu.memory_space<vmem_shared>>
      tpu.wait_indirect_dma semaphore(%run_scoped3A_1258 : memref<!tpu.dma_semaphore, #tpu.memory_space<semaphore_mem>>) src(%arg8 : memref<128x128xf32, #tpu.memory_space<vmem>>) dst(%dma_wait3A_1270 : memref<10240x128xf32, #tpu.memory_space<vmem_shared>>)
      tpu.yield
    }) : () -> ()
    %dma_wait3A_1218 = arith.constant 39 : i32
    %dma_wait3A_1219 = arith.constant 0 : i32
    %dma_wait3A_1220 = tpu.memref_slice %arg6[%dma_wait3A_1218, %dma_wait3A_1219] : memref<40x128xi32, #tpu.memory_space<vmem>> -> memref<1x128xi32, #tpu.memory_space<vmem>>
    %dma_wait3A_1221 = tpu.memref_squeeze %dma_wait3A_1220 : memref<1x128xi32, #tpu.memory_space<vmem>> -> memref<128xi32, #tpu.memory_space<vmem>>
    %dma_wait3A_1222 = arith.constant 0 : i32
    %dma_wait3A_1223 = arith.constant 0 : i32
    %dma_wait3A_1224 = tpu.memref_slice %arg4[%dma_wait3A_1222, %dma_wait3A_1223] : memref<10128x128xf32, #tpu.memory_space<hbm>> -> memref<10128x128xf32, #tpu.memory_space<hbm>>
    tpu.wait_indirect_dma semaphore(%arg12 : memref<!tpu.dma_semaphore, #tpu.memory_space<semaphore_mem>>) src(%dma_wait3A_1224 : memref<10128x128xf32, #tpu.memory_space<hbm>>) dst(%arg9 : memref<128x128xf32, #tpu.memory_space<vmem>>)
    %run_scoped3A_1225 = arith.constant 39 : i32
    "tpu.region"() ({
      %run_scoped3A_1258 = tpu.sem_alloc : memref<!tpu.dma_semaphore, #tpu.memory_space<semaphore_mem>>
      %dma_start3A_1259 = arith.constant 0 : i32
      %dma_start3A_1260 = tpu.memref_slice %arg7[%run_scoped3A_1225, %dma_start3A_1259] : memref<40x128xi32, #tpu.memory_space<vmem>> -> memref<1x128xi32, #tpu.memory_space<vmem>>
      %dma_start3A_1261 = tpu.memref_squeeze %dma_start3A_1260 : memref<1x128xi32, #tpu.memory_space<vmem>> -> memref<128xi32, #tpu.memory_space<vmem>>
      %dma_start3A_1262 = arith.constant 0 : i32
      %dma_start3A_1263 = arith.constant 0 : i32
      %dma_start3A_1264 = tpu.memref_slice %arg10[%dma_start3A_1262, %dma_start3A_1263] : memref<10240x128xf32, #tpu.memory_space<vmem_shared>> -> memref<10240x128xf32, #tpu.memory_space<vmem_shared>>
      tpu.enqueue_indirect_dma source(%arg9 : memref<128x128xf32, #tpu.memory_space<vmem>>) target(%dma_start3A_1264 : memref<10240x128xf32, #tpu.memory_space<vmem_shared>>) offsets(%dma_start3A_1261 : memref<128xi32, #tpu.memory_space<vmem>>) semaphore(%run_scoped3A_1258 : memref<!tpu.dma_semaphore, #tpu.memory_space<semaphore_mem>>) {add = true}
      %dma_wait3A_1265 = arith.constant 0 : i32
      %dma_wait3A_1266 = tpu.memref_slice %arg7[%run_scoped3A_1225, %dma_wait3A_1265] : memref<40x128xi32, #tpu.memory_space<vmem>> -> memref<1x128xi32, #tpu.memory_space<vmem>>
      %dma_wait3A_1267 = tpu.memref_squeeze %dma_wait3A_1266 : memref<1x128xi32, #tpu.memory_space<vmem>> -> memref<128xi32, #tpu.memory_space<vmem>>
      %dma_wait3A_1268 = arith.constant 0 : i32
      %dma_wait3A_1269 = arith.constant 0 : i32
      %dma_wait3A_1270 = tpu.memref_slice %arg10[%dma_wait3A_1268, %dma_wait3A_1269] : memref<10240x128xf32, #tpu.memory_space<vmem_shared>> -> memref<10240x128xf32, #tpu.memory_space<vmem_shared>>
      tpu.wait_indirect_dma semaphore(%run_scoped3A_1258 : memref<!tpu.dma_semaphore, #tpu.memory_space<semaphore_mem>>) src(%arg9 : memref<128x128xf32, #tpu.memory_space<vmem>>) dst(%dma_wait3A_1270 : memref<10240x128xf32, #tpu.memory_space<vmem_shared>>)
      tpu.yield
    }) : () -> ()
    %barrier3A_1226 = arith.constant 0 : index
    tpu.barrier barrier_id(%barrier3A_1226)
    %sub3A = arith.constant 125 : i32
    %sub3A_1227 = arith.subi %sub3A, %arg1 : i32
    %add3A_1228 = arith.constant 16 : i32
    %add3A_1229 = arith.addi %sub3A_1227, %add3A_1228 : i32
    %sub3A_1230 = arith.constant 1 : i32
    %sub3A_1231 = arith.subi %add3A_1229, %sub3A_1230 : i32
    %jit3A = arith.constant 16 : i32
    %div3A = arith.divsi %sub3A_1231, %jit3A : i32
    %sign3A = arith.constant 0 : i32
    %sign3A_1232 = arith.cmpi sgt, %sub3A_1231, %sign3A : i32
    %sign3A_1233 = arith.extui %sign3A_1232 : i1 to i32
    %sign3A_1234 = arith.constant 0 : i32
    %sign3A_1235 = arith.cmpi slt, %sub3A_1231, %sign3A_1234 : i32
    %sign3A_1236 = arith.extui %sign3A_1235 : i1 to i32
    %sign3A_1237 = arith.subi %sign3A_1233, %sign3A_1236 : i32
    %sign3A_1238 = arith.constant 0 : i32
    %sign3A_1239 = arith.cmpi sgt, %jit3A, %sign3A_1238 : i32
    %sign3A_1240 = arith.extui %sign3A_1239 : i1 to i32
    %sign3A_1241 = arith.constant 0 : i32
    %sign3A_1242 = arith.cmpi slt, %jit3A, %sign3A_1241 : i32
    %sign3A_1243 = arith.extui %sign3A_1242 : i1 to i32
    %sign3A_1244 = arith.subi %sign3A_1240, %sign3A_1243 : i32
    %ne3A = arith.cmpi ne, %sign3A_1237, %sign3A_1244 : i32
    %rem3A = arith.remsi %sub3A_1231, %jit3A : i32
    %ne3A_1245 = arith.constant 0 : i32
    %ne3A_1246 = arith.cmpi ne, %rem3A, %ne3A_1245 : i32
    %and3A = arith.andi %ne3A, %ne3A_1246 : i1
    %sub3A_1247 = arith.constant 1 : i32
    %sub3A_1248 = arith.subi %div3A, %sub3A_1247 : i32
    %select_n3A = arith.select %and3A, %sub3A_1248, %div3A : i32
    %while3A = arith.constant 0 : i32
    %while3A_1249 = arith.constant 0 : i32
    %while3A_1250 = arith.subi %select_n3A, %while3A_1249 : i32
    %while3A_1251 = arith.addi %while3A_1249, %while3A_1250 : i32
    %while3A_1252 = arith.constant 1 : i32
    %while3A_1253 = arith.divsi %while3A_1250, %while3A_1252 : i32
    %while3A_1254 = arith.muli %while3A_1253, %while3A_1252 : i32
    %while3A_1255 = arith.addi %while3A_1249, %while3A_1254 : i32
    %while3A_1256 = arith.constant 1 : i32
    scf.for %while3A_1258 = %while3A_1249 to %while3A_1255 step %while3A_1256  : i32 {
      %mul3A_1259 = arith.constant 16 : i32
      %mul3A_1260 = arith.muli %while3A_1258, %mul3A_1259 : i32
      %add3A_1261 = arith.addi %arg1, %mul3A_1260 : i32
      %mul3A_1262 = arith.constant 80 : i32
      %mul3A_1263 = arith.muli %add3A_1261, %mul3A_1262 : i32
      "tpu.region"() ({
        %run_scoped3A_1264 = tpu.sem_alloc : memref<!tpu.dma_semaphore, #tpu.memory_space<semaphore_mem>>
        %dma_start3A_1265 = arith.constant 0 : i32
        %dma_start3A_1266 = arith.constant 0 : i32
        %dma_start3A_1267 = tpu.memref_slice %arg8[%dma_start3A_1265, %dma_start3A_1266] : memref<128x128xf32, #tpu.memory_space<vmem>> -> memref<80x128xf32, #tpu.memory_space<vmem>>
        %dma_start3A_1268 = arith.constant 0 : i32
        %dma_start3A_1269 = tpu.memref_slice %arg10[%mul3A_1263, %dma_start3A_1268] : memref<10240x128xf32, #tpu.memory_space<vmem_shared>> -> memref<80x128xf32, #tpu.memory_space<vmem_shared>>
        %dma_start3A_1270 = arith.constant 0 : i32
        %dma_start3A_1271 = arith.constant 0 : i32
        %dma_start3A_1272 = tpu.memref_slice %arg8[%dma_start3A_1270, %dma_start3A_1271] : memref<128x128xf32, #tpu.memory_space<vmem>> -> memref<80x128xf32, #tpu.memory_space<vmem>>
        %dma_start3A_1273 = arith.constant 0 : i32
        %dma_start3A_1274 = tpu.memref_slice %arg10[%mul3A_1263, %dma_start3A_1273] : memref<10240x128xf32, #tpu.memory_space<vmem_shared>> -> memref<80x128xf32, #tpu.memory_space<vmem_shared>>
        tpu.enqueue_dma source(%dma_start3A_1274 : memref<80x128xf32, #tpu.memory_space<vmem_shared>>) target(%dma_start3A_1272 : memref<80x128xf32, #tpu.memory_space<vmem>>) target_semaphore(%run_scoped3A_1264 : memref<!tpu.dma_semaphore, #tpu.memory_space<semaphore_mem>>)
        %dma_wait3A_1275 = arith.constant 0 : i32
        %dma_wait3A_1276 = arith.constant 0 : i32
        %dma_wait3A_1277 = tpu.memref_slice %arg8[%dma_wait3A_1275, %dma_wait3A_1276] : memref<128x128xf32, #tpu.memory_space<vmem>> -> memref<80x128xf32, #tpu.memory_space<vmem>>
        %dma_wait3A_1278 = arith.constant 0 : i32
        %dma_wait3A_1279 = tpu.memref_slice %arg10[%mul3A_1263, %dma_wait3A_1278] : memref<10240x128xf32, #tpu.memory_space<vmem_shared>> -> memref<80x128xf32, #tpu.memory_space<vmem_shared>>
        %dma_wait3A_1280 = arith.constant 0 : i32
        %dma_wait3A_1281 = arith.constant 0 : i32
        %dma_wait3A_1282 = tpu.memref_slice %arg8[%dma_wait3A_1280, %dma_wait3A_1281] : memref<128x128xf32, #tpu.memory_space<vmem>> -> memref<80x128xf32, #tpu.memory_space<vmem>>
        %dma_wait3A_1283 = arith.constant 0 : i32
        %dma_wait3A_1284 = tpu.memref_slice %arg10[%mul3A_1263, %dma_wait3A_1283] : memref<10240x128xf32, #tpu.memory_space<vmem_shared>> -> memref<80x128xf32, #tpu.memory_space<vmem_shared>>
        tpu.wait_dma2 semaphore(%run_scoped3A_1264 : memref<!tpu.dma_semaphore, #tpu.memory_space<semaphore_mem>>) src(%dma_wait3A_1284 : memref<80x128xf32, #tpu.memory_space<vmem_shared>>) dst(%dma_wait3A_1282 : memref<80x128xf32, #tpu.memory_space<vmem>>)
        tpu.yield
      }) : () -> ()
      "tpu.region"() ({
        %run_scoped3A_1264 = tpu.sem_alloc : memref<!tpu.dma_semaphore, #tpu.memory_space<semaphore_mem>>
        %dma_start3A_1265 = arith.constant 0 : i32
        %dma_start3A_1266 = arith.constant 0 : i32
        %dma_start3A_1267 = tpu.memref_slice %arg8[%dma_start3A_1265, %dma_start3A_1266] : memref<128x128xf32, #tpu.memory_space<vmem>> -> memref<80x128xf32, #tpu.memory_space<vmem>>
        %dma_start3A_1268 = arith.constant 0 : i32
        %dma_start3A_1269 = tpu.memref_slice %arg5[%arg0, %mul3A_1263, %dma_start3A_1268] : memref<2x10000x128xf32, #tpu.memory_space<hbm>> -> memref<1x80x128xf32, #tpu.memory_space<hbm>>
        %dma_start3A_1270 = tpu.memref_squeeze %dma_start3A_1269 : memref<1x80x128xf32, #tpu.memory_space<hbm>> -> memref<80x128xf32, #tpu.memory_space<hbm>>
        %dma_start3A_1271 = arith.constant 0 : i32
        %dma_start3A_1272 = tpu.memref_slice %arg5[%arg0, %mul3A_1263, %dma_start3A_1271] : memref<2x10000x128xf32, #tpu.memory_space<hbm>> -> memref<1x80x128xf32, #tpu.memory_space<hbm>>
        %dma_start3A_1273 = tpu.memref_squeeze %dma_start3A_1272 : memref<1x80x128xf32, #tpu.memory_space<hbm>> -> memref<80x128xf32, #tpu.memory_space<hbm>>
        %dma_start3A_1274 = arith.constant 0 : i32
        %dma_start3A_1275 = arith.constant 0 : i32
        %dma_start3A_1276 = tpu.memref_slice %arg8[%dma_start3A_1274, %dma_start3A_1275] : memref<128x128xf32, #tpu.memory_space<vmem>> -> memref<80x128xf32, #tpu.memory_space<vmem>>
        tpu.enqueue_dma source(%dma_start3A_1276 : memref<80x128xf32, #tpu.memory_space<vmem>>) target(%dma_start3A_1273 : memref<80x128xf32, #tpu.memory_space<hbm>>) target_semaphore(%run_scoped3A_1264 : memref<!tpu.dma_semaphore, #tpu.memory_space<semaphore_mem>>)
        %dma_wait3A_1277 = arith.constant 0 : i32
        %dma_wait3A_1278 = arith.constant 0 : i32
        %dma_wait3A_1279 = tpu.memref_slice %arg8[%dma_wait3A_1277, %dma_wait3A_1278] : memref<128x128xf32, #tpu.memory_space<vmem>> -> memref<80x128xf32, #tpu.memory_space<vmem>>
        %dma_wait3A_1280 = arith.constant 0 : i32
        %dma_wait3A_1281 = tpu.memref_slice %arg5[%arg0, %mul3A_1263, %dma_wait3A_1280] : memref<2x10000x128xf32, #tpu.memory_space<hbm>> -> memref<1x80x128xf32, #tpu.memory_space<hbm>>
        %dma_wait3A_1282 = tpu.memref_squeeze %dma_wait3A_1281 : memref<1x80x128xf32, #tpu.memory_space<hbm>> -> memref<80x128xf32, #tpu.memory_space<hbm>>
        %dma_wait3A_1283 = arith.constant 0 : i32
        %dma_wait3A_1284 = tpu.memref_slice %arg5[%arg0, %mul3A_1263, %dma_wait3A_1283] : memref<2x10000x128xf32, #tpu.memory_space<hbm>> -> memref<1x80x128xf32, #tpu.memory_space<hbm>>
        %dma_wait3A_1285 = tpu.memref_squeeze %dma_wait3A_1284 : memref<1x80x128xf32, #tpu.memory_space<hbm>> -> memref<80x128xf32, #tpu.memory_space<hbm>>
        %dma_wait3A_1286 = arith.constant 0 : i32
        %dma_wait3A_1287 = arith.constant 0 : i32
        %dma_wait3A_1288 = tpu.memref_slice %arg8[%dma_wait3A_1286, %dma_wait3A_1287] : memref<128x128xf32, #tpu.memory_space<vmem>> -> memref<80x128xf32, #tpu.memory_space<vmem>>
        tpu.wait_dma2 semaphore(%run_scoped3A_1264 : memref<!tpu.dma_semaphore, #tpu.memory_space<semaphore_mem>>) src(%dma_wait3A_1288 : memref<80x128xf32, #tpu.memory_space<vmem>>) dst(%dma_wait3A_1285 : memref<80x128xf32, #tpu.memory_space<hbm>>)
        tpu.yield
      }) : () -> ()
    }
    %while3A_1257 = arith.constant 1 : i32
    scf.for %while3A_1258 = %while3A_1255 to %while3A_1251 step %while3A_1257  : i32 {
      %mul3A_1259 = arith.constant 16 : i32
      %mul3A_1260 = arith.muli %while3A_1258, %mul3A_1259 : i32
      %add3A_1261 = arith.addi %arg1, %mul3A_1260 : i32
      %mul3A_1262 = arith.constant 80 : i32
      %mul3A_1263 = arith.muli %add3A_1261, %mul3A_1262 : i32
      "tpu.region"() ({
        %run_scoped3A_1264 = tpu.sem_alloc : memref<!tpu.dma_semaphore, #tpu.memory_space<semaphore_mem>>
        %dma_start3A_1265 = arith.constant 0 : i32
        %dma_start3A_1266 = arith.constant 0 : i32
        %dma_start3A_1267 = tpu.memref_slice %arg8[%dma_start3A_1265, %dma_start3A_1266] : memref<128x128xf32, #tpu.memory_space<vmem>> -> memref<80x128xf32, #tpu.memory_space<vmem>>
        %dma_start3A_1268 = arith.constant 0 : i32
        %dma_start3A_1269 = tpu.memref_slice %arg10[%mul3A_1263, %dma_start3A_1268] : memref<10240x128xf32, #tpu.memory_space<vmem_shared>> -> memref<80x128xf32, #tpu.memory_space<vmem_shared>>
        %dma_start3A_1270 = arith.constant 0 : i32
        %dma_start3A_1271 = arith.constant 0 : i32
        %dma_start3A_1272 = tpu.memref_slice %arg8[%dma_start3A_1270, %dma_start3A_1271] : memref<128x128xf32, #tpu.memory_space<vmem>> -> memref<80x128xf32, #tpu.memory_space<vmem>>
        %dma_start3A_1273 = arith.constant 0 : i32
        %dma_start3A_1274 = tpu.memref_slice %arg10[%mul3A_1263, %dma_start3A_1273] : memref<10240x128xf32, #tpu.memory_space<vmem_shared>> -> memref<80x128xf32, #tpu.memory_space<vmem_shared>>
        tpu.enqueue_dma source(%dma_start3A_1274 : memref<80x128xf32, #tpu.memory_space<vmem_shared>>) target(%dma_start3A_1272 : memref<80x128xf32, #tpu.memory_space<vmem>>) target_semaphore(%run_scoped3A_1264 : memref<!tpu.dma_semaphore, #tpu.memory_space<semaphore_mem>>)
        %dma_wait3A_1275 = arith.constant 0 : i32
        %dma_wait3A_1276 = arith.constant 0 : i32
        %dma_wait3A_1277 = tpu.memref_slice %arg8[%dma_wait3A_1275, %dma_wait3A_1276] : memref<128x128xf32, #tpu.memory_space<vmem>> -> memref<80x128xf32, #tpu.memory_space<vmem>>
        %dma_wait3A_1278 = arith.constant 0 : i32
        %dma_wait3A_1279 = tpu.memref_slice %arg10[%mul3A_1263, %dma_wait3A_1278] : memref<10240x128xf32, #tpu.memory_space<vmem_shared>> -> memref<80x128xf32, #tpu.memory_space<vmem_shared>>
        %dma_wait3A_1280 = arith.constant 0 : i32
        %dma_wait3A_1281 = arith.constant 0 : i32
        %dma_wait3A_1282 = tpu.memref_slice %arg8[%dma_wait3A_1280, %dma_wait3A_1281] : memref<128x128xf32, #tpu.memory_space<vmem>> -> memref<80x128xf32, #tpu.memory_space<vmem>>
        %dma_wait3A_1283 = arith.constant 0 : i32
        %dma_wait3A_1284 = tpu.memref_slice %arg10[%mul3A_1263, %dma_wait3A_1283] : memref<10240x128xf32, #tpu.memory_space<vmem_shared>> -> memref<80x128xf32, #tpu.memory_space<vmem_shared>>
        tpu.wait_dma2 semaphore(%run_scoped3A_1264 : memref<!tpu.dma_semaphore, #tpu.memory_space<semaphore_mem>>) src(%dma_wait3A_1284 : memref<80x128xf32, #tpu.memory_space<vmem_shared>>) dst(%dma_wait3A_1282 : memref<80x128xf32, #tpu.memory_space<vmem>>)
        tpu.yield
      }) : () -> ()
      "tpu.region"() ({
        %run_scoped3A_1264 = tpu.sem_alloc : memref<!tpu.dma_semaphore, #tpu.memory_space<semaphore_mem>>
        %dma_start3A_1265 = arith.constant 0 : i32
        %dma_start3A_1266 = arith.constant 0 : i32
        %dma_start3A_1267 = tpu.memref_slice %arg8[%dma_start3A_1265, %dma_start3A_1266] : memref<128x128xf32, #tpu.memory_space<vmem>> -> memref<80x128xf32, #tpu.memory_space<vmem>>
        %dma_start3A_1268 = arith.constant 0 : i32
        %dma_start3A_1269 = tpu.memref_slice %arg5[%arg0, %mul3A_1263, %dma_start3A_1268] : memref<2x10000x128xf32, #tpu.memory_space<hbm>> -> memref<1x80x128xf32, #tpu.memory_space<hbm>>
        %dma_start3A_1270 = tpu.memref_squeeze %dma_start3A_1269 : memref<1x80x128xf32, #tpu.memory_space<hbm>> -> memref<80x128xf32, #tpu.memory_space<hbm>>
        %dma_start3A_1271 = arith.constant 0 : i32
        %dma_start3A_1272 = tpu.memref_slice %arg5[%arg0, %mul3A_1263, %dma_start3A_1271] : memref<2x10000x128xf32, #tpu.memory_space<hbm>> -> memref<1x80x128xf32, #tpu.memory_space<hbm>>
        %dma_start3A_1273 = tpu.memref_squeeze %dma_start3A_1272 : memref<1x80x128xf32, #tpu.memory_space<hbm>> -> memref<80x128xf32, #tpu.memory_space<hbm>>
        %dma_start3A_1274 = arith.constant 0 : i32
        %dma_start3A_1275 = arith.constant 0 : i32
        %dma_start3A_1276 = tpu.memref_slice %arg8[%dma_start3A_1274, %dma_start3A_1275] : memref<128x128xf32, #tpu.memory_space<vmem>> -> memref<80x128xf32, #tpu.memory_space<vmem>>
        tpu.enqueue_dma source(%dma_start3A_1276 : memref<80x128xf32, #tpu.memory_space<vmem>>) target(%dma_start3A_1273 : memref<80x128xf32, #tpu.memory_space<hbm>>) target_semaphore(%run_scoped3A_1264 : memref<!tpu.dma_semaphore, #tpu.memory_space<semaphore_mem>>)
        %dma_wait3A_1277 = arith.constant 0 : i32
        %dma_wait3A_1278 = arith.constant 0 : i32
        %dma_wait3A_1279 = tpu.memref_slice %arg8[%dma_wait3A_1277, %dma_wait3A_1278] : memref<128x128xf32, #tpu.memory_space<vmem>> -> memref<80x128xf32, #tpu.memory_space<vmem>>
        %dma_wait3A_1280 = arith.constant 0 : i32
        %dma_wait3A_1281 = tpu.memref_slice %arg5[%arg0, %mul3A_1263, %dma_wait3A_1280] : memref<2x10000x128xf32, #tpu.memory_space<hbm>> -> memref<1x80x128xf32, #tpu.memory_space<hbm>>
        %dma_wait3A_1282 = tpu.memref_squeeze %dma_wait3A_1281 : memref<1x80x128xf32, #tpu.memory_space<hbm>> -> memref<80x128xf32, #tpu.memory_space<hbm>>
        %dma_wait3A_1283 = arith.constant 0 : i32
        %dma_wait3A_1284 = tpu.memref_slice %arg5[%arg0, %mul3A_1263, %dma_wait3A_1283] : memref<2x10000x128xf32, #tpu.memory_space<hbm>> -> memref<1x80x128xf32, #tpu.memory_space<hbm>>
        %dma_wait3A_1285 = tpu.memref_squeeze %dma_wait3A_1284 : memref<1x80x128xf32, #tpu.memory_space<hbm>> -> memref<80x128xf32, #tpu.memory_space<hbm>>
        %dma_wait3A_1286 = arith.constant 0 : i32
        %dma_wait3A_1287 = arith.constant 0 : i32
        %dma_wait3A_1288 = tpu.memref_slice %arg8[%dma_wait3A_1286, %dma_wait3A_1287] : memref<128x128xf32, #tpu.memory_space<vmem>> -> memref<80x128xf32, #tpu.memory_space<vmem>>
        tpu.wait_dma2 semaphore(%run_scoped3A_1264 : memref<!tpu.dma_semaphore, #tpu.memory_space<semaphore_mem>>) src(%dma_wait3A_1288 : memref<80x128xf32, #tpu.memory_space<vmem>>) dst(%dma_wait3A_1285 : memref<80x128xf32, #tpu.memory_space<hbm>>)
        tpu.yield
      }) : () -> ()
    }
    return
  }
}

module attributes {stable_mosaic.version = 14 : i64} {
  func.func @_tc_body(%arg0: i32, %arg1: memref<1000x128xf32, #tpu.memory_space<vmem>>, %arg2: memref<1000x128xf32, #tpu.memory_space<vmem>>, %arg3: memref<1000x128xf32, #tpu.memory_space<vmem>>, %arg4: memref<128x128xf32, #tpu.memory_space<vmem>>, %arg5: memref<128x128xf32, #tpu.memory_space<vmem>>, %arg6: memref<1x128xf32, #tpu.memory_space<vmem>>, %arg7: memref<1000x128xf32, #tpu.memory_space<vmem>>) attributes {dimension_semantics = [#tpu.dimension_semantics<arbitrary>], iteration_bounds = array<i64: 10>, scalar_prefetch = 0 : i64, scratch_operands = 0 : i64, tpu.core_type = #tpu.core_type<tc>, window_params = [{transform_indices = @transform_0, window_bounds = array<i64: 1000, 128>}, {transform_indices = @transform_1, window_bounds = array<i64: 1000, 128>}, {transform_indices = @transform_2, window_bounds = array<i64: 1000, 128>}, {pipeline_mode = #tpu.pipeline_mode<synchronous>, transform_indices = @transform_3, window_bounds = array<i64: 128, 128>}, {pipeline_mode = #tpu.pipeline_mode<synchronous>, transform_indices = @transform_4, window_bounds = array<i64: 128, 128>}, {pipeline_mode = #tpu.pipeline_mode<synchronous>, transform_indices = @transform_5, window_bounds = array<i64: 1, 128>}, {transform_indices = @transform_6, window_bounds = array<i64: 1000, 128>}]} {
    %get3A = arith.constant 0 : index
    %get3A_0 = arith.constant 0 : index
    %get3A_1 = vector.load %arg1[%get3A, %get3A_0] : memref<1000x128xf32, #tpu.memory_space<vmem>>, vector<1000x128xf32>
    %get3A_2 = arith.constant 0 : index
    %get3A_3 = arith.constant 0 : index
    %get3A_4 = vector.load %arg4[%get3A_2, %get3A_3] : memref<128x128xf32, #tpu.memory_space<vmem>>, vector<128x128xf32>
    %dot_general3A = arith.constant dense<0.000000e+00> : vector<1000x128xf32>
    %dot_general3A_5 = tpu.matmul %get3A_1, %get3A_4, %dot_general3A {dimension_numbers = #tpu.dot_dimension_numbers<[1], [1], [0], [0], [0, 0, 1, 0], [], []>, transpose_lhs_hint = false} : vector<1000x128xf32>, vector<128x128xf32>, vector<1000x128xf32> -> vector<1000x128xf32>
    %get3A_6 = arith.constant 0 : index
    %get3A_7 = arith.constant 0 : index
    %get3A_8 = vector.load %arg2[%get3A_6, %get3A_7] : memref<1000x128xf32, #tpu.memory_space<vmem>>, vector<1000x128xf32>
    %get3A_9 = arith.constant 0 : index
    %get3A_10 = arith.constant 0 : index
    %get3A_11 = vector.load %arg3[%get3A_9, %get3A_10] : memref<1000x128xf32, #tpu.memory_space<vmem>>, vector<1000x128xf32>
    %add3A = arith.addf %get3A_8, %get3A_11 : vector<1000x128xf32>
    %get3A_12 = arith.constant 0 : index
    %get3A_13 = arith.constant 0 : index
    %get3A_14 = vector.load %arg5[%get3A_12, %get3A_13] : memref<128x128xf32, #tpu.memory_space<vmem>>, vector<128x128xf32>
    %dot_general3A_15 = arith.constant dense<0.000000e+00> : vector<1000x128xf32>
    %dot_general3A_16 = tpu.matmul %add3A, %get3A_14, %dot_general3A_15 {dimension_numbers = #tpu.dot_dimension_numbers<[1], [1], [0], [0], [0, 0, 1, 0], [], []>, transpose_lhs_hint = false} : vector<1000x128xf32>, vector<128x128xf32>, vector<1000x128xf32> -> vector<1000x128xf32>
    %add3A_17 = arith.addf %dot_general3A_5, %dot_general3A_16 : vector<1000x128xf32>
    %get3A_18 = arith.constant 0 : index
    %get3A_19 = arith.constant 0 : index
    %get3A_20 = vector.load %arg6[%get3A_18, %get3A_19] : memref<1x128xf32, #tpu.memory_space<vmem>>, vector<1x128xf32>
    %add3A_21 = vector.broadcast %get3A_20 : vector<1x128xf32> to vector<1000x128xf32>
    %add3A_22 = arith.addf %add3A_17, %add3A_21 : vector<1000x128xf32>
    %swap3A = arith.constant 0 : index
    %swap3A_23 = arith.constant 0 : index
    %swap3A_24 = vector.load %arg7[%swap3A, %swap3A_23] : memref<1000x128xf32, #tpu.memory_space<vmem>>, vector<1000x128xf32>
    tpu.vector_store %arg7[%swap3A, %swap3A_23], %add3A_22 {strides = array<i32>} : memref<1000x128xf32, #tpu.memory_space<vmem>>, vector<1000x128xf32>,
    return
  }
  func.func @transform_0(%arg0: i32) -> (i32, i32) {
    %c0_i32 = arith.constant 0 : i32
    %c0_i32_0 = arith.constant 0 : i32
    return %arg0, %c0_i32 : i32, i32
  }
  func.func @transform_1(%arg0: i32) -> (i32, i32) {
    %c0_i32 = arith.constant 0 : i32
    %c0_i32_0 = arith.constant 0 : i32
    return %arg0, %c0_i32 : i32, i32
  }
  func.func @transform_2(%arg0: i32) -> (i32, i32) {
    %c0_i32 = arith.constant 0 : i32
    %c0_i32_0 = arith.constant 0 : i32
    return %arg0, %c0_i32 : i32, i32
  }
  func.func @transform_3(%arg0: i32) -> (i32, i32) {
    %c0_i32 = arith.constant 0 : i32
    %c0_i32_0 = arith.constant 0 : i32
    %c0_i32_1 = arith.constant 0 : i32
    return %c0_i32, %c0_i32_0 : i32, i32
  }
  func.func @transform_4(%arg0: i32) -> (i32, i32) {
    %c0_i32 = arith.constant 0 : i32
    %c0_i32_0 = arith.constant 0 : i32
    %c0_i32_1 = arith.constant 0 : i32
    return %c0_i32, %c0_i32_0 : i32, i32
  }
  func.func @transform_5(%arg0: i32) -> (i32, i32) {
    %c0_i32 = arith.constant 0 : i32
    %c0_i32_0 = arith.constant 0 : i32
    %c0_i32_1 = arith.constant 0 : i32
    return %c0_i32, %c0_i32_0 : i32, i32
  }
  func.func @transform_6(%arg0: i32) -> (i32, i32) {
    %c0_i32 = arith.constant 0 : i32
    %c0_i32_0 = arith.constant 0 : i32
    return %arg0, %c0_i32 : i32, i32
  }
}

</mosaic_0001>

<sc_bundles>
// kernel: kernel.4.cloned.1.call-start
scs
__scs_entry_jumppad:
0x0: {  	(pc) =	sbr.rel $0x88, $3  }
0x1: {  	(tag) =	ssettag $0x0;
	lr =	simm.s32 $0x1  }
0x2: {  	[smem:$0x3F9B] =	sst lr;
	_ =	strace $0xD0000000  }
0x3: {  	_ = 	snop  }
0x4: {  	_ = 	snop  }
0x5: {  	_ = 	snop  }
0x6: {  	_ = 	snop  }
0x7: {  	_ = 	snop  }
__scs_overlays_trampoline_lowered:
0x8: {  	[smem:$0x3FAA] =	sst s0  }
0x9: {  	[smem:$0x3FAB] =	sst s1  }
0xa: {  	[smem:$0x3FAC] =	sst s2  }
0xb: {  	[smem:$0x3FAD] =	sst s3  }
0xc: {  	[smem:$0x3FAE] =	sst s4  }
0xd: {  	[smem:$0x3FAF] =	sst s5  }
0xe: {  	[smem:$0x3FB0] =	sst s6  }
0xf: {  	[smem:$0x3FB1] =	sst s7  }
0x10: {  	[smem:$0x3FB2] =	sst s8  }
0x11: {  	[smem:$0x3FB3] =	sst s9;
	s0 =	simm.s32 @!p0 $0x0  }
0x12: {  	s1 =	sld [smem:$0x3F99];
	s0 =	simm.s32 @p0 $0x1  }
0x13: {  	[smem:$0x3FB4] =	sst s0;
	s0 =	simm.s32 @!p1 $0x0  }
0x14: {  	s2 =	sld [smem:$0x3F98];
	s0 =	simm.s32 @p1 $0x1  }
0x15: {  	[smem:$0x3FB5] =	sst s0;
	s0 =	simm.s32 @!p2 $0x0  }
0x16: {  	s3 =	sld [smem:$0x3FDB];
	s0 =	simm.s32 @p2 $0x1  }
0x17: {  	s4 =	simm.s32 $0x1BF5;
	[smem:$0x3FB7] =	sst s0  }
0x18: {  	s0 =	sld [smem:$0x3F9A];
	_ =	swait.ge [sflag:s4], $0x0  }
0x19: {  	s7 =	sld [smem:$0x3F9B]  }
0x1a: {  	s8 =	sadd.s32 $0xFFFFE003, lr  }
0x1b: {  	s9 =	sadd.s32 $0xFFFFFEF7, lr;
	s5 =	simm.s32 $0xFFFFFFFF;
	p2 =	slt.u32 s8, $0xFFFFF086  }
0x1c: {  	p1 =	slt.u32 s9, $0xF7A;
	s5 =	simm.s32 @!p2 $0x0  }
0x1d: {  	s5 =	simm.s32 @p1 $0x1;
	p0 =	seq.s32 s7, s2  }
0x1e: {  	s7 =	smul.u32 @!p0 $0xF7A, s2;
	p2 =	seq.s32 @!p0 s5, $0x0  }
0x1f: {  	s9 =	smul.u32 $0xF7A, s1;
	s8 =	simm.s32 @!p0 $0x1BF5;
	p2 =	por !p2, p0  }
0x20: {  	[sflag:s8] =	ssyncset.s32 @!p0 $0xFFFFF086;
	s6 =	sadd.s32 @!p0 s3, s7;
	s7 =	simm.s32 @!p0 $0x108  }
0x21: {  	s3 =	sadd.s32 s3, s9;
	s6 =	sadd.s32 @!p0 $0x88, s6;
	s7 =	simm.s32 @p2 $0x1082  }
0x22: {  	[simem:s7], [sflag:s8] =	dma.local @!p0 [hbm:s6], $0xF7A  }
0x23: {  	s9 =	sor.u32 $0xD0000000, s2;
	s6 =	simm.s32 $0x108;
	_ =	swait.ge @!p0 [sflag:s8], $0x0  }
0x24: {  	s3 =	sadd.s32 $0x88, s3;
	s6 =	simm.s32 @!p1 $0x1082;
	[sflag:s4] =	ssyncset.s32 $0xFFFFF086  }
0x25: {  	[simem:s6], [sflag:s4] =	dma.local [hbm:s3], $0xF7A  }
0x26: {  	[smem:$0x3F9B] =	sst s1;
	(tag) =	ssettag s2;
	_ =	strace s9  }
0x27: {  	s1 =	sld [smem:$0x3FAB]  }
0x28: {  	s2 =	sld [smem:$0x3FAC]  }
0x29: {  	s4 =	sld [smem:$0x3FAE]  }
0x2a: {  	p0 =	seq.s32 s5, $0x0;
	s5 =	sld [smem:$0x3FAF]  }
0x2b: {  	s6 =	sld [smem:$0x3FB0]  }
0x2c: {  	s7 =	sld [smem:$0x3FB1]  }
0x2d: {  	s3 =	simm.s32 $0x108;
	s8 =	sld [smem:$0x3FB2]  }
0x2e: {  	s3 =	simm.s32 @!p0 $0x1082;
	s9 =	sld [smem:$0x3FB3]  }
0x2f: {  	lr =	sadd.s32 s0, s3;
	s0 =	sld [smem:$0x3FAA]  }
0x30: {  	s3 =	sld [smem:$0x3FAD]  }
0x31: {  	[smem:$0x3FB6] =	sst s10  }
0x32: {  	s10 =	sld [smem:$0x3FB4];
	_ =	sdelay $0x3  }
0x33: {  	p0 =	seq.s32 s10, $0x1;
	s10 =	sld [smem:$0x3FB6];
	_ =	sdelay $0x3  }
0x34: {  	[smem:$0x3FB6] =	sst s10  }
0x35: {  	s10 =	sld [smem:$0x3FB5];
	_ =	sdelay $0x3  }
0x36: {  	p1 =	seq.s32 s10, $0x1;
	s10 =	sld [smem:$0x3FB6];
	_ =	sdelay $0x3  }
0x37: {  	[smem:$0x3FB6] =	sst s10  }
0x38: {  	s10 =	sld [smem:$0x3FB7]  }
0x39: {  	_ = 	snop;
	(pc) =	sbr.ind lr, $3  }
0x3a: {  	_ = 	snop  }
0x3b: {  	_ = 	snop  }
0x3c: {  	p2 =	seq.s32 s10, $0x1;
	s10 =	sld [smem:$0x3FB6]  }
0x3d: {  	_ =	shalt  }
0x3e: {  	_ =	shalt  }
0x3f: {  	_ =	shalt  }
0x40: {  	_ =	shalt  }
0x41: {  	_ =	shalt  }
0x42: {  	_ =	shalt  }
0x43: {  	_ =	shalt  }
0x44: {  	_ =	shalt  }
0x45: {  	_ =	shalt  }
0x46: {  	_ =	shalt  }
0x47: {  	_ =	shalt  }
0x48: {  	_ =	shalt  }
0x49: {  	_ =	shalt  }
0x4a: {  	_ =	shalt  }
0x4b: {  	_ =	shalt  }
0x4c: {  	_ =	shalt  }
0x4d: {  	_ =	shalt  }
0x4e: {  	_ =	shalt  }
0x4f: {  	_ =	shalt  }
0x50: {  	_ =	shalt  }
0x51: {  	_ =	shalt  }
0x52: {  	_ =	shalt  }
0x53: {  	_ =	shalt  }
0x54: {  	_ =	shalt  }
0x55: {  	_ =	shalt  }
0x56: {  	_ =	shalt  }
0x57: {  	_ =	shalt  }
0x58: {  	_ =	shalt  }
0x59: {  	_ =	shalt  }
0x5a: {  	_ =	shalt  }
0x5b: {  	_ =	shalt  }
0x5c: {  	_ =	shalt  }
0x5d: {  	_ =	shalt  }
0x5e: {  	_ =	shalt  }
0x5f: {  	_ =	shalt  }
0x60: {  	_ =	shalt  }
0x61: {  	_ =	shalt  }
0x62: {  	_ =	shalt  }
0x63: {  	_ =	shalt  }
0x64: {  	_ =	shalt  }
0x65: {  	_ =	shalt  }
0x66: {  	_ =	shalt  }
0x67: {  	_ =	shalt  }
0x68: {  	_ =	shalt  }
0x69: {  	_ =	shalt  }
0x6a: {  	_ =	shalt  }
0x6b: {  	_ =	shalt  }
0x6c: {  	_ =	shalt  }
0x6d: {  	_ =	shalt  }
0x6e: {  	_ =	shalt  }
0x6f: {  	_ =	shalt  }
0x70: {  	_ =	shalt  }
0x71: {  	_ =	shalt  }
0x72: {  	_ =	shalt  }
0x73: {  	_ =	shalt  }
0x74: {  	_ =	shalt  }
0x75: {  	_ =	shalt  }
0x76: {  	_ =	shalt  }
0x77: {  	_ =	shalt  }
0x78: {  	_ =	shalt  }
0x79: {  	_ =	shalt  }
0x7a: {  	_ =	shalt  }
0x7b: {  	_ =	shalt  }
0x7c: {  	_ =	shalt  }
0x7d: {  	_ =	shalt  }
0x7e: {  	_ =	shalt  }
0x7f: {  	_ =	shalt  }
0x80: {  	_ =	shalt  }
0x81: {  	_ =	shalt  }
0x82: {  	_ =	shalt  }
0x83: {  	_ =	shalt  }
0x84: {  	_ =	shalt  }
0x85: {  	_ =	shalt  }
0x86: {  	_ =	shalt  }
0x87: {  	_ =	shalt  }
.Lfunc_end0:
.L_simem_size_0:
called_computation_lowered:
.L_overlay_start_0:
0x88: {  	s2 =	sld [smem:$0x3FD9]  }
0x89: {  	s3 =	sld [smem:$0x3FFE];
	_ =	sdelay $0x1  }
0x8a: {  	s1 =	srdreg.scid  }
0x8b: {  	s0 =	sand.u32 $0x1, s1  }
0x8c: {  	s17 =	sshll.u32 s0, $0xA;
	s2 =	sadd.s32 s3, s2  }
0x8d: {  	s2 =	sadd.s32 s2, s17  }
0x8e: {  	[smem:$0x3FC2] =	sst s2  }
0x8f: {  	_ = 	snop  }
0x90: {  	s2 =	sld [smem:$0x3FD0];
	(tm) =	ssettm $0x1  }
0x91: {  	s18 =	sld [smem:$0x3FFB];
	_ =	sdelay $0x3  }
0x92: {  	_ =	strace s18  }
0x93: {  	s3 =	sld [smem:$0x3FFC];
	_ =	sdelay $0x3  }
0x94: {  	_ =	strace s3  }
0x95: {  	s3 =	sld [smem:$0x3FFD];
	_ =	sdelay $0x3  }
0x96: {  	_ =	strace s3  }
0x97: {  	_ =	strace $0x8FFFFFFF  }
0x98: {  	s19 =	sld [smem:$0x3FDB];
	_ =	sdelay $0x1  }
0x99: {  	s4 =	simm.s32 $_scs_section_size  }
0x9a: {  	s5 =	simm.s32 $_size__tile_overlayer_lowered;
	s6 =	simm.s32 $_tile_overlayer_lowered  }
0x9b: {  	s22 =	simm.s32 $0x1BFF;
	s21 =	sshll.u32 s6, $0x1;
	s3 =	sadd.s32 s4, s19  }
0x9c: {  	s7 =	simm.s32 $0x0;
	s20 =	sshll.u32 s5, $0x1;
	s5 =	sadd.s32 s21, s3  }
0x9d: {  	[timem:s7], [sflag:s22] =	dma.local [hbm:s5], s20  }
0x9e: {  	_ =	swait.ge [sflag:s22], s20  }
0x9f: {  	s4 =	ssub.s32 $0x0, s20;
	[sflag:s22] =	ssyncset.done $0x0  }
0xa0: {  	[sflag:s22] =	ssyncadd.s32 s4;
	_ =	sdelay $0x1  }
0xa1: {  	s23 =	simm.s32 $0x1B8B  }
0xa2: {  	_ =	swait.ge [sflag:s23], $0x1  }
0xa3: {  	[sflag:s23] =	ssyncset.done $0x0  }
0xa4: {  	s25 =	simm.s32 $0x1B8E;
	s24 =	sld [smem:$0x3FFE];
	[sflag:s23] =	ssyncadd.s32 $0xFFFFFFFF  }
0xa5: {  	s26 =	simm.s32 $execute0_lowered;
	[smem:$0x3FD2] =	sst s25  }
0xa6: {  	s5 =	sshll.u32 s26, $0x1;
	_ =	strace $0x80000046;
	[dreg:$0x1] =	wrdreg $0xFFFFFFFF  }
0xa7: {  	s28 =	simm.s32 $_size_execute0_lowered;
	s3 =	sadd.s32 s3, s5;
	[dreg:$0x0] =	wrdreg $0x0  }
0xa8: {  	s5 =	sshll.u32 s28, $0x1;
	[dreg:$0x2] =	wrdreg s3  }
0xa9: {  	[dreg:$0x3] =	wrdreg s5  }
0xaa: {  	[dreg:$0x4] =	wrdreg $0xC0  }
0xab: {  	_ =	task [dreg:s7], $0x5FFFF  }
0xac: {  	[dreg:$0x1] =	wrdreg $0xFFFFFFFF  }
0xad: {  	[dreg:$0x0] =	wrdreg $0x60  }
0xae: {  	[dreg:$0x2] =	wrdreg s24  }
0xaf: {  	[dreg:$0x3] =	wrdreg s2  }
0xb0: {  	[dreg:$0x4] =	wrdreg $0xA8000  }
0xb1: {  	[dreg:$0x5] =	wrdreg $0x9  }
0xb2: {  	_ =	task.clear_ibuf [dreg:s7], $0x6FFFF;
	_ =	strace $0x90000046  }
0xb3: {  	s29 =	simm.s32 $0x9;
	_ =	strace $0x80000048  }
0xb4: {  	_ =	swait.ge [sflag:s29], $0x1  }
0xb5: {  	[sflag:s29] =	ssyncadd.s32 $0xFFFFFFFF  }
0xb6: {  	_ =	strace $0x90000048  }
0xb7: {  	_ =	sfence  }
0xb8: {  	s30 =	sld [smem:$0x0];
	_ =	sdelay $0x2  }
0xb9: {  	s31 =	sshll.u32 s1, $0xD;
	s1 =	sshrl.u32 s1, $0x2  }
0xba: {  	s3 =	sand.u32 $0x4000, s31;
	s1 =	sadd.s32 s1, s30  }
0xbb: {  	s0 =	sor.u32 s3, s0;
	s1 =	sshll.u32 s1, $0x11  }
0xbc: {  	s0 =	sor.u32 s1, s0  }
0xbd: {  	s0 =	sadd.s32 $0x8F2B, s0  }
0xbe: {  	[sflag:s0] =	ssyncadd.remote.s32 $0x1  }
0xbf: {  	_ =	sfence.sel $0xFFFF  }
0xc0: {  	[dreg:$0x0] =	wrdreg $0xFFFFFFFF;
	(pc) =	sbr.abs _section_cstart, $3  }
0xc1: {  	[dreg:$0x1] =	wrdreg $0xFFFFFFFF  }
0xc2: {  	_ =	task.clear_ibuf [dreg:s7], $0x2FFFF;
	_ =	strace $0x9FFFFFFF  }
0xc3: {  	(tm) =	ssettm $0x7FFFFFFF  }
tec
execute0_lowered:
.L_overlay_start_1:
0x0: {  	(tag) =	ssettag $0x1  }
0x1: {  	s0 =	rddreg [dreg:$0x0]  }
0x2: {  	s1 =	rddreg [dreg:$0x1]  }
0x3: {  	s3 =	srdreg.scid;
	s2 =	rddreg [dreg:$0x2]  }
0x4: {  	s12 =	stileid.u32;
	s28 =	simm.s32 $0x280;
	s29 =	simm.s32 $0x300  }
0x5: {  	s30 =	simm.s32 $0x1680;
	s31 =	simm.s32 $0x380;
	s6 =	smul.u32 $0x2800, s12  }
0x6: {  	s5 =	sand.u32 $0x1, s3;
	s3 =	simm.s32 $0x0;
	s9 =	smul.u32 $0x50000, s12  }
0x7: {  	s7 =	sadd.s32 $0x28400, s0;
	s10 =	sshll.u32 s12, $0x1;
	s22 =	smul.u32 $0xA000, s12  }
0x8: {  	s23 =	ssub.s32 $0x8C, s12;
	s12 =	simm.s32 $0x180;
	s4 =	smul.u32 $0x138800, s5  }
0x9: {  	[smem:$0x7FF] =	sst s3;
	s8 =	ssub.s32 $0x2, s5;
	s5 =	sor.u32 s5, s10  }
0xa: {  	s10 =	simm.s32 $0x1400;
	_ =	strace $0x80000047;
	s14 =	smul.u32 $0x500, s5  }
0xb: {  	s26 =	sshrl.u32 s8, $0x1;
	s13 =	sshrl.u32 s9, $0x2;
	s15 =	smul.u32 $0x2800, s5  }
0xc: {  	s25 =	sshrl.u32 s22, $0x2;
	s22 =	simm.s32 $0x80;
	s5 =	simm.s32 $0x1780  }
0xd: {  	s6 =	sadd.s32 s6, s4;
	s4 =	sadd.s32 $0xA00, s0;
	s8 =	ssub.s32 s8, s26  }
0xe: {  	s6 =	sshrl.u32 s6, $0x3;
	s20 =	sadd.s32 s7, s14;
	s21 =	sadd.s32 s1, s14  }
0xf: {  	s24 =	smax.u32 s8, $0x1;
	s8 =	simm.s32 $0x0;
	[dreg:$0x9] =	wrdreg s20  }
0x10: {  	s14 =	simm.s32 $0x200;
	s11 =	sadd.s32 s6, s0;
	[dreg:$0xa] =	wrdreg s21  }
0x11: {  	s0 =	sadd.s32 $0x27B00, s0;
	s6 =	sadd.s32 s13, s2;
	[dreg:$0xd] =	wrdreg s24  }
0x12: {  	s20 =	simm.s32 $0x3;
	s24 =	simm.s32 $0x1;
	[dreg:$0x4] =	wrdreg s0  }
0x13: {  	s13 =	simm.s32 $0x1500;
	s16 =	sadd.s32 $0x4000, s6;
	[dreg:$0xe] =	wrdreg s6  }
0x14: {  	s21 =	simm.s32 $0x1880;
	s17 =	sadd.s32 $0x8000, s6;
	[dreg:$0x5] =	wrdreg s16  }
0x15: {  	s18 =	sadd.s32 $0xC000, s6;
	s19 =	sadd.s32 $0x10000, s6;
	[dreg:$0x6] =	wrdreg s17  }
0x16: {  	s0 =	sshrl.u32 s15, $0x3;
	s26 =	sadd.s32 $0x32400, s11;
	[dreg:$0x7] =	wrdreg s18  }
0x17: {  	s6 =	simm.s32 $0x1800;
	s15 =	simm.s32 $0x500;
	[dreg:$0x8] =	wrdreg s19  }
0x18: {  	s11 =	simm.s32 $0x580;
	s0 =	sadd.s32 $0x280, s0;
	[dreg:$0x11] =	wrdreg s26  }
0x19: {  	s19 =	simm.s32 $0x6800;
	s26 =	simm.s32 $0x1580;
	s7 =	sadd.s32 s7, s0  }
0x1a: {  	s16 =	simm.s32 $0x1600;
	s0 =	sadd.s32 s1, s0;
	[dreg:$0xb] =	wrdreg s7  }
0x1b: {  	s1 =	simm.s32 $0x400;
	[dreg:$0xc] =	wrdreg s0;
	s0 =	sshrl.u32 s23, $0x4  }
0x1c: {  	s23 =	simm.s32 $0x2800;
	[dreg:$0xf] =	wrdreg s0;
	s0 =	sadd.s32 s25, s2  }
0x1d: {  	s7 =	simm.s32 $0x480;
	s25 =	simm.s32 $0x2;
	[dreg:$0x10] =	wrdreg s0  }
.LBB2_1:
0x1e: {  	s9 =	rddreg [dreg:$0x4]  }
0x1f: {  	[tilespmem:s19], [sflag:$0x3] =	stream.linear.gather [hbm4b:s9+s3], $0x4000, $0x38;
	[tilespmem:$0x1E800] =	vst v63  }
0x20: {  	_ =	swait.ge [sflag:s20], $0x4000  }
0x21: {  	[sflag:s20] =	ssyncset.done $0x0  }
0x22: {  	s0 =	rddreg [dreg:$0xe];
	[sflag:s20] =	ssyncadd.s32 $0xFFFFC000  }
0x23: {  	[spmem:s0] =	stream.linear.scatter [tilespmem:s19], [sflag:$0x3], $0x4000, $0x38;
	[tilespmem:$0x1E800] =	vst v63  }
0x24: {  	_ =	swait.ge [sflag:s20], $0x4000  }
0x25: {  	[sflag:s20] =	ssyncset.done $0x0  }
0x26: {  	s18 =	rddreg [dreg:$0x5];
	[sflag:s20] =	ssyncadd.s32 $0xFFFFC000  }
0x27: {  	[spmem:s18] =	stream.linear.scatter [tilespmem:s19], [sflag:$0x3], $0x4000, $0x38;
	[tilespmem:$0x1E800] =	vst v63  }
0x28: {  	_ =	swait.ge [sflag:s20], $0x4000  }
0x29: {  	[sflag:s20] =	ssyncset.done $0x0  }
0x2a: {  	s0 =	rddreg [dreg:$0x6];
	[sflag:s20] =	ssyncadd.s32 $0xFFFFC000  }
0x2b: {  	[spmem:s0] =	stream.linear.scatter [tilespmem:s19], [sflag:$0x3], $0x4000, $0x38;
	[tilespmem:$0x1E800] =	vst v63  }
0x2c: {  	_ =	swait.ge [sflag:s20], $0x4000  }
0x2d: {  	[sflag:s20] =	ssyncset.done $0x0  }
0x2e: {  	s17 =	rddreg [dreg:$0x7];
	[sflag:s20] =	ssyncadd.s32 $0xFFFFC000  }
0x2f: {  	[spmem:s17] =	stream.linear.scatter [tilespmem:s19], [sflag:$0x3], $0x4000, $0x38;
	[tilespmem:$0x1E800] =	vst v63  }
0x30: {  	_ =	swait.ge [sflag:s20], $0x4000  }
0x31: {  	[sflag:s20] =	ssyncset.done $0x0  }
0x32: {  	s18 =	rddreg [dreg:$0x8];
	[sflag:s20] =	ssyncadd.s32 $0xFFFFC000  }
0x33: {  	[spmem:s18] =	stream.linear.scatter [tilespmem:s19], [sflag:$0x3], $0x4000, $0x38;
	[tilespmem:$0x1E800] =	vst v63  }
0x34: {  	_ =	swait.ge [sflag:s20], $0x4000  }
0x35: {  	[sflag:s20] =	ssyncset.done $0x0  }
0x36: {  	[sflag:s20] =	ssyncadd.s32 $0xFFFFC000  }
0x37: {  	[bflag:$0x0] =	sbarrier.arrive $0xFFFF  }
0x38: {  	s0 =	rddreg [dreg:$0x9]  }
0x39: {  	[tilespmem:s3], [sflag:$0x3] =	stream.linear.gather [hbm4b:s0+s3], $0x1400, $0x38;
	[tilespmem:$0x1E800] =	vst v63  }
0x3a: {  	_ =	swait.ge [sflag:s20], $0x1400  }
0x3b: {  	[sflag:s20] =	ssyncset.done $0x0  }
0x3c: {  	[sflag:s20] =	ssyncadd.s32 $0xFFFFEC00  }
0x3d: {  	s17 =	rddreg [dreg:$0xa]  }
0x3e: {  	[tilespmem:s10], [sflag:$0x3] =	stream.linear.gather [hbm4b:s17+s3], $0x1400, $0x38;
	[tilespmem:$0x1E800] =	vst v63  }
0x3f: {  	_ =	swait.ge [sflag:s20], $0x1400  }
0x40: {  	[sflag:s20] =	ssyncset.done $0x0  }
0x41: {  	[sflag:s20] =	ssyncadd.s32 $0xFFFFEC00  }
0x42: {  	[tilespmem:s23], [sflag:$0x1] =	stream.indirect.gather [hbm4b:s4+s22], $0x80, s3, s22, $0xb8;
	[tilespmem:$0x1E800] =	vst v63  }
0x43: {  	_ =	swait.ge [sflag:s24], $0x4000  }
0x44: {  	[sflag:s24] =	ssyncset.done $0x0  }
0x45: {  	[sflag:s24] =	ssyncadd.s32 $0xFFFFC000  }
0x46: {  	[tilespmem:s19], [sflag:$0x2] =	stream.indirect.gather [hbm4b:s4+s22], $0x80, s22, s22, $0xb8;
	[tilespmem:$0x1E800] =	vst v63  }
0x47: {  	_ = 	snop  }
0x48: {  	[spmem:s2] =	stream.indirect.scatter.add.f32 [tilespmem:s23], [sflag:$0x3], $0x80, s10, s22, $0xb8;
	[tilespmem:$0x1E800] =	vst v63  }
0x49: {  	_ =	swait.ge [sflag:s20], $0x4000  }
0x4a: {  	[sflag:s20] =	ssyncset.done $0x0  }
0x4b: {  	[sflag:s20] =	ssyncadd.s32 $0xFFFFC000  }
0x4c: {  	_ =	swait.ge [sflag:s25], $0x4000  }
0x4d: {  	[sflag:s25] =	ssyncset.done $0x0  }
0x4e: {  	s17 =	simm.s32 $0x100;
	[sflag:s25] =	ssyncadd.s32 $0xFFFFC000  }
0x4f: {  	[tilespmem:s23], [sflag:$0x1] =	stream.indirect.gather [hbm4b:s4+s22], $0x80, s17, s22, $0xb8;
	[tilespmem:$0x1E800] =	vst v63  }
0x50: {  	s18 =	simm.s32 $0x1480  }
0x51: {  	[spmem:s2] =	stream.indirect.scatter.add.f32 [tilespmem:s19], [sflag:$0x3], $0x80, s18, s22, $0xb8;
	[tilespmem:$0x1E800] =	vst v63  }
0x52: {  	_ =	swait.ge [sflag:s20], $0x4000  }
0x53: {  	[sflag:s20] =	ssyncset.done $0x0  }
0x54: {  	[sflag:s20] =	ssyncadd.s32 $0xFFFFC000  }
0x55: {  	_ =	swait.ge [sflag:s24], $0x4000  }
0x56: {  	[sflag:s24] =	ssyncset.done $0x0  }
0x57: {  	[sflag:s24] =	ssyncadd.s32 $0xFFFFC000  }
0x58: {  	[tilespmem:s19], [sflag:$0x2] =	stream.indirect.gather [hbm4b:s4+s22], $0x80, s12, s22, $0xb8;
	[tilespmem:$0x1E800] =	vst v63  }
0x59: {  	_ = 	snop  }
0x5a: {  	[spmem:s2] =	stream.indirect.scatter.add.f32 [tilespmem:s23], [sflag:$0x3], $0x80, s13, s22, $0xb8;
	[tilespmem:$0x1E800] =	vst v63  }
0x5b: {  	_ =	swait.ge [sflag:s20], $0x4000  }
0x5c: {  	[sflag:s20] =	ssyncset.done $0x0  }
0x5d: {  	[sflag:s20] =	ssyncadd.s32 $0xFFFFC000  }
0x5e: {  	_ =	swait.ge [sflag:s25], $0x4000  }
0x5f: {  	[sflag:s25] =	ssyncset.done $0x0  }
0x60: {  	[sflag:s25] =	ssyncadd.s32 $0xFFFFC000  }
0x61: {  	[tilespmem:s23], [sflag:$0x1] =	stream.indirect.gather [hbm4b:s4+s22], $0x80, s14, s22, $0xb8;
	[tilespmem:$0x1E800] =	vst v63  }
0x62: {  	_ = 	snop  }
0x63: {  	[spmem:s2] =	stream.indirect.scatter.add.f32 [tilespmem:s19], [sflag:$0x3], $0x80, s26, s22, $0xb8;
	[tilespmem:$0x1E800] =	vst v63  }
0x64: {  	_ =	swait.ge [sflag:s20], $0x4000  }
0x65: {  	[sflag:s20] =	ssyncset.done $0x0  }
0x66: {  	[sflag:s20] =	ssyncadd.s32 $0xFFFFC000  }
0x67: {  	_ =	swait.ge [sflag:s24], $0x4000  }
0x68: {  	[sflag:s24] =	ssyncset.done $0x0  }
0x69: {  	[sflag:s24] =	ssyncadd.s32 $0xFFFFC000  }
0x6a: {  	[tilespmem:s19], [sflag:$0x2] =	stream.indirect.gather [hbm4b:s4+s22], $0x80, s28, s22, $0xb8;
	[tilespmem:$0x1E800] =	vst v63  }
0x6b: {  	_ = 	snop  }
0x6c: {  	[spmem:s2] =	stream.indirect.scatter.add.f32 [tilespmem:s23], [sflag:$0x3], $0x80, s16, s22, $0xb8;
	[tilespmem:$0x1E800] =	vst v63  }
0x6d: {  	_ =	swait.ge [sflag:s20], $0x4000  }
0x6e: {  	[sflag:s20] =	ssyncset.done $0x0  }
0x6f: {  	[sflag:s20] =	ssyncadd.s32 $0xFFFFC000  }
0x70: {  	_ =	swait.ge [sflag:s25], $0x4000  }
0x71: {  	[sflag:s25] =	ssyncset.done $0x0  }
0x72: {  	[sflag:s25] =	ssyncadd.s32 $0xFFFFC000  }
0x73: {  	[tilespmem:s23], [sflag:$0x1] =	stream.indirect.gather [hbm4b:s4+s22], $0x80, s29, s22, $0xb8;
	[tilespmem:$0x1E800] =	vst v63  }
0x74: {  	_ = 	snop  }
0x75: {  	[spmem:s2] =	stream.indirect.scatter.add.f32 [tilespmem:s19], [sflag:$0x3], $0x80, s30, s22, $0xb8;
	[tilespmem:$0x1E800] =	vst v63  }
0x76: {  	_ =	swait.ge [sflag:s20], $0x4000  }
0x77: {  	[sflag:s20] =	ssyncset.done $0x0  }
0x78: {  	[sflag:s20] =	ssyncadd.s32 $0xFFFFC000  }
0x79: {  	_ =	swait.ge [sflag:s24], $0x4000  }
0x7a: {  	[sflag:s24] =	ssyncset.done $0x0  }
0x7b: {  	[sflag:s24] =	ssyncadd.s32 $0xFFFFC000  }
0x7c: {  	[tilespmem:s19], [sflag:$0x2] =	stream.indirect.gather [hbm4b:s4+s22], $0x80, s31, s22, $0xb8;
	[tilespmem:$0x1E800] =	vst v63  }
0x7d: {  	s0 =	simm.s32 $0x1700  }
0x7e: {  	[spmem:s2] =	stream.indirect.scatter.add.f32 [tilespmem:s23], [sflag:$0x3], $0x80, s0, s22, $0xb8;
	[tilespmem:$0x1E800] =	vst v63  }
0x7f: {  	_ =	swait.ge [sflag:s20], $0x4000  }
0x80: {  	[sflag:s20] =	ssyncset.done $0x0  }
0x81: {  	[sflag:s20] =	ssyncadd.s32 $0xFFFFC000  }
0x82: {  	_ =	swait.ge [sflag:s25], $0x4000  }
0x83: {  	[sflag:s25] =	ssyncset.done $0x0  }
0x84: {  	[sflag:s25] =	ssyncadd.s32 $0xFFFFC000  }
0x85: {  	[tilespmem:s23], [sflag:$0x1] =	stream.indirect.gather [hbm4b:s4+s22], $0x80, s1, s22, $0xb8;
	[tilespmem:$0x1E800] =	vst v63  }
0x86: {  	_ = 	snop  }
0x87: {  	[spmem:s2] =	stream.indirect.scatter.add.f32 [tilespmem:s19], [sflag:$0x3], $0x80, s5, s22, $0xb8;
	[tilespmem:$0x1E800] =	vst v63  }
0x88: {  	_ =	swait.ge [sflag:s20], $0x4000  }
0x89: {  	[sflag:s20] =	ssyncset.done $0x0  }
0x8a: {  	[sflag:s20] =	ssyncadd.s32 $0xFFFFC000  }
0x8b: {  	_ =	swait.ge [sflag:s24], $0x4000  }
0x8c: {  	[sflag:s24] =	ssyncset.done $0x0  }
0x8d: {  	[sflag:s24] =	ssyncadd.s32 $0xFFFFC000  }
0x8e: {  	[tilespmem:s19], [sflag:$0x2] =	stream.indirect.gather [hbm4b:s4+s22], $0x80, s7, s22, $0xb8;
	[tilespmem:$0x1E800] =	vst v63  }
0x8f: {  	_ = 	snop  }
0x90: {  	[spmem:s2] =	stream.indirect.scatter.add.f32 [tilespmem:s23], [sflag:$0x3], $0x80, s6, s22, $0xb8;
	[tilespmem:$0x1E800] =	vst v63  }
0x91: {  	_ =	swait.ge [sflag:s20], $0x4000  }
0x92: {  	[sflag:s20] =	ssyncset.done $0x0  }
0x93: {  	[sflag:s20] =	ssyncadd.s32 $0xFFFFC000  }
0x94: {  	_ =	swait.ge [sflag:s25], $0x4000  }
0x95: {  	[sflag:s25] =	ssyncset.done $0x0  }
0x96: {  	[sflag:s25] =	ssyncadd.s32 $0xFFFFC000  }
0x97: {  	[tilespmem:s23], [sflag:$0x1] =	stream.indirect.gather [hbm4b:s4+s22], $0x80, s15, s22, $0xb8;
	[tilespmem:$0x1E800] =	vst v63  }
0x98: {  	_ = 	snop  }
0x99: {  	[spmem:s2] =	stream.indirect.scatter.add.f32 [tilespmem:s19], [sflag:$0x3], $0x80, s21, s22, $0xb8;
	[tilespmem:$0x1E800] =	vst v63  }
0x9a: {  	_ =	swait.ge [sflag:s20], $0x4000  }
0x9b: {  	[sflag:s20] =	ssyncset.done $0x0  }
0x9c: {  	[sflag:s20] =	ssyncadd.s32 $0xFFFFC000  }
0x9d: {  	_ =	swait.ge [sflag:s24], $0x4000  }
0x9e: {  	[sflag:s24] =	ssyncset.done $0x0  }
0x9f: {  	[sflag:s24] =	ssyncadd.s32 $0xFFFFC000  }
0xa0: {  	[tilespmem:s19], [sflag:$0x2] =	stream.indirect.gather [hbm4b:s4+s22], $0x80, s11, s22, $0xb8;
	[tilespmem:$0x1E800] =	vst v63  }
0xa1: {  	s9 =	simm.s32 $0x1900  }
0xa2: {  	[spmem:s2] =	stream.indirect.scatter.add.f32 [tilespmem:s23], [sflag:$0x3], $0x80, s9, s22, $0xb8;
	[tilespmem:$0x1E800] =	vst v63  }
0xa3: {  	_ =	swait.ge [sflag:s20], $0x4000  }
0xa4: {  	[sflag:s20] =	ssyncset.done $0x0  }
0xa5: {  	[sflag:s20] =	ssyncadd.s32 $0xFFFFC000  }
0xa6: {  	_ =	swait.ge [sflag:s25], $0x4000  }
0xa7: {  	[sflag:s25] =	ssyncset.done $0x0  }
0xa8: {  	s9 =	simm.s32 $0x600;
	[sflag:s25] =	ssyncadd.s32 $0xFFFFC000  }
0xa9: {  	[tilespmem:s23], [sflag:$0x1] =	stream.indirect.gather [hbm4b:s4+s22], $0x80, s9, s22, $0xb8;
	[tilespmem:$0x1E800] =	vst v63  }
0xaa: {  	s9 =	simm.s32 $0x1980  }
0xab: {  	[spmem:s2] =	stream.indirect.scatter.add.f32 [tilespmem:s19], [sflag:$0x3], $0x80, s9, s22, $0xb8;
	[tilespmem:$0x1E800] =	vst v63  }
0xac: {  	_ =	swait.ge [sflag:s20], $0x4000  }
0xad: {  	[sflag:s20] =	ssyncset.done $0x0  }
0xae: {  	[sflag:s20] =	ssyncadd.s32 $0xFFFFC000  }
0xaf: {  	_ =	swait.ge [sflag:s24], $0x4000  }
0xb0: {  	[sflag:s24] =	ssyncset.done $0x0  }
0xb1: {  	s9 =	simm.s32 $0x680;
	[sflag:s24] =	ssyncadd.s32 $0xFFFFC000  }
0xb2: {  	[tilespmem:s19], [sflag:$0x2] =	stream.indirect.gather [hbm4b:s4+s22], $0x80, s9, s22, $0xb8;
	[tilespmem:$0x1E800] =	vst v63  }
0xb3: {  	s9 =	simm.s32 $0x1A00  }
0xb4: {  	[spmem:s2] =	stream.indirect.scatter.add.f32 [tilespmem:s23], [sflag:$0x3], $0x80, s9, s22, $0xb8;
	[tilespmem:$0x1E800] =	vst v63  }
0xb5: {  	_ =	swait.ge [sflag:s20], $0x4000  }
0xb6: {  	[sflag:s20] =	ssyncset.done $0x0  }
0xb7: {  	[sflag:s20] =	ssyncadd.s32 $0xFFFFC000  }
0xb8: {  	_ =	swait.ge [sflag:s25], $0x4000  }
0xb9: {  	[sflag:s25] =	ssyncset.done $0x0  }
0xba: {  	s9 =	simm.s32 $0x700;
	[sflag:s25] =	ssyncadd.s32 $0xFFFFC000  }
0xbb: {  	[tilespmem:s23], [sflag:$0x1] =	stream.indirect.gather [hbm4b:s4+s22], $0x80, s9, s22, $0xb8;
	[tilespmem:$0x1E800] =	vst v63  }
0xbc: {  	s9 =	simm.s32 $0x1A80  }
0xbd: {  	[spmem:s2] =	stream.indirect.scatter.add.f32 [tilespmem:s19], [sflag:$0x3], $0x80, s9, s22, $0xb8;
	[tilespmem:$0x1E800] =	vst v63  }
0xbe: {  	_ =	swait.ge [sflag:s20], $0x4000  }
0xbf: {  	[sflag:s20] =	ssyncset.done $0x0  }
0xc0: {  	[sflag:s20] =	ssyncadd.s32 $0xFFFFC000  }
0xc1: {  	_ =	swait.ge [sflag:s24], $0x4000  }
0xc2: {  	[sflag:s24] =	ssyncset.done $0x0  }
0xc3: {  	s9 =	simm.s32 $0x780;
	[sflag:s24] =	ssyncadd.s32 $0xFFFFC000  }
0xc4: {  	[tilespmem:s19], [sflag:$0x2] =	stream.indirect.gather [hbm4b:s4+s22], $0x80, s9, s22, $0xb8;
	[tilespmem:$0x1E800] =	vst v63  }
0xc5: {  	s9 =	simm.s32 $0x1B00  }
0xc6: {  	[spmem:s2] =	stream.indirect.scatter.add.f32 [tilespmem:s23], [sflag:$0x3], $0x80, s9, s22, $0xb8;
	[tilespmem:$0x1E800] =	vst v63  }
0xc7: {  	_ =	swait.ge [sflag:s20], $0x4000  }
0xc8: {  	[sflag:s20] =	ssyncset.done $0x0  }
0xc9: {  	[sflag:s20] =	ssyncadd.s32 $0xFFFFC000  }
0xca: {  	_ =	swait.ge [sflag:s25], $0x4000  }
0xcb: {  	[sflag:s25] =	ssyncset.done $0x0  }
0xcc: {  	s9 =	simm.s32 $0x800;
	[sflag:s25] =	ssyncadd.s32 $0xFFFFC000  }
0xcd: {  	[tilespmem:s23], [sflag:$0x1] =	stream.indirect.gather [hbm4b:s4+s22], $0x80, s9, s22, $0xb8;
	[tilespmem:$0x1E800] =	vst v63  }
0xce: {  	s9 =	simm.s32 $0x1B80  }
0xcf: {  	[spmem:s2] =	stream.indirect.scatter.add.f32 [tilespmem:s19], [sflag:$0x3], $0x80, s9, s22, $0xb8;
	[tilespmem:$0x1E800] =	vst v63  }
0xd0: {  	_ =	swait.ge [sflag:s20], $0x4000  }
0xd1: {  	[sflag:s20] =	ssyncset.done $0x0  }
0xd2: {  	[sflag:s20] =	ssyncadd.s32 $0xFFFFC000  }
0xd3: {  	_ =	swait.ge [sflag:s24], $0x4000  }
0xd4: {  	[sflag:s24] =	ssyncset.done $0x0  }
0xd5: {  	s9 =	simm.s32 $0x880;
	[sflag:s24] =	ssyncadd.s32 $0xFFFFC000  }
0xd6: {  	[tilespmem:s19], [sflag:$0x2] =	stream.indirect.gather [hbm4b:s4+s22], $0x80, s9, s22, $0xb8;
	[tilespmem:$0x1E800] =	vst v63  }
0xd7: {  	s9 =	simm.s32 $0x1C00  }
0xd8: {  	[spmem:s2] =	stream.indirect.scatter.add.f32 [tilespmem:s23], [sflag:$0x3], $0x80, s9, s22, $0xb8;
	[tilespmem:$0x1E800] =	vst v63  }
0xd9: {  	_ =	swait.ge [sflag:s20], $0x4000  }
0xda: {  	[sflag:s20] =	ssyncset.done $0x0  }
0xdb: {  	[sflag:s20] =	ssyncadd.s32 $0xFFFFC000  }
0xdc: {  	_ =	swait.ge [sflag:s25], $0x4000  }
0xdd: {  	[sflag:s25] =	ssyncset.done $0x0  }
0xde: {  	s9 =	simm.s32 $0x900;
	[sflag:s25] =	ssyncadd.s32 $0xFFFFC000  }
0xdf: {  	[tilespmem:s23], [sflag:$0x1] =	stream.indirect.gather [hbm4b:s4+s22], $0x80, s9, s22, $0xb8;
	[tilespmem:$0x1E800] =	vst v63  }
0xe0: {  	s9 =	simm.s32 $0x1C80  }
0xe1: {  	[spmem:s2] =	stream.indirect.scatter.add.f32 [tilespmem:s19], [sflag:$0x3], $0x80, s9, s22, $0xb8;
	[tilespmem:$0x1E800] =	vst v63  }
0xe2: {  	_ =	swait.ge [sflag:s20], $0x4000  }
0xe3: {  	[sflag:s20] =	ssyncset.done $0x0  }
0xe4: {  	[sflag:s20] =	ssyncadd.s32 $0xFFFFC000  }
0xe5: {  	_ =	swait.ge [sflag:s24], $0x4000  }
0xe6: {  	[sflag:s24] =	ssyncset.done $0x0  }
0xe7: {  	s9 =	simm.s32 $0x980;
	[sflag:s24] =	ssyncadd.s32 $0xFFFFC000  }
0xe8: {  	[tilespmem:s19], [sflag:$0x2] =	stream.indirect.gather [hbm4b:s4+s22], $0x80, s9, s22, $0xb8;
	[tilespmem:$0x1E800] =	vst v63  }
0xe9: {  	s9 =	simm.s32 $0x1D00  }
0xea: {  	[spmem:s2] =	stream.indirect.scatter.add.f32 [tilespmem:s23], [sflag:$0x3], $0x80, s9, s22, $0xb8;
	[tilespmem:$0x1E800] =	vst v63  }
0xeb: {  	_ =	swait.ge [sflag:s20], $0x4000  }
0xec: {  	[sflag:s20] =	ssyncset.done $0x0  }
0xed: {  	[sflag:s20] =	ssyncadd.s32 $0xFFFFC000  }
0xee: {  	_ =	swait.ge [sflag:s25], $0x4000  }
0xef: {  	[sflag:s25] =	ssyncset.done $0x0  }
0xf0: {  	s9 =	simm.s32 $0xA00;
	[sflag:s25] =	ssyncadd.s32 $0xFFFFC000  }
0xf1: {  	[tilespmem:s23], [sflag:$0x1] =	stream.indirect.gather [hbm4b:s4+s22], $0x80, s9, s22, $0xb8;
	[tilespmem:$0x1E800] =	vst v63  }
0xf2: {  	s9 =	simm.s32 $0x1D80  }
0xf3: {  	[spmem:s2] =	stream.indirect.scatter.add.f32 [tilespmem:s19], [sflag:$0x3], $0x80, s9, s22, $0xb8;
	[tilespmem:$0x1E800] =	vst v63  }
0xf4: {  	_ =	swait.ge [sflag:s20], $0x4000  }
0xf5: {  	[sflag:s20] =	ssyncset.done $0x0  }
0xf6: {  	[sflag:s20] =	ssyncadd.s32 $0xFFFFC000  }
0xf7: {  	_ =	swait.ge [sflag:s24], $0x4000  }
0xf8: {  	[sflag:s24] =	ssyncset.done $0x0  }
0xf9: {  	s9 =	simm.s32 $0xA80;
	[sflag:s24] =	ssyncadd.s32 $0xFFFFC000  }
0xfa: {  	[tilespmem:s19], [sflag:$0x2] =	stream.indirect.gather [hbm4b:s4+s22], $0x80, s9, s22, $0xb8;
	[tilespmem:$0x1E800] =	vst v63  }
0xfb: {  	s9 =	simm.s32 $0x1E00  }
0xfc: {  	[spmem:s2] =	stream.indirect.scatter.add.f32 [tilespmem:s23], [sflag:$0x3], $0x80, s9, s22, $0xb8;
	[tilespmem:$0x1E800] =	vst v63  }
0xfd: {  	_ =	swait.ge [sflag:s20], $0x4000  }
0xfe: {  	[sflag:s20] =	ssyncset.done $0x0  }
0xff: {  	[sflag:s20] =	ssyncadd.s32 $0xFFFFC000  }
0x100: {  	_ =	swait.ge [sflag:s25], $0x4000  }
0x101: {  	[sflag:s25] =	ssyncset.done $0x0  }
0x102: {  	s9 =	simm.s32 $0xB00;
	[sflag:s25] =	ssyncadd.s32 $0xFFFFC000  }
0x103: {  	[tilespmem:s23], [sflag:$0x1] =	stream.indirect.gather [hbm4b:s4+s22], $0x80, s9, s22, $0xb8;
	[tilespmem:$0x1E800] =	vst v63  }
0x104: {  	s9 =	simm.s32 $0x1E80  }
0x105: {  	[spmem:s2] =	stream.indirect.scatter.add.f32 [tilespmem:s19], [sflag:$0x3], $0x80, s9, s22, $0xb8;
	[tilespmem:$0x1E800] =	vst v63  }
0x106: {  	_ =	swait.ge [sflag:s20], $0x4000  }
0x107: {  	[sflag:s20] =	ssyncset.done $0x0  }
0x108: {  	[sflag:s20] =	ssyncadd.s32 $0xFFFFC000  }
0x109: {  	_ =	swait.ge [sflag:s24], $0x4000  }
0x10a: {  	[sflag:s24] =	ssyncset.done $0x0  }
0x10b: {  	s9 =	simm.s32 $0xB80;
	[sflag:s24] =	ssyncadd.s32 $0xFFFFC000  }
0x10c: {  	[tilespmem:s19], [sflag:$0x2] =	stream.indirect.gather [hbm4b:s4+s22], $0x80, s9, s22, $0xb8;
	[tilespmem:$0x1E800] =	vst v63  }
0x10d: {  	s9 =	simm.s32 $0x1F00  }
0x10e: {  	[spmem:s2] =	stream.indirect.scatter.add.f32 [tilespmem:s23], [sflag:$0x3], $0x80, s9, s22, $0xb8;
	[tilespmem:$0x1E800] =	vst v63  }
0x10f: {  	_ =	swait.ge [sflag:s20], $0x4000  }
0x110: {  	[sflag:s20] =	ssyncset.done $0x0  }
0x111: {  	[sflag:s20] =	ssyncadd.s32 $0xFFFFC000  }
0x112: {  	_ =	swait.ge [sflag:s25], $0x4000  }
0x113: {  	[sflag:s25] =	ssyncset.done $0x0  }
0x114: {  	s9 =	simm.s32 $0xC00;
	[sflag:s25] =	ssyncadd.s32 $0xFFFFC000  }
0x115: {  	[tilespmem:s23], [sflag:$0x1] =	stream.indirect.gather [hbm4b:s4+s22], $0x80, s9, s22, $0xb8;
	[tilespmem:$0x1E800] =	vst v63  }
0x116: {  	s9 =	simm.s32 $0x1F80  }
0x117: {  	[spmem:s2] =	stream.indirect.scatter.add.f32 [tilespmem:s19], [sflag:$0x3], $0x80, s9, s22, $0xb8;
	[tilespmem:$0x1E800] =	vst v63  }
0x118: {  	_ =	swait.ge [sflag:s20], $0x4000  }
0x119: {  	[sflag:s20] =	ssyncset.done $0x0  }
0x11a: {  	[sflag:s20] =	ssyncadd.s32 $0xFFFFC000  }
0x11b: {  	_ =	swait.ge [sflag:s24], $0x4000  }
0x11c: {  	[sflag:s24] =	ssyncset.done $0x0  }
0x11d: {  	s9 =	simm.s32 $0xC80;
	[sflag:s24] =	ssyncadd.s32 $0xFFFFC000  }
0x11e: {  	[tilespmem:s19], [sflag:$0x2] =	stream.indirect.gather [hbm4b:s4+s22], $0x80, s9, s22, $0xb8;
	[tilespmem:$0x1E800] =	vst v63  }
0x11f: {  	s9 =	simm.s32 $0x2000  }
0x120: {  	[spmem:s2] =	stream.indirect.scatter.add.f32 [tilespmem:s23], [sflag:$0x3], $0x80, s9, s22, $0xb8;
	[tilespmem:$0x1E800] =	vst v63  }
0x121: {  	_ =	swait.ge [sflag:s20], $0x4000  }
0x122: {  	[sflag:s20] =	ssyncset.done $0x0  }
0x123: {  	[sflag:s20] =	ssyncadd.s32 $0xFFFFC000  }
0x124: {  	_ =	swait.ge [sflag:s25], $0x4000  }
0x125: {  	[sflag:s25] =	ssyncset.done $0x0  }
0x126: {  	s9 =	simm.s32 $0xD00;
	[sflag:s25] =	ssyncadd.s32 $0xFFFFC000  }
0x127: {  	[tilespmem:s23], [sflag:$0x1] =	stream.indirect.gather [hbm4b:s4+s22], $0x80, s9, s22, $0xb8;
	[tilespmem:$0x1E800] =	vst v63  }
0x128: {  	s9 =	simm.s32 $0x2080  }
0x129: {  	[spmem:s2] =	stream.indirect.scatter.add.f32 [tilespmem:s19], [sflag:$0x3], $0x80, s9, s22, $0xb8;
	[tilespmem:$0x1E800] =	vst v63  }
0x12a: {  	_ =	swait.ge [sflag:s20], $0x4000  }
0x12b: {  	[sflag:s20] =	ssyncset.done $0x0  }
0x12c: {  	[sflag:s20] =	ssyncadd.s32 $0xFFFFC000  }
0x12d: {  	_ =	swait.ge [sflag:s24], $0x4000  }
0x12e: {  	[sflag:s24] =	ssyncset.done $0x0  }
0x12f: {  	s9 =	simm.s32 $0xD80;
	[sflag:s24] =	ssyncadd.s32 $0xFFFFC000  }
0x130: {  	[tilespmem:s19], [sflag:$0x2] =	stream.indirect.gather [hbm4b:s4+s22], $0x80, s9, s22, $0xb8;
	[tilespmem:$0x1E800] =	vst v63  }
0x131: {  	s9 =	simm.s32 $0x2100  }
0x132: {  	[spmem:s2] =	stream.indirect.scatter.add.f32 [tilespmem:s23], [sflag:$0x3], $0x80, s9, s22, $0xb8;
	[tilespmem:$0x1E800] =	vst v63  }
0x133: {  	_ =	swait.ge [sflag:s20], $0x4000  }
0x134: {  	[sflag:s20] =	ssyncset.done $0x0  }
0x135: {  	[sflag:s20] =	ssyncadd.s32 $0xFFFFC000  }
0x136: {  	_ =	swait.ge [sflag:s25], $0x4000  }
0x137: {  	[sflag:s25] =	ssyncset.done $0x0  }
0x138: {  	s9 =	simm.s32 $0xE00;
	[sflag:s25] =	ssyncadd.s32 $0xFFFFC000  }
0x139: {  	[tilespmem:s23], [sflag:$0x1] =	stream.indirect.gather [hbm4b:s4+s22], $0x80, s9, s22, $0xb8;
	[tilespmem:$0x1E800] =	vst v63  }
0x13a: {  	s9 =	simm.s32 $0x2180  }
0x13b: {  	[spmem:s2] =	stream.indirect.scatter.add.f32 [tilespmem:s19], [sflag:$0x3], $0x80, s9, s22, $0xb8;
	[tilespmem:$0x1E800] =	vst v63  }
0x13c: {  	_ =	swait.ge [sflag:s20], $0x4000  }
0x13d: {  	[sflag:s20] =	ssyncset.done $0x0  }
0x13e: {  	[sflag:s20] =	ssyncadd.s32 $0xFFFFC000  }
0x13f: {  	_ =	swait.ge [sflag:s24], $0x4000  }
0x140: {  	[sflag:s24] =	ssyncset.done $0x0  }
0x141: {  	s9 =	simm.s32 $0xE80;
	[sflag:s24] =	ssyncadd.s32 $0xFFFFC000  }
0x142: {  	[tilespmem:s19], [sflag:$0x2] =	stream.indirect.gather [hbm4b:s4+s22], $0x80, s9, s22, $0xb8;
	[tilespmem:$0x1E800] =	vst v63  }
0x143: {  	s9 =	simm.s32 $0x2200  }
0x144: {  	[spmem:s2] =	stream.indirect.scatter.add.f32 [tilespmem:s23], [sflag:$0x3], $0x80, s9, s22, $0xb8;
	[tilespmem:$0x1E800] =	vst v63  }
0x145: {  	_ =	swait.ge [sflag:s20], $0x4000  }
0x146: {  	[sflag:s20] =	ssyncset.done $0x0  }
0x147: {  	[sflag:s20] =	ssyncadd.s32 $0xFFFFC000  }
0x148: {  	_ =	swait.ge [sflag:s25], $0x4000  }
0x149: {  	[sflag:s25] =	ssyncset.done $0x0  }
0x14a: {  	s9 =	simm.s32 $0xF00;
	[sflag:s25] =	ssyncadd.s32 $0xFFFFC000  }
0x14b: {  	[tilespmem:s23], [sflag:$0x1] =	stream.indirect.gather [hbm4b:s4+s22], $0x80, s9, s22, $0xb8;
	[tilespmem:$0x1E800] =	vst v63  }
0x14c: {  	s9 =	simm.s32 $0x2280  }
0x14d: {  	[spmem:s2] =	stream.indirect.scatter.add.f32 [tilespmem:s19], [sflag:$0x3], $0x80, s9, s22, $0xb8;
	[tilespmem:$0x1E800] =	vst v63  }
0x14e: {  	_ =	swait.ge [sflag:s20], $0x4000  }
0x14f: {  	[sflag:s20] =	ssyncset.done $0x0  }
0x150: {  	[sflag:s20] =	ssyncadd.s32 $0xFFFFC000  }
0x151: {  	_ =	swait.ge [sflag:s24], $0x4000  }
0x152: {  	[sflag:s24] =	ssyncset.done $0x0  }
0x153: {  	s9 =	simm.s32 $0xF80;
	[sflag:s24] =	ssyncadd.s32 $0xFFFFC000  }
0x154: {  	[tilespmem:s19], [sflag:$0x2] =	stream.indirect.gather [hbm4b:s4+s22], $0x80, s9, s22, $0xb8;
	[tilespmem:$0x1E800] =	vst v63  }
0x155: {  	s9 =	simm.s32 $0x2300  }
0x156: {  	[spmem:s2] =	stream.indirect.scatter.add.f32 [tilespmem:s23], [sflag:$0x3], $0x80, s9, s22, $0xb8;
	[tilespmem:$0x1E800] =	vst v63  }
0x157: {  	_ =	swait.ge [sflag:s20], $0x4000  }
0x158: {  	[sflag:s20] =	ssyncset.done $0x0  }
0x159: {  	[sflag:s20] =	ssyncadd.s32 $0xFFFFC000  }
0x15a: {  	_ =	swait.ge [sflag:s25], $0x4000  }
0x15b: {  	[sflag:s25] =	ssyncset.done $0x0  }
0x15c: {  	s9 =	simm.s32 $0x1000;
	[sflag:s25] =	ssyncadd.s32 $0xFFFFC000  }
0x15d: {  	[tilespmem:s23], [sflag:$0x1] =	stream.indirect.gather [hbm4b:s4+s22], $0x80, s9, s22, $0xb8;
	[tilespmem:$0x1E800] =	vst v63  }
0x15e: {  	s9 =	simm.s32 $0x2380  }
0x15f: {  	[spmem:s2] =	stream.indirect.scatter.add.f32 [tilespmem:s19], [sflag:$0x3], $0x80, s9, s22, $0xb8;
	[tilespmem:$0x1E800] =	vst v63  }
0x160: {  	_ =	swait.ge [sflag:s20], $0x4000  }
0x161: {  	[sflag:s20] =	ssyncset.done $0x0  }
0x162: {  	[sflag:s20] =	ssyncadd.s32 $0xFFFFC000  }
0x163: {  	_ =	swait.ge [sflag:s24], $0x4000  }
0x164: {  	[sflag:s24] =	ssyncset.done $0x0  }
0x165: {  	s9 =	simm.s32 $0x1080;
	[sflag:s24] =	ssyncadd.s32 $0xFFFFC000  }
0x166: {  	[tilespmem:s19], [sflag:$0x2] =	stream.indirect.gather [hbm4b:s4+s22], $0x80, s9, s22, $0xb8;
	[tilespmem:$0x1E800] =	vst v63  }
0x167: {  	s9 =	simm.s32 $0x2400  }
0x168: {  	[spmem:s2] =	stream.indirect.scatter.add.f32 [tilespmem:s23], [sflag:$0x3], $0x80, s9, s22, $0xb8;
	[tilespmem:$0x1E800] =	vst v63  }
0x169: {  	_ =	swait.ge [sflag:s20], $0x4000  }
0x16a: {  	[sflag:s20] =	ssyncset.done $0x0  }
0x16b: {  	[sflag:s20] =	ssyncadd.s32 $0xFFFFC000  }
0x16c: {  	_ =	swait.ge [sflag:s25], $0x4000  }
0x16d: {  	[sflag:s25] =	ssyncset.done $0x0  }
0x16e: {  	s9 =	simm.s32 $0x1100;
	[sflag:s25] =	ssyncadd.s32 $0xFFFFC000  }
0x16f: {  	[tilespmem:s23], [sflag:$0x1] =	stream.indirect.gather [hbm4b:s4+s22], $0x80, s9, s22, $0xb8;
	[tilespmem:$0x1E800] =	vst v63  }
0x170: {  	s9 =	simm.s32 $0x2480  }
0x171: {  	[spmem:s2] =	stream.indirect.scatter.add.f32 [tilespmem:s19], [sflag:$0x3], $0x80, s9, s22, $0xb8;
	[tilespmem:$0x1E800] =	vst v63  }
0x172: {  	_ =	swait.ge [sflag:s20], $0x4000  }
0x173: {  	[sflag:s20] =	ssyncset.done $0x0  }
0x174: {  	[sflag:s20] =	ssyncadd.s32 $0xFFFFC000  }
0x175: {  	_ =	swait.ge [sflag:s24], $0x4000  }
0x176: {  	[sflag:s24] =	ssyncset.done $0x0  }
0x177: {  	s9 =	simm.s32 $0x1180;
	[sflag:s24] =	ssyncadd.s32 $0xFFFFC000  }
0x178: {  	[tilespmem:s19], [sflag:$0x2] =	stream.indirect.gather [hbm4b:s4+s22], $0x80, s9, s22, $0xb8;
	[tilespmem:$0x1E800] =	vst v63  }
0x179: {  	s9 =	simm.s32 $0x2500  }
0x17a: {  	[spmem:s2] =	stream.indirect.scatter.add.f32 [tilespmem:s23], [sflag:$0x3], $0x80, s9, s22, $0xb8;
	[tilespmem:$0x1E800] =	vst v63  }
0x17b: {  	_ =	swait.ge [sflag:s20], $0x4000  }
0x17c: {  	[sflag:s20] =	ssyncset.done $0x0  }
0x17d: {  	[sflag:s20] =	ssyncadd.s32 $0xFFFFC000  }
0x17e: {  	_ =	swait.ge [sflag:s25], $0x4000  }
0x17f: {  	[sflag:s25] =	ssyncset.done $0x0  }
0x180: {  	s9 =	simm.s32 $0x1200;
	[sflag:s25] =	ssyncadd.s32 $0xFFFFC000  }
0x181: {  	[tilespmem:s23], [sflag:$0x1] =	stream.indirect.gather [hbm4b:s4+s22], $0x80, s9, s22, $0xb8;
	[tilespmem:$0x1E800] =	vst v63  }
0x182: {  	s9 =	simm.s32 $0x2580  }
0x183: {  	[spmem:s2] =	stream.indirect.scatter.add.f32 [tilespmem:s19], [sflag:$0x3], $0x80, s9, s22, $0xb8;
	[tilespmem:$0x1E800] =	vst v63  }
0x184: {  	_ =	swait.ge [sflag:s20], $0x4000  }
0x185: {  	[sflag:s20] =	ssyncset.done $0x0  }
0x186: {  	[sflag:s20] =	ssyncadd.s32 $0xFFFFC000  }
0x187: {  	_ =	swait.ge [sflag:s24], $0x4000  }
0x188: {  	[sflag:s24] =	ssyncset.done $0x0  }
0x189: {  	s9 =	simm.s32 $0x1280;
	[sflag:s24] =	ssyncadd.s32 $0xFFFFC000  }
0x18a: {  	[tilespmem:s19], [sflag:$0x2] =	stream.indirect.gather [hbm4b:s4+s22], $0x80, s9, s22, $0xb8;
	[tilespmem:$0x1E800] =	vst v63  }
0x18b: {  	s9 =	simm.s32 $0x2600  }
0x18c: {  	[spmem:s2] =	stream.indirect.scatter.add.f32 [tilespmem:s23], [sflag:$0x3], $0x80, s9, s22, $0xb8;
	[tilespmem:$0x1E800] =	vst v63  }
0x18d: {  	_ =	swait.ge [sflag:s20], $0x4000  }
0x18e: {  	[sflag:s20] =	ssyncset.done $0x0  }
0x18f: {  	[sflag:s20] =	ssyncadd.s32 $0xFFFFC000  }
0x190: {  	_ =	swait.ge [sflag:s25], $0x4000  }
0x191: {  	[sflag:s25] =	ssyncset.done $0x0  }
0x192: {  	s9 =	simm.s32 $0x1300;
	[sflag:s25] =	ssyncadd.s32 $0xFFFFC000  }
0x193: {  	[tilespmem:s23], [sflag:$0x1] =	stream.indirect.gather [hbm4b:s4+s22], $0x80, s9, s22, $0xb8;
	[tilespmem:$0x1E800] =	vst v63  }
0x194: {  	s9 =	simm.s32 $0x2680  }
0x195: {  	[spmem:s2] =	stream.indirect.scatter.add.f32 [tilespmem:s19], [sflag:$0x3], $0x80, s9, s22, $0xb8;
	[tilespmem:$0x1E800] =	vst v63  }
0x196: {  	_ =	swait.ge [sflag:s20], $0x4000  }
0x197: {  	[sflag:s20] =	ssyncset.done $0x0  }
0x198: {  	[sflag:s20] =	ssyncadd.s32 $0xFFFFC000  }
0x199: {  	_ =	swait.ge [sflag:s24], $0x4000  }
0x19a: {  	[sflag:s24] =	ssyncset.done $0x0  }
0x19b: {  	s9 =	simm.s32 $0x1380;
	[sflag:s24] =	ssyncadd.s32 $0xFFFFC000  }
0x19c: {  	[tilespmem:s19], [sflag:$0x2] =	stream.indirect.gather [hbm4b:s4+s22], $0x80, s9, s22, $0xb8;
	[tilespmem:$0x1E800] =	vst v63  }
0x19d: {  	s9 =	simm.s32 $0x2700  }
0x19e: {  	[spmem:s2] =	stream.indirect.scatter.add.f32 [tilespmem:s23], [sflag:$0x3], $0x80, s9, s22, $0xb8;
	[tilespmem:$0x1E800] =	vst v63  }
0x19f: {  	_ =	swait.ge [sflag:s20], $0x4000  }
0x1a0: {  	[sflag:s20] =	ssyncset.done $0x0  }
0x1a1: {  	[sflag:s20] =	ssyncadd.s32 $0xFFFFC000  }
0x1a2: {  	_ =	swait.ge [sflag:s25], $0x4000  }
0x1a3: {  	[sflag:s25] =	ssyncset.done $0x0  }
0x1a4: {  	s9 =	simm.s32 $0x2780;
	[sflag:s25] =	ssyncadd.s32 $0xFFFFC000  }
0x1a5: {  	[spmem:s2] =	stream.indirect.scatter.add.f32 [tilespmem:s19], [sflag:$0x3], $0x80, s9, s22, $0xb8;
	[tilespmem:$0x1E800] =	vst v63  }
0x1a6: {  	_ =	swait.ge [sflag:s20], $0x4000  }
0x1a7: {  	[sflag:s20] =	ssyncset.done $0x0  }
0x1a8: {  	s9 =	rddreg [dreg:$0xb];
	[sflag:s20] =	ssyncadd.s32 $0xFFFFC000  }
0x1a9: {  	[tilespmem:s3], [sflag:$0x3] =	stream.linear.gather [hbm4b:s9+s3], $0x1400, $0x38;
	[tilespmem:$0x1E800] =	vst v63  }
0x1aa: {  	_ =	swait.ge [sflag:s20], $0x1400  }
0x1ab: {  	[sflag:s20] =	ssyncset.done $0x0  }
0x1ac: {  	s9 =	rddreg [dreg:$0xc];
	[sflag:s20] =	ssyncadd.s32 $0xFFFFEC00  }
0x1ad: {  	[tilespmem:s10], [sflag:$0x3] =	stream.linear.gather [hbm4b:s9+s3], $0x1400, $0x38;
	[tilespmem:$0x1E800] =	vst v63  }
0x1ae: {  	_ =	swait.ge [sflag:s20], $0x1400  }
0x1af: {  	[sflag:s20] =	ssyncset.done $0x0  }
0x1b0: {  	[sflag:s20] =	ssyncadd.s32 $0xFFFFEC00  }
0x1b1: {  	[tilespmem:s23], [sflag:$0x1] =	stream.indirect.gather [hbm4b:s4+s22], $0x80, s3, s22, $0xb8;
	[tilespmem:$0x1E800] =	vst v63  }
0x1b2: {  	_ =	swait.ge [sflag:s24], $0x4000  }
0x1b3: {  	[sflag:s24] =	ssyncset.done $0x0  }
0x1b4: {  	[sflag:s24] =	ssyncadd.s32 $0xFFFFC000  }
0x1b5: {  	[tilespmem:s19], [sflag:$0x2] =	stream.indirect.gather [hbm4b:s4+s22], $0x80, s22, s22, $0xb8;
	[tilespmem:$0x1E800] =	vst v63  }
0x1b6: {  	_ = 	snop  }
0x1b7: {  	[spmem:s2] =	stream.indirect.scatter.add.f32 [tilespmem:s23], [sflag:$0x3], $0x80, s10, s22, $0xb8;
	[tilespmem:$0x1E800] =	vst v63  }
0x1b8: {  	_ =	swait.ge [sflag:s20], $0x4000  }
0x1b9: {  	[sflag:s20] =	ssyncset.done $0x0  }
0x1ba: {  	[sflag:s20] =	ssyncadd.s32 $0xFFFFC000  }
0x1bb: {  	_ =	swait.ge [sflag:s25], $0x4000  }
0x1bc: {  	[sflag:s25] =	ssyncset.done $0x0  }
0x1bd: {  	[sflag:s25] =	ssyncadd.s32 $0xFFFFC000  }
0x1be: {  	[tilespmem:s23], [sflag:$0x1] =	stream.indirect.gather [hbm4b:s4+s22], $0x80, s17, s22, $0xb8;
	[tilespmem:$0x1E800] =	vst v63  }
0x1bf: {  	_ = 	snop  }
0x1c0: {  	[spmem:s2] =	stream.indirect.scatter.add.f32 [tilespmem:s19], [sflag:$0x3], $0x80, s18, s22, $0xb8;
	[tilespmem:$0x1E800] =	vst v63  }
0x1c1: {  	_ =	swait.ge [sflag:s20], $0x4000  }
0x1c2: {  	[sflag:s20] =	ssyncset.done $0x0  }
0x1c3: {  	[sflag:s20] =	ssyncadd.s32 $0xFFFFC000  }
0x1c4: {  	_ =	swait.ge [sflag:s24], $0x4000  }
0x1c5: {  	[sflag:s24] =	ssyncset.done $0x0  }
0x1c6: {  	[sflag:s24] =	ssyncadd.s32 $0xFFFFC000  }
0x1c7: {  	[tilespmem:s19], [sflag:$0x2] =	stream.indirect.gather [hbm4b:s4+s22], $0x80, s12, s22, $0xb8;
	[tilespmem:$0x1E800] =	vst v63  }
0x1c8: {  	_ = 	snop  }
0x1c9: {  	[spmem:s2] =	stream.indirect.scatter.add.f32 [tilespmem:s23], [sflag:$0x3], $0x80, s13, s22, $0xb8;
	[tilespmem:$0x1E800] =	vst v63  }
0x1ca: {  	_ =	swait.ge [sflag:s20], $0x4000  }
0x1cb: {  	[sflag:s20] =	ssyncset.done $0x0  }
0x1cc: {  	[sflag:s20] =	ssyncadd.s32 $0xFFFFC000  }
0x1cd: {  	_ =	swait.ge [sflag:s25], $0x4000  }
0x1ce: {  	[sflag:s25] =	ssyncset.done $0x0  }
0x1cf: {  	[sflag:s25] =	ssyncadd.s32 $0xFFFFC000  }
0x1d0: {  	[tilespmem:s23], [sflag:$0x1] =	stream.indirect.gather [hbm4b:s4+s22], $0x80, s14, s22, $0xb8;
	[tilespmem:$0x1E800] =	vst v63  }
0x1d1: {  	_ = 	snop  }
0x1d2: {  	[spmem:s2] =	stream.indirect.scatter.add.f32 [tilespmem:s19], [sflag:$0x3], $0x80, s26, s22, $0xb8;
	[tilespmem:$0x1E800] =	vst v63  }
0x1d3: {  	_ =	swait.ge [sflag:s20], $0x4000  }
0x1d4: {  	[sflag:s20] =	ssyncset.done $0x0  }
0x1d5: {  	[sflag:s20] =	ssyncadd.s32 $0xFFFFC000  }
0x1d6: {  	_ =	swait.ge [sflag:s24], $0x4000  }
0x1d7: {  	[sflag:s24] =	ssyncset.done $0x0  }
0x1d8: {  	[sflag:s24] =	ssyncadd.s32 $0xFFFFC000  }
0x1d9: {  	[tilespmem:s19], [sflag:$0x2] =	stream.indirect.gather [hbm4b:s4+s22], $0x80, s28, s22, $0xb8;
	[tilespmem:$0x1E800] =	vst v63  }
0x1da: {  	_ = 	snop  }
0x1db: {  	[spmem:s2] =	stream.indirect.scatter.add.f32 [tilespmem:s23], [sflag:$0x3], $0x80, s16, s22, $0xb8;
	[tilespmem:$0x1E800] =	vst v63  }
0x1dc: {  	_ =	swait.ge [sflag:s20], $0x4000  }
0x1dd: {  	[sflag:s20] =	ssyncset.done $0x0  }
0x1de: {  	[sflag:s20] =	ssyncadd.s32 $0xFFFFC000  }
0x1df: {  	_ =	swait.ge [sflag:s25], $0x4000  }
0x1e0: {  	[sflag:s25] =	ssyncset.done $0x0  }
0x1e1: {  	[sflag:s25] =	ssyncadd.s32 $0xFFFFC000  }
0x1e2: {  	[tilespmem:s23], [sflag:$0x1] =	stream.indirect.gather [hbm4b:s4+s22], $0x80, s29, s22, $0xb8;
	[tilespmem:$0x1E800] =	vst v63  }
0x1e3: {  	_ = 	snop  }
0x1e4: {  	[spmem:s2] =	stream.indirect.scatter.add.f32 [tilespmem:s19], [sflag:$0x3], $0x80, s30, s22, $0xb8;
	[tilespmem:$0x1E800] =	vst v63  }
0x1e5: {  	_ =	swait.ge [sflag:s20], $0x4000  }
0x1e6: {  	[sflag:s20] =	ssyncset.done $0x0  }
0x1e7: {  	[sflag:s20] =	ssyncadd.s32 $0xFFFFC000  }
0x1e8: {  	_ =	swait.ge [sflag:s24], $0x4000  }
0x1e9: {  	[sflag:s24] =	ssyncset.done $0x0  }
0x1ea: {  	[sflag:s24] =	ssyncadd.s32 $0xFFFFC000  }
0x1eb: {  	[tilespmem:s19], [sflag:$0x2] =	stream.indirect.gather [hbm4b:s4+s22], $0x80, s31, s22, $0xb8;
	[tilespmem:$0x1E800] =	vst v63  }
0x1ec: {  	_ = 	snop  }
0x1ed: {  	[spmem:s2] =	stream.indirect.scatter.add.f32 [tilespmem:s23], [sflag:$0x3], $0x80, s0, s22, $0xb8;
	[tilespmem:$0x1E800] =	vst v63  }
0x1ee: {  	_ =	swait.ge [sflag:s20], $0x4000  }
0x1ef: {  	[sflag:s20] =	ssyncset.done $0x0  }
0x1f0: {  	[sflag:s20] =	ssyncadd.s32 $0xFFFFC000  }
0x1f1: {  	_ =	swait.ge [sflag:s25], $0x4000  }
0x1f2: {  	[sflag:s25] =	ssyncset.done $0x0  }
0x1f3: {  	[sflag:s25] =	ssyncadd.s32 $0xFFFFC000  }
0x1f4: {  	[tilespmem:s23], [sflag:$0x1] =	stream.indirect.gather [hbm4b:s4+s22], $0x80, s1, s22, $0xb8;
	[tilespmem:$0x1E800] =	vst v63  }
0x1f5: {  	_ = 	snop  }
0x1f6: {  	[spmem:s2] =	stream.indirect.scatter.add.f32 [tilespmem:s19], [sflag:$0x3], $0x80, s5, s22, $0xb8;
	[tilespmem:$0x1E800] =	vst v63  }
0x1f7: {  	_ =	swait.ge [sflag:s20], $0x4000  }
0x1f8: {  	[sflag:s20] =	ssyncset.done $0x0  }
0x1f9: {  	[sflag:s20] =	ssyncadd.s32 $0xFFFFC000  }
0x1fa: {  	_ =	swait.ge [sflag:s24], $0x4000  }
0x1fb: {  	[sflag:s24] =	ssyncset.done $0x0  }
0x1fc: {  	[sflag:s24] =	ssyncadd.s32 $0xFFFFC000  }
0x1fd: {  	[tilespmem:s19], [sflag:$0x2] =	stream.indirect.gather [hbm4b:s4+s22], $0x80, s7, s22, $0xb8;
	[tilespmem:$0x1E800] =	vst v63  }
0x1fe: {  	_ = 	snop  }
0x1ff: {  	[spmem:s2] =	stream.indirect.scatter.add.f32 [tilespmem:s23], [sflag:$0x3], $0x80, s6, s22, $0xb8;
	[tilespmem:$0x1E800] =	vst v63  }
0x200: {  	_ =	swait.ge [sflag:s20], $0x4000  }
0x201: {  	[sflag:s20] =	ssyncset.done $0x0  }
0x202: {  	[sflag:s20] =	ssyncadd.s32 $0xFFFFC000  }
0x203: {  	_ =	swait.ge [sflag:s25], $0x4000  }
0x204: {  	[sflag:s25] =	ssyncset.done $0x0  }
0x205: {  	[sflag:s25] =	ssyncadd.s32 $0xFFFFC000  }
0x206: {  	[tilespmem:s23], [sflag:$0x1] =	stream.indirect.gather [hbm4b:s4+s22], $0x80, s15, s22, $0xb8;
	[tilespmem:$0x1E800] =	vst v63  }
0x207: {  	_ = 	snop  }
0x208: {  	[spmem:s2] =	stream.indirect.scatter.add.f32 [tilespmem:s19], [sflag:$0x3], $0x80, s21, s22, $0xb8;
	[tilespmem:$0x1E800] =	vst v63  }
0x209: {  	_ =	swait.ge [sflag:s20], $0x4000  }
0x20a: {  	[sflag:s20] =	ssyncset.done $0x0  }
0x20b: {  	[sflag:s20] =	ssyncadd.s32 $0xFFFFC000  }
0x20c: {  	_ =	swait.ge [sflag:s24], $0x4000  }
0x20d: {  	[sflag:s24] =	ssyncset.done $0x0  }
0x20e: {  	[sflag:s24] =	ssyncadd.s32 $0xFFFFC000  }
0x20f: {  	[tilespmem:s19], [sflag:$0x2] =	stream.indirect.gather [hbm4b:s4+s22], $0x80, s11, s22, $0xb8;
	[tilespmem:$0x1E800] =	vst v63  }
0x210: {  	s18 =	simm.s32 $0x1900  }
0x211: {  	[spmem:s2] =	stream.indirect.scatter.add.f32 [tilespmem:s23], [sflag:$0x3], $0x80, s18, s22, $0xb8;
	[tilespmem:$0x1E800] =	vst v63  }
0x212: {  	_ =	swait.ge [sflag:s20], $0x4000  }
0x213: {  	[sflag:s20] =	ssyncset.done $0x0  }
0x214: {  	[sflag:s20] =	ssyncadd.s32 $0xFFFFC000  }
0x215: {  	_ =	swait.ge [sflag:s25], $0x4000  }
0x216: {  	[sflag:s25] =	ssyncset.done $0x0  }
0x217: {  	s9 =	simm.s32 $0x600;
	[sflag:s25] =	ssyncadd.s32 $0xFFFFC000  }
0x218: {  	[tilespmem:s23], [sflag:$0x1] =	stream.indirect.gather [hbm4b:s4+s22], $0x80, s9, s22, $0xb8;
	[tilespmem:$0x1E800] =	vst v63  }
0x219: {  	s17 =	simm.s32 $0x1980  }
0x21a: {  	[spmem:s2] =	stream.indirect.scatter.add.f32 [tilespmem:s19], [sflag:$0x3], $0x80, s17, s22, $0xb8;
	[tilespmem:$0x1E800] =	vst v63  }
0x21b: {  	_ =	swait.ge [sflag:s20], $0x4000  }
0x21c: {  	[sflag:s20] =	ssyncset.done $0x0  }
0x21d: {  	[sflag:s20] =	ssyncadd.s32 $0xFFFFC000  }
0x21e: {  	_ =	swait.ge [sflag:s24], $0x4000  }
0x21f: {  	[sflag:s24] =	ssyncset.done $0x0  }
0x220: {  	s18 =	simm.s32 $0x680;
	[sflag:s24] =	ssyncadd.s32 $0xFFFFC000  }
0x221: {  	[tilespmem:s19], [sflag:$0x2] =	stream.indirect.gather [hbm4b:s4+s22], $0x80, s18, s22, $0xb8;
	[tilespmem:$0x1E800] =	vst v63  }
0x222: {  	s9 =	simm.s32 $0x1A00  }
0x223: {  	[spmem:s2] =	stream.indirect.scatter.add.f32 [tilespmem:s23], [sflag:$0x3], $0x80, s9, s22, $0xb8;
	[tilespmem:$0x1E800] =	vst v63  }
0x224: {  	_ =	swait.ge [sflag:s20], $0x4000  }
0x225: {  	[sflag:s20] =	ssyncset.done $0x0  }
0x226: {  	[sflag:s20] =	ssyncadd.s32 $0xFFFFC000  }
0x227: {  	_ =	swait.ge [sflag:s25], $0x4000  }
0x228: {  	[sflag:s25] =	ssyncset.done $0x0  }
0x229: {  	s17 =	simm.s32 $0x700;
	[sflag:s25] =	ssyncadd.s32 $0xFFFFC000  }
0x22a: {  	[tilespmem:s23], [sflag:$0x1] =	stream.indirect.gather [hbm4b:s4+s22], $0x80, s17, s22, $0xb8;
	[tilespmem:$0x1E800] =	vst v63  }
0x22b: {  	s18 =	simm.s32 $0x1A80  }
0x22c: {  	[spmem:s2] =	stream.indirect.scatter.add.f32 [tilespmem:s19], [sflag:$0x3], $0x80, s18, s22, $0xb8;
	[tilespmem:$0x1E800] =	vst v63  }
0x22d: {  	_ =	swait.ge [sflag:s20], $0x4000  }
0x22e: {  	[sflag:s20] =	ssyncset.done $0x0  }
0x22f: {  	[sflag:s20] =	ssyncadd.s32 $0xFFFFC000  }
0x230: {  	_ =	swait.ge [sflag:s24], $0x4000  }
0x231: {  	[sflag:s24] =	ssyncset.done $0x0  }
0x232: {  	s9 =	simm.s32 $0x780;
	[sflag:s24] =	ssyncadd.s32 $0xFFFFC000  }
0x233: {  	[tilespmem:s19], [sflag:$0x2] =	stream.indirect.gather [hbm4b:s4+s22], $0x80, s9, s22, $0xb8;
	[tilespmem:$0x1E800] =	vst v63  }
0x234: {  	s17 =	simm.s32 $0x1B00  }
0x235: {  	[spmem:s2] =	stream.indirect.scatter.add.f32 [tilespmem:s23], [sflag:$0x3], $0x80, s17, s22, $0xb8;
	[tilespmem:$0x1E800] =	vst v63  }
0x236: {  	_ =	swait.ge [sflag:s20], $0x4000  }
0x237: {  	[sflag:s20] =	ssyncset.done $0x0  }
0x238: {  	[sflag:s20] =	ssyncadd.s32 $0xFFFFC000  }
0x239: {  	_ =	swait.ge [sflag:s25], $0x4000  }
0x23a: {  	[sflag:s25] =	ssyncset.done $0x0  }
0x23b: {  	s18 =	simm.s32 $0x800;
	[sflag:s25] =	ssyncadd.s32 $0xFFFFC000  }
0x23c: {  	[tilespmem:s23], [sflag:$0x1] =	stream.indirect.gather [hbm4b:s4+s22], $0x80, s18, s22, $0xb8;
	[tilespmem:$0x1E800] =	vst v63  }
0x23d: {  	s9 =	simm.s32 $0x1B80  }
0x23e: {  	[spmem:s2] =	stream.indirect.scatter.add.f32 [tilespmem:s19], [sflag:$0x3], $0x80, s9, s22, $0xb8;
	[tilespmem:$0x1E800] =	vst v63  }
0x23f: {  	_ =	swait.ge [sflag:s20], $0x4000  }
0x240: {  	[sflag:s20] =	ssyncset.done $0x0  }
0x241: {  	[sflag:s20] =	ssyncadd.s32 $0xFFFFC000  }
0x242: {  	_ =	swait.ge [sflag:s24], $0x4000  }
0x243: {  	[sflag:s24] =	ssyncset.done $0x0  }
0x244: {  	s17 =	simm.s32 $0x880;
	[sflag:s24] =	ssyncadd.s32 $0xFFFFC000  }
0x245: {  	[tilespmem:s19], [sflag:$0x2] =	stream.indirect.gather [hbm4b:s4+s22], $0x80, s17, s22, $0xb8;
	[tilespmem:$0x1E800] =	vst v63  }
0x246: {  	s18 =	simm.s32 $0x1C00  }
0x247: {  	[spmem:s2] =	stream.indirect.scatter.add.f32 [tilespmem:s23], [sflag:$0x3], $0x80, s18, s22, $0xb8;
	[tilespmem:$0x1E800] =	vst v63  }
0x248: {  	_ =	swait.ge [sflag:s20], $0x4000  }
0x249: {  	[sflag:s20] =	ssyncset.done $0x0  }
0x24a: {  	[sflag:s20] =	ssyncadd.s32 $0xFFFFC000  }
0x24b: {  	_ =	swait.ge [sflag:s25], $0x4000  }
0x24c: {  	[sflag:s25] =	ssyncset.done $0x0  }
0x24d: {  	s9 =	simm.s32 $0x900;
	[sflag:s25] =	ssyncadd.s32 $0xFFFFC000  }
0x24e: {  	[tilespmem:s23], [sflag:$0x1] =	stream.indirect.gather [hbm4b:s4+s22], $0x80, s9, s22, $0xb8;
	[tilespmem:$0x1E800] =	vst v63  }
0x24f: {  	s17 =	simm.s32 $0x1C80  }
0x250: {  	[spmem:s2] =	stream.indirect.scatter.add.f32 [tilespmem:s19], [sflag:$0x3], $0x80, s17, s22, $0xb8;
	[tilespmem:$0x1E800] =	vst v63  }
0x251: {  	_ =	swait.ge [sflag:s20], $0x4000  }
0x252: {  	[sflag:s20] =	ssyncset.done $0x0  }
0x253: {  	[sflag:s20] =	ssyncadd.s32 $0xFFFFC000  }
0x254: {  	_ =	swait.ge [sflag:s24], $0x4000  }
0x255: {  	[sflag:s24] =	ssyncset.done $0x0  }
0x256: {  	s18 =	simm.s32 $0x980;
	[sflag:s24] =	ssyncadd.s32 $0xFFFFC000  }
0x257: {  	[tilespmem:s19], [sflag:$0x2] =	stream.indirect.gather [hbm4b:s4+s22], $0x80, s18, s22, $0xb8;
	[tilespmem:$0x1E800] =	vst v63  }
0x258: {  	s9 =	simm.s32 $0x1D00  }
0x259: {  	[spmem:s2] =	stream.indirect.scatter.add.f32 [tilespmem:s23], [sflag:$0x3], $0x80, s9, s22, $0xb8;
	[tilespmem:$0x1E800] =	vst v63  }
0x25a: {  	_ =	swait.ge [sflag:s20], $0x4000  }
0x25b: {  	[sflag:s20] =	ssyncset.done $0x0  }
0x25c: {  	[sflag:s20] =	ssyncadd.s32 $0xFFFFC000  }
0x25d: {  	_ =	swait.ge [sflag:s25], $0x4000  }
0x25e: {  	[sflag:s25] =	ssyncset.done $0x0  }
0x25f: {  	s17 =	simm.s32 $0xA00;
	[sflag:s25] =	ssyncadd.s32 $0xFFFFC000  }
0x260: {  	[tilespmem:s23], [sflag:$0x1] =	stream.indirect.gather [hbm4b:s4+s22], $0x80, s17, s22, $0xb8;
	[tilespmem:$0x1E800] =	vst v63  }
0x261: {  	s18 =	simm.s32 $0x1D80  }
0x262: {  	[spmem:s2] =	stream.indirect.scatter.add.f32 [tilespmem:s19], [sflag:$0x3], $0x80, s18, s22, $0xb8;
	[tilespmem:$0x1E800] =	vst v63  }
0x263: {  	_ =	swait.ge [sflag:s20], $0x4000  }
0x264: {  	[sflag:s20] =	ssyncset.done $0x0  }
0x265: {  	[sflag:s20] =	ssyncadd.s32 $0xFFFFC000  }
0x266: {  	_ =	swait.ge [sflag:s24], $0x4000  }
0x267: {  	[sflag:s24] =	ssyncset.done $0x0  }
0x268: {  	s9 =	simm.s32 $0xA80;
	[sflag:s24] =	ssyncadd.s32 $0xFFFFC000  }
0x269: {  	[tilespmem:s19], [sflag:$0x2] =	stream.indirect.gather [hbm4b:s4+s22], $0x80, s9, s22, $0xb8;
	[tilespmem:$0x1E800] =	vst v63  }
0x26a: {  	s17 =	simm.s32 $0x1E00  }
0x26b: {  	[spmem:s2] =	stream.indirect.scatter.add.f32 [tilespmem:s23], [sflag:$0x3], $0x80, s17, s22, $0xb8;
	[tilespmem:$0x1E800] =	vst v63  }
0x26c: {  	_ =	swait.ge [sflag:s20], $0x4000  }
0x26d: {  	[sflag:s20] =	ssyncset.done $0x0  }
0x26e: {  	[sflag:s20] =	ssyncadd.s32 $0xFFFFC000  }
0x26f: {  	_ =	swait.ge [sflag:s25], $0x4000  }
0x270: {  	[sflag:s25] =	ssyncset.done $0x0  }
0x271: {  	s18 =	simm.s32 $0xB00;
	[sflag:s25] =	ssyncadd.s32 $0xFFFFC000  }
0x272: {  	[tilespmem:s23], [sflag:$0x1] =	stream.indirect.gather [hbm4b:s4+s22], $0x80, s18, s22, $0xb8;
	[tilespmem:$0x1E800] =	vst v63  }
0x273: {  	s9 =	simm.s32 $0x1E80  }
0x274: {  	[spmem:s2] =	stream.indirect.scatter.add.f32 [tilespmem:s19], [sflag:$0x3], $0x80, s9, s22, $0xb8;
	[tilespmem:$0x1E800] =	vst v63  }
0x275: {  	_ =	swait.ge [sflag:s20], $0x4000  }
0x276: {  	[sflag:s20] =	ssyncset.done $0x0  }
0x277: {  	[sflag:s20] =	ssyncadd.s32 $0xFFFFC000  }
0x278: {  	_ =	swait.ge [sflag:s24], $0x4000  }
0x279: {  	[sflag:s24] =	ssyncset.done $0x0  }
0x27a: {  	s17 =	simm.s32 $0xB80;
	[sflag:s24] =	ssyncadd.s32 $0xFFFFC000  }
0x27b: {  	[tilespmem:s19], [sflag:$0x2] =	stream.indirect.gather [hbm4b:s4+s22], $0x80, s17, s22, $0xb8;
	[tilespmem:$0x1E800] =	vst v63  }
0x27c: {  	s18 =	simm.s32 $0x1F00  }
0x27d: {  	[spmem:s2] =	stream.indirect.scatter.add.f32 [tilespmem:s23], [sflag:$0x3], $0x80, s18, s22, $0xb8;
	[tilespmem:$0x1E800] =	vst v63  }
0x27e: {  	_ =	swait.ge [sflag:s20], $0x4000  }
0x27f: {  	[sflag:s20] =	ssyncset.done $0x0  }
0x280: {  	[sflag:s20] =	ssyncadd.s32 $0xFFFFC000  }
0x281: {  	_ =	swait.ge [sflag:s25], $0x4000  }
0x282: {  	[sflag:s25] =	ssyncset.done $0x0  }
0x283: {  	s9 =	simm.s32 $0xC00;
	[sflag:s25] =	ssyncadd.s32 $0xFFFFC000  }
0x284: {  	[tilespmem:s23], [sflag:$0x1] =	stream.indirect.gather [hbm4b:s4+s22], $0x80, s9, s22, $0xb8;
	[tilespmem:$0x1E800] =	vst v63  }
0x285: {  	s17 =	simm.s32 $0x1F80  }
0x286: {  	[spmem:s2] =	stream.indirect.scatter.add.f32 [tilespmem:s19], [sflag:$0x3], $0x80, s17, s22, $0xb8;
	[tilespmem:$0x1E800] =	vst v63  }
0x287: {  	_ =	swait.ge [sflag:s20], $0x4000  }
0x288: {  	[sflag:s20] =	ssyncset.done $0x0  }
0x289: {  	[sflag:s20] =	ssyncadd.s32 $0xFFFFC000  }
0x28a: {  	_ =	swait.ge [sflag:s24], $0x4000  }
0x28b: {  	[sflag:s24] =	ssyncset.done $0x0  }
0x28c: {  	s18 =	simm.s32 $0xC80;
	[sflag:s24] =	ssyncadd.s32 $0xFFFFC000  }
0x28d: {  	[tilespmem:s19], [sflag:$0x2] =	stream.indirect.gather [hbm4b:s4+s22], $0x80, s18, s22, $0xb8;
	[tilespmem:$0x1E800] =	vst v63  }
0x28e: {  	s9 =	simm.s32 $0x2000  }
0x28f: {  	[spmem:s2] =	stream.indirect.scatter.add.f32 [tilespmem:s23], [sflag:$0x3], $0x80, s9, s22, $0xb8;
	[tilespmem:$0x1E800] =	vst v63  }
0x290: {  	_ =	swait.ge [sflag:s20], $0x4000  }
0x291: {  	[sflag:s20] =	ssyncset.done $0x0  }
0x292: {  	[sflag:s20] =	ssyncadd.s32 $0xFFFFC000  }
0x293: {  	_ =	swait.ge [sflag:s25], $0x4000  }
0x294: {  	[sflag:s25] =	ssyncset.done $0x0  }
0x295: {  	s17 =	simm.s32 $0xD00;
	[sflag:s25] =	ssyncadd.s32 $0xFFFFC000  }
0x296: {  	[tilespmem:s23], [sflag:$0x1] =	stream.indirect.gather [hbm4b:s4+s22], $0x80, s17, s22, $0xb8;
	[tilespmem:$0x1E800] =	vst v63  }
0x297: {  	s18 =	simm.s32 $0x2080  }
0x298: {  	[spmem:s2] =	stream.indirect.scatter.add.f32 [tilespmem:s19], [sflag:$0x3], $0x80, s18, s22, $0xb8;
	[tilespmem:$0x1E800] =	vst v63  }
0x299: {  	_ =	swait.ge [sflag:s20], $0x4000  }
0x29a: {  	[sflag:s20] =	ssyncset.done $0x0  }
0x29b: {  	[sflag:s20] =	ssyncadd.s32 $0xFFFFC000  }
0x29c: {  	_ =	swait.ge [sflag:s24], $0x4000  }
0x29d: {  	[sflag:s24] =	ssyncset.done $0x0  }
0x29e: {  	s9 =	simm.s32 $0xD80;
	[sflag:s24] =	ssyncadd.s32 $0xFFFFC000  }
0x29f: {  	[tilespmem:s19], [sflag:$0x2] =	stream.indirect.gather [hbm4b:s4+s22], $0x80, s9, s22, $0xb8;
	[tilespmem:$0x1E800] =	vst v63  }
0x2a0: {  	s17 =	simm.s32 $0x2100  }
0x2a1: {  	[spmem:s2] =	stream.indirect.scatter.add.f32 [tilespmem:s23], [sflag:$0x3], $0x80, s17, s22, $0xb8;
	[tilespmem:$0x1E800] =	vst v63  }
0x2a2: {  	_ =	swait.ge [sflag:s20], $0x4000  }
0x2a3: {  	[sflag:s20] =	ssyncset.done $0x0  }
0x2a4: {  	[sflag:s20] =	ssyncadd.s32 $0xFFFFC000  }
0x2a5: {  	_ =	swait.ge [sflag:s25], $0x4000  }
0x2a6: {  	[sflag:s25] =	ssyncset.done $0x0  }
0x2a7: {  	s18 =	simm.s32 $0xE00;
	[sflag:s25] =	ssyncadd.s32 $0xFFFFC000  }
0x2a8: {  	[tilespmem:s23], [sflag:$0x1] =	stream.indirect.gather [hbm4b:s4+s22], $0x80, s18, s22, $0xb8;
	[tilespmem:$0x1E800] =	vst v63  }
0x2a9: {  	s9 =	simm.s32 $0x2180  }
0x2aa: {  	[spmem:s2] =	stream.indirect.scatter.add.f32 [tilespmem:s19], [sflag:$0x3], $0x80, s9, s22, $0xb8;
	[tilespmem:$0x1E800] =	vst v63  }
0x2ab: {  	_ =	swait.ge [sflag:s20], $0x4000  }
0x2ac: {  	[sflag:s20] =	ssyncset.done $0x0  }
0x2ad: {  	[sflag:s20] =	ssyncadd.s32 $0xFFFFC000  }
0x2ae: {  	_ =	swait.ge [sflag:s24], $0x4000  }
0x2af: {  	[sflag:s24] =	ssyncset.done $0x0  }
0x2b0: {  	s17 =	simm.s32 $0xE80;
	[sflag:s24] =	ssyncadd.s32 $0xFFFFC000  }
0x2b1: {  	[tilespmem:s19], [sflag:$0x2] =	stream.indirect.gather [hbm4b:s4+s22], $0x80, s17, s22, $0xb8;
	[tilespmem:$0x1E800] =	vst v63  }
0x2b2: {  	s18 =	simm.s32 $0x2200  }
0x2b3: {  	[spmem:s2] =	stream.indirect.scatter.add.f32 [tilespmem:s23], [sflag:$0x3], $0x80, s18, s22, $0xb8;
	[tilespmem:$0x1E800] =	vst v63  }
0x2b4: {  	_ =	swait.ge [sflag:s20], $0x4000  }
0x2b5: {  	[sflag:s20] =	ssyncset.done $0x0  }
0x2b6: {  	[sflag:s20] =	ssyncadd.s32 $0xFFFFC000  }
0x2b7: {  	_ =	swait.ge [sflag:s25], $0x4000  }
0x2b8: {  	[sflag:s25] =	ssyncset.done $0x0  }
0x2b9: {  	s9 =	simm.s32 $0xF00;
	[sflag:s25] =	ssyncadd.s32 $0xFFFFC000  }
0x2ba: {  	[tilespmem:s23], [sflag:$0x1] =	stream.indirect.gather [hbm4b:s4+s22], $0x80, s9, s22, $0xb8;
	[tilespmem:$0x1E800] =	vst v63  }
0x2bb: {  	s17 =	simm.s32 $0x2280  }
0x2bc: {  	[spmem:s2] =	stream.indirect.scatter.add.f32 [tilespmem:s19], [sflag:$0x3], $0x80, s17, s22, $0xb8;
	[tilespmem:$0x1E800] =	vst v63  }
0x2bd: {  	_ =	swait.ge [sflag:s20], $0x4000  }
0x2be: {  	[sflag:s20] =	ssyncset.done $0x0  }
0x2bf: {  	[sflag:s20] =	ssyncadd.s32 $0xFFFFC000  }
0x2c0: {  	_ =	swait.ge [sflag:s24], $0x4000  }
0x2c1: {  	[sflag:s24] =	ssyncset.done $0x0  }
0x2c2: {  	s18 =	simm.s32 $0xF80;
	[sflag:s24] =	ssyncadd.s32 $0xFFFFC000  }
0x2c3: {  	[tilespmem:s19], [sflag:$0x2] =	stream.indirect.gather [hbm4b:s4+s22], $0x80, s18, s22, $0xb8;
	[tilespmem:$0x1E800] =	vst v63  }
0x2c4: {  	s9 =	simm.s32 $0x2300  }
0x2c5: {  	[spmem:s2] =	stream.indirect.scatter.add.f32 [tilespmem:s23], [sflag:$0x3], $0x80, s9, s22, $0xb8;
	[tilespmem:$0x1E800] =	vst v63  }
0x2c6: {  	_ =	swait.ge [sflag:s20], $0x4000  }
0x2c7: {  	[sflag:s20] =	ssyncset.done $0x0  }
0x2c8: {  	[sflag:s20] =	ssyncadd.s32 $0xFFFFC000  }
0x2c9: {  	_ =	swait.ge [sflag:s25], $0x4000  }
0x2ca: {  	[sflag:s25] =	ssyncset.done $0x0  }
0x2cb: {  	s17 =	simm.s32 $0x1000;
	[sflag:s25] =	ssyncadd.s32 $0xFFFFC000  }
0x2cc: {  	[tilespmem:s23], [sflag:$0x1] =	stream.indirect.gather [hbm4b:s4+s22], $0x80, s17, s22, $0xb8;
	[tilespmem:$0x1E800] =	vst v63  }
0x2cd: {  	s18 =	simm.s32 $0x2380  }
0x2ce: {  	[spmem:s2] =	stream.indirect.scatter.add.f32 [tilespmem:s19], [sflag:$0x3], $0x80, s18, s22, $0xb8;
	[tilespmem:$0x1E800] =	vst v63  }
0x2cf: {  	_ =	swait.ge [sflag:s20], $0x4000  }
0x2d0: {  	[sflag:s20] =	ssyncset.done $0x0  }
0x2d1: {  	[sflag:s20] =	ssyncadd.s32 $0xFFFFC000  }
0x2d2: {  	_ =	swait.ge [sflag:s24], $0x4000  }
0x2d3: {  	[sflag:s24] =	ssyncset.done $0x0  }
0x2d4: {  	s9 =	simm.s32 $0x1080;
	[sflag:s24] =	ssyncadd.s32 $0xFFFFC000  }
0x2d5: {  	[tilespmem:s19], [sflag:$0x2] =	stream.indirect.gather [hbm4b:s4+s22], $0x80, s9, s22, $0xb8;
	[tilespmem:$0x1E800] =	vst v63  }
0x2d6: {  	s17 =	simm.s32 $0x2400  }
0x2d7: {  	[spmem:s2] =	stream.indirect.scatter.add.f32 [tilespmem:s23], [sflag:$0x3], $0x80, s17, s22, $0xb8;
	[tilespmem:$0x1E800] =	vst v63  }
0x2d8: {  	_ =	swait.ge [sflag:s20], $0x4000  }
0x2d9: {  	[sflag:s20] =	ssyncset.done $0x0  }
0x2da: {  	[sflag:s20] =	ssyncadd.s32 $0xFFFFC000  }
0x2db: {  	_ =	swait.ge [sflag:s25], $0x4000  }
0x2dc: {  	[sflag:s25] =	ssyncset.done $0x0  }
0x2dd: {  	s18 =	simm.s32 $0x1100;
	[sflag:s25] =	ssyncadd.s32 $0xFFFFC000  }
0x2de: {  	[tilespmem:s23], [sflag:$0x1] =	stream.indirect.gather [hbm4b:s4+s22], $0x80, s18, s22, $0xb8;
	[tilespmem:$0x1E800] =	vst v63  }
0x2df: {  	s9 =	simm.s32 $0x2480  }
0x2e0: {  	[spmem:s2] =	stream.indirect.scatter.add.f32 [tilespmem:s19], [sflag:$0x3], $0x80, s9, s22, $0xb8;
	[tilespmem:$0x1E800] =	vst v63  }
0x2e1: {  	_ =	swait.ge [sflag:s20], $0x4000  }
0x2e2: {  	[sflag:s20] =	ssyncset.done $0x0  }
0x2e3: {  	[sflag:s20] =	ssyncadd.s32 $0xFFFFC000  }
0x2e4: {  	_ =	swait.ge [sflag:s24], $0x4000  }
0x2e5: {  	[sflag:s24] =	ssyncset.done $0x0  }
0x2e6: {  	s17 =	simm.s32 $0x1180;
	[sflag:s24] =	ssyncadd.s32 $0xFFFFC000  }
0x2e7: {  	[tilespmem:s19], [sflag:$0x2] =	stream.indirect.gather [hbm4b:s4+s22], $0x80, s17, s22, $0xb8;
	[tilespmem:$0x1E800] =	vst v63  }
0x2e8: {  	s18 =	simm.s32 $0x2500  }
0x2e9: {  	[spmem:s2] =	stream.indirect.scatter.add.f32 [tilespmem:s23], [sflag:$0x3], $0x80, s18, s22, $0xb8;
	[tilespmem:$0x1E800] =	vst v63  }
0x2ea: {  	_ =	swait.ge [sflag:s20], $0x4000  }
0x2eb: {  	[sflag:s20] =	ssyncset.done $0x0  }
0x2ec: {  	[sflag:s20] =	ssyncadd.s32 $0xFFFFC000  }
0x2ed: {  	_ =	swait.ge [sflag:s25], $0x4000  }
0x2ee: {  	[sflag:s25] =	ssyncset.done $0x0  }
0x2ef: {  	s9 =	simm.s32 $0x1200;
	[sflag:s25] =	ssyncadd.s32 $0xFFFFC000  }
0x2f0: {  	[tilespmem:s23], [sflag:$0x1] =	stream.indirect.gather [hbm4b:s4+s22], $0x80, s9, s22, $0xb8;
	[tilespmem:$0x1E800] =	vst v63  }
0x2f1: {  	s17 =	simm.s32 $0x2580  }
0x2f2: {  	[spmem:s2] =	stream.indirect.scatter.add.f32 [tilespmem:s19], [sflag:$0x3], $0x80, s17, s22, $0xb8;
	[tilespmem:$0x1E800] =	vst v63  }
0x2f3: {  	_ =	swait.ge [sflag:s20], $0x4000  }
0x2f4: {  	[sflag:s20] =	ssyncset.done $0x0  }
0x2f5: {  	[sflag:s20] =	ssyncadd.s32 $0xFFFFC000  }
0x2f6: {  	_ =	swait.ge [sflag:s24], $0x4000  }
0x2f7: {  	[sflag:s24] =	ssyncset.done $0x0  }
0x2f8: {  	s18 =	simm.s32 $0x1280;
	[sflag:s24] =	ssyncadd.s32 $0xFFFFC000  }
0x2f9: {  	[tilespmem:s19], [sflag:$0x2] =	stream.indirect.gather [hbm4b:s4+s22], $0x80, s18, s22, $0xb8;
	[tilespmem:$0x1E800] =	vst v63  }
0x2fa: {  	s9 =	simm.s32 $0x2600  }
0x2fb: {  	[spmem:s2] =	stream.indirect.scatter.add.f32 [tilespmem:s23], [sflag:$0x3], $0x80, s9, s22, $0xb8;
	[tilespmem:$0x1E800] =	vst v63  }
0x2fc: {  	_ =	swait.ge [sflag:s20], $0x4000  }
0x2fd: {  	[sflag:s20] =	ssyncset.done $0x0  }
0x2fe: {  	[sflag:s20] =	ssyncadd.s32 $0xFFFFC000  }
0x2ff: {  	_ =	swait.ge [sflag:s25], $0x4000  }
0x300: {  	[sflag:s25] =	ssyncset.done $0x0  }
0x301: {  	s17 =	simm.s32 $0x1300;
	[sflag:s25] =	ssyncadd.s32 $0xFFFFC000  }
0x302: {  	[tilespmem:s23], [sflag:$0x1] =	stream.indirect.gather [hbm4b:s4+s22], $0x80, s17, s22, $0xb8;
	[tilespmem:$0x1E800] =	vst v63  }
0x303: {  	s18 =	simm.s32 $0x2680  }
0x304: {  	[spmem:s2] =	stream.indirect.scatter.add.f32 [tilespmem:s19], [sflag:$0x3], $0x80, s18, s22, $0xb8;
	[tilespmem:$0x1E800] =	vst v63  }
0x305: {  	_ =	swait.ge [sflag:s20], $0x4000  }
0x306: {  	[sflag:s20] =	ssyncset.done $0x0  }
0x307: {  	[sflag:s20] =	ssyncadd.s32 $0xFFFFC000  }
0x308: {  	_ =	swait.ge [sflag:s24], $0x4000  }
0x309: {  	[sflag:s24] =	ssyncset.done $0x0  }
0x30a: {  	s9 =	simm.s32 $0x1380;
	[sflag:s24] =	ssyncadd.s32 $0xFFFFC000  }
0x30b: {  	[tilespmem:s19], [sflag:$0x2] =	stream.indirect.gather [hbm4b:s4+s22], $0x80, s9, s22, $0xb8;
	[tilespmem:$0x1E800] =	vst v63  }
0x30c: {  	s17 =	simm.s32 $0x2700  }
0x30d: {  	[spmem:s2] =	stream.indirect.scatter.add.f32 [tilespmem:s23], [sflag:$0x3], $0x80, s17, s22, $0xb8;
	[tilespmem:$0x1E800] =	vst v63  }
0x30e: {  	_ =	swait.ge [sflag:s20], $0x4000  }
0x30f: {  	[sflag:s20] =	ssyncset.done $0x0  }
0x310: {  	[sflag:s20] =	ssyncadd.s32 $0xFFFFC000  }
0x311: {  	_ =	swait.ge [sflag:s25], $0x4000  }
0x312: {  	[sflag:s25] =	ssyncset.done $0x0  }
0x313: {  	s18 =	simm.s32 $0x2780;
	[sflag:s25] =	ssyncadd.s32 $0xFFFFC000  }
0x314: {  	[spmem:s2] =	stream.indirect.scatter.add.f32 [tilespmem:s19], [sflag:$0x3], $0x80, s18, s22, $0xb8;
	[tilespmem:$0x1E800] =	vst v63  }
0x315: {  	_ =	swait.ge [sflag:s20], $0x4000  }
0x316: {  	[sflag:s20] =	ssyncset.done $0x0  }
0x317: {  	[sflag:s20] =	ssyncadd.s32 $0xFFFFC000  }
0x318: {  	[bflag:$0x0] =	sbarrier.arrive $0xFFFF  }
0x319: {  	s17 =	rddreg [dreg:$0x10]  }
0x31a: {  	[tilespmem:s23], [sflag:$0x3] =	stream.linear.gather [spmem:s17], $0x2800, $0x38;
	[tilespmem:$0x1E800] =	vst v63  }
0x31b: {  	_ =	swait.ge [sflag:s20], $0x2800  }
0x31c: {  	s9 =	rddreg [dreg:$0xf]  }
0x31d: {  	p0 =	sne.s32 s9, $0x1  }
.Ltmp0:
0x31e: {  	[sflag:s20] =	ssyncset.done $0x0;
	(pc) =	sbr.rel @!p0 .LBB2_3-.Ltmp0, $4  }
0x31f: {  	s18 =	rddreg [dreg:$0x11];
	[sflag:s20] =	ssyncadd.s32 $0xFFFFD800  }
0x320: {  	[hbm4b:s18+s3] =	stream.linear.scatter [tilespmem:s23], [sflag:$0x3], $0x2800, $0x38;
	[tilespmem:$0x1E800] =	vst v63  }
0x321: {  	_ =	swait.ge [sflag:s20], $0x2800  }
0x322: {  	s9 =	sadd.s32 $0xFFFFFFFF, s9;
	[sflag:s20] =	ssyncset.done $0x0  }
.LBB2_2:
0x323: {  	[sflag:s20] =	ssyncadd.s32 $0xFFFFD800;
	s17 =	sadd.s32 $0x28000, s17;
	s18 =	sadd.s32 $0x5000, s18  }
0x324: {  	[tilespmem:s23], [sflag:$0x3] =	stream.linear.gather [spmem:s17], $0x2800, $0x38;
	[tilespmem:$0x1E800] =	vst v63  }
0x325: {  	p0 =	sne.s32 s9, $0x1;
	s9 =	sadd.s32 $0xFFFFFFFF, s9;
	_ =	swait.ge [sflag:s20], $0x2800  }
.Ltmp1:
0x326: {  	[sflag:s20] =	ssyncset.done $0x0;
	(pc) =	sbr.rel @p0 .LBB2_2-.Ltmp1, $4  }
0x327: {  	[sflag:s20] =	ssyncadd.s32 $0xFFFFD800  }
0x328: {  	[hbm4b:s18+s3] =	stream.linear.scatter [tilespmem:s23], [sflag:$0x3], $0x2800, $0x38;
	[tilespmem:$0x1E800] =	vst v63  }
0x329: {  	_ =	swait.ge [sflag:s20], $0x2800  }
0x32a: {  	[sflag:s20] =	ssyncset.done $0x0  }
.LBB2_3:
0x32b: {  	s8 =	sadd.s32 $0x1, s8;
	s9 =	rddreg [dreg:$0xd]  }
0x32c: {  	p0 =	sne.s32 s8, s9  }
.Ltmp2:
0x32d: {  	_ = 	snop;
	(pc) =	sbr.rel @p0 .LBB2_1-.Ltmp2, $2  }
0x32e: {  	_ =	sdelay $0x2  }
0x32f: {  	[sflag:s20] =	ssyncadd.s32 $0xFFFFD800  }
0x330: {  	_ =	sfence.sel $0x180000  }
0x331: {  	[bflag:$0x0] =	sbarrier.arrive $0xFFFF  }
0x332: {  	_ =	strace $0x90000047  }
0x333: {  	s0 =	stileid.u32;
	[bflag:$0x2] =	sbarrier.arrive $0xFFFF  }
0x334: {  	p0 =	sne.s32 s0, $0x0;
	s0 =	rddreg [dreg:$0x3]  }
0x335: {  	s0 =	sadd.s32 @!p0 $0x100000, s0  }
0x336: {  	[sflag:s0] =	ssyncadd.tile.s32 @!p0 $0x1;
	_ =	shalt  }
.Lfunc_end2:
_tile_overlayer_lowered:
.L_overlay_start_2:
0x337: {  	(tag) =	ssettag $0x2  }
0x338: {  	s0 =	rddreg [dreg:$0x0];
	s2 =	stileid.u32  }
0x339: {  	s1 =	rddreg [dreg:$0x1];
	p0 =	sne.s32 s2, $0x0  }
0x33a: {  	s3 =	rddreg [dreg:$0x2];
	[bflag:$0x3] =	sbarrier.arrive $0xFFFF;
	s2 =	simm.s32 @!p0 $0x1C03  }
0x33b: {  	[timem:s3], [sflag:s2] =	dma.local @!p0 [hbm:s0], s1  }
0x33c: {  	s0 =	simm.s32 @!p0 $0x3  }
0x33d: {  	_ =	swait.ge @!p0 [sflag:s0], s1  }
0x33e: {  	s1 =	ssub.s32 @!p0 $0x0, s1;
	[sflag:s0] =	ssyncset.done @!p0 $0x0  }
0x33f: {  	[sflag:s0] =	ssyncadd.s32 @!p0 s1  }
0x340: {  	[bflag:$0x3] =	sbarrier.arrive $0xFFFF  }
0x341: {  	_ =	shalt  }

</sc_bundles>
